<compile_context>
chip_gen: v7x
topology: tpu7x:2x2x1
jax: 0.10.2.dev20260603
libtpu: 0.0.44.dev20260713+nightly
codegen_flags: <defaults>
</compile_context>

<pallas_src>
import functools

import jax
import jax.numpy as jnp
from jax import lax
from jax.experimental import pallas as pl
from jax.experimental.pallas import tpu as pltpu
from jax.experimental.pallas import tpu_sc as plsc

H = 128
CH = 128
NPAD = 12288
EPAD = 327680
NCHUNK = EPAD // CH
CPT = NCHUNK // 16
CPA = NCHUNK // 32
RPT = NPAD // 16
DEGW = 16

_mesh = plsc.VectorSubcoreMesh(core_axis_name="c", subcore_axis_name="s")
_sc_params = pltpu.CompilerParams(use_tc_tiling_on_sc=False)


def _elu(t):
    return jnp.where(t > 0, t, jnp.exp(jnp.minimum(t, 0.0)) - 1.0)


def _ln_res(base, t, g_ref, b_ref):
    m = jnp.mean(t, axis=-1, keepdims=True)
    v = jnp.mean((t - m) ** 2, axis=-1, keepdims=True)
    return base + (t - m) * lax.rsqrt(v + 1e-5) * g_ref[...] + b_ref[...]



def _gather_body(u_hbm, v_hbm, col2_hbm, row2_hbm, gu_hbm, gv_hbm,
                 idx_slab, rows0, rows1, gs0, gs1, ws0, ws1):
    c = lax.axis_index("c")
    s = lax.axis_index("s")
    npair = CPT // 2

    def run(table, idx2, out):
        base = s * CPT
        pltpu.sync_copy(idx2.at[pl.ds(base, CPT)], idx_slab)
        pltpu.async_copy(table.at[idx_slab.at[0]], rows0, gs0)

        def pair(k, carry):
            j0 = 2 * k
            j1 = j0 + 1
            pltpu.make_async_copy(table.at[idx_slab.at[j0]], rows0, gs0).wait()

            @pl.when(k > 0)
            def _():
                pltpu.make_async_copy(rows1, out.at[pl.ds(0, CH)], ws1).wait()

            pltpu.async_copy(table.at[idx_slab.at[j1]], rows1, gs1)
            pltpu.async_copy(rows0, out.at[pl.ds((base + j0) * CH, CH)], ws0)
            pltpu.make_async_copy(table.at[idx_slab.at[j1]], rows1, gs1).wait()

            @pl.when(k < npair - 1)
            def _():
                pltpu.make_async_copy(rows0, out.at[pl.ds(0, CH)], ws0).wait()
                pltpu.async_copy(table.at[idx_slab.at[j0 + 2]], rows0, gs0)

            pltpu.async_copy(rows1, out.at[pl.ds((base + j1) * CH, CH)], ws1)
            return carry

        lax.fori_loop(0, npair, pair, 0)
        pltpu.make_async_copy(rows0, out.at[pl.ds(0, CH)], ws0).wait()
        pltpu.make_async_copy(rows1, out.at[pl.ds(0, CH)], ws1).wait()

    @pl.when(c == 0)
    def _():
        run(u_hbm, col2_hbm, gu_hbm)

    @pl.when(c == 1)
    def _():
        run(v_hbm, row2_hbm, gv_hbm)


def _agg_body(eh_hbm, col2_hbm, zeros_hbm, p_hbm,
              shared, big, eh0, eh1, idx0, idx1, ls0, ls1, ss0, ss1):
    c = lax.axis_index("c")
    s = lax.axis_index("s")
    HH = H // 2
    cb = c * HH
    pltpu.sync_copy(zeros_hbm, big)
    pltpu.sync_copy(big, shared.at[pl.ds(s * RPT, RPT)])
    plsc.subcore_barrier()
    base = s * CPT
    npair = CPT // 2

    def ld(j, ib, eb, sem):
        pltpu.async_copy(col2_hbm.at[j], ib, sem)
        pltpu.async_copy(eh_hbm.at[pl.ds(j * CH, CH), pl.ds(cb, HH)], eb, sem)

    def ldwait(j, ib, eb, sem):
        pltpu.make_async_copy(col2_hbm.at[j], ib, sem).wait()
        pltpu.make_async_copy(
            eh_hbm.at[pl.ds(j * CH, CH), pl.ds(cb, HH)], eb, sem).wait()

    ld(base, idx0, eh0, ls0)

    def pair(k, carry):
        j0 = base + 2 * k
        j1 = j0 + 1
        ldwait(j0, idx0, eh0, ls0)

        @pl.when(k > 0)
        def _():
            pltpu.make_async_copy(eh1, shared.at[idx1], ss1).wait()

        ld(j1, idx1, eh1, ls1)
        pltpu.async_copy(eh0, shared.at[idx0], ss0, add=True)
        ldwait(j1, idx1, eh1, ls1)

        @pl.when(k < npair - 1)
        def _():
            pltpu.make_async_copy(eh0, shared.at[idx0], ss0).wait()
            ld(j0 + 2, idx0, eh0, ls0)

        pltpu.async_copy(eh1, shared.at[idx1], ss1, add=True)
        return carry

    lax.fori_loop(0, npair, pair, 0)
    pltpu.make_async_copy(eh0, shared.at[idx0], ss0).wait()
    pltpu.make_async_copy(eh1, shared.at[idx1], ss1).wait()
    plsc.subcore_barrier()
    pltpu.sync_copy(shared.at[pl.ds(s * RPT, RPT)], big)
    pltpu.sync_copy(big, p_hbm.at[pl.ds(s * RPT, RPT), pl.ds(cb, HH)])


def _deg_body(col2_hbm, zeros8_hbm, ones8_hbm, d0_hbm, d1_hbm,
              shared, big, onesbuf, idx0, idx1, ls0, ls1, ss0, ss1):
    c = lax.axis_index("c")
    s = lax.axis_index("s")
    pltpu.sync_copy(ones8_hbm, onesbuf)
    pltpu.sync_copy(zeros8_hbm, big)
    pltpu.sync_copy(big, shared.at[pl.ds(s * RPT, RPT)])
    plsc.subcore_barrier()
    base = (c * 16 + s) * CPA
    npair = CPA // 2
    pltpu.async_copy(col2_hbm.at[base], idx0, ls0)

    def pair(k, carry):
        j0 = base + 2 * k
        j1 = j0 + 1
        pltpu.make_async_copy(col2_hbm.at[j0], idx0, ls0).wait()

        @pl.when(k > 0)
        def _():
            pltpu.make_async_copy(onesbuf, shared.at[idx1], ss1).wait()

        pltpu.async_copy(col2_hbm.at[j1], idx1, ls1)
        pltpu.async_copy(onesbuf, shared.at[idx0], ss0, add=True)
        pltpu.make_async_copy(col2_hbm.at[j1], idx1, ls1).wait()

        @pl.when(k < npair - 1)
        def _():
            pltpu.make_async_copy(onesbuf, shared.at[idx0], ss0).wait()
            pltpu.async_copy(col2_hbm.at[j0 + 2], idx0, ls0)

        pltpu.async_copy(onesbuf, shared.at[idx1], ss1, add=True)
        return carry

    lax.fori_loop(0, npair, pair, 0)
    pltpu.make_async_copy(onesbuf, shared.at[idx0], ss0).wait()
    pltpu.make_async_copy(onesbuf, shared.at[idx1], ss1).wait()
    plsc.subcore_barrier()
    pltpu.sync_copy(shared.at[pl.ds(s * RPT, RPT)], big)

    @pl.when(c == 0)
    def _():
        pltpu.sync_copy(big, d0_hbm.at[pl.ds(s * RPT, RPT)])

    @pl.when(c == 1)
    def _():
        pltpu.sync_copy(big, d1_hbm.at[pl.ds(s * RPT, RPT)])


_gather = pl.kernel(
    _gather_body,
    out_type=(jax.ShapeDtypeStruct((EPAD, H), jnp.float32),
              jax.ShapeDtypeStruct((EPAD, H), jnp.float32)),
    mesh=_mesh,
    compiler_params=_sc_params,
    scratch_types=[
        pltpu.VMEM((CPT, CH), jnp.int32),
        pltpu.VMEM((CH, H), jnp.float32),
        pltpu.VMEM((CH, H), jnp.float32),
        pltpu.SemaphoreType.DMA,
        pltpu.SemaphoreType.DMA,
        pltpu.SemaphoreType.DMA,
        pltpu.SemaphoreType.DMA,
    ],
)

_agg = pl.kernel(
    _agg_body,
    out_type=jax.ShapeDtypeStruct((NPAD, H), jnp.float32),
    mesh=_mesh,
    compiler_params=_sc_params,
    scratch_types=[
        pltpu.VMEM_SHARED((NPAD, H // 2), jnp.float32),
        pltpu.VMEM((RPT, H // 2), jnp.float32),
        pltpu.VMEM((CH, H // 2), jnp.float32),
        pltpu.VMEM((CH, H // 2), jnp.float32),
        pltpu.VMEM((CH,), jnp.int32),
        pltpu.VMEM((CH,), jnp.int32),
        pltpu.SemaphoreType.DMA,
        pltpu.SemaphoreType.DMA,
        pltpu.SemaphoreType.DMA,
        pltpu.SemaphoreType.DMA,
    ],
)

_deg = pl.kernel(
    _deg_body,
    out_type=(jax.ShapeDtypeStruct((NPAD, DEGW), jnp.float32),
              jax.ShapeDtypeStruct((NPAD, DEGW), jnp.float32)),
    mesh=_mesh,
    compiler_params=_sc_params,
    scratch_types=[
        pltpu.VMEM_SHARED((NPAD, DEGW), jnp.float32),
        pltpu.VMEM((RPT, DEGW), jnp.float32),
        pltpu.VMEM((CH, DEGW), jnp.float32),
        pltpu.VMEM((CH,), jnp.int32),
        pltpu.VMEM((CH,), jnp.int32),
        pltpu.SemaphoreType.DMA,
        pltpu.SemaphoreType.DMA,
        pltpu.SemaphoreType.DMA,
        pltpu.SemaphoreType.DMA,
    ],
)



BN = 2048
BE = 2048


def _full(shape=None):
    return pl.BlockSpec(shape, lambda i: (0, 0)) if shape else pl.BlockSpec(
        (1, H), lambda i: (0, 0))


def _rows(bshape):
    return pl.BlockSpec(bshape, lambda i: (i, 0))


def _encode_body(x_ref, w1, b1, w2, b2, g, b, wu, wv,
                 xh_out, u_out, v_out):
    h = _elu(jnp.dot(x_ref[...], w1[...], preferred_element_type=jnp.float32)
             + b1[...])
    t = jnp.dot(h, w2[...], preferred_element_type=jnp.float32) + b2[...]
    xh = _ln_res(jnp.zeros_like(t), t, g, b)
    xh_out[...] = xh
    u_out[...] = jnp.dot(xh, wu[...], preferred_element_type=jnp.float32)
    v_out[...] = jnp.dot(xh, wv[...], preferred_element_type=jnp.float32)


def _edge0_body(ea_ref, gu_ref, gv_ref,
                we1, be1, we2, be2, ge, bbe,
                w1c, b1, w2, b2, g, b, out_ref):
    h = _elu(jnp.dot(ea_ref[...], we1[...], preferred_element_type=jnp.float32)
             + be1[...])
    t = jnp.dot(h, we2[...], preferred_element_type=jnp.float32) + be2[...]
    eh = _ln_res(jnp.zeros_like(t), t, ge, bbe)
    t1 = (gu_ref[...] + gv_ref[...] + b1[...]
          + jnp.dot(eh, w1c[...], preferred_element_type=jnp.float32))
    h1 = _elu(t1)
    t2 = jnp.dot(h1, w2[...], preferred_element_type=jnp.float32) + b2[...]
    out_ref[...] = _ln_res(eh, t2, g, b)


def _edge_body(eh_ref, gu_ref, gv_ref, w1c, b1, w2, b2, g, b, out_ref):
    eh = eh_ref[...]
    t1 = (gu_ref[...] + gv_ref[...] + b1[...]
          + jnp.dot(eh, w1c[...], preferred_element_type=jnp.float32))
    h1 = _elu(t1)
    t2 = jnp.dot(h1, w2[...], preferred_element_type=jnp.float32) + b2[...]
    out_ref[...] = _ln_res(eh, t2, g, b)


def _node_common(xh_ref, pagg, d0, d1, wa, wb, bn1, w2, bn2, g, b):
    deg = jnp.maximum(d0[:, :1] + d1[:, :1], 1.0)
    agg = pagg[...] / deg
    t1 = (jnp.dot(xh_ref[...], wa[...], preferred_element_type=jnp.float32)
          + jnp.dot(agg, wb[...], preferred_element_type=jnp.float32)
          + bn1[...])
    h1 = _elu(t1)
    t2 = jnp.dot(h1, w2[...], preferred_element_type=jnp.float32) + bn2[...]
    return _ln_res(xh_ref[...], t2, g, b)


def _node_body(xh_ref, pagg, d0, d1, wa, wb, bn1, w2, bn2, g, b, wu, wv,
               xh_out, u_out, v_out):
    xh = _node_common(xh_ref, pagg, d0, d1, wa, wb, bn1, w2, bn2, g, b)
    xh_out[...] = xh
    u_out[...] = jnp.dot(xh, wu[...], preferred_element_type=jnp.float32)
    v_out[...] = jnp.dot(xh, wv[...], preferred_element_type=jnp.float32)


def _node_last_body(xh_ref, pagg, d0, d1, wa, wb, bn1, w2, bn2, g, b,
                    wd1, bd1, wd2, bd2, out_ref):
    xh = _node_common(xh_ref, pagg, d0, d1, wa, wb, bn1, w2, bn2, g, b)
    h = _elu(jnp.dot(xh, wd1[...], preferred_element_type=jnp.float32)
             + bd1[...])
    out_ref[...] = jnp.dot(h, wd2[...], preferred_element_type=jnp.float32) \
        + bd2[...]


def _tc(body, grid, in_specs, out_specs, out_shape):
    return pl.pallas_call(body, grid=(grid,), in_specs=in_specs,
                          out_specs=out_specs, out_shape=out_shape)



def kernel(x, edge_index, edge_attr, pos, batch, params):
    N = x.shape[0]
    E = edge_index.shape[1]
    f32 = jnp.float32

    p = params
    wmat = _full((H, H))
    wvec = _full()
    f32s = jax.ShapeDtypeStruct

    def b2d(a):
        return a.reshape(1, H)

    x_p = jnp.zeros((NPAD, H), f32).at[:N].set(x)
    colp = jnp.full((EPAD,), N, jnp.int32).at[:E].set(edge_index[1])
    rowp = jnp.full((EPAD,), N, jnp.int32).at[:E].set(edge_index[0])
    col2 = colp.reshape(NCHUNK, CH)
    row2 = rowp.reshape(NCHUNK, CH)
    ea_p = jnp.zeros((EPAD, edge_attr.shape[1]), f32).at[:E].set(edge_attr)
    zeros_big = jnp.zeros((RPT, H // 2), f32)
    zeros8 = jnp.zeros((RPT, DEGW), f32)
    ones8 = jnp.zeros((CH, DEGW), f32).at[:, 0].set(1.0)

    ew = [dict(w1c=p["edge_mps"][i][0]["W"][2 * H:],
               w1a=p["edge_mps"][i][0]["W"][:H],
               w1b=p["edge_mps"][i][0]["W"][H:2 * H],
               b1=b2d(p["edge_mps"][i][0]["b"]),
               w2=p["edge_mps"][i][1]["W"],
               b2=b2d(p["edge_mps"][i][1]["b"]),
               g=b2d(p["edge_norms"][i]["g"]),
               b=b2d(p["edge_norms"][i]["b"])) for i in range(4)]
    nw = [dict(wa=p["node_mps"][i][0]["W"][:H],
               wb=p["node_mps"][i][0]["W"][H:],
               bn1=b2d(p["node_mps"][i][0]["b"]),
               w2=p["node_mps"][i][1]["W"],
               bn2=b2d(p["node_mps"][i][1]["b"]),
               g=b2d(p["node_norms"][i]["g"]),
               b=b2d(p["node_norms"][i]["b"])) for i in range(4)]

    ngrid = NPAD // BN
    egrid = EPAD // BE

    xh, u, v = _tc(
        _encode_body, ngrid,
        [_rows((BN, H))] + [wmat, wvec, wmat, wvec, wvec, wvec, wmat, wmat],
        [_rows((BN, H))] * 3, [f32s((NPAD, H), f32)] * 3,
    )(x_p, p["node_encode"][0]["W"], b2d(p["node_encode"][0]["b"]),
      p["node_encode"][1]["W"], b2d(p["node_encode"][1]["b"]),
      b2d(p["node_encode_norm"]["g"]), b2d(p["node_encode_norm"]["b"]),
      ew[0]["w1a"], ew[0]["w1b"])

    d0, d1 = _deg(col2, zeros8, ones8)

    eh = None
    out = None
    for i in range(4):
        gu, gv = _gather(u, v, col2, row2)
        e = ew[i]
        if i == 0:
            eh = _tc(
                _edge0_body, egrid,
                [_rows((BE, edge_attr.shape[1]))] + [_rows((BE, H))] * 2
                + [pl.BlockSpec((edge_attr.shape[1], H), lambda i: (0, 0)),
                   wvec, wmat, wvec, wvec, wvec,
                   wmat, wvec, wmat, wvec, wvec, wvec],
                _rows((BE, H)), f32s((EPAD, H), f32),
            )(ea_p, gu, gv,
              p["edge_encode"][0]["W"], b2d(p["edge_encode"][0]["b"]),
              p["edge_encode"][1]["W"], b2d(p["edge_encode"][1]["b"]),
              b2d(p["edge_encode_norm"]["g"]), b2d(p["edge_encode_norm"]["b"]),
              e["w1c"], e["b1"], e["w2"], e["b2"], e["g"], e["b"])
        else:
            eh = _tc(
                _edge_body, egrid,
                [_rows((BE, H))] * 3 + [wmat, wvec, wmat, wvec, wvec, wvec],
                _rows((BE, H)), f32s((EPAD, H), f32),
            )(eh, gu, gv, e["w1c"], e["b1"], e["w2"], e["b2"], e["g"], e["b"])

        pagg = _agg(eh, col2, zeros_big)

        n = nw[i]
        if i < 3:
            xh, u, v = _tc(
                _node_body, ngrid,
                [_rows((BN, H))] * 2 + [_rows((BN, DEGW))] * 2
                + [wmat, wmat, wvec, wmat, wvec, wvec, wvec, wmat, wmat],
                [_rows((BN, H))] * 3, [f32s((NPAD, H), f32)] * 3,
            )(xh, pagg, d0, d1, n["wa"], n["wb"], n["bn1"], n["w2"],
              n["bn2"], n["g"], n["b"], ew[i + 1]["w1a"], ew[i + 1]["w1b"])
        else:
            out = _tc(
                _node_last_body, ngrid,
                [_rows((BN, H))] * 2 + [_rows((BN, DEGW))] * 2
                + [wmat, wmat, wvec, wmat, wvec, wvec, wvec,
                   wmat, wvec, wmat, wvec],
                _rows((BN, H)), f32s((NPAD, H), f32),
            )(xh, pagg, d0, d1, n["wa"], n["wb"], n["bn1"], n["w2"],
              n["bn2"], n["g"], n["b"],
              p["node_decode"][0]["W"], b2d(p["node_decode"][0]["b"]),
              p["node_decode"][1]["W"], b2d(p["node_decode"][1]["b"]))

    return out[:N]

# --- scband reference (transcript-rebuilt; emitter-appended) ---
"""Pipeline reference for scband-multiscale-message-passing-17093969838469 (READ-ONLY COPY).

The authoritative reference and input builder live on the scoring server;
editing this copy changes nothing except your own understanding.
"""

import jax, jax.numpy as jnp
import numpy as np

N = 10000
E = 320000
D_IN = 128
D_EDGE = 16
H = 128
N_MP_DOWN = 4


def _lin(key, fin, fout):
    k1, k2 = jax.random.split(key)
    lim = 1.0 / np.sqrt(fin)
    return {"W": jax.random.uniform(k1, (fin, fout), jnp.float32, -lim, lim),
            "b": jax.random.uniform(k2, (fout,), jnp.float32, -lim, lim)}


def _mlp(h, layers):
    n = len(layers)
    for i, l in enumerate(layers):
        h = h @ l["W"] + l["b"]
        if i < n - 1:
            h = jax.nn.elu(h)
    return h


def _ln(h, g, b):
    m = jnp.mean(h, axis=-1, keepdims=True)
    v = jnp.var(h, axis=-1, keepdims=True)
    return (h - m) / jnp.sqrt(v + 1e-5) * g + b


def setup_inputs(seed: int = 0):
    key = jax.random.key(seed)
    ks = jax.random.split(key, 100)
    x = jax.random.normal(ks[0], (N, D_IN), jnp.float32)
    edge_index = jax.random.randint(ks[1], (2, E), 0, N, jnp.int32)
    edge_attr = jax.random.normal(ks[2], (E, D_EDGE), jnp.float32)
    pos = jax.random.uniform(ks[3], (N, 2), jnp.float32)
    batch = jnp.zeros((N,), jnp.int32)
    ki = 4
    params = {}
    params["node_encode"] = [_lin(ks[ki], D_IN, H), _lin(ks[ki + 1], H, H)]; ki += 2
    params["node_encode_norm"] = {"g": jnp.ones((H,), jnp.float32), "b": jnp.zeros((H,), jnp.float32)}
    params["edge_encode"] = [_lin(ks[ki], D_EDGE, H), _lin(ks[ki + 1], H, H)]; ki += 2
    params["edge_encode_norm"] = {"g": jnp.ones((H,), jnp.float32), "b": jnp.zeros((H,), jnp.float32)}
    edge_mps, edge_norms, node_mps, node_norms = [], [], [], []
    for i in range(N_MP_DOWN):
        edge_mps.append([_lin(ks[ki], 3 * H, H), _lin(ks[ki + 1], H, H)]); ki += 2
        edge_norms.append({"g": jnp.ones((H,), jnp.float32), "b": jnp.zeros((H,), jnp.float32)})
        node_mps.append([_lin(ks[ki], 2 * H, H), _lin(ks[ki + 1], H, H)]); ki += 2
        node_norms.append({"g": jnp.ones((H,), jnp.float32), "b": jnp.zeros((H,), jnp.float32)})
    params["edge_mps"] = edge_mps
    params["edge_norms"] = edge_norms
    params["node_mps"] = node_mps
    params["node_norms"] = node_norms
    params["node_decode"] = [_lin(ks[ki], H, H), _lin(ks[ki + 1], H, D_IN)]; ki += 2
    return {"x": x, "edge_index": edge_index, "edge_attr": edge_attr,
            "pos": pos, "batch": batch, "params": params}


def _forward(x, edge_attr, params, edge_index):
    # encode nodes and edges: MLP (elu between layers) + LayerNorm
    xh = _ln(_mlp(x, params["node_encode"]),
             params["node_encode_norm"]["g"], params["node_encode_norm"]["b"])
    eh = _ln(_mlp(edge_attr, params["edge_encode"]),
             params["edge_encode_norm"]["g"], params["edge_encode_norm"]["b"])
    row = edge_index[0]  # source (x_j)
    col = edge_index[1]  # destination (x_i)
    ones = jnp.ones((eh.shape[0], 1), xh.dtype)
    deg = jax.ops.segment_sum(ones, col, num_segments=N)
    deg = jnp.maximum(deg, 1.0)
    for i in range(N_MP_DOWN):
        # edge update: MLP(cat[x_i, x_j, e]) with residual + LayerNorm
        t = jnp.concatenate([xh[col], xh[row], eh], axis=-1)
        t = _mlp(t, params["edge_mps"][i])
        eh = eh + _ln(t, params["edge_norms"][i]["g"], params["edge_norms"][i]["b"])
        # node update: mean-aggregated edge features (EdgeAggregation, aggr='mean')
        agg = jax.ops.segment_sum(eh, col, num_segments=N) / deg
        t = jnp.concatenate([xh, agg], axis=-1)
        t = _mlp(t, params["node_mps"][i])
        xh = xh + _ln(t, params["node_norms"][i]["g"], params["node_norms"][i]["b"])
    # decode
    return _mlp(xh, params["node_decode"])


def reference(x, edge_index, edge_attr, pos, batch, params):
    return _forward(x, edge_attr, params, edge_index)

if __name__ == "__main__":
    import jax
    _d = setup_inputs()
    print(jax.jit(kernel)(*tuple(_d.values())))

</pallas_src>

<mosaic_0001>
#map = affine_map<(d0, d1) -> (0, 0)>
module attributes {stable_mosaic.version = 14 : i64} {
  func.func @_gather_body(%arg0: i32, %arg1: i32, %arg2: memref<12288x128xf32, #tpu.memory_space<hbm>>, %arg3: memref<12288x128xf32, #tpu.memory_space<hbm>>, %arg4: memref<2560x128xi32, #tpu.memory_space<hbm>>, %arg5: memref<2560x128xi32, #tpu.memory_space<hbm>>, %arg6: memref<327680x128xf32, #tpu.memory_space<hbm>>, %arg7: memref<327680x128xf32, #tpu.memory_space<hbm>>, %arg8: memref<160x128xi32, #tpu.memory_space<vmem>>, %arg9: memref<128x128xf32, #tpu.memory_space<vmem>>, %arg10: memref<128x128xf32, #tpu.memory_space<vmem>>, %arg11: memref<!tpu.dma_semaphore, #tpu.memory_space<semaphore_mem>>, %arg12: memref<!tpu.dma_semaphore, #tpu.memory_space<semaphore_mem>>, %arg13: memref<!tpu.dma_semaphore, #tpu.memory_space<semaphore_mem>>, %arg14: memref<!tpu.dma_semaphore, #tpu.memory_space<semaphore_mem>>) attributes {dimension_semantics = [#tpu.dimension_semantics<core_parallel>, #tpu.dimension_semantics<subcore_parallel>], iteration_bounds = array<i64: 2, 16>, scalar_prefetch = 0 : i64, scratch_operands = 7 : i64, tpu.core_type = #tpu.core_type<sc_vector_subcore>, window_params = [{transform_indices = #map}, {transform_indices = #map}, {transform_indices = #map}, {transform_indices = #map}, {transform_indices = #map}, {transform_indices = #map}]} {
    %eq3A = arith.constant 0 : i32
    %eq3A_0 = arith.cmpi eq, %arg0, %eq3A : i32
    %convert_element_type3A = arith.extui %eq3A_0 : i1 to i32
    %cond3A = arith.constant 0 : i32
    %cond3A_1 = arith.cmpi ne, %convert_element_type3A, %cond3A : i32
    scf.if %cond3A_1 {
      %mul3A = arith.constant 160 : i32
      %mul3A_7 = arith.muli %arg1, %mul3A : i32
      "tpu.region"() ({
        %run_scoped3A = tpu.sem_alloc : memref<!tpu.dma_semaphore, #tpu.memory_space<semaphore_mem>>
        %dma_start3A_30 = arith.constant 0 : i32
        %dma_start3A_31 = tpu.memref_slice %arg4[%mul3A_7, %dma_start3A_30] : memref<2560x128xi32, #tpu.memory_space<hbm>> -> memref<160x128xi32, #tpu.memory_space<hbm>>
        %dma_start3A_32 = arith.constant 0 : i32
        %dma_start3A_33 = tpu.memref_slice %arg4[%mul3A_7, %dma_start3A_32] : memref<2560x128xi32, #tpu.memory_space<hbm>> -> memref<160x128xi32, #tpu.memory_space<hbm>>
        tpu.enqueue_dma source(%dma_start3A_33 : memref<160x128xi32, #tpu.memory_space<hbm>>) target(%arg8 : memref<160x128xi32, #tpu.memory_space<vmem>>) target_semaphore(%run_scoped3A : memref<!tpu.dma_semaphore, #tpu.memory_space<semaphore_mem>>)
        %dma_wait3A_34 = arith.constant 0 : i32
        %dma_wait3A_35 = tpu.memref_slice %arg4[%mul3A_7, %dma_wait3A_34] : memref<2560x128xi32, #tpu.memory_space<hbm>> -> memref<160x128xi32, #tpu.memory_space<hbm>>
        %dma_wait3A_36 = arith.constant 0 : i32
        %dma_wait3A_37 = tpu.memref_slice %arg4[%mul3A_7, %dma_wait3A_36] : memref<2560x128xi32, #tpu.memory_space<hbm>> -> memref<160x128xi32, #tpu.memory_space<hbm>>
        tpu.wait_dma2 semaphore(%run_scoped3A : memref<!tpu.dma_semaphore, #tpu.memory_space<semaphore_mem>>) src(%dma_wait3A_37 : memref<160x128xi32, #tpu.memory_space<hbm>>) dst(%arg8 : memref<160x128xi32, #tpu.memory_space<vmem>>)
        tpu.yield
      }) : () -> ()
      %dma_start3A = arith.constant 0 : i32
      %dma_start3A_8 = arith.constant 0 : i32
      %dma_start3A_9 = tpu.memref_slice %arg8[%dma_start3A, %dma_start3A_8] : memref<160x128xi32, #tpu.memory_space<vmem>> -> memref<1x128xi32, #tpu.memory_space<vmem>>
      %dma_start3A_10 = tpu.memref_squeeze %dma_start3A_9 : memref<1x128xi32, #tpu.memory_space<vmem>> -> memref<128xi32, #tpu.memory_space<vmem>>
      %dma_start3A_11 = arith.constant 0 : i32
      %dma_start3A_12 = arith.constant 0 : i32
      %dma_start3A_13 = tpu.memref_slice %arg2[%dma_start3A_11, %dma_start3A_12] : memref<12288x128xf32, #tpu.memory_space<hbm>> -> memref<12288x128xf32, #tpu.memory_space<hbm>>
      tpu.enqueue_indirect_dma source(%dma_start3A_13 : memref<12288x128xf32, #tpu.memory_space<hbm>>) target(%arg9 : memref<128x128xf32, #tpu.memory_space<vmem>>) offsets(%dma_start3A_10 : memref<128xi32, #tpu.memory_space<vmem>>) semaphore(%arg11 : memref<!tpu.dma_semaphore, #tpu.memory_space<semaphore_mem>>)
      %scan3A = arith.constant 0 : i32
      %scan3A_14 = arith.constant 0 : i32
      %scan3A_15 = arith.constant 80 : i32
      %scan3A_16 = arith.addi %scan3A_14, %scan3A_15 : i32
      %scan3A_17 = arith.constant 1 : i32
      scf.for %scan3A_30 = %scan3A_14 to %scan3A_16 step %scan3A_17  : i32 {
        %mul3A_31 = arith.constant 2 : i32
        %mul3A_32 = arith.muli %mul3A_31, %scan3A_30 : i32
        %add3A = arith.constant 1 : i32
        %add3A_33 = arith.addi %mul3A_32, %add3A : i32
        %dma_wait3A_34 = arith.constant 0 : i32
        %dma_wait3A_35 = tpu.memref_slice %arg8[%mul3A_32, %dma_wait3A_34] : memref<160x128xi32, #tpu.memory_space<vmem>> -> memref<1x128xi32, #tpu.memory_space<vmem>>
        %dma_wait3A_36 = tpu.memref_squeeze %dma_wait3A_35 : memref<1x128xi32, #tpu.memory_space<vmem>> -> memref<128xi32, #tpu.memory_space<vmem>>
        %dma_wait3A_37 = arith.constant 0 : i32
        %dma_wait3A_38 = arith.constant 0 : i32
        %dma_wait3A_39 = tpu.memref_slice %arg2[%dma_wait3A_37, %dma_wait3A_38] : memref<12288x128xf32, #tpu.memory_space<hbm>> -> memref<12288x128xf32, #tpu.memory_space<hbm>>
        tpu.wait_indirect_dma semaphore(%arg11 : memref<!tpu.dma_semaphore, #tpu.memory_space<semaphore_mem>>) src(%dma_wait3A_39 : memref<12288x128xf32, #tpu.memory_space<hbm>>) dst(%arg9 : memref<128x128xf32, #tpu.memory_space<vmem>>)
        %gt3A = arith.constant 0 : i32
        %gt3A_40 = arith.cmpi sgt, %scan3A_30, %gt3A : i32
        %convert_element_type3A_41 = arith.extui %gt3A_40 : i1 to i32
        %cond3A_42 = arith.constant 0 : i32
        %cond3A_43 = arith.cmpi ne, %convert_element_type3A_41, %cond3A_42 : i32
        scf.if %cond3A_43 {
          %dma_wait3A_74 = arith.constant 0 : i32
          %dma_wait3A_75 = arith.constant 0 : i32
          %dma_wait3A_76 = tpu.memref_slice %arg6[%dma_wait3A_74, %dma_wait3A_75] : memref<327680x128xf32, #tpu.memory_space<hbm>> -> memref<128x128xf32, #tpu.memory_space<hbm>>
          %dma_wait3A_77 = arith.constant 0 : i32
          %dma_wait3A_78 = arith.constant 0 : i32
          %dma_wait3A_79 = tpu.memref_slice %arg6[%dma_wait3A_77, %dma_wait3A_78] : memref<327680x128xf32, #tpu.memory_space<hbm>> -> memref<128x128xf32, #tpu.memory_space<hbm>>
          tpu.wait_dma2 semaphore(%arg14 : memref<!tpu.dma_semaphore, #tpu.memory_space<semaphore_mem>>) src(%arg10 : memref<128x128xf32, #tpu.memory_space<vmem>>) dst(%dma_wait3A_79 : memref<128x128xf32, #tpu.memory_space<hbm>>)
        } else {
        }
        %dma_start3A_44 = arith.constant 0 : i32
        %dma_start3A_45 = tpu.memref_slice %arg8[%add3A_33, %dma_start3A_44] : memref<160x128xi32, #tpu.memory_space<vmem>> -> memref<1x128xi32, #tpu.memory_space<vmem>>
        %dma_start3A_46 = tpu.memref_squeeze %dma_start3A_45 : memref<1x128xi32, #tpu.memory_space<vmem>> -> memref<128xi32, #tpu.memory_space<vmem>>
        %dma_start3A_47 = arith.constant 0 : i32
        %dma_start3A_48 = arith.constant 0 : i32
        %dma_start3A_49 = tpu.memref_slice %arg2[%dma_start3A_47, %dma_start3A_48] : memref<12288x128xf32, #tpu.memory_space<hbm>> -> memref<12288x128xf32, #tpu.memory_space<hbm>>
        tpu.enqueue_indirect_dma source(%dma_start3A_49 : memref<12288x128xf32, #tpu.memory_space<hbm>>) target(%arg10 : memref<128x128xf32, #tpu.memory_space<vmem>>) offsets(%dma_start3A_46 : memref<128xi32, #tpu.memory_space<vmem>>) semaphore(%arg12 : memref<!tpu.dma_semaphore, #tpu.memory_space<semaphore_mem>>)
        %add3A_50 = arith.addi %mul3A_7, %mul3A_32 : i32
        %mul3A_51 = arith.constant 128 : i32
        %mul3A_52 = arith.muli %add3A_50, %mul3A_51 : i32
        %dma_start3A_53 = arith.constant 0 : i32
        %dma_start3A_54 = tpu.memref_slice %arg6[%mul3A_52, %dma_start3A_53] : memref<327680x128xf32, #tpu.memory_space<hbm>> -> memref<128x128xf32, #tpu.memory_space<hbm>>
        %dma_start3A_55 = arith.constant 0 : i32
        %dma_start3A_56 = tpu.memref_slice %arg6[%mul3A_52, %dma_start3A_55] : memref<327680x128xf32, #tpu.memory_space<hbm>> -> memref<128x128xf32, #tpu.memory_space<hbm>>
        tpu.enqueue_dma source(%arg9 : memref<128x128xf32, #tpu.memory_space<vmem>>) target(%dma_start3A_56 : memref<128x128xf32, #tpu.memory_space<hbm>>) target_semaphore(%arg13 : memref<!tpu.dma_semaphore, #tpu.memory_space<semaphore_mem>>)
        %dma_wait3A_57 = arith.constant 0 : i32
        %dma_wait3A_58 = tpu.memref_slice %arg8[%add3A_33, %dma_wait3A_57] : memref<160x128xi32, #tpu.memory_space<vmem>> -> memref<1x128xi32, #tpu.memory_space<vmem>>
        %dma_wait3A_59 = tpu.memref_squeeze %dma_wait3A_58 : memref<1x128xi32, #tpu.memory_space<vmem>> -> memref<128xi32, #tpu.memory_space<vmem>>
        %dma_wait3A_60 = arith.constant 0 : i32
        %dma_wait3A_61 = arith.constant 0 : i32
        %dma_wait3A_62 = tpu.memref_slice %arg2[%dma_wait3A_60, %dma_wait3A_61] : memref<12288x128xf32, #tpu.memory_space<hbm>> -> memref<12288x128xf32, #tpu.memory_space<hbm>>
        tpu.wait_indirect_dma semaphore(%arg12 : memref<!tpu.dma_semaphore, #tpu.memory_space<semaphore_mem>>) src(%dma_wait3A_62 : memref<12288x128xf32, #tpu.memory_space<hbm>>) dst(%arg10 : memref<128x128xf32, #tpu.memory_space<vmem>>)
        %lt3A = arith.constant 79 : i32
        %lt3A_63 = arith.cmpi slt, %scan3A_30, %lt3A : i32
        %convert_element_type3A_64 = arith.extui %lt3A_63 : i1 to i32
        %cond3A_65 = arith.constant 0 : i32
        %cond3A_66 = arith.cmpi ne, %convert_element_type3A_64, %cond3A_65 : i32
        scf.if %cond3A_66 {
          %dma_wait3A_74 = arith.constant 0 : i32
          %dma_wait3A_75 = arith.constant 0 : i32
          %dma_wait3A_76 = tpu.memref_slice %arg6[%dma_wait3A_74, %dma_wait3A_75] : memref<327680x128xf32, #tpu.memory_space<hbm>> -> memref<128x128xf32, #tpu.memory_space<hbm>>
          %dma_wait3A_77 = arith.constant 0 : i32
          %dma_wait3A_78 = arith.constant 0 : i32
          %dma_wait3A_79 = tpu.memref_slice %arg6[%dma_wait3A_77, %dma_wait3A_78] : memref<327680x128xf32, #tpu.memory_space<hbm>> -> memref<128x128xf32, #tpu.memory_space<hbm>>
          tpu.wait_dma2 semaphore(%arg13 : memref<!tpu.dma_semaphore, #tpu.memory_space<semaphore_mem>>) src(%arg9 : memref<128x128xf32, #tpu.memory_space<vmem>>) dst(%dma_wait3A_79 : memref<128x128xf32, #tpu.memory_space<hbm>>)
          %add3A_80 = arith.constant 2 : i32
          %add3A_81 = arith.addi %mul3A_32, %add3A_80 : i32
          %dma_start3A_82 = arith.constant 0 : i32
          %dma_start3A_83 = tpu.memref_slice %arg8[%add3A_81, %dma_start3A_82] : memref<160x128xi32, #tpu.memory_space<vmem>> -> memref<1x128xi32, #tpu.memory_space<vmem>>
          %dma_start3A_84 = tpu.memref_squeeze %dma_start3A_83 : memref<1x128xi32, #tpu.memory_space<vmem>> -> memref<128xi32, #tpu.memory_space<vmem>>
          %dma_start3A_85 = arith.constant 0 : i32
          %dma_start3A_86 = arith.constant 0 : i32
          %dma_start3A_87 = tpu.memref_slice %arg2[%dma_start3A_85, %dma_start3A_86] : memref<12288x128xf32, #tpu.memory_space<hbm>> -> memref<12288x128xf32, #tpu.memory_space<hbm>>
          tpu.enqueue_indirect_dma source(%dma_start3A_87 : memref<12288x128xf32, #tpu.memory_space<hbm>>) target(%arg9 : memref<128x128xf32, #tpu.memory_space<vmem>>) offsets(%dma_start3A_84 : memref<128xi32, #tpu.memory_space<vmem>>) semaphore(%arg11 : memref<!tpu.dma_semaphore, #tpu.memory_space<semaphore_mem>>)
        } else {
        }
        %add3A_67 = arith.addi %mul3A_7, %add3A_33 : i32
        %mul3A_68 = arith.constant 128 : i32
        %mul3A_69 = arith.muli %add3A_67, %mul3A_68 : i32
        %dma_start3A_70 = arith.constant 0 : i32
        %dma_start3A_71 = tpu.memref_slice %arg6[%mul3A_69, %dma_start3A_70] : memref<327680x128xf32, #tpu.memory_space<hbm>> -> memref<128x128xf32, #tpu.memory_space<hbm>>
        %dma_start3A_72 = arith.constant 0 : i32
        %dma_start3A_73 = tpu.memref_slice %arg6[%mul3A_69, %dma_start3A_72] : memref<327680x128xf32, #tpu.memory_space<hbm>> -> memref<128x128xf32, #tpu.memory_space<hbm>>
        tpu.enqueue_dma source(%arg10 : memref<128x128xf32, #tpu.memory_space<vmem>>) target(%dma_start3A_73 : memref<128x128xf32, #tpu.memory_space<hbm>>) target_semaphore(%arg14 : memref<!tpu.dma_semaphore, #tpu.memory_space<semaphore_mem>>)
      }
      %scan3A_18 = arith.constant 80 : i32
      %dma_wait3A = arith.constant 0 : i32
      %dma_wait3A_19 = arith.constant 0 : i32
      %dma_wait3A_20 = tpu.memref_slice %arg6[%dma_wait3A, %dma_wait3A_19] : memref<327680x128xf32, #tpu.memory_space<hbm>> -> memref<128x128xf32, #tpu.memory_space<hbm>>
      %dma_wait3A_21 = arith.constant 0 : i32
      %dma_wait3A_22 = arith.constant 0 : i32
      %dma_wait3A_23 = tpu.memref_slice %arg6[%dma_wait3A_21, %dma_wait3A_22] : memref<327680x128xf32, #tpu.memory_space<hbm>> -> memref<128x128xf32, #tpu.memory_space<hbm>>
      tpu.wait_dma2 semaphore(%arg13 : memref<!tpu.dma_semaphore, #tpu.memory_space<semaphore_mem>>) src(%arg9 : memref<128x128xf32, #tpu.memory_space<vmem>>) dst(%dma_wait3A_23 : memref<128x128xf32, #tpu.memory_space<hbm>>)
      %dma_wait3A_24 = arith.constant 0 : i32
      %dma_wait3A_25 = arith.constant 0 : i32
      %dma_wait3A_26 = tpu.memref_slice %arg6[%dma_wait3A_24, %dma_wait3A_25] : memref<327680x128xf32, #tpu.memory_space<hbm>> -> memref<128x128xf32, #tpu.memory_space<hbm>>
      %dma_wait3A_27 = arith.constant 0 : i32
      %dma_wait3A_28 = arith.constant 0 : i32
      %dma_wait3A_29 = tpu.memref_slice %arg6[%dma_wait3A_27, %dma_wait3A_28] : memref<327680x128xf32, #tpu.memory_space<hbm>> -> memref<128x128xf32, #tpu.memory_space<hbm>>
      tpu.wait_dma2 semaphore(%arg14 : memref<!tpu.dma_semaphore, #tpu.memory_space<semaphore_mem>>) src(%arg10 : memref<128x128xf32, #tpu.memory_space<vmem>>) dst(%dma_wait3A_29 : memref<128x128xf32, #tpu.memory_space<hbm>>)
    } else {
    }
    %eq3A_2 = arith.constant 1 : i32
    %eq3A_3 = arith.cmpi eq, %arg0, %eq3A_2 : i32
    %convert_element_type3A_4 = arith.extui %eq3A_3 : i1 to i32
    %cond3A_5 = arith.constant 0 : i32
    %cond3A_6 = arith.cmpi ne, %convert_element_type3A_4, %cond3A_5 : i32
    scf.if %cond3A_6 {
      %mul3A = arith.constant 160 : i32
      %mul3A_7 = arith.muli %arg1, %mul3A : i32
      "tpu.region"() ({
        %run_scoped3A = tpu.sem_alloc : memref<!tpu.dma_semaphore, #tpu.memory_space<semaphore_mem>>
        %dma_start3A_30 = arith.constant 0 : i32
        %dma_start3A_31 = tpu.memref_slice %arg5[%mul3A_7, %dma_start3A_30] : memref<2560x128xi32, #tpu.memory_space<hbm>> -> memref<160x128xi32, #tpu.memory_space<hbm>>
        %dma_start3A_32 = arith.constant 0 : i32
        %dma_start3A_33 = tpu.memref_slice %arg5[%mul3A_7, %dma_start3A_32] : memref<2560x128xi32, #tpu.memory_space<hbm>> -> memref<160x128xi32, #tpu.memory_space<hbm>>
        tpu.enqueue_dma source(%dma_start3A_33 : memref<160x128xi32, #tpu.memory_space<hbm>>) target(%arg8 : memref<160x128xi32, #tpu.memory_space<vmem>>) target_semaphore(%run_scoped3A : memref<!tpu.dma_semaphore, #tpu.memory_space<semaphore_mem>>)
        %dma_wait3A_34 = arith.constant 0 : i32
        %dma_wait3A_35 = tpu.memref_slice %arg5[%mul3A_7, %dma_wait3A_34] : memref<2560x128xi32, #tpu.memory_space<hbm>> -> memref<160x128xi32, #tpu.memory_space<hbm>>
        %dma_wait3A_36 = arith.constant 0 : i32
        %dma_wait3A_37 = tpu.memref_slice %arg5[%mul3A_7, %dma_wait3A_36] : memref<2560x128xi32, #tpu.memory_space<hbm>> -> memref<160x128xi32, #tpu.memory_space<hbm>>
        tpu.wait_dma2 semaphore(%run_scoped3A : memref<!tpu.dma_semaphore, #tpu.memory_space<semaphore_mem>>) src(%dma_wait3A_37 : memref<160x128xi32, #tpu.memory_space<hbm>>) dst(%arg8 : memref<160x128xi32, #tpu.memory_space<vmem>>)
        tpu.yield
      }) : () -> ()
      %dma_start3A = arith.constant 0 : i32
      %dma_start3A_8 = arith.constant 0 : i32
      %dma_start3A_9 = tpu.memref_slice %arg8[%dma_start3A, %dma_start3A_8] : memref<160x128xi32, #tpu.memory_space<vmem>> -> memref<1x128xi32, #tpu.memory_space<vmem>>
      %dma_start3A_10 = tpu.memref_squeeze %dma_start3A_9 : memref<1x128xi32, #tpu.memory_space<vmem>> -> memref<128xi32, #tpu.memory_space<vmem>>
      %dma_start3A_11 = arith.constant 0 : i32
      %dma_start3A_12 = arith.constant 0 : i32
      %dma_start3A_13 = tpu.memref_slice %arg3[%dma_start3A_11, %dma_start3A_12] : memref<12288x128xf32, #tpu.memory_space<hbm>> -> memref<12288x128xf32, #tpu.memory_space<hbm>>
      tpu.enqueue_indirect_dma source(%dma_start3A_13 : memref<12288x128xf32, #tpu.memory_space<hbm>>) target(%arg9 : memref<128x128xf32, #tpu.memory_space<vmem>>) offsets(%dma_start3A_10 : memref<128xi32, #tpu.memory_space<vmem>>) semaphore(%arg11 : memref<!tpu.dma_semaphore, #tpu.memory_space<semaphore_mem>>)
      %scan3A = arith.constant 0 : i32
      %scan3A_14 = arith.constant 0 : i32
      %scan3A_15 = arith.constant 80 : i32
      %scan3A_16 = arith.addi %scan3A_14, %scan3A_15 : i32
      %scan3A_17 = arith.constant 1 : i32
      scf.for %scan3A_30 = %scan3A_14 to %scan3A_16 step %scan3A_17  : i32 {
        %mul3A_31 = arith.constant 2 : i32
        %mul3A_32 = arith.muli %mul3A_31, %scan3A_30 : i32
        %add3A = arith.constant 1 : i32
        %add3A_33 = arith.addi %mul3A_32, %add3A : i32
        %dma_wait3A_34 = arith.constant 0 : i32
        %dma_wait3A_35 = tpu.memref_slice %arg8[%mul3A_32, %dma_wait3A_34] : memref<160x128xi32, #tpu.memory_space<vmem>> -> memref<1x128xi32, #tpu.memory_space<vmem>>
        %dma_wait3A_36 = tpu.memref_squeeze %dma_wait3A_35 : memref<1x128xi32, #tpu.memory_space<vmem>> -> memref<128xi32, #tpu.memory_space<vmem>>
        %dma_wait3A_37 = arith.constant 0 : i32
        %dma_wait3A_38 = arith.constant 0 : i32
        %dma_wait3A_39 = tpu.memref_slice %arg3[%dma_wait3A_37, %dma_wait3A_38] : memref<12288x128xf32, #tpu.memory_space<hbm>> -> memref<12288x128xf32, #tpu.memory_space<hbm>>
        tpu.wait_indirect_dma semaphore(%arg11 : memref<!tpu.dma_semaphore, #tpu.memory_space<semaphore_mem>>) src(%dma_wait3A_39 : memref<12288x128xf32, #tpu.memory_space<hbm>>) dst(%arg9 : memref<128x128xf32, #tpu.memory_space<vmem>>)
        %gt3A = arith.constant 0 : i32
        %gt3A_40 = arith.cmpi sgt, %scan3A_30, %gt3A : i32
        %convert_element_type3A_41 = arith.extui %gt3A_40 : i1 to i32
        %cond3A_42 = arith.constant 0 : i32
        %cond3A_43 = arith.cmpi ne, %convert_element_type3A_41, %cond3A_42 : i32
        scf.if %cond3A_43 {
          %dma_wait3A_74 = arith.constant 0 : i32
          %dma_wait3A_75 = arith.constant 0 : i32
          %dma_wait3A_76 = tpu.memref_slice %arg7[%dma_wait3A_74, %dma_wait3A_75] : memref<327680x128xf32, #tpu.memory_space<hbm>> -> memref<128x128xf32, #tpu.memory_space<hbm>>
          %dma_wait3A_77 = arith.constant 0 : i32
          %dma_wait3A_78 = arith.constant 0 : i32
          %dma_wait3A_79 = tpu.memref_slice %arg7[%dma_wait3A_77, %dma_wait3A_78] : memref<327680x128xf32, #tpu.memory_space<hbm>> -> memref<128x128xf32, #tpu.memory_space<hbm>>
          tpu.wait_dma2 semaphore(%arg14 : memref<!tpu.dma_semaphore, #tpu.memory_space<semaphore_mem>>) src(%arg10 : memref<128x128xf32, #tpu.memory_space<vmem>>) dst(%dma_wait3A_79 : memref<128x128xf32, #tpu.memory_space<hbm>>)
        } else {
        }
        %dma_start3A_44 = arith.constant 0 : i32
        %dma_start3A_45 = tpu.memref_slice %arg8[%add3A_33, %dma_start3A_44] : memref<160x128xi32, #tpu.memory_space<vmem>> -> memref<1x128xi32, #tpu.memory_space<vmem>>
        %dma_start3A_46 = tpu.memref_squeeze %dma_start3A_45 : memref<1x128xi32, #tpu.memory_space<vmem>> -> memref<128xi32, #tpu.memory_space<vmem>>
        %dma_start3A_47 = arith.constant 0 : i32
        %dma_start3A_48 = arith.constant 0 : i32
        %dma_start3A_49 = tpu.memref_slice %arg3[%dma_start3A_47, %dma_start3A_48] : memref<12288x128xf32, #tpu.memory_space<hbm>> -> memref<12288x128xf32, #tpu.memory_space<hbm>>
        tpu.enqueue_indirect_dma source(%dma_start3A_49 : memref<12288x128xf32, #tpu.memory_space<hbm>>) target(%arg10 : memref<128x128xf32, #tpu.memory_space<vmem>>) offsets(%dma_start3A_46 : memref<128xi32, #tpu.memory_space<vmem>>) semaphore(%arg12 : memref<!tpu.dma_semaphore, #tpu.memory_space<semaphore_mem>>)
        %add3A_50 = arith.addi %mul3A_7, %mul3A_32 : i32
        %mul3A_51 = arith.constant 128 : i32
        %mul3A_52 = arith.muli %add3A_50, %mul3A_51 : i32
        %dma_start3A_53 = arith.constant 0 : i32
        %dma_start3A_54 = tpu.memref_slice %arg7[%mul3A_52, %dma_start3A_53] : memref<327680x128xf32, #tpu.memory_space<hbm>> -> memref<128x128xf32, #tpu.memory_space<hbm>>
        %dma_start3A_55 = arith.constant 0 : i32
        %dma_start3A_56 = tpu.memref_slice %arg7[%mul3A_52, %dma_start3A_55] : memref<327680x128xf32, #tpu.memory_space<hbm>> -> memref<128x128xf32, #tpu.memory_space<hbm>>
        tpu.enqueue_dma source(%arg9 : memref<128x128xf32, #tpu.memory_space<vmem>>) target(%dma_start3A_56 : memref<128x128xf32, #tpu.memory_space<hbm>>) target_semaphore(%arg13 : memref<!tpu.dma_semaphore, #tpu.memory_space<semaphore_mem>>)
        %dma_wait3A_57 = arith.constant 0 : i32
        %dma_wait3A_58 = tpu.memref_slice %arg8[%add3A_33, %dma_wait3A_57] : memref<160x128xi32, #tpu.memory_space<vmem>> -> memref<1x128xi32, #tpu.memory_space<vmem>>
        %dma_wait3A_59 = tpu.memref_squeeze %dma_wait3A_58 : memref<1x128xi32, #tpu.memory_space<vmem>> -> memref<128xi32, #tpu.memory_space<vmem>>
        %dma_wait3A_60 = arith.constant 0 : i32
        %dma_wait3A_61 = arith.constant 0 : i32
        %dma_wait3A_62 = tpu.memref_slice %arg3[%dma_wait3A_60, %dma_wait3A_61] : memref<12288x128xf32, #tpu.memory_space<hbm>> -> memref<12288x128xf32, #tpu.memory_space<hbm>>
        tpu.wait_indirect_dma semaphore(%arg12 : memref<!tpu.dma_semaphore, #tpu.memory_space<semaphore_mem>>) src(%dma_wait3A_62 : memref<12288x128xf32, #tpu.memory_space<hbm>>) dst(%arg10 : memref<128x128xf32, #tpu.memory_space<vmem>>)
        %lt3A = arith.constant 79 : i32
        %lt3A_63 = arith.cmpi slt, %scan3A_30, %lt3A : i32
        %convert_element_type3A_64 = arith.extui %lt3A_63 : i1 to i32
        %cond3A_65 = arith.constant 0 : i32
        %cond3A_66 = arith.cmpi ne, %convert_element_type3A_64, %cond3A_65 : i32
        scf.if %cond3A_66 {
          %dma_wait3A_74 = arith.constant 0 : i32
          %dma_wait3A_75 = arith.constant 0 : i32
          %dma_wait3A_76 = tpu.memref_slice %arg7[%dma_wait3A_74, %dma_wait3A_75] : memref<327680x128xf32, #tpu.memory_space<hbm>> -> memref<128x128xf32, #tpu.memory_space<hbm>>
          %dma_wait3A_77 = arith.constant 0 : i32
          %dma_wait3A_78 = arith.constant 0 : i32
          %dma_wait3A_79 = tpu.memref_slice %arg7[%dma_wait3A_77, %dma_wait3A_78] : memref<327680x128xf32, #tpu.memory_space<hbm>> -> memref<128x128xf32, #tpu.memory_space<hbm>>
          tpu.wait_dma2 semaphore(%arg13 : memref<!tpu.dma_semaphore, #tpu.memory_space<semaphore_mem>>) src(%arg9 : memref<128x128xf32, #tpu.memory_space<vmem>>) dst(%dma_wait3A_79 : memref<128x128xf32, #tpu.memory_space<hbm>>)
          %add3A_80 = arith.constant 2 : i32
          %add3A_81 = arith.addi %mul3A_32, %add3A_80 : i32
          %dma_start3A_82 = arith.constant 0 : i32
          %dma_start3A_83 = tpu.memref_slice %arg8[%add3A_81, %dma_start3A_82] : memref<160x128xi32, #tpu.memory_space<vmem>> -> memref<1x128xi32, #tpu.memory_space<vmem>>
          %dma_start3A_84 = tpu.memref_squeeze %dma_start3A_83 : memref<1x128xi32, #tpu.memory_space<vmem>> -> memref<128xi32, #tpu.memory_space<vmem>>
          %dma_start3A_85 = arith.constant 0 : i32
          %dma_start3A_86 = arith.constant 0 : i32
          %dma_start3A_87 = tpu.memref_slice %arg3[%dma_start3A_85, %dma_start3A_86] : memref<12288x128xf32, #tpu.memory_space<hbm>> -> memref<12288x128xf32, #tpu.memory_space<hbm>>
          tpu.enqueue_indirect_dma source(%dma_start3A_87 : memref<12288x128xf32, #tpu.memory_space<hbm>>) target(%arg9 : memref<128x128xf32, #tpu.memory_space<vmem>>) offsets(%dma_start3A_84 : memref<128xi32, #tpu.memory_space<vmem>>) semaphore(%arg11 : memref<!tpu.dma_semaphore, #tpu.memory_space<semaphore_mem>>)
        } else {
        }
        %add3A_67 = arith.addi %mul3A_7, %add3A_33 : i32
        %mul3A_68 = arith.constant 128 : i32
        %mul3A_69 = arith.muli %add3A_67, %mul3A_68 : i32
        %dma_start3A_70 = arith.constant 0 : i32
        %dma_start3A_71 = tpu.memref_slice %arg7[%mul3A_69, %dma_start3A_70] : memref<327680x128xf32, #tpu.memory_space<hbm>> -> memref<128x128xf32, #tpu.memory_space<hbm>>
        %dma_start3A_72 = arith.constant 0 : i32
        %dma_start3A_73 = tpu.memref_slice %arg7[%mul3A_69, %dma_start3A_72] : memref<327680x128xf32, #tpu.memory_space<hbm>> -> memref<128x128xf32, #tpu.memory_space<hbm>>
        tpu.enqueue_dma source(%arg10 : memref<128x128xf32, #tpu.memory_space<vmem>>) target(%dma_start3A_73 : memref<128x128xf32, #tpu.memory_space<hbm>>) target_semaphore(%arg14 : memref<!tpu.dma_semaphore, #tpu.memory_space<semaphore_mem>>)
      }
      %scan3A_18 = arith.constant 80 : i32
      %dma_wait3A = arith.constant 0 : i32
      %dma_wait3A_19 = arith.constant 0 : i32
      %dma_wait3A_20 = tpu.memref_slice %arg7[%dma_wait3A, %dma_wait3A_19] : memref<327680x128xf32, #tpu.memory_space<hbm>> -> memref<128x128xf32, #tpu.memory_space<hbm>>
      %dma_wait3A_21 = arith.constant 0 : i32
      %dma_wait3A_22 = arith.constant 0 : i32
      %dma_wait3A_23 = tpu.memref_slice %arg7[%dma_wait3A_21, %dma_wait3A_22] : memref<327680x128xf32, #tpu.memory_space<hbm>> -> memref<128x128xf32, #tpu.memory_space<hbm>>
      tpu.wait_dma2 semaphore(%arg13 : memref<!tpu.dma_semaphore, #tpu.memory_space<semaphore_mem>>) src(%arg9 : memref<128x128xf32, #tpu.memory_space<vmem>>) dst(%dma_wait3A_23 : memref<128x128xf32, #tpu.memory_space<hbm>>)
      %dma_wait3A_24 = arith.constant 0 : i32
      %dma_wait3A_25 = arith.constant 0 : i32
      %dma_wait3A_26 = tpu.memref_slice %arg7[%dma_wait3A_24, %dma_wait3A_25] : memref<327680x128xf32, #tpu.memory_space<hbm>> -> memref<128x128xf32, #tpu.memory_space<hbm>>
      %dma_wait3A_27 = arith.constant 0 : i32
      %dma_wait3A_28 = arith.constant 0 : i32
      %dma_wait3A_29 = tpu.memref_slice %arg7[%dma_wait3A_27, %dma_wait3A_28] : memref<327680x128xf32, #tpu.memory_space<hbm>> -> memref<128x128xf32, #tpu.memory_space<hbm>>
      tpu.wait_dma2 semaphore(%arg14 : memref<!tpu.dma_semaphore, #tpu.memory_space<semaphore_mem>>) src(%arg10 : memref<128x128xf32, #tpu.memory_space<vmem>>) dst(%dma_wait3A_29 : memref<128x128xf32, #tpu.memory_space<hbm>>)
    } else {
    }
    return
  }
}

#map = affine_map<(d0, d1) -> (0, 0)>
module attributes {stable_mosaic.version = 14 : i64} {
  func.func @_agg_body(%arg0: i32, %arg1: i32, %arg2: memref<327680x128xf32, #tpu.memory_space<hbm>>, %arg3: memref<2560x128xi32, #tpu.memory_space<hbm>>, %arg4: memref<768x64xf32, #tpu.memory_space<hbm>>, %arg5: memref<12288x128xf32, #tpu.memory_space<hbm>>, %arg6: memref<12288x64xf32, #tpu.memory_space<vmem_shared>>, %arg7: memref<768x64xf32, #tpu.memory_space<vmem>>, %arg8: memref<128x64xf32, #tpu.memory_space<vmem>>, %arg9: memref<128x64xf32, #tpu.memory_space<vmem>>, %arg10: memref<128xi32, #tpu.memory_space<vmem>>, %arg11: memref<128xi32, #tpu.memory_space<vmem>>, %arg12: memref<!tpu.dma_semaphore, #tpu.memory_space<semaphore_mem>>, %arg13: memref<!tpu.dma_semaphore, #tpu.memory_space<semaphore_mem>>, %arg14: memref<!tpu.dma_semaphore, #tpu.memory_space<semaphore_mem>>, %arg15: memref<!tpu.dma_semaphore, #tpu.memory_space<semaphore_mem>>) attributes {dimension_semantics = [#tpu.dimension_semantics<core_parallel>, #tpu.dimension_semantics<subcore_parallel>], iteration_bounds = array<i64: 2, 16>, scalar_prefetch = 0 : i64, scratch_operands = 10 : i64, tpu.core_type = #tpu.core_type<sc_vector_subcore>, window_params = [{transform_indices = #map}, {transform_indices = #map}, {transform_indices = #map}, {transform_indices = #map}]} {
    %mul3A = arith.constant 64 : i32
    %mul3A_0 = arith.muli %arg0, %mul3A : i32
    "tpu.region"() ({
      %run_scoped3A = tpu.sem_alloc : memref<!tpu.dma_semaphore, #tpu.memory_space<semaphore_mem>>
      tpu.enqueue_dma source(%arg4 : memref<768x64xf32, #tpu.memory_space<hbm>>) target(%arg7 : memref<768x64xf32, #tpu.memory_space<vmem>>) target_semaphore(%run_scoped3A : memref<!tpu.dma_semaphore, #tpu.memory_space<semaphore_mem>>)
      tpu.wait_dma2 semaphore(%run_scoped3A : memref<!tpu.dma_semaphore, #tpu.memory_space<semaphore_mem>>) src(%arg4 : memref<768x64xf32, #tpu.memory_space<hbm>>) dst(%arg7 : memref<768x64xf32, #tpu.memory_space<vmem>>)
      tpu.yield
    }) : () -> ()
    %mul3A_1 = arith.constant 768 : i32
    %mul3A_2 = arith.muli %arg1, %mul3A_1 : i32
    "tpu.region"() ({
      %run_scoped3A = tpu.sem_alloc : memref<!tpu.dma_semaphore, #tpu.memory_space<semaphore_mem>>
      %dma_start3A_29 = arith.constant 0 : i32
      %dma_start3A_30 = tpu.memref_slice %arg6[%mul3A_2, %dma_start3A_29] : memref<12288x64xf32, #tpu.memory_space<vmem_shared>> -> memref<768x64xf32, #tpu.memory_space<vmem_shared>>
      %dma_start3A_31 = arith.constant 0 : i32
      %dma_start3A_32 = tpu.memref_slice %arg6[%mul3A_2, %dma_start3A_31] : memref<12288x64xf32, #tpu.memory_space<vmem_shared>> -> memref<768x64xf32, #tpu.memory_space<vmem_shared>>
      tpu.enqueue_dma source(%arg7 : memref<768x64xf32, #tpu.memory_space<vmem>>) target(%dma_start3A_32 : memref<768x64xf32, #tpu.memory_space<vmem_shared>>) target_semaphore(%run_scoped3A : memref<!tpu.dma_semaphore, #tpu.memory_space<semaphore_mem>>)
      %dma_wait3A_33 = arith.constant 0 : i32
      %dma_wait3A_34 = tpu.memref_slice %arg6[%mul3A_2, %dma_wait3A_33] : memref<12288x64xf32, #tpu.memory_space<vmem_shared>> -> memref<768x64xf32, #tpu.memory_space<vmem_shared>>
      %dma_wait3A_35 = arith.constant 0 : i32
      %dma_wait3A_36 = tpu.memref_slice %arg6[%mul3A_2, %dma_wait3A_35] : memref<12288x64xf32, #tpu.memory_space<vmem_shared>> -> memref<768x64xf32, #tpu.memory_space<vmem_shared>>
      tpu.wait_dma2 semaphore(%run_scoped3A : memref<!tpu.dma_semaphore, #tpu.memory_space<semaphore_mem>>) src(%arg7 : memref<768x64xf32, #tpu.memory_space<vmem>>) dst(%dma_wait3A_36 : memref<768x64xf32, #tpu.memory_space<vmem_shared>>)
      tpu.yield
    }) : () -> ()
    %barrier3A = arith.constant 0 : index
    tpu.barrier barrier_id(%barrier3A)
    %mul3A_3 = arith.constant 160 : i32
    %mul3A_4 = arith.muli %arg1, %mul3A_3 : i32
    %dma_start3A = arith.constant 0 : i32
    %dma_start3A_5 = tpu.memref_slice %arg3[%mul3A_4, %dma_start3A] : memref<2560x128xi32, #tpu.memory_space<hbm>> -> memref<1x128xi32, #tpu.memory_space<hbm>>
    %dma_start3A_6 = tpu.memref_squeeze %dma_start3A_5 : memref<1x128xi32, #tpu.memory_space<hbm>> -> memref<128xi32, #tpu.memory_space<hbm>>
    %dma_start3A_7 = arith.constant 0 : i32
    %dma_start3A_8 = tpu.memref_slice %arg3[%mul3A_4, %dma_start3A_7] : memref<2560x128xi32, #tpu.memory_space<hbm>> -> memref<1x128xi32, #tpu.memory_space<hbm>>
    %dma_start3A_9 = tpu.memref_squeeze %dma_start3A_8 : memref<1x128xi32, #tpu.memory_space<hbm>> -> memref<128xi32, #tpu.memory_space<hbm>>
    tpu.enqueue_dma source(%dma_start3A_9 : memref<128xi32, #tpu.memory_space<hbm>>) target(%arg10 : memref<128xi32, #tpu.memory_space<vmem>>) target_semaphore(%arg12 : memref<!tpu.dma_semaphore, #tpu.memory_space<semaphore_mem>>)
    %mul3A_10 = arith.constant 128 : i32
    %mul3A_11 = arith.muli %mul3A_4, %mul3A_10 : i32
    %dma_start3A_12 = tpu.memref_slice %arg2[%mul3A_11, %mul3A_0] : memref<327680x128xf32, #tpu.memory_space<hbm>> -> memref<128x64xf32, #tpu.memory_space<hbm>>
    %dma_start3A_13 = tpu.memref_slice %arg2[%mul3A_11, %mul3A_0] : memref<327680x128xf32, #tpu.memory_space<hbm>> -> memref<128x64xf32, #tpu.memory_space<hbm>>
    tpu.enqueue_dma source(%dma_start3A_13 : memref<128x64xf32, #tpu.memory_space<hbm>>) target(%arg8 : memref<128x64xf32, #tpu.memory_space<vmem>>) target_semaphore(%arg12 : memref<!tpu.dma_semaphore, #tpu.memory_space<semaphore_mem>>)
    %scan3A = arith.constant 0 : i32
    %scan3A_14 = arith.constant 0 : i32
    %scan3A_15 = arith.constant 80 : i32
    %scan3A_16 = arith.addi %scan3A_14, %scan3A_15 : i32
    %scan3A_17 = arith.constant 1 : i32
    scf.for %scan3A_29 = %scan3A_14 to %scan3A_16 step %scan3A_17  : i32 {
      %mul3A_30 = arith.constant 2 : i32
      %mul3A_31 = arith.muli %mul3A_30, %scan3A_29 : i32
      %add3A = arith.addi %mul3A_4, %mul3A_31 : i32
      %add3A_32 = arith.constant 1 : i32
      %add3A_33 = arith.addi %add3A, %add3A_32 : i32
      %dma_wait3A_34 = arith.constant 0 : i32
      %dma_wait3A_35 = tpu.memref_slice %arg3[%add3A, %dma_wait3A_34] : memref<2560x128xi32, #tpu.memory_space<hbm>> -> memref<1x128xi32, #tpu.memory_space<hbm>>
      %dma_wait3A_36 = tpu.memref_squeeze %dma_wait3A_35 : memref<1x128xi32, #tpu.memory_space<hbm>> -> memref<128xi32, #tpu.memory_space<hbm>>
      %dma_wait3A_37 = arith.constant 0 : i32
      %dma_wait3A_38 = tpu.memref_slice %arg3[%add3A, %dma_wait3A_37] : memref<2560x128xi32, #tpu.memory_space<hbm>> -> memref<1x128xi32, #tpu.memory_space<hbm>>
      %dma_wait3A_39 = tpu.memref_squeeze %dma_wait3A_38 : memref<1x128xi32, #tpu.memory_space<hbm>> -> memref<128xi32, #tpu.memory_space<hbm>>
      tpu.wait_dma2 semaphore(%arg12 : memref<!tpu.dma_semaphore, #tpu.memory_space<semaphore_mem>>) src(%dma_wait3A_39 : memref<128xi32, #tpu.memory_space<hbm>>) dst(%arg10 : memref<128xi32, #tpu.memory_space<vmem>>)
      %mul3A_40 = arith.constant 128 : i32
      %mul3A_41 = arith.muli %add3A, %mul3A_40 : i32
      %dma_wait3A_42 = tpu.memref_slice %arg2[%mul3A_41, %mul3A_0] : memref<327680x128xf32, #tpu.memory_space<hbm>> -> memref<128x64xf32, #tpu.memory_space<hbm>>
      %dma_wait3A_43 = tpu.memref_slice %arg2[%mul3A_41, %mul3A_0] : memref<327680x128xf32, #tpu.memory_space<hbm>> -> memref<128x64xf32, #tpu.memory_space<hbm>>
      tpu.wait_dma2 semaphore(%arg12 : memref<!tpu.dma_semaphore, #tpu.memory_space<semaphore_mem>>) src(%dma_wait3A_43 : memref<128x64xf32, #tpu.memory_space<hbm>>) dst(%arg8 : memref<128x64xf32, #tpu.memory_space<vmem>>)
      %gt3A = arith.constant 0 : i32
      %gt3A_44 = arith.cmpi sgt, %scan3A_29, %gt3A : i32
      %convert_element_type3A = arith.extui %gt3A_44 : i1 to i32
      %cond3A = arith.constant 0 : i32
      %cond3A_45 = arith.cmpi ne, %convert_element_type3A, %cond3A : i32
      scf.if %cond3A_45 {
        %dma_wait3A_76 = arith.constant 0 : i32
        %dma_wait3A_77 = arith.constant 0 : i32
        %dma_wait3A_78 = tpu.memref_slice %arg6[%dma_wait3A_76, %dma_wait3A_77] : memref<12288x64xf32, #tpu.memory_space<vmem_shared>> -> memref<12288x64xf32, #tpu.memory_space<vmem_shared>>
        tpu.wait_indirect_dma semaphore(%arg15 : memref<!tpu.dma_semaphore, #tpu.memory_space<semaphore_mem>>) src(%arg9 : memref<128x64xf32, #tpu.memory_space<vmem>>) dst(%dma_wait3A_78 : memref<12288x64xf32, #tpu.memory_space<vmem_shared>>)
      } else {
      }
      %dma_start3A_46 = arith.constant 0 : i32
      %dma_start3A_47 = tpu.memref_slice %arg3[%add3A_33, %dma_start3A_46] : memref<2560x128xi32, #tpu.memory_space<hbm>> -> memref<1x128xi32, #tpu.memory_space<hbm>>
      %dma_start3A_48 = tpu.memref_squeeze %dma_start3A_47 : memref<1x128xi32, #tpu.memory_space<hbm>> -> memref<128xi32, #tpu.memory_space<hbm>>
      %dma_start3A_49 = arith.constant 0 : i32
      %dma_start3A_50 = tpu.memref_slice %arg3[%add3A_33, %dma_start3A_49] : memref<2560x128xi32, #tpu.memory_space<hbm>> -> memref<1x128xi32, #tpu.memory_space<hbm>>
      %dma_start3A_51 = tpu.memref_squeeze %dma_start3A_50 : memref<1x128xi32, #tpu.memory_space<hbm>> -> memref<128xi32, #tpu.memory_space<hbm>>
      tpu.enqueue_dma source(%dma_start3A_51 : memref<128xi32, #tpu.memory_space<hbm>>) target(%arg11 : memref<128xi32, #tpu.memory_space<vmem>>) target_semaphore(%arg13 : memref<!tpu.dma_semaphore, #tpu.memory_space<semaphore_mem>>)
      %mul3A_52 = arith.constant 128 : i32
      %mul3A_53 = arith.muli %add3A_33, %mul3A_52 : i32
      %dma_start3A_54 = tpu.memref_slice %arg2[%mul3A_53, %mul3A_0] : memref<327680x128xf32, #tpu.memory_space<hbm>> -> memref<128x64xf32, #tpu.memory_space<hbm>>
      %dma_start3A_55 = tpu.memref_slice %arg2[%mul3A_53, %mul3A_0] : memref<327680x128xf32, #tpu.memory_space<hbm>> -> memref<128x64xf32, #tpu.memory_space<hbm>>
      tpu.enqueue_dma source(%dma_start3A_55 : memref<128x64xf32, #tpu.memory_space<hbm>>) target(%arg9 : memref<128x64xf32, #tpu.memory_space<vmem>>) target_semaphore(%arg13 : memref<!tpu.dma_semaphore, #tpu.memory_space<semaphore_mem>>)
      %dma_start3A_56 = arith.constant 0 : i32
      %dma_start3A_57 = arith.constant 0 : i32
      %dma_start3A_58 = tpu.memref_slice %arg6[%dma_start3A_56, %dma_start3A_57] : memref<12288x64xf32, #tpu.memory_space<vmem_shared>> -> memref<12288x64xf32, #tpu.memory_space<vmem_shared>>
      tpu.enqueue_indirect_dma source(%arg8 : memref<128x64xf32, #tpu.memory_space<vmem>>) target(%dma_start3A_58 : memref<12288x64xf32, #tpu.memory_space<vmem_shared>>) offsets(%arg10 : memref<128xi32, #tpu.memory_space<vmem>>) semaphore(%arg14 : memref<!tpu.dma_semaphore, #tpu.memory_space<semaphore_mem>>) {add = true}
      %dma_wait3A_59 = arith.constant 0 : i32
      %dma_wait3A_60 = tpu.memref_slice %arg3[%add3A_33, %dma_wait3A_59] : memref<2560x128xi32, #tpu.memory_space<hbm>> -> memref<1x128xi32, #tpu.memory_space<hbm>>
      %dma_wait3A_61 = tpu.memref_squeeze %dma_wait3A_60 : memref<1x128xi32, #tpu.memory_space<hbm>> -> memref<128xi32, #tpu.memory_space<hbm>>
      %dma_wait3A_62 = arith.constant 0 : i32
      %dma_wait3A_63 = tpu.memref_slice %arg3[%add3A_33, %dma_wait3A_62] : memref<2560x128xi32, #tpu.memory_space<hbm>> -> memref<1x128xi32, #tpu.memory_space<hbm>>
      %dma_wait3A_64 = tpu.memref_squeeze %dma_wait3A_63 : memref<1x128xi32, #tpu.memory_space<hbm>> -> memref<128xi32, #tpu.memory_space<hbm>>
      tpu.wait_dma2 semaphore(%arg13 : memref<!tpu.dma_semaphore, #tpu.memory_space<semaphore_mem>>) src(%dma_wait3A_64 : memref<128xi32, #tpu.memory_space<hbm>>) dst(%arg11 : memref<128xi32, #tpu.memory_space<vmem>>)
      %mul3A_65 = arith.constant 128 : i32
      %mul3A_66 = arith.muli %add3A_33, %mul3A_65 : i32
      %dma_wait3A_67 = tpu.memref_slice %arg2[%mul3A_66, %mul3A_0] : memref<327680x128xf32, #tpu.memory_space<hbm>> -> memref<128x64xf32, #tpu.memory_space<hbm>>
      %dma_wait3A_68 = tpu.memref_slice %arg2[%mul3A_66, %mul3A_0] : memref<327680x128xf32, #tpu.memory_space<hbm>> -> memref<128x64xf32, #tpu.memory_space<hbm>>
      tpu.wait_dma2 semaphore(%arg13 : memref<!tpu.dma_semaphore, #tpu.memory_space<semaphore_mem>>) src(%dma_wait3A_68 : memref<128x64xf32, #tpu.memory_space<hbm>>) dst(%arg9 : memref<128x64xf32, #tpu.memory_space<vmem>>)
      %lt3A = arith.constant 79 : i32
      %lt3A_69 = arith.cmpi slt, %scan3A_29, %lt3A : i32
      %convert_element_type3A_70 = arith.extui %lt3A_69 : i1 to i32
      %cond3A_71 = arith.constant 0 : i32
      %cond3A_72 = arith.cmpi ne, %convert_element_type3A_70, %cond3A_71 : i32
      scf.if %cond3A_72 {
        %dma_wait3A_76 = arith.constant 0 : i32
        %dma_wait3A_77 = arith.constant 0 : i32
        %dma_wait3A_78 = tpu.memref_slice %arg6[%dma_wait3A_76, %dma_wait3A_77] : memref<12288x64xf32, #tpu.memory_space<vmem_shared>> -> memref<12288x64xf32, #tpu.memory_space<vmem_shared>>
        tpu.wait_indirect_dma semaphore(%arg14 : memref<!tpu.dma_semaphore, #tpu.memory_space<semaphore_mem>>) src(%arg8 : memref<128x64xf32, #tpu.memory_space<vmem>>) dst(%dma_wait3A_78 : memref<12288x64xf32, #tpu.memory_space<vmem_shared>>)
        %add3A_79 = arith.constant 2 : i32
        %add3A_80 = arith.addi %add3A, %add3A_79 : i32
        %dma_start3A_81 = arith.constant 0 : i32
        %dma_start3A_82 = tpu.memref_slice %arg3[%add3A_80, %dma_start3A_81] : memref<2560x128xi32, #tpu.memory_space<hbm>> -> memref<1x128xi32, #tpu.memory_space<hbm>>
        %dma_start3A_83 = tpu.memref_squeeze %dma_start3A_82 : memref<1x128xi32, #tpu.memory_space<hbm>> -> memref<128xi32, #tpu.memory_space<hbm>>
        %dma_start3A_84 = arith.constant 0 : i32
        %dma_start3A_85 = tpu.memref_slice %arg3[%add3A_80, %dma_start3A_84] : memref<2560x128xi32, #tpu.memory_space<hbm>> -> memref<1x128xi32, #tpu.memory_space<hbm>>
        %dma_start3A_86 = tpu.memref_squeeze %dma_start3A_85 : memref<1x128xi32, #tpu.memory_space<hbm>> -> memref<128xi32, #tpu.memory_space<hbm>>
        tpu.enqueue_dma source(%dma_start3A_86 : memref<128xi32, #tpu.memory_space<hbm>>) target(%arg10 : memref<128xi32, #tpu.memory_space<vmem>>) target_semaphore(%arg12 : memref<!tpu.dma_semaphore, #tpu.memory_space<semaphore_mem>>)
        %mul3A_87 = arith.constant 128 : i32
        %mul3A_88 = arith.muli %add3A_80, %mul3A_87 : i32
        %dma_start3A_89 = tpu.memref_slice %arg2[%mul3A_88, %mul3A_0] : memref<327680x128xf32, #tpu.memory_space<hbm>> -> memref<128x64xf32, #tpu.memory_space<hbm>>
        %dma_start3A_90 = tpu.memref_slice %arg2[%mul3A_88, %mul3A_0] : memref<327680x128xf32, #tpu.memory_space<hbm>> -> memref<128x64xf32, #tpu.memory_space<hbm>>
        tpu.enqueue_dma source(%dma_start3A_90 : memref<128x64xf32, #tpu.memory_space<hbm>>) target(%arg8 : memref<128x64xf32, #tpu.memory_space<vmem>>) target_semaphore(%arg12 : memref<!tpu.dma_semaphore, #tpu.memory_space<semaphore_mem>>)
      } else {
      }
      %dma_start3A_73 = arith.constant 0 : i32
      %dma_start3A_74 = arith.constant 0 : i32
      %dma_start3A_75 = tpu.memref_slice %arg6[%dma_start3A_73, %dma_start3A_74] : memref<12288x64xf32, #tpu.memory_space<vmem_shared>> -> memref<12288x64xf32, #tpu.memory_space<vmem_shared>>
      tpu.enqueue_indirect_dma source(%arg9 : memref<128x64xf32, #tpu.memory_space<vmem>>) target(%dma_start3A_75 : memref<12288x64xf32, #tpu.memory_space<vmem_shared>>) offsets(%arg11 : memref<128xi32, #tpu.memory_space<vmem>>) semaphore(%arg15 : memref<!tpu.dma_semaphore, #tpu.memory_space<semaphore_mem>>) {add = true}
    }
    %scan3A_18 = arith.constant 80 : i32
    %dma_wait3A = arith.constant 0 : i32
    %dma_wait3A_19 = arith.constant 0 : i32
    %dma_wait3A_20 = tpu.memref_slice %arg6[%dma_wait3A, %dma_wait3A_19] : memref<12288x64xf32, #tpu.memory_space<vmem_shared>> -> memref<12288x64xf32, #tpu.memory_space<vmem_shared>>
    tpu.wait_indirect_dma semaphore(%arg14 : memref<!tpu.dma_semaphore, #tpu.memory_space<semaphore_mem>>) src(%arg8 : memref<128x64xf32, #tpu.memory_space<vmem>>) dst(%dma_wait3A_20 : memref<12288x64xf32, #tpu.memory_space<vmem_shared>>)
    %dma_wait3A_21 = arith.constant 0 : i32
    %dma_wait3A_22 = arith.constant 0 : i32
    %dma_wait3A_23 = tpu.memref_slice %arg6[%dma_wait3A_21, %dma_wait3A_22] : memref<12288x64xf32, #tpu.memory_space<vmem_shared>> -> memref<12288x64xf32, #tpu.memory_space<vmem_shared>>
    tpu.wait_indirect_dma semaphore(%arg15 : memref<!tpu.dma_semaphore, #tpu.memory_space<semaphore_mem>>) src(%arg9 : memref<128x64xf32, #tpu.memory_space<vmem>>) dst(%dma_wait3A_23 : memref<12288x64xf32, #tpu.memory_space<vmem_shared>>)
    %barrier3A_24 = arith.constant 0 : index
    tpu.barrier barrier_id(%barrier3A_24)
    %mul3A_25 = arith.constant 768 : i32
    %mul3A_26 = arith.muli %arg1, %mul3A_25 : i32
    "tpu.region"() ({
      %run_scoped3A = tpu.sem_alloc : memref<!tpu.dma_semaphore, #tpu.memory_space<semaphore_mem>>
      %dma_start3A_29 = arith.constant 0 : i32
      %dma_start3A_30 = tpu.memref_slice %arg6[%mul3A_26, %dma_start3A_29] : memref<12288x64xf32, #tpu.memory_space<vmem_shared>> -> memref<768x64xf32, #tpu.memory_space<vmem_shared>>
      %dma_start3A_31 = arith.constant 0 : i32
      %dma_start3A_32 = tpu.memref_slice %arg6[%mul3A_26, %dma_start3A_31] : memref<12288x64xf32, #tpu.memory_space<vmem_shared>> -> memref<768x64xf32, #tpu.memory_space<vmem_shared>>
      tpu.enqueue_dma source(%dma_start3A_32 : memref<768x64xf32, #tpu.memory_space<vmem_shared>>) target(%arg7 : memref<768x64xf32, #tpu.memory_space<vmem>>) target_semaphore(%run_scoped3A : memref<!tpu.dma_semaphore, #tpu.memory_space<semaphore_mem>>)
      %dma_wait3A_33 = arith.constant 0 : i32
      %dma_wait3A_34 = tpu.memref_slice %arg6[%mul3A_26, %dma_wait3A_33] : memref<12288x64xf32, #tpu.memory_space<vmem_shared>> -> memref<768x64xf32, #tpu.memory_space<vmem_shared>>
      %dma_wait3A_35 = arith.constant 0 : i32
      %dma_wait3A_36 = tpu.memref_slice %arg6[%mul3A_26, %dma_wait3A_35] : memref<12288x64xf32, #tpu.memory_space<vmem_shared>> -> memref<768x64xf32, #tpu.memory_space<vmem_shared>>
      tpu.wait_dma2 semaphore(%run_scoped3A : memref<!tpu.dma_semaphore, #tpu.memory_space<semaphore_mem>>) src(%dma_wait3A_36 : memref<768x64xf32, #tpu.memory_space<vmem_shared>>) dst(%arg7 : memref<768x64xf32, #tpu.memory_space<vmem>>)
      tpu.yield
    }) : () -> ()
    %mul3A_27 = arith.constant 768 : i32
    %mul3A_28 = arith.muli %arg1, %mul3A_27 : i32
    "tpu.region"() ({
      %run_scoped3A = tpu.sem_alloc : memref<!tpu.dma_semaphore, #tpu.memory_space<semaphore_mem>>
      %dma_start3A_29 = tpu.memref_slice %arg5[%mul3A_28, %mul3A_0] : memref<12288x128xf32, #tpu.memory_space<hbm>> -> memref<768x64xf32, #tpu.memory_space<hbm>>
      %dma_start3A_30 = tpu.memref_slice %arg5[%mul3A_28, %mul3A_0] : memref<12288x128xf32, #tpu.memory_space<hbm>> -> memref<768x64xf32, #tpu.memory_space<hbm>>
      tpu.enqueue_dma source(%arg7 : memref<768x64xf32, #tpu.memory_space<vmem>>) target(%dma_start3A_30 : memref<768x64xf32, #tpu.memory_space<hbm>>) target_semaphore(%run_scoped3A : memref<!tpu.dma_semaphore, #tpu.memory_space<semaphore_mem>>)
      %dma_wait3A_31 = tpu.memref_slice %arg5[%mul3A_28, %mul3A_0] : memref<12288x128xf32, #tpu.memory_space<hbm>> -> memref<768x64xf32, #tpu.memory_space<hbm>>
      %dma_wait3A_32 = tpu.memref_slice %arg5[%mul3A_28, %mul3A_0] : memref<12288x128xf32, #tpu.memory_space<hbm>> -> memref<768x64xf32, #tpu.memory_space<hbm>>
      tpu.wait_dma2 semaphore(%run_scoped3A : memref<!tpu.dma_semaphore, #tpu.memory_space<semaphore_mem>>) src(%arg7 : memref<768x64xf32, #tpu.memory_space<vmem>>) dst(%dma_wait3A_32 : memref<768x64xf32, #tpu.memory_space<hbm>>)
      tpu.yield
    }) : () -> ()
    return
  }
}

#map = affine_map<(d0, d1) -> (0, 0)>
module attributes {stable_mosaic.version = 14 : i64} {
  func.func @_gather_body(%arg0: i32, %arg1: i32, %arg2: memref<12288x128xf32, #tpu.memory_space<hbm>>, %arg3: memref<12288x128xf32, #tpu.memory_space<hbm>>, %arg4: memref<2560x128xi32, #tpu.memory_space<hbm>>, %arg5: memref<2560x128xi32, #tpu.memory_space<hbm>>, %arg6: memref<327680x128xf32, #tpu.memory_space<hbm>>, %arg7: memref<327680x128xf32, #tpu.memory_space<hbm>>, %arg8: memref<160x128xi32, #tpu.memory_space<vmem>>, %arg9: memref<128x128xf32, #tpu.memory_space<vmem>>, %arg10: memref<128x128xf32, #tpu.memory_space<vmem>>, %arg11: memref<!tpu.dma_semaphore, #tpu.memory_space<semaphore_mem>>, %arg12: memref<!tpu.dma_semaphore, #tpu.memory_space<semaphore_mem>>, %arg13: memref<!tpu.dma_semaphore, #tpu.memory_space<semaphore_mem>>, %arg14: memref<!tpu.dma_semaphore, #tpu.memory_space<semaphore_mem>>) attributes {dimension_semantics = [#tpu.dimension_semantics<core_parallel>, #tpu.dimension_semantics<subcore_parallel>], iteration_bounds = array<i64: 2, 16>, scalar_prefetch = 0 : i64, scratch_operands = 7 : i64, tpu.core_type = #tpu.core_type<sc_vector_subcore>, window_params = [{transform_indices = #map}, {transform_indices = #map}, {transform_indices = #map}, {transform_indices = #map}, {transform_indices = #map}, {transform_indices = #map}]} {
    %eq3A = arith.constant 0 : i32
    %eq3A_0 = arith.cmpi eq, %arg0, %eq3A : i32
    %convert_element_type3A = arith.extui %eq3A_0 : i1 to i32
    %cond3A = arith.constant 0 : i32
    %cond3A_1 = arith.cmpi ne, %convert_element_type3A, %cond3A : i32
    scf.if %cond3A_1 {
      %mul3A = arith.constant 160 : i32
      %mul3A_7 = arith.muli %arg1, %mul3A : i32
      "tpu.region"() ({
        %run_scoped3A = tpu.sem_alloc : memref<!tpu.dma_semaphore, #tpu.memory_space<semaphore_mem>>
        %dma_start3A_30 = arith.constant 0 : i32
        %dma_start3A_31 = tpu.memref_slice %arg4[%mul3A_7, %dma_start3A_30] : memref<2560x128xi32, #tpu.memory_space<hbm>> -> memref<160x128xi32, #tpu.memory_space<hbm>>
        %dma_start3A_32 = arith.constant 0 : i32
        %dma_start3A_33 = tpu.memref_slice %arg4[%mul3A_7, %dma_start3A_32] : memref<2560x128xi32, #tpu.memory_space<hbm>> -> memref<160x128xi32, #tpu.memory_space<hbm>>
        tpu.enqueue_dma source(%dma_start3A_33 : memref<160x128xi32, #tpu.memory_space<hbm>>) target(%arg8 : memref<160x128xi32, #tpu.memory_space<vmem>>) target_semaphore(%run_scoped3A : memref<!tpu.dma_semaphore, #tpu.memory_space<semaphore_mem>>)
        %dma_wait3A_34 = arith.constant 0 : i32
        %dma_wait3A_35 = tpu.memref_slice %arg4[%mul3A_7, %dma_wait3A_34] : memref<2560x128xi32, #tpu.memory_space<hbm>> -> memref<160x128xi32, #tpu.memory_space<hbm>>
        %dma_wait3A_36 = arith.constant 0 : i32
        %dma_wait3A_37 = tpu.memref_slice %arg4[%mul3A_7, %dma_wait3A_36] : memref<2560x128xi32, #tpu.memory_space<hbm>> -> memref<160x128xi32, #tpu.memory_space<hbm>>
        tpu.wait_dma2 semaphore(%run_scoped3A : memref<!tpu.dma_semaphore, #tpu.memory_space<semaphore_mem>>) src(%dma_wait3A_37 : memref<160x128xi32, #tpu.memory_space<hbm>>) dst(%arg8 : memref<160x128xi32, #tpu.memory_space<vmem>>)
        tpu.yield
      }) : () -> ()
      %dma_start3A = arith.constant 0 : i32
      %dma_start3A_8 = arith.constant 0 : i32
      %dma_start3A_9 = tpu.memref_slice %arg8[%dma_start3A, %dma_start3A_8] : memref<160x128xi32, #tpu.memory_space<vmem>> -> memref<1x128xi32, #tpu.memory_space<vmem>>
      %dma_start3A_10 = tpu.memref_squeeze %dma_start3A_9 : memref<1x128xi32, #tpu.memory_space<vmem>> -> memref<128xi32, #tpu.memory_space<vmem>>
      %dma_start3A_11 = arith.constant 0 : i32
      %dma_start3A_12 = arith.constant 0 : i32
      %dma_start3A_13 = tpu.memref_slice %arg2[%dma_start3A_11, %dma_start3A_12] : memref<12288x128xf32, #tpu.memory_space<hbm>> -> memref<12288x128xf32, #tpu.memory_space<hbm>>
      tpu.enqueue_indirect_dma source(%dma_start3A_13 : memref<12288x128xf32, #tpu.memory_space<hbm>>) target(%arg9 : memref<128x128xf32, #tpu.memory_space<vmem>>) offsets(%dma_start3A_10 : memref<128xi32, #tpu.memory_space<vmem>>) semaphore(%arg11 : memref<!tpu.dma_semaphore, #tpu.memory_space<semaphore_mem>>)
      %scan3A = arith.constant 0 : i32
      %scan3A_14 = arith.constant 0 : i32
      %scan3A_15 = arith.constant 80 : i32
      %scan3A_16 = arith.addi %scan3A_14, %scan3A_15 : i32
      %scan3A_17 = arith.constant 1 : i32
      scf.for %scan3A_30 = %scan3A_14 to %scan3A_16 step %scan3A_17  : i32 {
        %mul3A_31 = arith.constant 2 : i32
        %mul3A_32 = arith.muli %mul3A_31, %scan3A_30 : i32
        %add3A = arith.constant 1 : i32
        %add3A_33 = arith.addi %mul3A_32, %add3A : i32
        %dma_wait3A_34 = arith.constant 0 : i32
        %dma_wait3A_35 = tpu.memref_slice %arg8[%mul3A_32, %dma_wait3A_34] : memref<160x128xi32, #tpu.memory_space<vmem>> -> memref<1x128xi32, #tpu.memory_space<vmem>>
        %dma_wait3A_36 = tpu.memref_squeeze %dma_wait3A_35 : memref<1x128xi32, #tpu.memory_space<vmem>> -> memref<128xi32, #tpu.memory_space<vmem>>
        %dma_wait3A_37 = arith.constant 0 : i32
        %dma_wait3A_38 = arith.constant 0 : i32
        %dma_wait3A_39 = tpu.memref_slice %arg2[%dma_wait3A_37, %dma_wait3A_38] : memref<12288x128xf32, #tpu.memory_space<hbm>> -> memref<12288x128xf32, #tpu.memory_space<hbm>>
        tpu.wait_indirect_dma semaphore(%arg11 : memref<!tpu.dma_semaphore, #tpu.memory_space<semaphore_mem>>) src(%dma_wait3A_39 : memref<12288x128xf32, #tpu.memory_space<hbm>>) dst(%arg9 : memref<128x128xf32, #tpu.memory_space<vmem>>)
        %gt3A = arith.constant 0 : i32
        %gt3A_40 = arith.cmpi sgt, %scan3A_30, %gt3A : i32
        %convert_element_type3A_41 = arith.extui %gt3A_40 : i1 to i32
        %cond3A_42 = arith.constant 0 : i32
        %cond3A_43 = arith.cmpi ne, %convert_element_type3A_41, %cond3A_42 : i32
        scf.if %cond3A_43 {
          %dma_wait3A_74 = arith.constant 0 : i32
          %dma_wait3A_75 = arith.constant 0 : i32
          %dma_wait3A_76 = tpu.memref_slice %arg6[%dma_wait3A_74, %dma_wait3A_75] : memref<327680x128xf32, #tpu.memory_space<hbm>> -> memref<128x128xf32, #tpu.memory_space<hbm>>
          %dma_wait3A_77 = arith.constant 0 : i32
          %dma_wait3A_78 = arith.constant 0 : i32
          %dma_wait3A_79 = tpu.memref_slice %arg6[%dma_wait3A_77, %dma_wait3A_78] : memref<327680x128xf32, #tpu.memory_space<hbm>> -> memref<128x128xf32, #tpu.memory_space<hbm>>
          tpu.wait_dma2 semaphore(%arg14 : memref<!tpu.dma_semaphore, #tpu.memory_space<semaphore_mem>>) src(%arg10 : memref<128x128xf32, #tpu.memory_space<vmem>>) dst(%dma_wait3A_79 : memref<128x128xf32, #tpu.memory_space<hbm>>)
        } else {
        }
        %dma_start3A_44 = arith.constant 0 : i32
        %dma_start3A_45 = tpu.memref_slice %arg8[%add3A_33, %dma_start3A_44] : memref<160x128xi32, #tpu.memory_space<vmem>> -> memref<1x128xi32, #tpu.memory_space<vmem>>
        %dma_start3A_46 = tpu.memref_squeeze %dma_start3A_45 : memref<1x128xi32, #tpu.memory_space<vmem>> -> memref<128xi32, #tpu.memory_space<vmem>>
        %dma_start3A_47 = arith.constant 0 : i32
        %dma_start3A_48 = arith.constant 0 : i32
        %dma_start3A_49 = tpu.memref_slice %arg2[%dma_start3A_47, %dma_start3A_48] : memref<12288x128xf32, #tpu.memory_space<hbm>> -> memref<12288x128xf32, #tpu.memory_space<hbm>>
        tpu.enqueue_indirect_dma source(%dma_start3A_49 : memref<12288x128xf32, #tpu.memory_space<hbm>>) target(%arg10 : memref<128x128xf32, #tpu.memory_space<vmem>>) offsets(%dma_start3A_46 : memref<128xi32, #tpu.memory_space<vmem>>) semaphore(%arg12 : memref<!tpu.dma_semaphore, #tpu.memory_space<semaphore_mem>>)
        %add3A_50 = arith.addi %mul3A_7, %mul3A_32 : i32
        %mul3A_51 = arith.constant 128 : i32
        %mul3A_52 = arith.muli %add3A_50, %mul3A_51 : i32
        %dma_start3A_53 = arith.constant 0 : i32
        %dma_start3A_54 = tpu.memref_slice %arg6[%mul3A_52, %dma_start3A_53] : memref<327680x128xf32, #tpu.memory_space<hbm>> -> memref<128x128xf32, #tpu.memory_space<hbm>>
        %dma_start3A_55 = arith.constant 0 : i32
        %dma_start3A_56 = tpu.memref_slice %arg6[%mul3A_52, %dma_start3A_55] : memref<327680x128xf32, #tpu.memory_space<hbm>> -> memref<128x128xf32, #tpu.memory_space<hbm>>
        tpu.enqueue_dma source(%arg9 : memref<128x128xf32, #tpu.memory_space<vmem>>) target(%dma_start3A_56 : memref<128x128xf32, #tpu.memory_space<hbm>>) target_semaphore(%arg13 : memref<!tpu.dma_semaphore, #tpu.memory_space<semaphore_mem>>)
        %dma_wait3A_57 = arith.constant 0 : i32
        %dma_wait3A_58 = tpu.memref_slice %arg8[%add3A_33, %dma_wait3A_57] : memref<160x128xi32, #tpu.memory_space<vmem>> -> memref<1x128xi32, #tpu.memory_space<vmem>>
        %dma_wait3A_59 = tpu.memref_squeeze %dma_wait3A_58 : memref<1x128xi32, #tpu.memory_space<vmem>> -> memref<128xi32, #tpu.memory_space<vmem>>
        %dma_wait3A_60 = arith.constant 0 : i32
        %dma_wait3A_61 = arith.constant 0 : i32
        %dma_wait3A_62 = tpu.memref_slice %arg2[%dma_wait3A_60, %dma_wait3A_61] : memref<12288x128xf32, #tpu.memory_space<hbm>> -> memref<12288x128xf32, #tpu.memory_space<hbm>>
        tpu.wait_indirect_dma semaphore(%arg12 : memref<!tpu.dma_semaphore, #tpu.memory_space<semaphore_mem>>) src(%dma_wait3A_62 : memref<12288x128xf32, #tpu.memory_space<hbm>>) dst(%arg10 : memref<128x128xf32, #tpu.memory_space<vmem>>)
        %lt3A = arith.constant 79 : i32
        %lt3A_63 = arith.cmpi slt, %scan3A_30, %lt3A : i32
        %convert_element_type3A_64 = arith.extui %lt3A_63 : i1 to i32
        %cond3A_65 = arith.constant 0 : i32
        %cond3A_66 = arith.cmpi ne, %convert_element_type3A_64, %cond3A_65 : i32
        scf.if %cond3A_66 {
          %dma_wait3A_74 = arith.constant 0 : i32
          %dma_wait3A_75 = arith.constant 0 : i32
          %dma_wait3A_76 = tpu.memref_slice %arg6[%dma_wait3A_74, %dma_wait3A_75] : memref<327680x128xf32, #tpu.memory_space<hbm>> -> memref<128x128xf32, #tpu.memory_space<hbm>>
          %dma_wait3A_77 = arith.constant 0 : i32
          %dma_wait3A_78 = arith.constant 0 : i32
          %dma_wait3A_79 = tpu.memref_slice %arg6[%dma_wait3A_77, %dma_wait3A_78] : memref<327680x128xf32, #tpu.memory_space<hbm>> -> memref<128x128xf32, #tpu.memory_space<hbm>>
          tpu.wait_dma2 semaphore(%arg13 : memref<!tpu.dma_semaphore, #tpu.memory_space<semaphore_mem>>) src(%arg9 : memref<128x128xf32, #tpu.memory_space<vmem>>) dst(%dma_wait3A_79 : memref<128x128xf32, #tpu.memory_space<hbm>>)
          %add3A_80 = arith.constant 2 : i32
          %add3A_81 = arith.addi %mul3A_32, %add3A_80 : i32
          %dma_start3A_82 = arith.constant 0 : i32
          %dma_start3A_83 = tpu.memref_slice %arg8[%add3A_81, %dma_start3A_82] : memref<160x128xi32, #tpu.memory_space<vmem>> -> memref<1x128xi32, #tpu.memory_space<vmem>>
          %dma_start3A_84 = tpu.memref_squeeze %dma_start3A_83 : memref<1x128xi32, #tpu.memory_space<vmem>> -> memref<128xi32, #tpu.memory_space<vmem>>
          %dma_start3A_85 = arith.constant 0 : i32
          %dma_start3A_86 = arith.constant 0 : i32
          %dma_start3A_87 = tpu.memref_slice %arg2[%dma_start3A_85, %dma_start3A_86] : memref<12288x128xf32, #tpu.memory_space<hbm>> -> memref<12288x128xf32, #tpu.memory_space<hbm>>
          tpu.enqueue_indirect_dma source(%dma_start3A_87 : memref<12288x128xf32, #tpu.memory_space<hbm>>) target(%arg9 : memref<128x128xf32, #tpu.memory_space<vmem>>) offsets(%dma_start3A_84 : memref<128xi32, #tpu.memory_space<vmem>>) semaphore(%arg11 : memref<!tpu.dma_semaphore, #tpu.memory_space<semaphore_mem>>)
        } else {
        }
        %add3A_67 = arith.addi %mul3A_7, %add3A_33 : i32
        %mul3A_68 = arith.constant 128 : i32
        %mul3A_69 = arith.muli %add3A_67, %mul3A_68 : i32
        %dma_start3A_70 = arith.constant 0 : i32
        %dma_start3A_71 = tpu.memref_slice %arg6[%mul3A_69, %dma_start3A_70] : memref<327680x128xf32, #tpu.memory_space<hbm>> -> memref<128x128xf32, #tpu.memory_space<hbm>>
        %dma_start3A_72 = arith.constant 0 : i32
        %dma_start3A_73 = tpu.memref_slice %arg6[%mul3A_69, %dma_start3A_72] : memref<327680x128xf32, #tpu.memory_space<hbm>> -> memref<128x128xf32, #tpu.memory_space<hbm>>
        tpu.enqueue_dma source(%arg10 : memref<128x128xf32, #tpu.memory_space<vmem>>) target(%dma_start3A_73 : memref<128x128xf32, #tpu.memory_space<hbm>>) target_semaphore(%arg14 : memref<!tpu.dma_semaphore, #tpu.memory_space<semaphore_mem>>)
      }
      %scan3A_18 = arith.constant 80 : i32
      %dma_wait3A = arith.constant 0 : i32
      %dma_wait3A_19 = arith.constant 0 : i32
      %dma_wait3A_20 = tpu.memref_slice %arg6[%dma_wait3A, %dma_wait3A_19] : memref<327680x128xf32, #tpu.memory_space<hbm>> -> memref<128x128xf32, #tpu.memory_space<hbm>>
      %dma_wait3A_21 = arith.constant 0 : i32
      %dma_wait3A_22 = arith.constant 0 : i32
      %dma_wait3A_23 = tpu.memref_slice %arg6[%dma_wait3A_21, %dma_wait3A_22] : memref<327680x128xf32, #tpu.memory_space<hbm>> -> memref<128x128xf32, #tpu.memory_space<hbm>>
      tpu.wait_dma2 semaphore(%arg13 : memref<!tpu.dma_semaphore, #tpu.memory_space<semaphore_mem>>) src(%arg9 : memref<128x128xf32, #tpu.memory_space<vmem>>) dst(%dma_wait3A_23 : memref<128x128xf32, #tpu.memory_space<hbm>>)
      %dma_wait3A_24 = arith.constant 0 : i32
      %dma_wait3A_25 = arith.constant 0 : i32
      %dma_wait3A_26 = tpu.memref_slice %arg6[%dma_wait3A_24, %dma_wait3A_25] : memref<327680x128xf32, #tpu.memory_space<hbm>> -> memref<128x128xf32, #tpu.memory_space<hbm>>
      %dma_wait3A_27 = arith.constant 0 : i32
      %dma_wait3A_28 = arith.constant 0 : i32
      %dma_wait3A_29 = tpu.memref_slice %arg6[%dma_wait3A_27, %dma_wait3A_28] : memref<327680x128xf32, #tpu.memory_space<hbm>> -> memref<128x128xf32, #tpu.memory_space<hbm>>
      tpu.wait_dma2 semaphore(%arg14 : memref<!tpu.dma_semaphore, #tpu.memory_space<semaphore_mem>>) src(%arg10 : memref<128x128xf32, #tpu.memory_space<vmem>>) dst(%dma_wait3A_29 : memref<128x128xf32, #tpu.memory_space<hbm>>)
    } else {
    }
    %eq3A_2 = arith.constant 1 : i32
    %eq3A_3 = arith.cmpi eq, %arg0, %eq3A_2 : i32
    %convert_element_type3A_4 = arith.extui %eq3A_3 : i1 to i32
    %cond3A_5 = arith.constant 0 : i32
    %cond3A_6 = arith.cmpi ne, %convert_element_type3A_4, %cond3A_5 : i32
    scf.if %cond3A_6 {
      %mul3A = arith.constant 160 : i32
      %mul3A_7 = arith.muli %arg1, %mul3A : i32
      "tpu.region"() ({
        %run_scoped3A = tpu.sem_alloc : memref<!tpu.dma_semaphore, #tpu.memory_space<semaphore_mem>>
        %dma_start3A_30 = arith.constant 0 : i32
        %dma_start3A_31 = tpu.memref_slice %arg5[%mul3A_7, %dma_start3A_30] : memref<2560x128xi32, #tpu.memory_space<hbm>> -> memref<160x128xi32, #tpu.memory_space<hbm>>
        %dma_start3A_32 = arith.constant 0 : i32
        %dma_start3A_33 = tpu.memref_slice %arg5[%mul3A_7, %dma_start3A_32] : memref<2560x128xi32, #tpu.memory_space<hbm>> -> memref<160x128xi32, #tpu.memory_space<hbm>>
        tpu.enqueue_dma source(%dma_start3A_33 : memref<160x128xi32, #tpu.memory_space<hbm>>) target(%arg8 : memref<160x128xi32, #tpu.memory_space<vmem>>) target_semaphore(%run_scoped3A : memref<!tpu.dma_semaphore, #tpu.memory_space<semaphore_mem>>)
        %dma_wait3A_34 = arith.constant 0 : i32
        %dma_wait3A_35 = tpu.memref_slice %arg5[%mul3A_7, %dma_wait3A_34] : memref<2560x128xi32, #tpu.memory_space<hbm>> -> memref<160x128xi32, #tpu.memory_space<hbm>>
        %dma_wait3A_36 = arith.constant 0 : i32
        %dma_wait3A_37 = tpu.memref_slice %arg5[%mul3A_7, %dma_wait3A_36] : memref<2560x128xi32, #tpu.memory_space<hbm>> -> memref<160x128xi32, #tpu.memory_space<hbm>>
        tpu.wait_dma2 semaphore(%run_scoped3A : memref<!tpu.dma_semaphore, #tpu.memory_space<semaphore_mem>>) src(%dma_wait3A_37 : memref<160x128xi32, #tpu.memory_space<hbm>>) dst(%arg8 : memref<160x128xi32, #tpu.memory_space<vmem>>)
        tpu.yield
      }) : () -> ()
      %dma_start3A = arith.constant 0 : i32
      %dma_start3A_8 = arith.constant 0 : i32
      %dma_start3A_9 = tpu.memref_slice %arg8[%dma_start3A, %dma_start3A_8] : memref<160x128xi32, #tpu.memory_space<vmem>> -> memref<1x128xi32, #tpu.memory_space<vmem>>
      %dma_start3A_10 = tpu.memref_squeeze %dma_start3A_9 : memref<1x128xi32, #tpu.memory_space<vmem>> -> memref<128xi32, #tpu.memory_space<vmem>>
      %dma_start3A_11 = arith.constant 0 : i32
      %dma_start3A_12 = arith.constant 0 : i32
      %dma_start3A_13 = tpu.memref_slice %arg3[%dma_start3A_11, %dma_start3A_12] : memref<12288x128xf32, #tpu.memory_space<hbm>> -> memref<12288x128xf32, #tpu.memory_space<hbm>>
      tpu.enqueue_indirect_dma source(%dma_start3A_13 : memref<12288x128xf32, #tpu.memory_space<hbm>>) target(%arg9 : memref<128x128xf32, #tpu.memory_space<vmem>>) offsets(%dma_start3A_10 : memref<128xi32, #tpu.memory_space<vmem>>) semaphore(%arg11 : memref<!tpu.dma_semaphore, #tpu.memory_space<semaphore_mem>>)
      %scan3A = arith.constant 0 : i32
      %scan3A_14 = arith.constant 0 : i32
      %scan3A_15 = arith.constant 80 : i32
      %scan3A_16 = arith.addi %scan3A_14, %scan3A_15 : i32
      %scan3A_17 = arith.constant 1 : i32
      scf.for %scan3A_30 = %scan3A_14 to %scan3A_16 step %scan3A_17  : i32 {
        %mul3A_31 = arith.constant 2 : i32
        %mul3A_32 = arith.muli %mul3A_31, %scan3A_30 : i32
        %add3A = arith.constant 1 : i32
        %add3A_33 = arith.addi %mul3A_32, %add3A : i32
        %dma_wait3A_34 = arith.constant 0 : i32
        %dma_wait3A_35 = tpu.memref_slice %arg8[%mul3A_32, %dma_wait3A_34] : memref<160x128xi32, #tpu.memory_space<vmem>> -> memref<1x128xi32, #tpu.memory_space<vmem>>
        %dma_wait3A_36 = tpu.memref_squeeze %dma_wait3A_35 : memref<1x128xi32, #tpu.memory_space<vmem>> -> memref<128xi32, #tpu.memory_space<vmem>>
        %dma_wait3A_37 = arith.constant 0 : i32
        %dma_wait3A_38 = arith.constant 0 : i32
        %dma_wait3A_39 = tpu.memref_slice %arg3[%dma_wait3A_37, %dma_wait3A_38] : memref<12288x128xf32, #tpu.memory_space<hbm>> -> memref<12288x128xf32, #tpu.memory_space<hbm>>
        tpu.wait_indirect_dma semaphore(%arg11 : memref<!tpu.dma_semaphore, #tpu.memory_space<semaphore_mem>>) src(%dma_wait3A_39 : memref<12288x128xf32, #tpu.memory_space<hbm>>) dst(%arg9 : memref<128x128xf32, #tpu.memory_space<vmem>>)
        %gt3A = arith.constant 0 : i32
        %gt3A_40 = arith.cmpi sgt, %scan3A_30, %gt3A : i32
        %convert_element_type3A_41 = arith.extui %gt3A_40 : i1 to i32
        %cond3A_42 = arith.constant 0 : i32
        %cond3A_43 = arith.cmpi ne, %convert_element_type3A_41, %cond3A_42 : i32
        scf.if %cond3A_43 {
          %dma_wait3A_74 = arith.constant 0 : i32
          %dma_wait3A_75 = arith.constant 0 : i32
          %dma_wait3A_76 = tpu.memref_slice %arg7[%dma_wait3A_74, %dma_wait3A_75] : memref<327680x128xf32, #tpu.memory_space<hbm>> -> memref<128x128xf32, #tpu.memory_space<hbm>>
          %dma_wait3A_77 = arith.constant 0 : i32
          %dma_wait3A_78 = arith.constant 0 : i32
          %dma_wait3A_79 = tpu.memref_slice %arg7[%dma_wait3A_77, %dma_wait3A_78] : memref<327680x128xf32, #tpu.memory_space<hbm>> -> memref<128x128xf32, #tpu.memory_space<hbm>>
          tpu.wait_dma2 semaphore(%arg14 : memref<!tpu.dma_semaphore, #tpu.memory_space<semaphore_mem>>) src(%arg10 : memref<128x128xf32, #tpu.memory_space<vmem>>) dst(%dma_wait3A_79 : memref<128x128xf32, #tpu.memory_space<hbm>>)
        } else {
        }
        %dma_start3A_44 = arith.constant 0 : i32
        %dma_start3A_45 = tpu.memref_slice %arg8[%add3A_33, %dma_start3A_44] : memref<160x128xi32, #tpu.memory_space<vmem>> -> memref<1x128xi32, #tpu.memory_space<vmem>>
        %dma_start3A_46 = tpu.memref_squeeze %dma_start3A_45 : memref<1x128xi32, #tpu.memory_space<vmem>> -> memref<128xi32, #tpu.memory_space<vmem>>
        %dma_start3A_47 = arith.constant 0 : i32
        %dma_start3A_48 = arith.constant 0 : i32
        %dma_start3A_49 = tpu.memref_slice %arg3[%dma_start3A_47, %dma_start3A_48] : memref<12288x128xf32, #tpu.memory_space<hbm>> -> memref<12288x128xf32, #tpu.memory_space<hbm>>
        tpu.enqueue_indirect_dma source(%dma_start3A_49 : memref<12288x128xf32, #tpu.memory_space<hbm>>) target(%arg10 : memref<128x128xf32, #tpu.memory_space<vmem>>) offsets(%dma_start3A_46 : memref<128xi32, #tpu.memory_space<vmem>>) semaphore(%arg12 : memref<!tpu.dma_semaphore, #tpu.memory_space<semaphore_mem>>)
        %add3A_50 = arith.addi %mul3A_7, %mul3A_32 : i32
        %mul3A_51 = arith.constant 128 : i32
        %mul3A_52 = arith.muli %add3A_50, %mul3A_51 : i32
        %dma_start3A_53 = arith.constant 0 : i32
        %dma_start3A_54 = tpu.memref_slice %arg7[%mul3A_52, %dma_start3A_53] : memref<327680x128xf32, #tpu.memory_space<hbm>> -> memref<128x128xf32, #tpu.memory_space<hbm>>
        %dma_start3A_55 = arith.constant 0 : i32
        %dma_start3A_56 = tpu.memref_slice %arg7[%mul3A_52, %dma_start3A_55] : memref<327680x128xf32, #tpu.memory_space<hbm>> -> memref<128x128xf32, #tpu.memory_space<hbm>>
        tpu.enqueue_dma source(%arg9 : memref<128x128xf32, #tpu.memory_space<vmem>>) target(%dma_start3A_56 : memref<128x128xf32, #tpu.memory_space<hbm>>) target_semaphore(%arg13 : memref<!tpu.dma_semaphore, #tpu.memory_space<semaphore_mem>>)
        %dma_wait3A_57 = arith.constant 0 : i32
        %dma_wait3A_58 = tpu.memref_slice %arg8[%add3A_33, %dma_wait3A_57] : memref<160x128xi32, #tpu.memory_space<vmem>> -> memref<1x128xi32, #tpu.memory_space<vmem>>
        %dma_wait3A_59 = tpu.memref_squeeze %dma_wait3A_58 : memref<1x128xi32, #tpu.memory_space<vmem>> -> memref<128xi32, #tpu.memory_space<vmem>>
        %dma_wait3A_60 = arith.constant 0 : i32
        %dma_wait3A_61 = arith.constant 0 : i32
        %dma_wait3A_62 = tpu.memref_slice %arg3[%dma_wait3A_60, %dma_wait3A_61] : memref<12288x128xf32, #tpu.memory_space<hbm>> -> memref<12288x128xf32, #tpu.memory_space<hbm>>
        tpu.wait_indirect_dma semaphore(%arg12 : memref<!tpu.dma_semaphore, #tpu.memory_space<semaphore_mem>>) src(%dma_wait3A_62 : memref<12288x128xf32, #tpu.memory_space<hbm>>) dst(%arg10 : memref<128x128xf32, #tpu.memory_space<vmem>>)
        %lt3A = arith.constant 79 : i32
        %lt3A_63 = arith.cmpi slt, %scan3A_30, %lt3A : i32
        %convert_element_type3A_64 = arith.extui %lt3A_63 : i1 to i32
        %cond3A_65 = arith.constant 0 : i32
        %cond3A_66 = arith.cmpi ne, %convert_element_type3A_64, %cond3A_65 : i32
        scf.if %cond3A_66 {
          %dma_wait3A_74 = arith.constant 0 : i32
          %dma_wait3A_75 = arith.constant 0 : i32
          %dma_wait3A_76 = tpu.memref_slice %arg7[%dma_wait3A_74, %dma_wait3A_75] : memref<327680x128xf32, #tpu.memory_space<hbm>> -> memref<128x128xf32, #tpu.memory_space<hbm>>
          %dma_wait3A_77 = arith.constant 0 : i32
          %dma_wait3A_78 = arith.constant 0 : i32
          %dma_wait3A_79 = tpu.memref_slice %arg7[%dma_wait3A_77, %dma_wait3A_78] : memref<327680x128xf32, #tpu.memory_space<hbm>> -> memref<128x128xf32, #tpu.memory_space<hbm>>
          tpu.wait_dma2 semaphore(%arg13 : memref<!tpu.dma_semaphore, #tpu.memory_space<semaphore_mem>>) src(%arg9 : memref<128x128xf32, #tpu.memory_space<vmem>>) dst(%dma_wait3A_79 : memref<128x128xf32, #tpu.memory_space<hbm>>)
          %add3A_80 = arith.constant 2 : i32
          %add3A_81 = arith.addi %mul3A_32, %add3A_80 : i32
          %dma_start3A_82 = arith.constant 0 : i32
          %dma_start3A_83 = tpu.memref_slice %arg8[%add3A_81, %dma_start3A_82] : memref<160x128xi32, #tpu.memory_space<vmem>> -> memref<1x128xi32, #tpu.memory_space<vmem>>
          %dma_start3A_84 = tpu.memref_squeeze %dma_start3A_83 : memref<1x128xi32, #tpu.memory_space<vmem>> -> memref<128xi32, #tpu.memory_space<vmem>>
          %dma_start3A_85 = arith.constant 0 : i32
          %dma_start3A_86 = arith.constant 0 : i32
          %dma_start3A_87 = tpu.memref_slice %arg3[%dma_start3A_85, %dma_start3A_86] : memref<12288x128xf32, #tpu.memory_space<hbm>> -> memref<12288x128xf32, #tpu.memory_space<hbm>>
          tpu.enqueue_indirect_dma source(%dma_start3A_87 : memref<12288x128xf32, #tpu.memory_space<hbm>>) target(%arg9 : memref<128x128xf32, #tpu.memory_space<vmem>>) offsets(%dma_start3A_84 : memref<128xi32, #tpu.memory_space<vmem>>) semaphore(%arg11 : memref<!tpu.dma_semaphore, #tpu.memory_space<semaphore_mem>>)
        } else {
        }
        %add3A_67 = arith.addi %mul3A_7, %add3A_33 : i32
        %mul3A_68 = arith.constant 128 : i32
        %mul3A_69 = arith.muli %add3A_67, %mul3A_68 : i32
        %dma_start3A_70 = arith.constant 0 : i32
        %dma_start3A_71 = tpu.memref_slice %arg7[%mul3A_69, %dma_start3A_70] : memref<327680x128xf32, #tpu.memory_space<hbm>> -> memref<128x128xf32, #tpu.memory_space<hbm>>
        %dma_start3A_72 = arith.constant 0 : i32
        %dma_start3A_73 = tpu.memref_slice %arg7[%mul3A_69, %dma_start3A_72] : memref<327680x128xf32, #tpu.memory_space<hbm>> -> memref<128x128xf32, #tpu.memory_space<hbm>>
        tpu.enqueue_dma source(%arg10 : memref<128x128xf32, #tpu.memory_space<vmem>>) target(%dma_start3A_73 : memref<128x128xf32, #tpu.memory_space<hbm>>) target_semaphore(%arg14 : memref<!tpu.dma_semaphore, #tpu.memory_space<semaphore_mem>>)
      }
      %scan3A_18 = arith.constant 80 : i32
      %dma_wait3A = arith.constant 0 : i32
      %dma_wait3A_19 = arith.constant 0 : i32
      %dma_wait3A_20 = tpu.memref_slice %arg7[%dma_wait3A, %dma_wait3A_19] : memref<327680x128xf32, #tpu.memory_space<hbm>> -> memref<128x128xf32, #tpu.memory_space<hbm>>
      %dma_wait3A_21 = arith.constant 0 : i32
      %dma_wait3A_22 = arith.constant 0 : i32
      %dma_wait3A_23 = tpu.memref_slice %arg7[%dma_wait3A_21, %dma_wait3A_22] : memref<327680x128xf32, #tpu.memory_space<hbm>> -> memref<128x128xf32, #tpu.memory_space<hbm>>
      tpu.wait_dma2 semaphore(%arg13 : memref<!tpu.dma_semaphore, #tpu.memory_space<semaphore_mem>>) src(%arg9 : memref<128x128xf32, #tpu.memory_space<vmem>>) dst(%dma_wait3A_23 : memref<128x128xf32, #tpu.memory_space<hbm>>)
      %dma_wait3A_24 = arith.constant 0 : i32
      %dma_wait3A_25 = arith.constant 0 : i32
      %dma_wait3A_26 = tpu.memref_slice %arg7[%dma_wait3A_24, %dma_wait3A_25] : memref<327680x128xf32, #tpu.memory_space<hbm>> -> memref<128x128xf32, #tpu.memory_space<hbm>>
      %dma_wait3A_27 = arith.constant 0 : i32
      %dma_wait3A_28 = arith.constant 0 : i32
      %dma_wait3A_29 = tpu.memref_slice %arg7[%dma_wait3A_27, %dma_wait3A_28] : memref<327680x128xf32, #tpu.memory_space<hbm>> -> memref<128x128xf32, #tpu.memory_space<hbm>>
      tpu.wait_dma2 semaphore(%arg14 : memref<!tpu.dma_semaphore, #tpu.memory_space<semaphore_mem>>) src(%arg10 : memref<128x128xf32, #tpu.memory_space<vmem>>) dst(%dma_wait3A_29 : memref<128x128xf32, #tpu.memory_space<hbm>>)
    } else {
    }
    return
  }
}

#map = affine_map<(d0, d1) -> (0, 0)>
module attributes {stable_mosaic.version = 14 : i64} {
  func.func @_deg_body(%arg0: i32, %arg1: i32, %arg2: memref<2560x128xi32, #tpu.memory_space<hbm>>, %arg3: memref<768x16xf32, #tpu.memory_space<hbm>>, %arg4: memref<128x16xf32, #tpu.memory_space<hbm>>, %arg5: memref<12288x16xf32, #tpu.memory_space<hbm>>, %arg6: memref<12288x16xf32, #tpu.memory_space<hbm>>, %arg7: memref<12288x16xf32, #tpu.memory_space<vmem_shared>>, %arg8: memref<768x16xf32, #tpu.memory_space<vmem>>, %arg9: memref<128x16xf32, #tpu.memory_space<vmem>>, %arg10: memref<128xi32, #tpu.memory_space<vmem>>, %arg11: memref<128xi32, #tpu.memory_space<vmem>>, %arg12: memref<!tpu.dma_semaphore, #tpu.memory_space<semaphore_mem>>, %arg13: memref<!tpu.dma_semaphore, #tpu.memory_space<semaphore_mem>>, %arg14: memref<!tpu.dma_semaphore, #tpu.memory_space<semaphore_mem>>, %arg15: memref<!tpu.dma_semaphore, #tpu.memory_space<semaphore_mem>>) attributes {dimension_semantics = [#tpu.dimension_semantics<core_parallel>, #tpu.dimension_semantics<subcore_parallel>], iteration_bounds = array<i64: 2, 16>, scalar_prefetch = 0 : i64, scratch_operands = 9 : i64, tpu.core_type = #tpu.core_type<sc_vector_subcore>, window_params = [{transform_indices = #map}, {transform_indices = #map}, {transform_indices = #map}, {transform_indices = #map}, {transform_indices = #map}]} {
    "tpu.region"() ({
      %run_scoped3A = tpu.sem_alloc : memref<!tpu.dma_semaphore, #tpu.memory_space<semaphore_mem>>
      tpu.enqueue_dma source(%arg4 : memref<128x16xf32, #tpu.memory_space<hbm>>) target(%arg9 : memref<128x16xf32, #tpu.memory_space<vmem>>) target_semaphore(%run_scoped3A : memref<!tpu.dma_semaphore, #tpu.memory_space<semaphore_mem>>)
      tpu.wait_dma2 semaphore(%run_scoped3A : memref<!tpu.dma_semaphore, #tpu.memory_space<semaphore_mem>>) src(%arg4 : memref<128x16xf32, #tpu.memory_space<hbm>>) dst(%arg9 : memref<128x16xf32, #tpu.memory_space<vmem>>)
      tpu.yield
    }) : () -> ()
    "tpu.region"() ({
      %run_scoped3A = tpu.sem_alloc : memref<!tpu.dma_semaphore, #tpu.memory_space<semaphore_mem>>
      tpu.enqueue_dma source(%arg3 : memref<768x16xf32, #tpu.memory_space<hbm>>) target(%arg8 : memref<768x16xf32, #tpu.memory_space<vmem>>) target_semaphore(%run_scoped3A : memref<!tpu.dma_semaphore, #tpu.memory_space<semaphore_mem>>)
      tpu.wait_dma2 semaphore(%run_scoped3A : memref<!tpu.dma_semaphore, #tpu.memory_space<semaphore_mem>>) src(%arg3 : memref<768x16xf32, #tpu.memory_space<hbm>>) dst(%arg8 : memref<768x16xf32, #tpu.memory_space<vmem>>)
      tpu.yield
    }) : () -> ()
    %mul3A = arith.constant 768 : i32
    %mul3A_0 = arith.muli %arg1, %mul3A : i32
    "tpu.region"() ({
      %run_scoped3A = tpu.sem_alloc : memref<!tpu.dma_semaphore, #tpu.memory_space<semaphore_mem>>
      %dma_start3A_30 = arith.constant 0 : i32
      %dma_start3A_31 = tpu.memref_slice %arg7[%mul3A_0, %dma_start3A_30] : memref<12288x16xf32, #tpu.memory_space<vmem_shared>> -> memref<768x16xf32, #tpu.memory_space<vmem_shared>>
      %dma_start3A_32 = arith.constant 0 : i32
      %dma_start3A_33 = tpu.memref_slice %arg7[%mul3A_0, %dma_start3A_32] : memref<12288x16xf32, #tpu.memory_space<vmem_shared>> -> memref<768x16xf32, #tpu.memory_space<vmem_shared>>
      tpu.enqueue_dma source(%arg8 : memref<768x16xf32, #tpu.memory_space<vmem>>) target(%dma_start3A_33 : memref<768x16xf32, #tpu.memory_space<vmem_shared>>) target_semaphore(%run_scoped3A : memref<!tpu.dma_semaphore, #tpu.memory_space<semaphore_mem>>)
      %dma_wait3A_34 = arith.constant 0 : i32
      %dma_wait3A_35 = tpu.memref_slice %arg7[%mul3A_0, %dma_wait3A_34] : memref<12288x16xf32, #tpu.memory_space<vmem_shared>> -> memref<768x16xf32, #tpu.memory_space<vmem_shared>>
      %dma_wait3A_36 = arith.constant 0 : i32
      %dma_wait3A_37 = tpu.memref_slice %arg7[%mul3A_0, %dma_wait3A_36] : memref<12288x16xf32, #tpu.memory_space<vmem_shared>> -> memref<768x16xf32, #tpu.memory_space<vmem_shared>>
      tpu.wait_dma2 semaphore(%run_scoped3A : memref<!tpu.dma_semaphore, #tpu.memory_space<semaphore_mem>>) src(%arg8 : memref<768x16xf32, #tpu.memory_space<vmem>>) dst(%dma_wait3A_37 : memref<768x16xf32, #tpu.memory_space<vmem_shared>>)
      tpu.yield
    }) : () -> ()
    %barrier3A = arith.constant 0 : index
    tpu.barrier barrier_id(%barrier3A)
    %mul3A_1 = arith.constant 16 : i32
    %mul3A_2 = arith.muli %arg0, %mul3A_1 : i32
    %add3A = arith.addi %mul3A_2, %arg1 : i32
    %mul3A_3 = arith.constant 80 : i32
    %mul3A_4 = arith.muli %add3A, %mul3A_3 : i32
    %dma_start3A = arith.constant 0 : i32
    %dma_start3A_5 = tpu.memref_slice %arg2[%mul3A_4, %dma_start3A] : memref<2560x128xi32, #tpu.memory_space<hbm>> -> memref<1x128xi32, #tpu.memory_space<hbm>>
    %dma_start3A_6 = tpu.memref_squeeze %dma_start3A_5 : memref<1x128xi32, #tpu.memory_space<hbm>> -> memref<128xi32, #tpu.memory_space<hbm>>
    %dma_start3A_7 = arith.constant 0 : i32
    %dma_start3A_8 = tpu.memref_slice %arg2[%mul3A_4, %dma_start3A_7] : memref<2560x128xi32, #tpu.memory_space<hbm>> -> memref<1x128xi32, #tpu.memory_space<hbm>>
    %dma_start3A_9 = tpu.memref_squeeze %dma_start3A_8 : memref<1x128xi32, #tpu.memory_space<hbm>> -> memref<128xi32, #tpu.memory_space<hbm>>
    tpu.enqueue_dma source(%dma_start3A_9 : memref<128xi32, #tpu.memory_space<hbm>>) target(%arg10 : memref<128xi32, #tpu.memory_space<vmem>>) target_semaphore(%arg12 : memref<!tpu.dma_semaphore, #tpu.memory_space<semaphore_mem>>)
    %scan3A = arith.constant 0 : i32
    %scan3A_10 = arith.constant 0 : i32
    %scan3A_11 = arith.constant 40 : i32
    %scan3A_12 = arith.addi %scan3A_10, %scan3A_11 : i32
    %scan3A_13 = arith.constant 1 : i32
    scf.for %scan3A_30 = %scan3A_10 to %scan3A_12 step %scan3A_13  : i32 {
      %mul3A_31 = arith.constant 2 : i32
      %mul3A_32 = arith.muli %mul3A_31, %scan3A_30 : i32
      %add3A_33 = arith.addi %mul3A_4, %mul3A_32 : i32
      %add3A_34 = arith.constant 1 : i32
      %add3A_35 = arith.addi %add3A_33, %add3A_34 : i32
      %dma_wait3A_36 = arith.constant 0 : i32
      %dma_wait3A_37 = tpu.memref_slice %arg2[%add3A_33, %dma_wait3A_36] : memref<2560x128xi32, #tpu.memory_space<hbm>> -> memref<1x128xi32, #tpu.memory_space<hbm>>
      %dma_wait3A_38 = tpu.memref_squeeze %dma_wait3A_37 : memref<1x128xi32, #tpu.memory_space<hbm>> -> memref<128xi32, #tpu.memory_space<hbm>>
      %dma_wait3A_39 = arith.constant 0 : i32
      %dma_wait3A_40 = tpu.memref_slice %arg2[%add3A_33, %dma_wait3A_39] : memref<2560x128xi32, #tpu.memory_space<hbm>> -> memref<1x128xi32, #tpu.memory_space<hbm>>
      %dma_wait3A_41 = tpu.memref_squeeze %dma_wait3A_40 : memref<1x128xi32, #tpu.memory_space<hbm>> -> memref<128xi32, #tpu.memory_space<hbm>>
      tpu.wait_dma2 semaphore(%arg12 : memref<!tpu.dma_semaphore, #tpu.memory_space<semaphore_mem>>) src(%dma_wait3A_41 : memref<128xi32, #tpu.memory_space<hbm>>) dst(%arg10 : memref<128xi32, #tpu.memory_space<vmem>>)
      %gt3A = arith.constant 0 : i32
      %gt3A_42 = arith.cmpi sgt, %scan3A_30, %gt3A : i32
      %convert_element_type3A_43 = arith.extui %gt3A_42 : i1 to i32
      %cond3A_44 = arith.constant 0 : i32
      %cond3A_45 = arith.cmpi ne, %convert_element_type3A_43, %cond3A_44 : i32
      scf.if %cond3A_45 {
        %dma_wait3A_68 = arith.constant 0 : i32
        %dma_wait3A_69 = arith.constant 0 : i32
        %dma_wait3A_70 = tpu.memref_slice %arg7[%dma_wait3A_68, %dma_wait3A_69] : memref<12288x16xf32, #tpu.memory_space<vmem_shared>> -> memref<12288x16xf32, #tpu.memory_space<vmem_shared>>
        tpu.wait_indirect_dma semaphore(%arg15 : memref<!tpu.dma_semaphore, #tpu.memory_space<semaphore_mem>>) src(%arg9 : memref<128x16xf32, #tpu.memory_space<vmem>>) dst(%dma_wait3A_70 : memref<12288x16xf32, #tpu.memory_space<vmem_shared>>)
      } else {
      }
      %dma_start3A_46 = arith.constant 0 : i32
      %dma_start3A_47 = tpu.memref_slice %arg2[%add3A_35, %dma_start3A_46] : memref<2560x128xi32, #tpu.memory_space<hbm>> -> memref<1x128xi32, #tpu.memory_space<hbm>>
      %dma_start3A_48 = tpu.memref_squeeze %dma_start3A_47 : memref<1x128xi32, #tpu.memory_space<hbm>> -> memref<128xi32, #tpu.memory_space<hbm>>
      %dma_start3A_49 = arith.constant 0 : i32
      %dma_start3A_50 = tpu.memref_slice %arg2[%add3A_35, %dma_start3A_49] : memref<2560x128xi32, #tpu.memory_space<hbm>> -> memref<1x128xi32, #tpu.memory_space<hbm>>
      %dma_start3A_51 = tpu.memref_squeeze %dma_start3A_50 : memref<1x128xi32, #tpu.memory_space<hbm>> -> memref<128xi32, #tpu.memory_space<hbm>>
      tpu.enqueue_dma source(%dma_start3A_51 : memref<128xi32, #tpu.memory_space<hbm>>) target(%arg11 : memref<128xi32, #tpu.memory_space<vmem>>) target_semaphore(%arg13 : memref<!tpu.dma_semaphore, #tpu.memory_space<semaphore_mem>>)
      %dma_start3A_52 = arith.constant 0 : i32
      %dma_start3A_53 = arith.constant 0 : i32
      %dma_start3A_54 = tpu.memref_slice %arg7[%dma_start3A_52, %dma_start3A_53] : memref<12288x16xf32, #tpu.memory_space<vmem_shared>> -> memref<12288x16xf32, #tpu.memory_space<vmem_shared>>
      tpu.enqueue_indirect_dma source(%arg9 : memref<128x16xf32, #tpu.memory_space<vmem>>) target(%dma_start3A_54 : memref<12288x16xf32, #tpu.memory_space<vmem_shared>>) offsets(%arg10 : memref<128xi32, #tpu.memory_space<vmem>>) semaphore(%arg14 : memref<!tpu.dma_semaphore, #tpu.memory_space<semaphore_mem>>) {add = true}
      %dma_wait3A_55 = arith.constant 0 : i32
      %dma_wait3A_56 = tpu.memref_slice %arg2[%add3A_35, %dma_wait3A_55] : memref<2560x128xi32, #tpu.memory_space<hbm>> -> memref<1x128xi32, #tpu.memory_space<hbm>>
      %dma_wait3A_57 = tpu.memref_squeeze %dma_wait3A_56 : memref<1x128xi32, #tpu.memory_space<hbm>> -> memref<128xi32, #tpu.memory_space<hbm>>
      %dma_wait3A_58 = arith.constant 0 : i32
      %dma_wait3A_59 = tpu.memref_slice %arg2[%add3A_35, %dma_wait3A_58] : memref<2560x128xi32, #tpu.memory_space<hbm>> -> memref<1x128xi32, #tpu.memory_space<hbm>>
      %dma_wait3A_60 = tpu.memref_squeeze %dma_wait3A_59 : memref<1x128xi32, #tpu.memory_space<hbm>> -> memref<128xi32, #tpu.memory_space<hbm>>
      tpu.wait_dma2 semaphore(%arg13 : memref<!tpu.dma_semaphore, #tpu.memory_space<semaphore_mem>>) src(%dma_wait3A_60 : memref<128xi32, #tpu.memory_space<hbm>>) dst(%arg11 : memref<128xi32, #tpu.memory_space<vmem>>)
      %lt3A = arith.constant 39 : i32
      %lt3A_61 = arith.cmpi slt, %scan3A_30, %lt3A : i32
      %convert_element_type3A_62 = arith.extui %lt3A_61 : i1 to i32
      %cond3A_63 = arith.constant 0 : i32
      %cond3A_64 = arith.cmpi ne, %convert_element_type3A_62, %cond3A_63 : i32
      scf.if %cond3A_64 {
        %dma_wait3A_68 = arith.constant 0 : i32
        %dma_wait3A_69 = arith.constant 0 : i32
        %dma_wait3A_70 = tpu.memref_slice %arg7[%dma_wait3A_68, %dma_wait3A_69] : memref<12288x16xf32, #tpu.memory_space<vmem_shared>> -> memref<12288x16xf32, #tpu.memory_space<vmem_shared>>
        tpu.wait_indirect_dma semaphore(%arg14 : memref<!tpu.dma_semaphore, #tpu.memory_space<semaphore_mem>>) src(%arg9 : memref<128x16xf32, #tpu.memory_space<vmem>>) dst(%dma_wait3A_70 : memref<12288x16xf32, #tpu.memory_space<vmem_shared>>)
        %add3A_71 = arith.constant 2 : i32
        %add3A_72 = arith.addi %add3A_33, %add3A_71 : i32
        %dma_start3A_73 = arith.constant 0 : i32
        %dma_start3A_74 = tpu.memref_slice %arg2[%add3A_72, %dma_start3A_73] : memref<2560x128xi32, #tpu.memory_space<hbm>> -> memref<1x128xi32, #tpu.memory_space<hbm>>
        %dma_start3A_75 = tpu.memref_squeeze %dma_start3A_74 : memref<1x128xi32, #tpu.memory_space<hbm>> -> memref<128xi32, #tpu.memory_space<hbm>>
        %dma_start3A_76 = arith.constant 0 : i32
        %dma_start3A_77 = tpu.memref_slice %arg2[%add3A_72, %dma_start3A_76] : memref<2560x128xi32, #tpu.memory_space<hbm>> -> memref<1x128xi32, #tpu.memory_space<hbm>>
        %dma_start3A_78 = tpu.memref_squeeze %dma_start3A_77 : memref<1x128xi32, #tpu.memory_space<hbm>> -> memref<128xi32, #tpu.memory_space<hbm>>
        tpu.enqueue_dma source(%dma_start3A_78 : memref<128xi32, #tpu.memory_space<hbm>>) target(%arg10 : memref<128xi32, #tpu.memory_space<vmem>>) target_semaphore(%arg12 : memref<!tpu.dma_semaphore, #tpu.memory_space<semaphore_mem>>)
      } else {
      }
      %dma_start3A_65 = arith.constant 0 : i32
      %dma_start3A_66 = arith.constant 0 : i32
      %dma_start3A_67 = tpu.memref_slice %arg7[%dma_start3A_65, %dma_start3A_66] : memref<12288x16xf32, #tpu.memory_space<vmem_shared>> -> memref<12288x16xf32, #tpu.memory_space<vmem_shared>>
      tpu.enqueue_indirect_dma source(%arg9 : memref<128x16xf32, #tpu.memory_space<vmem>>) target(%dma_start3A_67 : memref<12288x16xf32, #tpu.memory_space<vmem_shared>>) offsets(%arg11 : memref<128xi32, #tpu.memory_space<vmem>>) semaphore(%arg15 : memref<!tpu.dma_semaphore, #tpu.memory_space<semaphore_mem>>) {add = true}
    }
    %scan3A_14 = arith.constant 40 : i32
    %dma_wait3A = arith.constant 0 : i32
    %dma_wait3A_15 = arith.constant 0 : i32
    %dma_wait3A_16 = tpu.memref_slice %arg7[%dma_wait3A, %dma_wait3A_15] : memref<12288x16xf32, #tpu.memory_space<vmem_shared>> -> memref<12288x16xf32, #tpu.memory_space<vmem_shared>>
    tpu.wait_indirect_dma semaphore(%arg14 : memref<!tpu.dma_semaphore, #tpu.memory_space<semaphore_mem>>) src(%arg9 : memref<128x16xf32, #tpu.memory_space<vmem>>) dst(%dma_wait3A_16 : memref<12288x16xf32, #tpu.memory_space<vmem_shared>>)
    %dma_wait3A_17 = arith.constant 0 : i32
    %dma_wait3A_18 = arith.constant 0 : i32
    %dma_wait3A_19 = tpu.memref_slice %arg7[%dma_wait3A_17, %dma_wait3A_18] : memref<12288x16xf32, #tpu.memory_space<vmem_shared>> -> memref<12288x16xf32, #tpu.memory_space<vmem_shared>>
    tpu.wait_indirect_dma semaphore(%arg15 : memref<!tpu.dma_semaphore, #tpu.memory_space<semaphore_mem>>) src(%arg9 : memref<128x16xf32, #tpu.memory_space<vmem>>) dst(%dma_wait3A_19 : memref<12288x16xf32, #tpu.memory_space<vmem_shared>>)
    %barrier3A_20 = arith.constant 0 : index
    tpu.barrier barrier_id(%barrier3A_20)
    %mul3A_21 = arith.constant 768 : i32
    %mul3A_22 = arith.muli %arg1, %mul3A_21 : i32
    "tpu.region"() ({
      %run_scoped3A = tpu.sem_alloc : memref<!tpu.dma_semaphore, #tpu.memory_space<semaphore_mem>>
      %dma_start3A_30 = arith.constant 0 : i32
      %dma_start3A_31 = tpu.memref_slice %arg7[%mul3A_22, %dma_start3A_30] : memref<12288x16xf32, #tpu.memory_space<vmem_shared>> -> memref<768x16xf32, #tpu.memory_space<vmem_shared>>
      %dma_start3A_32 = arith.constant 0 : i32
      %dma_start3A_33 = tpu.memref_slice %arg7[%mul3A_22, %dma_start3A_32] : memref<12288x16xf32, #tpu.memory_space<vmem_shared>> -> memref<768x16xf32, #tpu.memory_space<vmem_shared>>
      tpu.enqueue_dma source(%dma_start3A_33 : memref<768x16xf32, #tpu.memory_space<vmem_shared>>) target(%arg8 : memref<768x16xf32, #tpu.memory_space<vmem>>) target_semaphore(%run_scoped3A : memref<!tpu.dma_semaphore, #tpu.memory_space<semaphore_mem>>)
      %dma_wait3A_34 = arith.constant 0 : i32
      %dma_wait3A_35 = tpu.memref_slice %arg7[%mul3A_22, %dma_wait3A_34] : memref<12288x16xf32, #tpu.memory_space<vmem_shared>> -> memref<768x16xf32, #tpu.memory_space<vmem_shared>>
      %dma_wait3A_36 = arith.constant 0 : i32
      %dma_wait3A_37 = tpu.memref_slice %arg7[%mul3A_22, %dma_wait3A_36] : memref<12288x16xf32, #tpu.memory_space<vmem_shared>> -> memref<768x16xf32, #tpu.memory_space<vmem_shared>>
      tpu.wait_dma2 semaphore(%run_scoped3A : memref<!tpu.dma_semaphore, #tpu.memory_space<semaphore_mem>>) src(%dma_wait3A_37 : memref<768x16xf32, #tpu.memory_space<vmem_shared>>) dst(%arg8 : memref<768x16xf32, #tpu.memory_space<vmem>>)
      tpu.yield
    }) : () -> ()
    %eq3A = arith.constant 0 : i32
    %eq3A_23 = arith.cmpi eq, %arg0, %eq3A : i32
    %convert_element_type3A = arith.extui %eq3A_23 : i1 to i32
    %cond3A = arith.constant 0 : i32
    %cond3A_24 = arith.cmpi ne, %convert_element_type3A, %cond3A : i32
    scf.if %cond3A_24 {
      %mul3A_30 = arith.constant 768 : i32
      %mul3A_31 = arith.muli %arg1, %mul3A_30 : i32
      "tpu.region"() ({
        %run_scoped3A = tpu.sem_alloc : memref<!tpu.dma_semaphore, #tpu.memory_space<semaphore_mem>>
        %dma_start3A_32 = arith.constant 0 : i32
        %dma_start3A_33 = tpu.memref_slice %arg5[%mul3A_31, %dma_start3A_32] : memref<12288x16xf32, #tpu.memory_space<hbm>> -> memref<768x16xf32, #tpu.memory_space<hbm>>
        %dma_start3A_34 = arith.constant 0 : i32
        %dma_start3A_35 = tpu.memref_slice %arg5[%mul3A_31, %dma_start3A_34] : memref<12288x16xf32, #tpu.memory_space<hbm>> -> memref<768x16xf32, #tpu.memory_space<hbm>>
        tpu.enqueue_dma source(%arg8 : memref<768x16xf32, #tpu.memory_space<vmem>>) target(%dma_start3A_35 : memref<768x16xf32, #tpu.memory_space<hbm>>) target_semaphore(%run_scoped3A : memref<!tpu.dma_semaphore, #tpu.memory_space<semaphore_mem>>)
        %dma_wait3A_36 = arith.constant 0 : i32
        %dma_wait3A_37 = tpu.memref_slice %arg5[%mul3A_31, %dma_wait3A_36] : memref<12288x16xf32, #tpu.memory_space<hbm>> -> memref<768x16xf32, #tpu.memory_space<hbm>>
        %dma_wait3A_38 = arith.constant 0 : i32
        %dma_wait3A_39 = tpu.memref_slice %arg5[%mul3A_31, %dma_wait3A_38] : memref<12288x16xf32, #tpu.memory_space<hbm>> -> memref<768x16xf32, #tpu.memory_space<hbm>>
        tpu.wait_dma2 semaphore(%run_scoped3A : memref<!tpu.dma_semaphore, #tpu.memory_space<semaphore_mem>>) src(%arg8 : memref<768x16xf32, #tpu.memory_space<vmem>>) dst(%dma_wait3A_39 : memref<768x16xf32, #tpu.memory_space<hbm>>)
        tpu.yield
      }) : () -> ()
    } else {
    }
    %eq3A_25 = arith.constant 1 : i32
    %eq3A_26 = arith.cmpi eq, %arg0, %eq3A_25 : i32
    %convert_element_type3A_27 = arith.extui %eq3A_26 : i1 to i32
    %cond3A_28 = arith.constant 0 : i32
    %cond3A_29 = arith.cmpi ne, %convert_element_type3A_27, %cond3A_28 : i32
    scf.if %cond3A_29 {
      %mul3A_30 = arith.constant 768 : i32
      %mul3A_31 = arith.muli %arg1, %mul3A_30 : i32
      "tpu.region"() ({
        %run_scoped3A = tpu.sem_alloc : memref<!tpu.dma_semaphore, #tpu.memory_space<semaphore_mem>>
        %dma_start3A_32 = arith.constant 0 : i32
        %dma_start3A_33 = tpu.memref_slice %arg6[%mul3A_31, %dma_start3A_32] : memref<12288x16xf32, #tpu.memory_space<hbm>> -> memref<768x16xf32, #tpu.memory_space<hbm>>
        %dma_start3A_34 = arith.constant 0 : i32
        %dma_start3A_35 = tpu.memref_slice %arg6[%mul3A_31, %dma_start3A_34] : memref<12288x16xf32, #tpu.memory_space<hbm>> -> memref<768x16xf32, #tpu.memory_space<hbm>>
        tpu.enqueue_dma source(%arg8 : memref<768x16xf32, #tpu.memory_space<vmem>>) target(%dma_start3A_35 : memref<768x16xf32, #tpu.memory_space<hbm>>) target_semaphore(%run_scoped3A : memref<!tpu.dma_semaphore, #tpu.memory_space<semaphore_mem>>)
        %dma_wait3A_36 = arith.constant 0 : i32
        %dma_wait3A_37 = tpu.memref_slice %arg6[%mul3A_31, %dma_wait3A_36] : memref<12288x16xf32, #tpu.memory_space<hbm>> -> memref<768x16xf32, #tpu.memory_space<hbm>>
        %dma_wait3A_38 = arith.constant 0 : i32
        %dma_wait3A_39 = tpu.memref_slice %arg6[%mul3A_31, %dma_wait3A_38] : memref<12288x16xf32, #tpu.memory_space<hbm>> -> memref<768x16xf32, #tpu.memory_space<hbm>>
        tpu.wait_dma2 semaphore(%run_scoped3A : memref<!tpu.dma_semaphore, #tpu.memory_space<semaphore_mem>>) src(%arg8 : memref<768x16xf32, #tpu.memory_space<vmem>>) dst(%dma_wait3A_39 : memref<768x16xf32, #tpu.memory_space<hbm>>)
        tpu.yield
      }) : () -> ()
    } else {
    }
    return
  }
}

#map = affine_map<(d0, d1) -> (0, 0)>
module attributes {stable_mosaic.version = 14 : i64} {
  func.func @_gather_body(%arg0: i32, %arg1: i32, %arg2: memref<12288x128xf32, #tpu.memory_space<hbm>>, %arg3: memref<12288x128xf32, #tpu.memory_space<hbm>>, %arg4: memref<2560x128xi32, #tpu.memory_space<hbm>>, %arg5: memref<2560x128xi32, #tpu.memory_space<hbm>>, %arg6: memref<327680x128xf32, #tpu.memory_space<hbm>>, %arg7: memref<327680x128xf32, #tpu.memory_space<hbm>>, %arg8: memref<160x128xi32, #tpu.memory_space<vmem>>, %arg9: memref<128x128xf32, #tpu.memory_space<vmem>>, %arg10: memref<128x128xf32, #tpu.memory_space<vmem>>, %arg11: memref<!tpu.dma_semaphore, #tpu.memory_space<semaphore_mem>>, %arg12: memref<!tpu.dma_semaphore, #tpu.memory_space<semaphore_mem>>, %arg13: memref<!tpu.dma_semaphore, #tpu.memory_space<semaphore_mem>>, %arg14: memref<!tpu.dma_semaphore, #tpu.memory_space<semaphore_mem>>) attributes {dimension_semantics = [#tpu.dimension_semantics<core_parallel>, #tpu.dimension_semantics<subcore_parallel>], iteration_bounds = array<i64: 2, 16>, scalar_prefetch = 0 : i64, scratch_operands = 7 : i64, tpu.core_type = #tpu.core_type<sc_vector_subcore>, window_params = [{transform_indices = #map}, {transform_indices = #map}, {transform_indices = #map}, {transform_indices = #map}, {transform_indices = #map}, {transform_indices = #map}]} {
    %eq3A = arith.constant 0 : i32
    %eq3A_0 = arith.cmpi eq, %arg0, %eq3A : i32
    %convert_element_type3A = arith.extui %eq3A_0 : i1 to i32
    %cond3A = arith.constant 0 : i32
    %cond3A_1 = arith.cmpi ne, %convert_element_type3A, %cond3A : i32
    scf.if %cond3A_1 {
      %mul3A = arith.constant 160 : i32
      %mul3A_7 = arith.muli %arg1, %mul3A : i32
      "tpu.region"() ({
        %run_scoped3A = tpu.sem_alloc : memref<!tpu.dma_semaphore, #tpu.memory_space<semaphore_mem>>
        %dma_start3A_30 = arith.constant 0 : i32
        %dma_start3A_31 = tpu.memref_slice %arg4[%mul3A_7, %dma_start3A_30] : memref<2560x128xi32, #tpu.memory_space<hbm>> -> memref<160x128xi32, #tpu.memory_space<hbm>>
        %dma_start3A_32 = arith.constant 0 : i32
        %dma_start3A_33 = tpu.memref_slice %arg4[%mul3A_7, %dma_start3A_32] : memref<2560x128xi32, #tpu.memory_space<hbm>> -> memref<160x128xi32, #tpu.memory_space<hbm>>
        tpu.enqueue_dma source(%dma_start3A_33 : memref<160x128xi32, #tpu.memory_space<hbm>>) target(%arg8 : memref<160x128xi32, #tpu.memory_space<vmem>>) target_semaphore(%run_scoped3A : memref<!tpu.dma_semaphore, #tpu.memory_space<semaphore_mem>>)
        %dma_wait3A_34 = arith.constant 0 : i32
        %dma_wait3A_35 = tpu.memref_slice %arg4[%mul3A_7, %dma_wait3A_34] : memref<2560x128xi32, #tpu.memory_space<hbm>> -> memref<160x128xi32, #tpu.memory_space<hbm>>
        %dma_wait3A_36 = arith.constant 0 : i32
        %dma_wait3A_37 = tpu.memref_slice %arg4[%mul3A_7, %dma_wait3A_36] : memref<2560x128xi32, #tpu.memory_space<hbm>> -> memref<160x128xi32, #tpu.memory_space<hbm>>
        tpu.wait_dma2 semaphore(%run_scoped3A : memref<!tpu.dma_semaphore, #tpu.memory_space<semaphore_mem>>) src(%dma_wait3A_37 : memref<160x128xi32, #tpu.memory_space<hbm>>) dst(%arg8 : memref<160x128xi32, #tpu.memory_space<vmem>>)
        tpu.yield
      }) : () -> ()
      %dma_start3A = arith.constant 0 : i32
      %dma_start3A_8 = arith.constant 0 : i32
      %dma_start3A_9 = tpu.memref_slice %arg8[%dma_start3A, %dma_start3A_8] : memref<160x128xi32, #tpu.memory_space<vmem>> -> memref<1x128xi32, #tpu.memory_space<vmem>>
      %dma_start3A_10 = tpu.memref_squeeze %dma_start3A_9 : memref<1x128xi32, #tpu.memory_space<vmem>> -> memref<128xi32, #tpu.memory_space<vmem>>
      %dma_start3A_11 = arith.constant 0 : i32
      %dma_start3A_12 = arith.constant 0 : i32
      %dma_start3A_13 = tpu.memref_slice %arg2[%dma_start3A_11, %dma_start3A_12] : memref<12288x128xf32, #tpu.memory_space<hbm>> -> memref<12288x128xf32, #tpu.memory_space<hbm>>
      tpu.enqueue_indirect_dma source(%dma_start3A_13 : memref<12288x128xf32, #tpu.memory_space<hbm>>) target(%arg9 : memref<128x128xf32, #tpu.memory_space<vmem>>) offsets(%dma_start3A_10 : memref<128xi32, #tpu.memory_space<vmem>>) semaphore(%arg11 : memref<!tpu.dma_semaphore, #tpu.memory_space<semaphore_mem>>)
      %scan3A = arith.constant 0 : i32
      %scan3A_14 = arith.constant 0 : i32
      %scan3A_15 = arith.constant 80 : i32
      %scan3A_16 = arith.addi %scan3A_14, %scan3A_15 : i32
      %scan3A_17 = arith.constant 1 : i32
      scf.for %scan3A_30 = %scan3A_14 to %scan3A_16 step %scan3A_17  : i32 {
        %mul3A_31 = arith.constant 2 : i32
        %mul3A_32 = arith.muli %mul3A_31, %scan3A_30 : i32
        %add3A = arith.constant 1 : i32
        %add3A_33 = arith.addi %mul3A_32, %add3A : i32
        %dma_wait3A_34 = arith.constant 0 : i32
        %dma_wait3A_35 = tpu.memref_slice %arg8[%mul3A_32, %dma_wait3A_34] : memref<160x128xi32, #tpu.memory_space<vmem>> -> memref<1x128xi32, #tpu.memory_space<vmem>>
        %dma_wait3A_36 = tpu.memref_squeeze %dma_wait3A_35 : memref<1x128xi32, #tpu.memory_space<vmem>> -> memref<128xi32, #tpu.memory_space<vmem>>
        %dma_wait3A_37 = arith.constant 0 : i32
        %dma_wait3A_38 = arith.constant 0 : i32
        %dma_wait3A_39 = tpu.memref_slice %arg2[%dma_wait3A_37, %dma_wait3A_38] : memref<12288x128xf32, #tpu.memory_space<hbm>> -> memref<12288x128xf32, #tpu.memory_space<hbm>>
        tpu.wait_indirect_dma semaphore(%arg11 : memref<!tpu.dma_semaphore, #tpu.memory_space<semaphore_mem>>) src(%dma_wait3A_39 : memref<12288x128xf32, #tpu.memory_space<hbm>>) dst(%arg9 : memref<128x128xf32, #tpu.memory_space<vmem>>)
        %gt3A = arith.constant 0 : i32
        %gt3A_40 = arith.cmpi sgt, %scan3A_30, %gt3A : i32
        %convert_element_type3A_41 = arith.extui %gt3A_40 : i1 to i32
        %cond3A_42 = arith.constant 0 : i32
        %cond3A_43 = arith.cmpi ne, %convert_element_type3A_41, %cond3A_42 : i32
        scf.if %cond3A_43 {
          %dma_wait3A_74 = arith.constant 0 : i32
          %dma_wait3A_75 = arith.constant 0 : i32
          %dma_wait3A_76 = tpu.memref_slice %arg6[%dma_wait3A_74, %dma_wait3A_75] : memref<327680x128xf32, #tpu.memory_space<hbm>> -> memref<128x128xf32, #tpu.memory_space<hbm>>
          %dma_wait3A_77 = arith.constant 0 : i32
          %dma_wait3A_78 = arith.constant 0 : i32
          %dma_wait3A_79 = tpu.memref_slice %arg6[%dma_wait3A_77, %dma_wait3A_78] : memref<327680x128xf32, #tpu.memory_space<hbm>> -> memref<128x128xf32, #tpu.memory_space<hbm>>
          tpu.wait_dma2 semaphore(%arg14 : memref<!tpu.dma_semaphore, #tpu.memory_space<semaphore_mem>>) src(%arg10 : memref<128x128xf32, #tpu.memory_space<vmem>>) dst(%dma_wait3A_79 : memref<128x128xf32, #tpu.memory_space<hbm>>)
        } else {
        }
        %dma_start3A_44 = arith.constant 0 : i32
        %dma_start3A_45 = tpu.memref_slice %arg8[%add3A_33, %dma_start3A_44] : memref<160x128xi32, #tpu.memory_space<vmem>> -> memref<1x128xi32, #tpu.memory_space<vmem>>
        %dma_start3A_46 = tpu.memref_squeeze %dma_start3A_45 : memref<1x128xi32, #tpu.memory_space<vmem>> -> memref<128xi32, #tpu.memory_space<vmem>>
        %dma_start3A_47 = arith.constant 0 : i32
        %dma_start3A_48 = arith.constant 0 : i32
        %dma_start3A_49 = tpu.memref_slice %arg2[%dma_start3A_47, %dma_start3A_48] : memref<12288x128xf32, #tpu.memory_space<hbm>> -> memref<12288x128xf32, #tpu.memory_space<hbm>>
        tpu.enqueue_indirect_dma source(%dma_start3A_49 : memref<12288x128xf32, #tpu.memory_space<hbm>>) target(%arg10 : memref<128x128xf32, #tpu.memory_space<vmem>>) offsets(%dma_start3A_46 : memref<128xi32, #tpu.memory_space<vmem>>) semaphore(%arg12 : memref<!tpu.dma_semaphore, #tpu.memory_space<semaphore_mem>>)
        %add3A_50 = arith.addi %mul3A_7, %mul3A_32 : i32
        %mul3A_51 = arith.constant 128 : i32
        %mul3A_52 = arith.muli %add3A_50, %mul3A_51 : i32
        %dma_start3A_53 = arith.constant 0 : i32
        %dma_start3A_54 = tpu.memref_slice %arg6[%mul3A_52, %dma_start3A_53] : memref<327680x128xf32, #tpu.memory_space<hbm>> -> memref<128x128xf32, #tpu.memory_space<hbm>>
        %dma_start3A_55 = arith.constant 0 : i32
        %dma_start3A_56 = tpu.memref_slice %arg6[%mul3A_52, %dma_start3A_55] : memref<327680x128xf32, #tpu.memory_space<hbm>> -> memref<128x128xf32, #tpu.memory_space<hbm>>
        tpu.enqueue_dma source(%arg9 : memref<128x128xf32, #tpu.memory_space<vmem>>) target(%dma_start3A_56 : memref<128x128xf32, #tpu.memory_space<hbm>>) target_semaphore(%arg13 : memref<!tpu.dma_semaphore, #tpu.memory_space<semaphore_mem>>)
        %dma_wait3A_57 = arith.constant 0 : i32
        %dma_wait3A_58 = tpu.memref_slice %arg8[%add3A_33, %dma_wait3A_57] : memref<160x128xi32, #tpu.memory_space<vmem>> -> memref<1x128xi32, #tpu.memory_space<vmem>>
        %dma_wait3A_59 = tpu.memref_squeeze %dma_wait3A_58 : memref<1x128xi32, #tpu.memory_space<vmem>> -> memref<128xi32, #tpu.memory_space<vmem>>
        %dma_wait3A_60 = arith.constant 0 : i32
        %dma_wait3A_61 = arith.constant 0 : i32
        %dma_wait3A_62 = tpu.memref_slice %arg2[%dma_wait3A_60, %dma_wait3A_61] : memref<12288x128xf32, #tpu.memory_space<hbm>> -> memref<12288x128xf32, #tpu.memory_space<hbm>>
        tpu.wait_indirect_dma semaphore(%arg12 : memref<!tpu.dma_semaphore, #tpu.memory_space<semaphore_mem>>) src(%dma_wait3A_62 : memref<12288x128xf32, #tpu.memory_space<hbm>>) dst(%arg10 : memref<128x128xf32, #tpu.memory_space<vmem>>)
        %lt3A = arith.constant 79 : i32
        %lt3A_63 = arith.cmpi slt, %scan3A_30, %lt3A : i32
        %convert_element_type3A_64 = arith.extui %lt3A_63 : i1 to i32
        %cond3A_65 = arith.constant 0 : i32
        %cond3A_66 = arith.cmpi ne, %convert_element_type3A_64, %cond3A_65 : i32
        scf.if %cond3A_66 {
          %dma_wait3A_74 = arith.constant 0 : i32
          %dma_wait3A_75 = arith.constant 0 : i32
          %dma_wait3A_76 = tpu.memref_slice %arg6[%dma_wait3A_74, %dma_wait3A_75] : memref<327680x128xf32, #tpu.memory_space<hbm>> -> memref<128x128xf32, #tpu.memory_space<hbm>>
          %dma_wait3A_77 = arith.constant 0 : i32
          %dma_wait3A_78 = arith.constant 0 : i32
          %dma_wait3A_79 = tpu.memref_slice %arg6[%dma_wait3A_77, %dma_wait3A_78] : memref<327680x128xf32, #tpu.memory_space<hbm>> -> memref<128x128xf32, #tpu.memory_space<hbm>>
          tpu.wait_dma2 semaphore(%arg13 : memref<!tpu.dma_semaphore, #tpu.memory_space<semaphore_mem>>) src(%arg9 : memref<128x128xf32, #tpu.memory_space<vmem>>) dst(%dma_wait3A_79 : memref<128x128xf32, #tpu.memory_space<hbm>>)
          %add3A_80 = arith.constant 2 : i32
          %add3A_81 = arith.addi %mul3A_32, %add3A_80 : i32
          %dma_start3A_82 = arith.constant 0 : i32
          %dma_start3A_83 = tpu.memref_slice %arg8[%add3A_81, %dma_start3A_82] : memref<160x128xi32, #tpu.memory_space<vmem>> -> memref<1x128xi32, #tpu.memory_space<vmem>>
          %dma_start3A_84 = tpu.memref_squeeze %dma_start3A_83 : memref<1x128xi32, #tpu.memory_space<vmem>> -> memref<128xi32, #tpu.memory_space<vmem>>
          %dma_start3A_85 = arith.constant 0 : i32
          %dma_start3A_86 = arith.constant 0 : i32
          %dma_start3A_87 = tpu.memref_slice %arg2[%dma_start3A_85, %dma_start3A_86] : memref<12288x128xf32, #tpu.memory_space<hbm>> -> memref<12288x128xf32, #tpu.memory_space<hbm>>
          tpu.enqueue_indirect_dma source(%dma_start3A_87 : memref<12288x128xf32, #tpu.memory_space<hbm>>) target(%arg9 : memref<128x128xf32, #tpu.memory_space<vmem>>) offsets(%dma_start3A_84 : memref<128xi32, #tpu.memory_space<vmem>>) semaphore(%arg11 : memref<!tpu.dma_semaphore, #tpu.memory_space<semaphore_mem>>)
        } else {
        }
        %add3A_67 = arith.addi %mul3A_7, %add3A_33 : i32
        %mul3A_68 = arith.constant 128 : i32
        %mul3A_69 = arith.muli %add3A_67, %mul3A_68 : i32
        %dma_start3A_70 = arith.constant 0 : i32
        %dma_start3A_71 = tpu.memref_slice %arg6[%mul3A_69, %dma_start3A_70] : memref<327680x128xf32, #tpu.memory_space<hbm>> -> memref<128x128xf32, #tpu.memory_space<hbm>>
        %dma_start3A_72 = arith.constant 0 : i32
        %dma_start3A_73 = tpu.memref_slice %arg6[%mul3A_69, %dma_start3A_72] : memref<327680x128xf32, #tpu.memory_space<hbm>> -> memref<128x128xf32, #tpu.memory_space<hbm>>
        tpu.enqueue_dma source(%arg10 : memref<128x128xf32, #tpu.memory_space<vmem>>) target(%dma_start3A_73 : memref<128x128xf32, #tpu.memory_space<hbm>>) target_semaphore(%arg14 : memref<!tpu.dma_semaphore, #tpu.memory_space<semaphore_mem>>)
      }
      %scan3A_18 = arith.constant 80 : i32
      %dma_wait3A = arith.constant 0 : i32
      %dma_wait3A_19 = arith.constant 0 : i32
      %dma_wait3A_20 = tpu.memref_slice %arg6[%dma_wait3A, %dma_wait3A_19] : memref<327680x128xf32, #tpu.memory_space<hbm>> -> memref<128x128xf32, #tpu.memory_space<hbm>>
      %dma_wait3A_21 = arith.constant 0 : i32
      %dma_wait3A_22 = arith.constant 0 : i32
      %dma_wait3A_23 = tpu.memref_slice %arg6[%dma_wait3A_21, %dma_wait3A_22] : memref<327680x128xf32, #tpu.memory_space<hbm>> -> memref<128x128xf32, #tpu.memory_space<hbm>>
      tpu.wait_dma2 semaphore(%arg13 : memref<!tpu.dma_semaphore, #tpu.memory_space<semaphore_mem>>) src(%arg9 : memref<128x128xf32, #tpu.memory_space<vmem>>) dst(%dma_wait3A_23 : memref<128x128xf32, #tpu.memory_space<hbm>>)
      %dma_wait3A_24 = arith.constant 0 : i32
      %dma_wait3A_25 = arith.constant 0 : i32
      %dma_wait3A_26 = tpu.memref_slice %arg6[%dma_wait3A_24, %dma_wait3A_25] : memref<327680x128xf32, #tpu.memory_space<hbm>> -> memref<128x128xf32, #tpu.memory_space<hbm>>
      %dma_wait3A_27 = arith.constant 0 : i32
      %dma_wait3A_28 = arith.constant 0 : i32
      %dma_wait3A_29 = tpu.memref_slice %arg6[%dma_wait3A_27, %dma_wait3A_28] : memref<327680x128xf32, #tpu.memory_space<hbm>> -> memref<128x128xf32, #tpu.memory_space<hbm>>
      tpu.wait_dma2 semaphore(%arg14 : memref<!tpu.dma_semaphore, #tpu.memory_space<semaphore_mem>>) src(%arg10 : memref<128x128xf32, #tpu.memory_space<vmem>>) dst(%dma_wait3A_29 : memref<128x128xf32, #tpu.memory_space<hbm>>)
    } else {
    }
    %eq3A_2 = arith.constant 1 : i32
    %eq3A_3 = arith.cmpi eq, %arg0, %eq3A_2 : i32
    %convert_element_type3A_4 = arith.extui %eq3A_3 : i1 to i32
    %cond3A_5 = arith.constant 0 : i32
    %cond3A_6 = arith.cmpi ne, %convert_element_type3A_4, %cond3A_5 : i32
    scf.if %cond3A_6 {
      %mul3A = arith.constant 160 : i32
      %mul3A_7 = arith.muli %arg1, %mul3A : i32
      "tpu.region"() ({
        %run_scoped3A = tpu.sem_alloc : memref<!tpu.dma_semaphore, #tpu.memory_space<semaphore_mem>>
        %dma_start3A_30 = arith.constant 0 : i32
        %dma_start3A_31 = tpu.memref_slice %arg5[%mul3A_7, %dma_start3A_30] : memref<2560x128xi32, #tpu.memory_space<hbm>> -> memref<160x128xi32, #tpu.memory_space<hbm>>
        %dma_start3A_32 = arith.constant 0 : i32
        %dma_start3A_33 = tpu.memref_slice %arg5[%mul3A_7, %dma_start3A_32] : memref<2560x128xi32, #tpu.memory_space<hbm>> -> memref<160x128xi32, #tpu.memory_space<hbm>>
        tpu.enqueue_dma source(%dma_start3A_33 : memref<160x128xi32, #tpu.memory_space<hbm>>) target(%arg8 : memref<160x128xi32, #tpu.memory_space<vmem>>) target_semaphore(%run_scoped3A : memref<!tpu.dma_semaphore, #tpu.memory_space<semaphore_mem>>)
        %dma_wait3A_34 = arith.constant 0 : i32
        %dma_wait3A_35 = tpu.memref_slice %arg5[%mul3A_7, %dma_wait3A_34] : memref<2560x128xi32, #tpu.memory_space<hbm>> -> memref<160x128xi32, #tpu.memory_space<hbm>>
        %dma_wait3A_36 = arith.constant 0 : i32
        %dma_wait3A_37 = tpu.memref_slice %arg5[%mul3A_7, %dma_wait3A_36] : memref<2560x128xi32, #tpu.memory_space<hbm>> -> memref<160x128xi32, #tpu.memory_space<hbm>>
        tpu.wait_dma2 semaphore(%run_scoped3A : memref<!tpu.dma_semaphore, #tpu.memory_space<semaphore_mem>>) src(%dma_wait3A_37 : memref<160x128xi32, #tpu.memory_space<hbm>>) dst(%arg8 : memref<160x128xi32, #tpu.memory_space<vmem>>)
        tpu.yield
      }) : () -> ()
      %dma_start3A = arith.constant 0 : i32
      %dma_start3A_8 = arith.constant 0 : i32
      %dma_start3A_9 = tpu.memref_slice %arg8[%dma_start3A, %dma_start3A_8] : memref<160x128xi32, #tpu.memory_space<vmem>> -> memref<1x128xi32, #tpu.memory_space<vmem>>
      %dma_start3A_10 = tpu.memref_squeeze %dma_start3A_9 : memref<1x128xi32, #tpu.memory_space<vmem>> -> memref<128xi32, #tpu.memory_space<vmem>>
      %dma_start3A_11 = arith.constant 0 : i32
      %dma_start3A_12 = arith.constant 0 : i32
      %dma_start3A_13 = tpu.memref_slice %arg3[%dma_start3A_11, %dma_start3A_12] : memref<12288x128xf32, #tpu.memory_space<hbm>> -> memref<12288x128xf32, #tpu.memory_space<hbm>>
      tpu.enqueue_indirect_dma source(%dma_start3A_13 : memref<12288x128xf32, #tpu.memory_space<hbm>>) target(%arg9 : memref<128x128xf32, #tpu.memory_space<vmem>>) offsets(%dma_start3A_10 : memref<128xi32, #tpu.memory_space<vmem>>) semaphore(%arg11 : memref<!tpu.dma_semaphore, #tpu.memory_space<semaphore_mem>>)
      %scan3A = arith.constant 0 : i32
      %scan3A_14 = arith.constant 0 : i32
      %scan3A_15 = arith.constant 80 : i32
      %scan3A_16 = arith.addi %scan3A_14, %scan3A_15 : i32
      %scan3A_17 = arith.constant 1 : i32
      scf.for %scan3A_30 = %scan3A_14 to %scan3A_16 step %scan3A_17  : i32 {
        %mul3A_31 = arith.constant 2 : i32
        %mul3A_32 = arith.muli %mul3A_31, %scan3A_30 : i32
        %add3A = arith.constant 1 : i32
        %add3A_33 = arith.addi %mul3A_32, %add3A : i32
        %dma_wait3A_34 = arith.constant 0 : i32
        %dma_wait3A_35 = tpu.memref_slice %arg8[%mul3A_32, %dma_wait3A_34] : memref<160x128xi32, #tpu.memory_space<vmem>> -> memref<1x128xi32, #tpu.memory_space<vmem>>
        %dma_wait3A_36 = tpu.memref_squeeze %dma_wait3A_35 : memref<1x128xi32, #tpu.memory_space<vmem>> -> memref<128xi32, #tpu.memory_space<vmem>>
        %dma_wait3A_37 = arith.constant 0 : i32
        %dma_wait3A_38 = arith.constant 0 : i32
        %dma_wait3A_39 = tpu.memref_slice %arg3[%dma_wait3A_37, %dma_wait3A_38] : memref<12288x128xf32, #tpu.memory_space<hbm>> -> memref<12288x128xf32, #tpu.memory_space<hbm>>
        tpu.wait_indirect_dma semaphore(%arg11 : memref<!tpu.dma_semaphore, #tpu.memory_space<semaphore_mem>>) src(%dma_wait3A_39 : memref<12288x128xf32, #tpu.memory_space<hbm>>) dst(%arg9 : memref<128x128xf32, #tpu.memory_space<vmem>>)
        %gt3A = arith.constant 0 : i32
        %gt3A_40 = arith.cmpi sgt, %scan3A_30, %gt3A : i32
        %convert_element_type3A_41 = arith.extui %gt3A_40 : i1 to i32
        %cond3A_42 = arith.constant 0 : i32
        %cond3A_43 = arith.cmpi ne, %convert_element_type3A_41, %cond3A_42 : i32
        scf.if %cond3A_43 {
          %dma_wait3A_74 = arith.constant 0 : i32
          %dma_wait3A_75 = arith.constant 0 : i32
          %dma_wait3A_76 = tpu.memref_slice %arg7[%dma_wait3A_74, %dma_wait3A_75] : memref<327680x128xf32, #tpu.memory_space<hbm>> -> memref<128x128xf32, #tpu.memory_space<hbm>>
          %dma_wait3A_77 = arith.constant 0 : i32
          %dma_wait3A_78 = arith.constant 0 : i32
          %dma_wait3A_79 = tpu.memref_slice %arg7[%dma_wait3A_77, %dma_wait3A_78] : memref<327680x128xf32, #tpu.memory_space<hbm>> -> memref<128x128xf32, #tpu.memory_space<hbm>>
          tpu.wait_dma2 semaphore(%arg14 : memref<!tpu.dma_semaphore, #tpu.memory_space<semaphore_mem>>) src(%arg10 : memref<128x128xf32, #tpu.memory_space<vmem>>) dst(%dma_wait3A_79 : memref<128x128xf32, #tpu.memory_space<hbm>>)
        } else {
        }
        %dma_start3A_44 = arith.constant 0 : i32
        %dma_start3A_45 = tpu.memref_slice %arg8[%add3A_33, %dma_start3A_44] : memref<160x128xi32, #tpu.memory_space<vmem>> -> memref<1x128xi32, #tpu.memory_space<vmem>>
        %dma_start3A_46 = tpu.memref_squeeze %dma_start3A_45 : memref<1x128xi32, #tpu.memory_space<vmem>> -> memref<128xi32, #tpu.memory_space<vmem>>
        %dma_start3A_47 = arith.constant 0 : i32
        %dma_start3A_48 = arith.constant 0 : i32
        %dma_start3A_49 = tpu.memref_slice %arg3[%dma_start3A_47, %dma_start3A_48] : memref<12288x128xf32, #tpu.memory_space<hbm>> -> memref<12288x128xf32, #tpu.memory_space<hbm>>
        tpu.enqueue_indirect_dma source(%dma_start3A_49 : memref<12288x128xf32, #tpu.memory_space<hbm>>) target(%arg10 : memref<128x128xf32, #tpu.memory_space<vmem>>) offsets(%dma_start3A_46 : memref<128xi32, #tpu.memory_space<vmem>>) semaphore(%arg12 : memref<!tpu.dma_semaphore, #tpu.memory_space<semaphore_mem>>)
        %add3A_50 = arith.addi %mul3A_7, %mul3A_32 : i32
        %mul3A_51 = arith.constant 128 : i32
        %mul3A_52 = arith.muli %add3A_50, %mul3A_51 : i32
        %dma_start3A_53 = arith.constant 0 : i32
        %dma_start3A_54 = tpu.memref_slice %arg7[%mul3A_52, %dma_start3A_53] : memref<327680x128xf32, #tpu.memory_space<hbm>> -> memref<128x128xf32, #tpu.memory_space<hbm>>
        %dma_start3A_55 = arith.constant 0 : i32
        %dma_start3A_56 = tpu.memref_slice %arg7[%mul3A_52, %dma_start3A_55] : memref<327680x128xf32, #tpu.memory_space<hbm>> -> memref<128x128xf32, #tpu.memory_space<hbm>>
        tpu.enqueue_dma source(%arg9 : memref<128x128xf32, #tpu.memory_space<vmem>>) target(%dma_start3A_56 : memref<128x128xf32, #tpu.memory_space<hbm>>) target_semaphore(%arg13 : memref<!tpu.dma_semaphore, #tpu.memory_space<semaphore_mem>>)
        %dma_wait3A_57 = arith.constant 0 : i32
        %dma_wait3A_58 = tpu.memref_slice %arg8[%add3A_33, %dma_wait3A_57] : memref<160x128xi32, #tpu.memory_space<vmem>> -> memref<1x128xi32, #tpu.memory_space<vmem>>
        %dma_wait3A_59 = tpu.memref_squeeze %dma_wait3A_58 : memref<1x128xi32, #tpu.memory_space<vmem>> -> memref<128xi32, #tpu.memory_space<vmem>>
        %dma_wait3A_60 = arith.constant 0 : i32
        %dma_wait3A_61 = arith.constant 0 : i32
        %dma_wait3A_62 = tpu.memref_slice %arg3[%dma_wait3A_60, %dma_wait3A_61] : memref<12288x128xf32, #tpu.memory_space<hbm>> -> memref<12288x128xf32, #tpu.memory_space<hbm>>
        tpu.wait_indirect_dma semaphore(%arg12 : memref<!tpu.dma_semaphore, #tpu.memory_space<semaphore_mem>>) src(%dma_wait3A_62 : memref<12288x128xf32, #tpu.memory_space<hbm>>) dst(%arg10 : memref<128x128xf32, #tpu.memory_space<vmem>>)
        %lt3A = arith.constant 79 : i32
        %lt3A_63 = arith.cmpi slt, %scan3A_30, %lt3A : i32
        %convert_element_type3A_64 = arith.extui %lt3A_63 : i1 to i32
        %cond3A_65 = arith.constant 0 : i32
        %cond3A_66 = arith.cmpi ne, %convert_element_type3A_64, %cond3A_65 : i32
        scf.if %cond3A_66 {
          %dma_wait3A_74 = arith.constant 0 : i32
          %dma_wait3A_75 = arith.constant 0 : i32
          %dma_wait3A_76 = tpu.memref_slice %arg7[%dma_wait3A_74, %dma_wait3A_75] : memref<327680x128xf32, #tpu.memory_space<hbm>> -> memref<128x128xf32, #tpu.memory_space<hbm>>
          %dma_wait3A_77 = arith.constant 0 : i32
          %dma_wait3A_78 = arith.constant 0 : i32
          %dma_wait3A_79 = tpu.memref_slice %arg7[%dma_wait3A_77, %dma_wait3A_78] : memref<327680x128xf32, #tpu.memory_space<hbm>> -> memref<128x128xf32, #tpu.memory_space<hbm>>
          tpu.wait_dma2 semaphore(%arg13 : memref<!tpu.dma_semaphore, #tpu.memory_space<semaphore_mem>>) src(%arg9 : memref<128x128xf32, #tpu.memory_space<vmem>>) dst(%dma_wait3A_79 : memref<128x128xf32, #tpu.memory_space<hbm>>)
          %add3A_80 = arith.constant 2 : i32
          %add3A_81 = arith.addi %mul3A_32, %add3A_80 : i32
          %dma_start3A_82 = arith.constant 0 : i32
          %dma_start3A_83 = tpu.memref_slice %arg8[%add3A_81, %dma_start3A_82] : memref<160x128xi32, #tpu.memory_space<vmem>> -> memref<1x128xi32, #tpu.memory_space<vmem>>
          %dma_start3A_84 = tpu.memref_squeeze %dma_start3A_83 : memref<1x128xi32, #tpu.memory_space<vmem>> -> memref<128xi32, #tpu.memory_space<vmem>>
          %dma_start3A_85 = arith.constant 0 : i32
          %dma_start3A_86 = arith.constant 0 : i32
          %dma_start3A_87 = tpu.memref_slice %arg3[%dma_start3A_85, %dma_start3A_86] : memref<12288x128xf32, #tpu.memory_space<hbm>> -> memref<12288x128xf32, #tpu.memory_space<hbm>>
          tpu.enqueue_indirect_dma source(%dma_start3A_87 : memref<12288x128xf32, #tpu.memory_space<hbm>>) target(%arg9 : memref<128x128xf32, #tpu.memory_space<vmem>>) offsets(%dma_start3A_84 : memref<128xi32, #tpu.memory_space<vmem>>) semaphore(%arg11 : memref<!tpu.dma_semaphore, #tpu.memory_space<semaphore_mem>>)
        } else {
        }
        %add3A_67 = arith.addi %mul3A_7, %add3A_33 : i32
        %mul3A_68 = arith.constant 128 : i32
        %mul3A_69 = arith.muli %add3A_67, %mul3A_68 : i32
        %dma_start3A_70 = arith.constant 0 : i32
        %dma_start3A_71 = tpu.memref_slice %arg7[%mul3A_69, %dma_start3A_70] : memref<327680x128xf32, #tpu.memory_space<hbm>> -> memref<128x128xf32, #tpu.memory_space<hbm>>
        %dma_start3A_72 = arith.constant 0 : i32
        %dma_start3A_73 = tpu.memref_slice %arg7[%mul3A_69, %dma_start3A_72] : memref<327680x128xf32, #tpu.memory_space<hbm>> -> memref<128x128xf32, #tpu.memory_space<hbm>>
        tpu.enqueue_dma source(%arg10 : memref<128x128xf32, #tpu.memory_space<vmem>>) target(%dma_start3A_73 : memref<128x128xf32, #tpu.memory_space<hbm>>) target_semaphore(%arg14 : memref<!tpu.dma_semaphore, #tpu.memory_space<semaphore_mem>>)
      }
      %scan3A_18 = arith.constant 80 : i32
      %dma_wait3A = arith.constant 0 : i32
      %dma_wait3A_19 = arith.constant 0 : i32
      %dma_wait3A_20 = tpu.memref_slice %arg7[%dma_wait3A, %dma_wait3A_19] : memref<327680x128xf32, #tpu.memory_space<hbm>> -> memref<128x128xf32, #tpu.memory_space<hbm>>
      %dma_wait3A_21 = arith.constant 0 : i32
      %dma_wait3A_22 = arith.constant 0 : i32
      %dma_wait3A_23 = tpu.memref_slice %arg7[%dma_wait3A_21, %dma_wait3A_22] : memref<327680x128xf32, #tpu.memory_space<hbm>> -> memref<128x128xf32, #tpu.memory_space<hbm>>
      tpu.wait_dma2 semaphore(%arg13 : memref<!tpu.dma_semaphore, #tpu.memory_space<semaphore_mem>>) src(%arg9 : memref<128x128xf32, #tpu.memory_space<vmem>>) dst(%dma_wait3A_23 : memref<128x128xf32, #tpu.memory_space<hbm>>)
      %dma_wait3A_24 = arith.constant 0 : i32
      %dma_wait3A_25 = arith.constant 0 : i32
      %dma_wait3A_26 = tpu.memref_slice %arg7[%dma_wait3A_24, %dma_wait3A_25] : memref<327680x128xf32, #tpu.memory_space<hbm>> -> memref<128x128xf32, #tpu.memory_space<hbm>>
      %dma_wait3A_27 = arith.constant 0 : i32
      %dma_wait3A_28 = arith.constant 0 : i32
      %dma_wait3A_29 = tpu.memref_slice %arg7[%dma_wait3A_27, %dma_wait3A_28] : memref<327680x128xf32, #tpu.memory_space<hbm>> -> memref<128x128xf32, #tpu.memory_space<hbm>>
      tpu.wait_dma2 semaphore(%arg14 : memref<!tpu.dma_semaphore, #tpu.memory_space<semaphore_mem>>) src(%arg10 : memref<128x128xf32, #tpu.memory_space<vmem>>) dst(%dma_wait3A_29 : memref<128x128xf32, #tpu.memory_space<hbm>>)
    } else {
    }
    return
  }
}

#map = affine_map<(d0, d1) -> (0, 0)>
module attributes {stable_mosaic.version = 14 : i64} {
  func.func @_agg_body(%arg0: i32, %arg1: i32, %arg2: memref<327680x128xf32, #tpu.memory_space<hbm>>, %arg3: memref<2560x128xi32, #tpu.memory_space<hbm>>, %arg4: memref<768x64xf32, #tpu.memory_space<hbm>>, %arg5: memref<12288x128xf32, #tpu.memory_space<hbm>>, %arg6: memref<12288x64xf32, #tpu.memory_space<vmem_shared>>, %arg7: memref<768x64xf32, #tpu.memory_space<vmem>>, %arg8: memref<128x64xf32, #tpu.memory_space<vmem>>, %arg9: memref<128x64xf32, #tpu.memory_space<vmem>>, %arg10: memref<128xi32, #tpu.memory_space<vmem>>, %arg11: memref<128xi32, #tpu.memory_space<vmem>>, %arg12: memref<!tpu.dma_semaphore, #tpu.memory_space<semaphore_mem>>, %arg13: memref<!tpu.dma_semaphore, #tpu.memory_space<semaphore_mem>>, %arg14: memref<!tpu.dma_semaphore, #tpu.memory_space<semaphore_mem>>, %arg15: memref<!tpu.dma_semaphore, #tpu.memory_space<semaphore_mem>>) attributes {dimension_semantics = [#tpu.dimension_semantics<core_parallel>, #tpu.dimension_semantics<subcore_parallel>], iteration_bounds = array<i64: 2, 16>, scalar_prefetch = 0 : i64, scratch_operands = 10 : i64, tpu.core_type = #tpu.core_type<sc_vector_subcore>, window_params = [{transform_indices = #map}, {transform_indices = #map}, {transform_indices = #map}, {transform_indices = #map}]} {
    %mul3A = arith.constant 64 : i32
    %mul3A_0 = arith.muli %arg0, %mul3A : i32
    "tpu.region"() ({
      %run_scoped3A = tpu.sem_alloc : memref<!tpu.dma_semaphore, #tpu.memory_space<semaphore_mem>>
      tpu.enqueue_dma source(%arg4 : memref<768x64xf32, #tpu.memory_space<hbm>>) target(%arg7 : memref<768x64xf32, #tpu.memory_space<vmem>>) target_semaphore(%run_scoped3A : memref<!tpu.dma_semaphore, #tpu.memory_space<semaphore_mem>>)
      tpu.wait_dma2 semaphore(%run_scoped3A : memref<!tpu.dma_semaphore, #tpu.memory_space<semaphore_mem>>) src(%arg4 : memref<768x64xf32, #tpu.memory_space<hbm>>) dst(%arg7 : memref<768x64xf32, #tpu.memory_space<vmem>>)
      tpu.yield
    }) : () -> ()
    %mul3A_1 = arith.constant 768 : i32
    %mul3A_2 = arith.muli %arg1, %mul3A_1 : i32
    "tpu.region"() ({
      %run_scoped3A = tpu.sem_alloc : memref<!tpu.dma_semaphore, #tpu.memory_space<semaphore_mem>>
      %dma_start3A_29 = arith.constant 0 : i32
      %dma_start3A_30 = tpu.memref_slice %arg6[%mul3A_2, %dma_start3A_29] : memref<12288x64xf32, #tpu.memory_space<vmem_shared>> -> memref<768x64xf32, #tpu.memory_space<vmem_shared>>
      %dma_start3A_31 = arith.constant 0 : i32
      %dma_start3A_32 = tpu.memref_slice %arg6[%mul3A_2, %dma_start3A_31] : memref<12288x64xf32, #tpu.memory_space<vmem_shared>> -> memref<768x64xf32, #tpu.memory_space<vmem_shared>>
      tpu.enqueue_dma source(%arg7 : memref<768x64xf32, #tpu.memory_space<vmem>>) target(%dma_start3A_32 : memref<768x64xf32, #tpu.memory_space<vmem_shared>>) target_semaphore(%run_scoped3A : memref<!tpu.dma_semaphore, #tpu.memory_space<semaphore_mem>>)
      %dma_wait3A_33 = arith.constant 0 : i32
      %dma_wait3A_34 = tpu.memref_slice %arg6[%mul3A_2, %dma_wait3A_33] : memref<12288x64xf32, #tpu.memory_space<vmem_shared>> -> memref<768x64xf32, #tpu.memory_space<vmem_shared>>
      %dma_wait3A_35 = arith.constant 0 : i32
      %dma_wait3A_36 = tpu.memref_slice %arg6[%mul3A_2, %dma_wait3A_35] : memref<12288x64xf32, #tpu.memory_space<vmem_shared>> -> memref<768x64xf32, #tpu.memory_space<vmem_shared>>
      tpu.wait_dma2 semaphore(%run_scoped3A : memref<!tpu.dma_semaphore, #tpu.memory_space<semaphore_mem>>) src(%arg7 : memref<768x64xf32, #tpu.memory_space<vmem>>) dst(%dma_wait3A_36 : memref<768x64xf32, #tpu.memory_space<vmem_shared>>)
      tpu.yield
    }) : () -> ()
    %barrier3A = arith.constant 0 : index
    tpu.barrier barrier_id(%barrier3A)
    %mul3A_3 = arith.constant 160 : i32
    %mul3A_4 = arith.muli %arg1, %mul3A_3 : i32
    %dma_start3A = arith.constant 0 : i32
    %dma_start3A_5 = tpu.memref_slice %arg3[%mul3A_4, %dma_start3A] : memref<2560x128xi32, #tpu.memory_space<hbm>> -> memref<1x128xi32, #tpu.memory_space<hbm>>
    %dma_start3A_6 = tpu.memref_squeeze %dma_start3A_5 : memref<1x128xi32, #tpu.memory_space<hbm>> -> memref<128xi32, #tpu.memory_space<hbm>>
    %dma_start3A_7 = arith.constant 0 : i32
    %dma_start3A_8 = tpu.memref_slice %arg3[%mul3A_4, %dma_start3A_7] : memref<2560x128xi32, #tpu.memory_space<hbm>> -> memref<1x128xi32, #tpu.memory_space<hbm>>
    %dma_start3A_9 = tpu.memref_squeeze %dma_start3A_8 : memref<1x128xi32, #tpu.memory_space<hbm>> -> memref<128xi32, #tpu.memory_space<hbm>>
    tpu.enqueue_dma source(%dma_start3A_9 : memref<128xi32, #tpu.memory_space<hbm>>) target(%arg10 : memref<128xi32, #tpu.memory_space<vmem>>) target_semaphore(%arg12 : memref<!tpu.dma_semaphore, #tpu.memory_space<semaphore_mem>>)
    %mul3A_10 = arith.constant 128 : i32
    %mul3A_11 = arith.muli %mul3A_4, %mul3A_10 : i32
    %dma_start3A_12 = tpu.memref_slice %arg2[%mul3A_11, %mul3A_0] : memref<327680x128xf32, #tpu.memory_space<hbm>> -> memref<128x64xf32, #tpu.memory_space<hbm>>
    %dma_start3A_13 = tpu.memref_slice %arg2[%mul3A_11, %mul3A_0] : memref<327680x128xf32, #tpu.memory_space<hbm>> -> memref<128x64xf32, #tpu.memory_space<hbm>>
    tpu.enqueue_dma source(%dma_start3A_13 : memref<128x64xf32, #tpu.memory_space<hbm>>) target(%arg8 : memref<128x64xf32, #tpu.memory_space<vmem>>) target_semaphore(%arg12 : memref<!tpu.dma_semaphore, #tpu.memory_space<semaphore_mem>>)
    %scan3A = arith.constant 0 : i32
    %scan3A_14 = arith.constant 0 : i32
    %scan3A_15 = arith.constant 80 : i32
    %scan3A_16 = arith.addi %scan3A_14, %scan3A_15 : i32
    %scan3A_17 = arith.constant 1 : i32
    scf.for %scan3A_29 = %scan3A_14 to %scan3A_16 step %scan3A_17  : i32 {
      %mul3A_30 = arith.constant 2 : i32
      %mul3A_31 = arith.muli %mul3A_30, %scan3A_29 : i32
      %add3A = arith.addi %mul3A_4, %mul3A_31 : i32
      %add3A_32 = arith.constant 1 : i32
      %add3A_33 = arith.addi %add3A, %add3A_32 : i32
      %dma_wait3A_34 = arith.constant 0 : i32
      %dma_wait3A_35 = tpu.memref_slice %arg3[%add3A, %dma_wait3A_34] : memref<2560x128xi32, #tpu.memory_space<hbm>> -> memref<1x128xi32, #tpu.memory_space<hbm>>
      %dma_wait3A_36 = tpu.memref_squeeze %dma_wait3A_35 : memref<1x128xi32, #tpu.memory_space<hbm>> -> memref<128xi32, #tpu.memory_space<hbm>>
      %dma_wait3A_37 = arith.constant 0 : i32
      %dma_wait3A_38 = tpu.memref_slice %arg3[%add3A, %dma_wait3A_37] : memref<2560x128xi32, #tpu.memory_space<hbm>> -> memref<1x128xi32, #tpu.memory_space<hbm>>
      %dma_wait3A_39 = tpu.memref_squeeze %dma_wait3A_38 : memref<1x128xi32, #tpu.memory_space<hbm>> -> memref<128xi32, #tpu.memory_space<hbm>>
      tpu.wait_dma2 semaphore(%arg12 : memref<!tpu.dma_semaphore, #tpu.memory_space<semaphore_mem>>) src(%dma_wait3A_39 : memref<128xi32, #tpu.memory_space<hbm>>) dst(%arg10 : memref<128xi32, #tpu.memory_space<vmem>>)
      %mul3A_40 = arith.constant 128 : i32
      %mul3A_41 = arith.muli %add3A, %mul3A_40 : i32
      %dma_wait3A_42 = tpu.memref_slice %arg2[%mul3A_41, %mul3A_0] : memref<327680x128xf32, #tpu.memory_space<hbm>> -> memref<128x64xf32, #tpu.memory_space<hbm>>
      %dma_wait3A_43 = tpu.memref_slice %arg2[%mul3A_41, %mul3A_0] : memref<327680x128xf32, #tpu.memory_space<hbm>> -> memref<128x64xf32, #tpu.memory_space<hbm>>
      tpu.wait_dma2 semaphore(%arg12 : memref<!tpu.dma_semaphore, #tpu.memory_space<semaphore_mem>>) src(%dma_wait3A_43 : memref<128x64xf32, #tpu.memory_space<hbm>>) dst(%arg8 : memref<128x64xf32, #tpu.memory_space<vmem>>)
      %gt3A = arith.constant 0 : i32
      %gt3A_44 = arith.cmpi sgt, %scan3A_29, %gt3A : i32
      %convert_element_type3A = arith.extui %gt3A_44 : i1 to i32
      %cond3A = arith.constant 0 : i32
      %cond3A_45 = arith.cmpi ne, %convert_element_type3A, %cond3A : i32
      scf.if %cond3A_45 {
        %dma_wait3A_76 = arith.constant 0 : i32
        %dma_wait3A_77 = arith.constant 0 : i32
        %dma_wait3A_78 = tpu.memref_slice %arg6[%dma_wait3A_76, %dma_wait3A_77] : memref<12288x64xf32, #tpu.memory_space<vmem_shared>> -> memref<12288x64xf32, #tpu.memory_space<vmem_shared>>
        tpu.wait_indirect_dma semaphore(%arg15 : memref<!tpu.dma_semaphore, #tpu.memory_space<semaphore_mem>>) src(%arg9 : memref<128x64xf32, #tpu.memory_space<vmem>>) dst(%dma_wait3A_78 : memref<12288x64xf32, #tpu.memory_space<vmem_shared>>)
      } else {
      }
      %dma_start3A_46 = arith.constant 0 : i32
      %dma_start3A_47 = tpu.memref_slice %arg3[%add3A_33, %dma_start3A_46] : memref<2560x128xi32, #tpu.memory_space<hbm>> -> memref<1x128xi32, #tpu.memory_space<hbm>>
      %dma_start3A_48 = tpu.memref_squeeze %dma_start3A_47 : memref<1x128xi32, #tpu.memory_space<hbm>> -> memref<128xi32, #tpu.memory_space<hbm>>
      %dma_start3A_49 = arith.constant 0 : i32
      %dma_start3A_50 = tpu.memref_slice %arg3[%add3A_33, %dma_start3A_49] : memref<2560x128xi32, #tpu.memory_space<hbm>> -> memref<1x128xi32, #tpu.memory_space<hbm>>
      %dma_start3A_51 = tpu.memref_squeeze %dma_start3A_50 : memref<1x128xi32, #tpu.memory_space<hbm>> -> memref<128xi32, #tpu.memory_space<hbm>>
      tpu.enqueue_dma source(%dma_start3A_51 : memref<128xi32, #tpu.memory_space<hbm>>) target(%arg11 : memref<128xi32, #tpu.memory_space<vmem>>) target_semaphore(%arg13 : memref<!tpu.dma_semaphore, #tpu.memory_space<semaphore_mem>>)
      %mul3A_52 = arith.constant 128 : i32
      %mul3A_53 = arith.muli %add3A_33, %mul3A_52 : i32
      %dma_start3A_54 = tpu.memref_slice %arg2[%mul3A_53, %mul3A_0] : memref<327680x128xf32, #tpu.memory_space<hbm>> -> memref<128x64xf32, #tpu.memory_space<hbm>>
      %dma_start3A_55 = tpu.memref_slice %arg2[%mul3A_53, %mul3A_0] : memref<327680x128xf32, #tpu.memory_space<hbm>> -> memref<128x64xf32, #tpu.memory_space<hbm>>
      tpu.enqueue_dma source(%dma_start3A_55 : memref<128x64xf32, #tpu.memory_space<hbm>>) target(%arg9 : memref<128x64xf32, #tpu.memory_space<vmem>>) target_semaphore(%arg13 : memref<!tpu.dma_semaphore, #tpu.memory_space<semaphore_mem>>)
      %dma_start3A_56 = arith.constant 0 : i32
      %dma_start3A_57 = arith.constant 0 : i32
      %dma_start3A_58 = tpu.memref_slice %arg6[%dma_start3A_56, %dma_start3A_57] : memref<12288x64xf32, #tpu.memory_space<vmem_shared>> -> memref<12288x64xf32, #tpu.memory_space<vmem_shared>>
      tpu.enqueue_indirect_dma source(%arg8 : memref<128x64xf32, #tpu.memory_space<vmem>>) target(%dma_start3A_58 : memref<12288x64xf32, #tpu.memory_space<vmem_shared>>) offsets(%arg10 : memref<128xi32, #tpu.memory_space<vmem>>) semaphore(%arg14 : memref<!tpu.dma_semaphore, #tpu.memory_space<semaphore_mem>>) {add = true}
      %dma_wait3A_59 = arith.constant 0 : i32
      %dma_wait3A_60 = tpu.memref_slice %arg3[%add3A_33, %dma_wait3A_59] : memref<2560x128xi32, #tpu.memory_space<hbm>> -> memref<1x128xi32, #tpu.memory_space<hbm>>
      %dma_wait3A_61 = tpu.memref_squeeze %dma_wait3A_60 : memref<1x128xi32, #tpu.memory_space<hbm>> -> memref<128xi32, #tpu.memory_space<hbm>>
      %dma_wait3A_62 = arith.constant 0 : i32
      %dma_wait3A_63 = tpu.memref_slice %arg3[%add3A_33, %dma_wait3A_62] : memref<2560x128xi32, #tpu.memory_space<hbm>> -> memref<1x128xi32, #tpu.memory_space<hbm>>
      %dma_wait3A_64 = tpu.memref_squeeze %dma_wait3A_63 : memref<1x128xi32, #tpu.memory_space<hbm>> -> memref<128xi32, #tpu.memory_space<hbm>>
      tpu.wait_dma2 semaphore(%arg13 : memref<!tpu.dma_semaphore, #tpu.memory_space<semaphore_mem>>) src(%dma_wait3A_64 : memref<128xi32, #tpu.memory_space<hbm>>) dst(%arg11 : memref<128xi32, #tpu.memory_space<vmem>>)
      %mul3A_65 = arith.constant 128 : i32
      %mul3A_66 = arith.muli %add3A_33, %mul3A_65 : i32
      %dma_wait3A_67 = tpu.memref_slice %arg2[%mul3A_66, %mul3A_0] : memref<327680x128xf32, #tpu.memory_space<hbm>> -> memref<128x64xf32, #tpu.memory_space<hbm>>
      %dma_wait3A_68 = tpu.memref_slice %arg2[%mul3A_66, %mul3A_0] : memref<327680x128xf32, #tpu.memory_space<hbm>> -> memref<128x64xf32, #tpu.memory_space<hbm>>
      tpu.wait_dma2 semaphore(%arg13 : memref<!tpu.dma_semaphore, #tpu.memory_space<semaphore_mem>>) src(%dma_wait3A_68 : memref<128x64xf32, #tpu.memory_space<hbm>>) dst(%arg9 : memref<128x64xf32, #tpu.memory_space<vmem>>)
      %lt3A = arith.constant 79 : i32
      %lt3A_69 = arith.cmpi slt, %scan3A_29, %lt3A : i32
      %convert_element_type3A_70 = arith.extui %lt3A_69 : i1 to i32
      %cond3A_71 = arith.constant 0 : i32
      %cond3A_72 = arith.cmpi ne, %convert_element_type3A_70, %cond3A_71 : i32
      scf.if %cond3A_72 {
        %dma_wait3A_76 = arith.constant 0 : i32
        %dma_wait3A_77 = arith.constant 0 : i32
        %dma_wait3A_78 = tpu.memref_slice %arg6[%dma_wait3A_76, %dma_wait3A_77] : memref<12288x64xf32, #tpu.memory_space<vmem_shared>> -> memref<12288x64xf32, #tpu.memory_space<vmem_shared>>
        tpu.wait_indirect_dma semaphore(%arg14 : memref<!tpu.dma_semaphore, #tpu.memory_space<semaphore_mem>>) src(%arg8 : memref<128x64xf32, #tpu.memory_space<vmem>>) dst(%dma_wait3A_78 : memref<12288x64xf32, #tpu.memory_space<vmem_shared>>)
        %add3A_79 = arith.constant 2 : i32
        %add3A_80 = arith.addi %add3A, %add3A_79 : i32
        %dma_start3A_81 = arith.constant 0 : i32
        %dma_start3A_82 = tpu.memref_slice %arg3[%add3A_80, %dma_start3A_81] : memref<2560x128xi32, #tpu.memory_space<hbm>> -> memref<1x128xi32, #tpu.memory_space<hbm>>
        %dma_start3A_83 = tpu.memref_squeeze %dma_start3A_82 : memref<1x128xi32, #tpu.memory_space<hbm>> -> memref<128xi32, #tpu.memory_space<hbm>>
        %dma_start3A_84 = arith.constant 0 : i32
        %dma_start3A_85 = tpu.memref_slice %arg3[%add3A_80, %dma_start3A_84] : memref<2560x128xi32, #tpu.memory_space<hbm>> -> memref<1x128xi32, #tpu.memory_space<hbm>>
        %dma_start3A_86 = tpu.memref_squeeze %dma_start3A_85 : memref<1x128xi32, #tpu.memory_space<hbm>> -> memref<128xi32, #tpu.memory_space<hbm>>
        tpu.enqueue_dma source(%dma_start3A_86 : memref<128xi32, #tpu.memory_space<hbm>>) target(%arg10 : memref<128xi32, #tpu.memory_space<vmem>>) target_semaphore(%arg12 : memref<!tpu.dma_semaphore, #tpu.memory_space<semaphore_mem>>)
        %mul3A_87 = arith.constant 128 : i32
        %mul3A_88 = arith.muli %add3A_80, %mul3A_87 : i32
        %dma_start3A_89 = tpu.memref_slice %arg2[%mul3A_88, %mul3A_0] : memref<327680x128xf32, #tpu.memory_space<hbm>> -> memref<128x64xf32, #tpu.memory_space<hbm>>
        %dma_start3A_90 = tpu.memref_slice %arg2[%mul3A_88, %mul3A_0] : memref<327680x128xf32, #tpu.memory_space<hbm>> -> memref<128x64xf32, #tpu.memory_space<hbm>>
        tpu.enqueue_dma source(%dma_start3A_90 : memref<128x64xf32, #tpu.memory_space<hbm>>) target(%arg8 : memref<128x64xf32, #tpu.memory_space<vmem>>) target_semaphore(%arg12 : memref<!tpu.dma_semaphore, #tpu.memory_space<semaphore_mem>>)
      } else {
      }
      %dma_start3A_73 = arith.constant 0 : i32
      %dma_start3A_74 = arith.constant 0 : i32
      %dma_start3A_75 = tpu.memref_slice %arg6[%dma_start3A_73, %dma_start3A_74] : memref<12288x64xf32, #tpu.memory_space<vmem_shared>> -> memref<12288x64xf32, #tpu.memory_space<vmem_shared>>
      tpu.enqueue_indirect_dma source(%arg9 : memref<128x64xf32, #tpu.memory_space<vmem>>) target(%dma_start3A_75 : memref<12288x64xf32, #tpu.memory_space<vmem_shared>>) offsets(%arg11 : memref<128xi32, #tpu.memory_space<vmem>>) semaphore(%arg15 : memref<!tpu.dma_semaphore, #tpu.memory_space<semaphore_mem>>) {add = true}
    }
    %scan3A_18 = arith.constant 80 : i32
    %dma_wait3A = arith.constant 0 : i32
    %dma_wait3A_19 = arith.constant 0 : i32
    %dma_wait3A_20 = tpu.memref_slice %arg6[%dma_wait3A, %dma_wait3A_19] : memref<12288x64xf32, #tpu.memory_space<vmem_shared>> -> memref<12288x64xf32, #tpu.memory_space<vmem_shared>>
    tpu.wait_indirect_dma semaphore(%arg14 : memref<!tpu.dma_semaphore, #tpu.memory_space<semaphore_mem>>) src(%arg8 : memref<128x64xf32, #tpu.memory_space<vmem>>) dst(%dma_wait3A_20 : memref<12288x64xf32, #tpu.memory_space<vmem_shared>>)
    %dma_wait3A_21 = arith.constant 0 : i32
    %dma_wait3A_22 = arith.constant 0 : i32
    %dma_wait3A_23 = tpu.memref_slice %arg6[%dma_wait3A_21, %dma_wait3A_22] : memref<12288x64xf32, #tpu.memory_space<vmem_shared>> -> memref<12288x64xf32, #tpu.memory_space<vmem_shared>>
    tpu.wait_indirect_dma semaphore(%arg15 : memref<!tpu.dma_semaphore, #tpu.memory_space<semaphore_mem>>) src(%arg9 : memref<128x64xf32, #tpu.memory_space<vmem>>) dst(%dma_wait3A_23 : memref<12288x64xf32, #tpu.memory_space<vmem_shared>>)
    %barrier3A_24 = arith.constant 0 : index
    tpu.barrier barrier_id(%barrier3A_24)
    %mul3A_25 = arith.constant 768 : i32
    %mul3A_26 = arith.muli %arg1, %mul3A_25 : i32
    "tpu.region"() ({
      %run_scoped3A = tpu.sem_alloc : memref<!tpu.dma_semaphore, #tpu.memory_space<semaphore_mem>>
      %dma_start3A_29 = arith.constant 0 : i32
      %dma_start3A_30 = tpu.memref_slice %arg6[%mul3A_26, %dma_start3A_29] : memref<12288x64xf32, #tpu.memory_space<vmem_shared>> -> memref<768x64xf32, #tpu.memory_space<vmem_shared>>
      %dma_start3A_31 = arith.constant 0 : i32
      %dma_start3A_32 = tpu.memref_slice %arg6[%mul3A_26, %dma_start3A_31] : memref<12288x64xf32, #tpu.memory_space<vmem_shared>> -> memref<768x64xf32, #tpu.memory_space<vmem_shared>>
      tpu.enqueue_dma source(%dma_start3A_32 : memref<768x64xf32, #tpu.memory_space<vmem_shared>>) target(%arg7 : memref<768x64xf32, #tpu.memory_space<vmem>>) target_semaphore(%run_scoped3A : memref<!tpu.dma_semaphore, #tpu.memory_space<semaphore_mem>>)
      %dma_wait3A_33 = arith.constant 0 : i32
      %dma_wait3A_34 = tpu.memref_slice %arg6[%mul3A_26, %dma_wait3A_33] : memref<12288x64xf32, #tpu.memory_space<vmem_shared>> -> memref<768x64xf32, #tpu.memory_space<vmem_shared>>
      %dma_wait3A_35 = arith.constant 0 : i32
      %dma_wait3A_36 = tpu.memref_slice %arg6[%mul3A_26, %dma_wait3A_35] : memref<12288x64xf32, #tpu.memory_space<vmem_shared>> -> memref<768x64xf32, #tpu.memory_space<vmem_shared>>
      tpu.wait_dma2 semaphore(%run_scoped3A : memref<!tpu.dma_semaphore, #tpu.memory_space<semaphore_mem>>) src(%dma_wait3A_36 : memref<768x64xf32, #tpu.memory_space<vmem_shared>>) dst(%arg7 : memref<768x64xf32, #tpu.memory_space<vmem>>)
      tpu.yield
    }) : () -> ()
    %mul3A_27 = arith.constant 768 : i32
    %mul3A_28 = arith.muli %arg1, %mul3A_27 : i32
    "tpu.region"() ({
      %run_scoped3A = tpu.sem_alloc : memref<!tpu.dma_semaphore, #tpu.memory_space<semaphore_mem>>
      %dma_start3A_29 = tpu.memref_slice %arg5[%mul3A_28, %mul3A_0] : memref<12288x128xf32, #tpu.memory_space<hbm>> -> memref<768x64xf32, #tpu.memory_space<hbm>>
      %dma_start3A_30 = tpu.memref_slice %arg5[%mul3A_28, %mul3A_0] : memref<12288x128xf32, #tpu.memory_space<hbm>> -> memref<768x64xf32, #tpu.memory_space<hbm>>
      tpu.enqueue_dma source(%arg7 : memref<768x64xf32, #tpu.memory_space<vmem>>) target(%dma_start3A_30 : memref<768x64xf32, #tpu.memory_space<hbm>>) target_semaphore(%run_scoped3A : memref<!tpu.dma_semaphore, #tpu.memory_space<semaphore_mem>>)
      %dma_wait3A_31 = tpu.memref_slice %arg5[%mul3A_28, %mul3A_0] : memref<12288x128xf32, #tpu.memory_space<hbm>> -> memref<768x64xf32, #tpu.memory_space<hbm>>
      %dma_wait3A_32 = tpu.memref_slice %arg5[%mul3A_28, %mul3A_0] : memref<12288x128xf32, #tpu.memory_space<hbm>> -> memref<768x64xf32, #tpu.memory_space<hbm>>
      tpu.wait_dma2 semaphore(%run_scoped3A : memref<!tpu.dma_semaphore, #tpu.memory_space<semaphore_mem>>) src(%arg7 : memref<768x64xf32, #tpu.memory_space<vmem>>) dst(%dma_wait3A_32 : memref<768x64xf32, #tpu.memory_space<hbm>>)
      tpu.yield
    }) : () -> ()
    return
  }
}

#map = affine_map<(d0, d1) -> (0, 0)>
module attributes {stable_mosaic.version = 14 : i64} {
  func.func @_agg_body(%arg0: i32, %arg1: i32, %arg2: memref<327680x128xf32, #tpu.memory_space<hbm>>, %arg3: memref<2560x128xi32, #tpu.memory_space<hbm>>, %arg4: memref<768x64xf32, #tpu.memory_space<hbm>>, %arg5: memref<12288x128xf32, #tpu.memory_space<hbm>>, %arg6: memref<12288x64xf32, #tpu.memory_space<vmem_shared>>, %arg7: memref<768x64xf32, #tpu.memory_space<vmem>>, %arg8: memref<128x64xf32, #tpu.memory_space<vmem>>, %arg9: memref<128x64xf32, #tpu.memory_space<vmem>>, %arg10: memref<128xi32, #tpu.memory_space<vmem>>, %arg11: memref<128xi32, #tpu.memory_space<vmem>>, %arg12: memref<!tpu.dma_semaphore, #tpu.memory_space<semaphore_mem>>, %arg13: memref<!tpu.dma_semaphore, #tpu.memory_space<semaphore_mem>>, %arg14: memref<!tpu.dma_semaphore, #tpu.memory_space<semaphore_mem>>, %arg15: memref<!tpu.dma_semaphore, #tpu.memory_space<semaphore_mem>>) attributes {dimension_semantics = [#tpu.dimension_semantics<core_parallel>, #tpu.dimension_semantics<subcore_parallel>], iteration_bounds = array<i64: 2, 16>, scalar_prefetch = 0 : i64, scratch_operands = 10 : i64, tpu.core_type = #tpu.core_type<sc_vector_subcore>, window_params = [{transform_indices = #map}, {transform_indices = #map}, {transform_indices = #map}, {transform_indices = #map}]} {
    %mul3A = arith.constant 64 : i32
    %mul3A_0 = arith.muli %arg0, %mul3A : i32
    "tpu.region"() ({
      %run_scoped3A = tpu.sem_alloc : memref<!tpu.dma_semaphore, #tpu.memory_space<semaphore_mem>>
      tpu.enqueue_dma source(%arg4 : memref<768x64xf32, #tpu.memory_space<hbm>>) target(%arg7 : memref<768x64xf32, #tpu.memory_space<vmem>>) target_semaphore(%run_scoped3A : memref<!tpu.dma_semaphore, #tpu.memory_space<semaphore_mem>>)
      tpu.wait_dma2 semaphore(%run_scoped3A : memref<!tpu.dma_semaphore, #tpu.memory_space<semaphore_mem>>) src(%arg4 : memref<768x64xf32, #tpu.memory_space<hbm>>) dst(%arg7 : memref<768x64xf32, #tpu.memory_space<vmem>>)
      tpu.yield
    }) : () -> ()
    %mul3A_1 = arith.constant 768 : i32
    %mul3A_2 = arith.muli %arg1, %mul3A_1 : i32
    "tpu.region"() ({
      %run_scoped3A = tpu.sem_alloc : memref<!tpu.dma_semaphore, #tpu.memory_space<semaphore_mem>>
      %dma_start3A_29 = arith.constant 0 : i32
      %dma_start3A_30 = tpu.memref_slice %arg6[%mul3A_2, %dma_start3A_29] : memref<12288x64xf32, #tpu.memory_space<vmem_shared>> -> memref<768x64xf32, #tpu.memory_space<vmem_shared>>
      %dma_start3A_31 = arith.constant 0 : i32
      %dma_start3A_32 = tpu.memref_slice %arg6[%mul3A_2, %dma_start3A_31] : memref<12288x64xf32, #tpu.memory_space<vmem_shared>> -> memref<768x64xf32, #tpu.memory_space<vmem_shared>>
      tpu.enqueue_dma source(%arg7 : memref<768x64xf32, #tpu.memory_space<vmem>>) target(%dma_start3A_32 : memref<768x64xf32, #tpu.memory_space<vmem_shared>>) target_semaphore(%run_scoped3A : memref<!tpu.dma_semaphore, #tpu.memory_space<semaphore_mem>>)
      %dma_wait3A_33 = arith.constant 0 : i32
      %dma_wait3A_34 = tpu.memref_slice %arg6[%mul3A_2, %dma_wait3A_33] : memref<12288x64xf32, #tpu.memory_space<vmem_shared>> -> memref<768x64xf32, #tpu.memory_space<vmem_shared>>
      %dma_wait3A_35 = arith.constant 0 : i32
      %dma_wait3A_36 = tpu.memref_slice %arg6[%mul3A_2, %dma_wait3A_35] : memref<12288x64xf32, #tpu.memory_space<vmem_shared>> -> memref<768x64xf32, #tpu.memory_space<vmem_shared>>
      tpu.wait_dma2 semaphore(%run_scoped3A : memref<!tpu.dma_semaphore, #tpu.memory_space<semaphore_mem>>) src(%arg7 : memref<768x64xf32, #tpu.memory_space<vmem>>) dst(%dma_wait3A_36 : memref<768x64xf32, #tpu.memory_space<vmem_shared>>)
      tpu.yield
    }) : () -> ()
    %barrier3A = arith.constant 0 : index
    tpu.barrier barrier_id(%barrier3A)
    %mul3A_3 = arith.constant 160 : i32
    %mul3A_4 = arith.muli %arg1, %mul3A_3 : i32
    %dma_start3A = arith.constant 0 : i32
    %dma_start3A_5 = tpu.memref_slice %arg3[%mul3A_4, %dma_start3A] : memref<2560x128xi32, #tpu.memory_space<hbm>> -> memref<1x128xi32, #tpu.memory_space<hbm>>
    %dma_start3A_6 = tpu.memref_squeeze %dma_start3A_5 : memref<1x128xi32, #tpu.memory_space<hbm>> -> memref<128xi32, #tpu.memory_space<hbm>>
    %dma_start3A_7 = arith.constant 0 : i32
    %dma_start3A_8 = tpu.memref_slice %arg3[%mul3A_4, %dma_start3A_7] : memref<2560x128xi32, #tpu.memory_space<hbm>> -> memref<1x128xi32, #tpu.memory_space<hbm>>
    %dma_start3A_9 = tpu.memref_squeeze %dma_start3A_8 : memref<1x128xi32, #tpu.memory_space<hbm>> -> memref<128xi32, #tpu.memory_space<hbm>>
    tpu.enqueue_dma source(%dma_start3A_9 : memref<128xi32, #tpu.memory_space<hbm>>) target(%arg10 : memref<128xi32, #tpu.memory_space<vmem>>) target_semaphore(%arg12 : memref<!tpu.dma_semaphore, #tpu.memory_space<semaphore_mem>>)
    %mul3A_10 = arith.constant 128 : i32
    %mul3A_11 = arith.muli %mul3A_4, %mul3A_10 : i32
    %dma_start3A_12 = tpu.memref_slice %arg2[%mul3A_11, %mul3A_0] : memref<327680x128xf32, #tpu.memory_space<hbm>> -> memref<128x64xf32, #tpu.memory_space<hbm>>
    %dma_start3A_13 = tpu.memref_slice %arg2[%mul3A_11, %mul3A_0] : memref<327680x128xf32, #tpu.memory_space<hbm>> -> memref<128x64xf32, #tpu.memory_space<hbm>>
    tpu.enqueue_dma source(%dma_start3A_13 : memref<128x64xf32, #tpu.memory_space<hbm>>) target(%arg8 : memref<128x64xf32, #tpu.memory_space<vmem>>) target_semaphore(%arg12 : memref<!tpu.dma_semaphore, #tpu.memory_space<semaphore_mem>>)
    %scan3A = arith.constant 0 : i32
    %scan3A_14 = arith.constant 0 : i32
    %scan3A_15 = arith.constant 80 : i32
    %scan3A_16 = arith.addi %scan3A_14, %scan3A_15 : i32
    %scan3A_17 = arith.constant 1 : i32
    scf.for %scan3A_29 = %scan3A_14 to %scan3A_16 step %scan3A_17  : i32 {
      %mul3A_30 = arith.constant 2 : i32
      %mul3A_31 = arith.muli %mul3A_30, %scan3A_29 : i32
      %add3A = arith.addi %mul3A_4, %mul3A_31 : i32
      %add3A_32 = arith.constant 1 : i32
      %add3A_33 = arith.addi %add3A, %add3A_32 : i32
      %dma_wait3A_34 = arith.constant 0 : i32
      %dma_wait3A_35 = tpu.memref_slice %arg3[%add3A, %dma_wait3A_34] : memref<2560x128xi32, #tpu.memory_space<hbm>> -> memref<1x128xi32, #tpu.memory_space<hbm>>
      %dma_wait3A_36 = tpu.memref_squeeze %dma_wait3A_35 : memref<1x128xi32, #tpu.memory_space<hbm>> -> memref<128xi32, #tpu.memory_space<hbm>>
      %dma_wait3A_37 = arith.constant 0 : i32
      %dma_wait3A_38 = tpu.memref_slice %arg3[%add3A, %dma_wait3A_37] : memref<2560x128xi32, #tpu.memory_space<hbm>> -> memref<1x128xi32, #tpu.memory_space<hbm>>
      %dma_wait3A_39 = tpu.memref_squeeze %dma_wait3A_38 : memref<1x128xi32, #tpu.memory_space<hbm>> -> memref<128xi32, #tpu.memory_space<hbm>>
      tpu.wait_dma2 semaphore(%arg12 : memref<!tpu.dma_semaphore, #tpu.memory_space<semaphore_mem>>) src(%dma_wait3A_39 : memref<128xi32, #tpu.memory_space<hbm>>) dst(%arg10 : memref<128xi32, #tpu.memory_space<vmem>>)
      %mul3A_40 = arith.constant 128 : i32
      %mul3A_41 = arith.muli %add3A, %mul3A_40 : i32
      %dma_wait3A_42 = tpu.memref_slice %arg2[%mul3A_41, %mul3A_0] : memref<327680x128xf32, #tpu.memory_space<hbm>> -> memref<128x64xf32, #tpu.memory_space<hbm>>
      %dma_wait3A_43 = tpu.memref_slice %arg2[%mul3A_41, %mul3A_0] : memref<327680x128xf32, #tpu.memory_space<hbm>> -> memref<128x64xf32, #tpu.memory_space<hbm>>
      tpu.wait_dma2 semaphore(%arg12 : memref<!tpu.dma_semaphore, #tpu.memory_space<semaphore_mem>>) src(%dma_wait3A_43 : memref<128x64xf32, #tpu.memory_space<hbm>>) dst(%arg8 : memref<128x64xf32, #tpu.memory_space<vmem>>)
      %gt3A = arith.constant 0 : i32
      %gt3A_44 = arith.cmpi sgt, %scan3A_29, %gt3A : i32
      %convert_element_type3A = arith.extui %gt3A_44 : i1 to i32
      %cond3A = arith.constant 0 : i32
      %cond3A_45 = arith.cmpi ne, %convert_element_type3A, %cond3A : i32
      scf.if %cond3A_45 {
        %dma_wait3A_76 = arith.constant 0 : i32
        %dma_wait3A_77 = arith.constant 0 : i32
        %dma_wait3A_78 = tpu.memref_slice %arg6[%dma_wait3A_76, %dma_wait3A_77] : memref<12288x64xf32, #tpu.memory_space<vmem_shared>> -> memref<12288x64xf32, #tpu.memory_space<vmem_shared>>
        tpu.wait_indirect_dma semaphore(%arg15 : memref<!tpu.dma_semaphore, #tpu.memory_space<semaphore_mem>>) src(%arg9 : memref<128x64xf32, #tpu.memory_space<vmem>>) dst(%dma_wait3A_78 : memref<12288x64xf32, #tpu.memory_space<vmem_shared>>)
      } else {
      }
      %dma_start3A_46 = arith.constant 0 : i32
      %dma_start3A_47 = tpu.memref_slice %arg3[%add3A_33, %dma_start3A_46] : memref<2560x128xi32, #tpu.memory_space<hbm>> -> memref<1x128xi32, #tpu.memory_space<hbm>>
      %dma_start3A_48 = tpu.memref_squeeze %dma_start3A_47 : memref<1x128xi32, #tpu.memory_space<hbm>> -> memref<128xi32, #tpu.memory_space<hbm>>
      %dma_start3A_49 = arith.constant 0 : i32
      %dma_start3A_50 = tpu.memref_slice %arg3[%add3A_33, %dma_start3A_49] : memref<2560x128xi32, #tpu.memory_space<hbm>> -> memref<1x128xi32, #tpu.memory_space<hbm>>
      %dma_start3A_51 = tpu.memref_squeeze %dma_start3A_50 : memref<1x128xi32, #tpu.memory_space<hbm>> -> memref<128xi32, #tpu.memory_space<hbm>>
      tpu.enqueue_dma source(%dma_start3A_51 : memref<128xi32, #tpu.memory_space<hbm>>) target(%arg11 : memref<128xi32, #tpu.memory_space<vmem>>) target_semaphore(%arg13 : memref<!tpu.dma_semaphore, #tpu.memory_space<semaphore_mem>>)
      %mul3A_52 = arith.constant 128 : i32
      %mul3A_53 = arith.muli %add3A_33, %mul3A_52 : i32
      %dma_start3A_54 = tpu.memref_slice %arg2[%mul3A_53, %mul3A_0] : memref<327680x128xf32, #tpu.memory_space<hbm>> -> memref<128x64xf32, #tpu.memory_space<hbm>>
      %dma_start3A_55 = tpu.memref_slice %arg2[%mul3A_53, %mul3A_0] : memref<327680x128xf32, #tpu.memory_space<hbm>> -> memref<128x64xf32, #tpu.memory_space<hbm>>
      tpu.enqueue_dma source(%dma_start3A_55 : memref<128x64xf32, #tpu.memory_space<hbm>>) target(%arg9 : memref<128x64xf32, #tpu.memory_space<vmem>>) target_semaphore(%arg13 : memref<!tpu.dma_semaphore, #tpu.memory_space<semaphore_mem>>)
      %dma_start3A_56 = arith.constant 0 : i32
      %dma_start3A_57 = arith.constant 0 : i32
      %dma_start3A_58 = tpu.memref_slice %arg6[%dma_start3A_56, %dma_start3A_57] : memref<12288x64xf32, #tpu.memory_space<vmem_shared>> -> memref<12288x64xf32, #tpu.memory_space<vmem_shared>>
      tpu.enqueue_indirect_dma source(%arg8 : memref<128x64xf32, #tpu.memory_space<vmem>>) target(%dma_start3A_58 : memref<12288x64xf32, #tpu.memory_space<vmem_shared>>) offsets(%arg10 : memref<128xi32, #tpu.memory_space<vmem>>) semaphore(%arg14 : memref<!tpu.dma_semaphore, #tpu.memory_space<semaphore_mem>>) {add = true}
      %dma_wait3A_59 = arith.constant 0 : i32
      %dma_wait3A_60 = tpu.memref_slice %arg3[%add3A_33, %dma_wait3A_59] : memref<2560x128xi32, #tpu.memory_space<hbm>> -> memref<1x128xi32, #tpu.memory_space<hbm>>
      %dma_wait3A_61 = tpu.memref_squeeze %dma_wait3A_60 : memref<1x128xi32, #tpu.memory_space<hbm>> -> memref<128xi32, #tpu.memory_space<hbm>>
      %dma_wait3A_62 = arith.constant 0 : i32
      %dma_wait3A_63 = tpu.memref_slice %arg3[%add3A_33, %dma_wait3A_62] : memref<2560x128xi32, #tpu.memory_space<hbm>> -> memref<1x128xi32, #tpu.memory_space<hbm>>
      %dma_wait3A_64 = tpu.memref_squeeze %dma_wait3A_63 : memref<1x128xi32, #tpu.memory_space<hbm>> -> memref<128xi32, #tpu.memory_space<hbm>>
      tpu.wait_dma2 semaphore(%arg13 : memref<!tpu.dma_semaphore, #tpu.memory_space<semaphore_mem>>) src(%dma_wait3A_64 : memref<128xi32, #tpu.memory_space<hbm>>) dst(%arg11 : memref<128xi32, #tpu.memory_space<vmem>>)
      %mul3A_65 = arith.constant 128 : i32
      %mul3A_66 = arith.muli %add3A_33, %mul3A_65 : i32
      %dma_wait3A_67 = tpu.memref_slice %arg2[%mul3A_66, %mul3A_0] : memref<327680x128xf32, #tpu.memory_space<hbm>> -> memref<128x64xf32, #tpu.memory_space<hbm>>
      %dma_wait3A_68 = tpu.memref_slice %arg2[%mul3A_66, %mul3A_0] : memref<327680x128xf32, #tpu.memory_space<hbm>> -> memref<128x64xf32, #tpu.memory_space<hbm>>
      tpu.wait_dma2 semaphore(%arg13 : memref<!tpu.dma_semaphore, #tpu.memory_space<semaphore_mem>>) src(%dma_wait3A_68 : memref<128x64xf32, #tpu.memory_space<hbm>>) dst(%arg9 : memref<128x64xf32, #tpu.memory_space<vmem>>)
      %lt3A = arith.constant 79 : i32
      %lt3A_69 = arith.cmpi slt, %scan3A_29, %lt3A : i32
      %convert_element_type3A_70 = arith.extui %lt3A_69 : i1 to i32
      %cond3A_71 = arith.constant 0 : i32
      %cond3A_72 = arith.cmpi ne, %convert_element_type3A_70, %cond3A_71 : i32
      scf.if %cond3A_72 {
        %dma_wait3A_76 = arith.constant 0 : i32
        %dma_wait3A_77 = arith.constant 0 : i32
        %dma_wait3A_78 = tpu.memref_slice %arg6[%dma_wait3A_76, %dma_wait3A_77] : memref<12288x64xf32, #tpu.memory_space<vmem_shared>> -> memref<12288x64xf32, #tpu.memory_space<vmem_shared>>
        tpu.wait_indirect_dma semaphore(%arg14 : memref<!tpu.dma_semaphore, #tpu.memory_space<semaphore_mem>>) src(%arg8 : memref<128x64xf32, #tpu.memory_space<vmem>>) dst(%dma_wait3A_78 : memref<12288x64xf32, #tpu.memory_space<vmem_shared>>)
        %add3A_79 = arith.constant 2 : i32
        %add3A_80 = arith.addi %add3A, %add3A_79 : i32
        %dma_start3A_81 = arith.constant 0 : i32
        %dma_start3A_82 = tpu.memref_slice %arg3[%add3A_80, %dma_start3A_81] : memref<2560x128xi32, #tpu.memory_space<hbm>> -> memref<1x128xi32, #tpu.memory_space<hbm>>
        %dma_start3A_83 = tpu.memref_squeeze %dma_start3A_82 : memref<1x128xi32, #tpu.memory_space<hbm>> -> memref<128xi32, #tpu.memory_space<hbm>>
        %dma_start3A_84 = arith.constant 0 : i32
        %dma_start3A_85 = tpu.memref_slice %arg3[%add3A_80, %dma_start3A_84] : memref<2560x128xi32, #tpu.memory_space<hbm>> -> memref<1x128xi32, #tpu.memory_space<hbm>>
        %dma_start3A_86 = tpu.memref_squeeze %dma_start3A_85 : memref<1x128xi32, #tpu.memory_space<hbm>> -> memref<128xi32, #tpu.memory_space<hbm>>
        tpu.enqueue_dma source(%dma_start3A_86 : memref<128xi32, #tpu.memory_space<hbm>>) target(%arg10 : memref<128xi32, #tpu.memory_space<vmem>>) target_semaphore(%arg12 : memref<!tpu.dma_semaphore, #tpu.memory_space<semaphore_mem>>)
        %mul3A_87 = arith.constant 128 : i32
        %mul3A_88 = arith.muli %add3A_80, %mul3A_87 : i32
        %dma_start3A_89 = tpu.memref_slice %arg2[%mul3A_88, %mul3A_0] : memref<327680x128xf32, #tpu.memory_space<hbm>> -> memref<128x64xf32, #tpu.memory_space<hbm>>
        %dma_start3A_90 = tpu.memref_slice %arg2[%mul3A_88, %mul3A_0] : memref<327680x128xf32, #tpu.memory_space<hbm>> -> memref<128x64xf32, #tpu.memory_space<hbm>>
        tpu.enqueue_dma source(%dma_start3A_90 : memref<128x64xf32, #tpu.memory_space<hbm>>) target(%arg8 : memref<128x64xf32, #tpu.memory_space<vmem>>) target_semaphore(%arg12 : memref<!tpu.dma_semaphore, #tpu.memory_space<semaphore_mem>>)
      } else {
      }
      %dma_start3A_73 = arith.constant 0 : i32
      %dma_start3A_74 = arith.constant 0 : i32
      %dma_start3A_75 = tpu.memref_slice %arg6[%dma_start3A_73, %dma_start3A_74] : memref<12288x64xf32, #tpu.memory_space<vmem_shared>> -> memref<12288x64xf32, #tpu.memory_space<vmem_shared>>
      tpu.enqueue_indirect_dma source(%arg9 : memref<128x64xf32, #tpu.memory_space<vmem>>) target(%dma_start3A_75 : memref<12288x64xf32, #tpu.memory_space<vmem_shared>>) offsets(%arg11 : memref<128xi32, #tpu.memory_space<vmem>>) semaphore(%arg15 : memref<!tpu.dma_semaphore, #tpu.memory_space<semaphore_mem>>) {add = true}
    }
    %scan3A_18 = arith.constant 80 : i32
    %dma_wait3A = arith.constant 0 : i32
    %dma_wait3A_19 = arith.constant 0 : i32
    %dma_wait3A_20 = tpu.memref_slice %arg6[%dma_wait3A, %dma_wait3A_19] : memref<12288x64xf32, #tpu.memory_space<vmem_shared>> -> memref<12288x64xf32, #tpu.memory_space<vmem_shared>>
    tpu.wait_indirect_dma semaphore(%arg14 : memref<!tpu.dma_semaphore, #tpu.memory_space<semaphore_mem>>) src(%arg8 : memref<128x64xf32, #tpu.memory_space<vmem>>) dst(%dma_wait3A_20 : memref<12288x64xf32, #tpu.memory_space<vmem_shared>>)
    %dma_wait3A_21 = arith.constant 0 : i32
    %dma_wait3A_22 = arith.constant 0 : i32
    %dma_wait3A_23 = tpu.memref_slice %arg6[%dma_wait3A_21, %dma_wait3A_22] : memref<12288x64xf32, #tpu.memory_space<vmem_shared>> -> memref<12288x64xf32, #tpu.memory_space<vmem_shared>>
    tpu.wait_indirect_dma semaphore(%arg15 : memref<!tpu.dma_semaphore, #tpu.memory_space<semaphore_mem>>) src(%arg9 : memref<128x64xf32, #tpu.memory_space<vmem>>) dst(%dma_wait3A_23 : memref<12288x64xf32, #tpu.memory_space<vmem_shared>>)
    %barrier3A_24 = arith.constant 0 : index
    tpu.barrier barrier_id(%barrier3A_24)
    %mul3A_25 = arith.constant 768 : i32
    %mul3A_26 = arith.muli %arg1, %mul3A_25 : i32
    "tpu.region"() ({
      %run_scoped3A = tpu.sem_alloc : memref<!tpu.dma_semaphore, #tpu.memory_space<semaphore_mem>>
      %dma_start3A_29 = arith.constant 0 : i32
      %dma_start3A_30 = tpu.memref_slice %arg6[%mul3A_26, %dma_start3A_29] : memref<12288x64xf32, #tpu.memory_space<vmem_shared>> -> memref<768x64xf32, #tpu.memory_space<vmem_shared>>
      %dma_start3A_31 = arith.constant 0 : i32
      %dma_start3A_32 = tpu.memref_slice %arg6[%mul3A_26, %dma_start3A_31] : memref<12288x64xf32, #tpu.memory_space<vmem_shared>> -> memref<768x64xf32, #tpu.memory_space<vmem_shared>>
      tpu.enqueue_dma source(%dma_start3A_32 : memref<768x64xf32, #tpu.memory_space<vmem_shared>>) target(%arg7 : memref<768x64xf32, #tpu.memory_space<vmem>>) target_semaphore(%run_scoped3A : memref<!tpu.dma_semaphore, #tpu.memory_space<semaphore_mem>>)
      %dma_wait3A_33 = arith.constant 0 : i32
      %dma_wait3A_34 = tpu.memref_slice %arg6[%mul3A_26, %dma_wait3A_33] : memref<12288x64xf32, #tpu.memory_space<vmem_shared>> -> memref<768x64xf32, #tpu.memory_space<vmem_shared>>
      %dma_wait3A_35 = arith.constant 0 : i32
      %dma_wait3A_36 = tpu.memref_slice %arg6[%mul3A_26, %dma_wait3A_35] : memref<12288x64xf32, #tpu.memory_space<vmem_shared>> -> memref<768x64xf32, #tpu.memory_space<vmem_shared>>
      tpu.wait_dma2 semaphore(%run_scoped3A : memref<!tpu.dma_semaphore, #tpu.memory_space<semaphore_mem>>) src(%dma_wait3A_36 : memref<768x64xf32, #tpu.memory_space<vmem_shared>>) dst(%arg7 : memref<768x64xf32, #tpu.memory_space<vmem>>)
      tpu.yield
    }) : () -> ()
    %mul3A_27 = arith.constant 768 : i32
    %mul3A_28 = arith.muli %arg1, %mul3A_27 : i32
    "tpu.region"() ({
      %run_scoped3A = tpu.sem_alloc : memref<!tpu.dma_semaphore, #tpu.memory_space<semaphore_mem>>
      %dma_start3A_29 = tpu.memref_slice %arg5[%mul3A_28, %mul3A_0] : memref<12288x128xf32, #tpu.memory_space<hbm>> -> memref<768x64xf32, #tpu.memory_space<hbm>>
      %dma_start3A_30 = tpu.memref_slice %arg5[%mul3A_28, %mul3A_0] : memref<12288x128xf32, #tpu.memory_space<hbm>> -> memref<768x64xf32, #tpu.memory_space<hbm>>
      tpu.enqueue_dma source(%arg7 : memref<768x64xf32, #tpu.memory_space<vmem>>) target(%dma_start3A_30 : memref<768x64xf32, #tpu.memory_space<hbm>>) target_semaphore(%run_scoped3A : memref<!tpu.dma_semaphore, #tpu.memory_space<semaphore_mem>>)
      %dma_wait3A_31 = tpu.memref_slice %arg5[%mul3A_28, %mul3A_0] : memref<12288x128xf32, #tpu.memory_space<hbm>> -> memref<768x64xf32, #tpu.memory_space<hbm>>
      %dma_wait3A_32 = tpu.memref_slice %arg5[%mul3A_28, %mul3A_0] : memref<12288x128xf32, #tpu.memory_space<hbm>> -> memref<768x64xf32, #tpu.memory_space<hbm>>
      tpu.wait_dma2 semaphore(%run_scoped3A : memref<!tpu.dma_semaphore, #tpu.memory_space<semaphore_mem>>) src(%arg7 : memref<768x64xf32, #tpu.memory_space<vmem>>) dst(%dma_wait3A_32 : memref<768x64xf32, #tpu.memory_space<hbm>>)
      tpu.yield
    }) : () -> ()
    return
  }
}

#map = affine_map<(d0, d1) -> (0, 0)>
module attributes {stable_mosaic.version = 14 : i64} {
  func.func @_gather_body(%arg0: i32, %arg1: i32, %arg2: memref<12288x128xf32, #tpu.memory_space<hbm>>, %arg3: memref<12288x128xf32, #tpu.memory_space<hbm>>, %arg4: memref<2560x128xi32, #tpu.memory_space<hbm>>, %arg5: memref<2560x128xi32, #tpu.memory_space<hbm>>, %arg6: memref<327680x128xf32, #tpu.memory_space<hbm>>, %arg7: memref<327680x128xf32, #tpu.memory_space<hbm>>, %arg8: memref<160x128xi32, #tpu.memory_space<vmem>>, %arg9: memref<128x128xf32, #tpu.memory_space<vmem>>, %arg10: memref<128x128xf32, #tpu.memory_space<vmem>>, %arg11: memref<!tpu.dma_semaphore, #tpu.memory_space<semaphore_mem>>, %arg12: memref<!tpu.dma_semaphore, #tpu.memory_space<semaphore_mem>>, %arg13: memref<!tpu.dma_semaphore, #tpu.memory_space<semaphore_mem>>, %arg14: memref<!tpu.dma_semaphore, #tpu.memory_space<semaphore_mem>>) attributes {dimension_semantics = [#tpu.dimension_semantics<core_parallel>, #tpu.dimension_semantics<subcore_parallel>], iteration_bounds = array<i64: 2, 16>, scalar_prefetch = 0 : i64, scratch_operands = 7 : i64, tpu.core_type = #tpu.core_type<sc_vector_subcore>, window_params = [{transform_indices = #map}, {transform_indices = #map}, {transform_indices = #map}, {transform_indices = #map}, {transform_indices = #map}, {transform_indices = #map}]} {
    %eq3A = arith.constant 0 : i32
    %eq3A_0 = arith.cmpi eq, %arg0, %eq3A : i32
    %convert_element_type3A = arith.extui %eq3A_0 : i1 to i32
    %cond3A = arith.constant 0 : i32
    %cond3A_1 = arith.cmpi ne, %convert_element_type3A, %cond3A : i32
    scf.if %cond3A_1 {
      %mul3A = arith.constant 160 : i32
      %mul3A_7 = arith.muli %arg1, %mul3A : i32
      "tpu.region"() ({
        %run_scoped3A = tpu.sem_alloc : memref<!tpu.dma_semaphore, #tpu.memory_space<semaphore_mem>>
        %dma_start3A_30 = arith.constant 0 : i32
        %dma_start3A_31 = tpu.memref_slice %arg4[%mul3A_7, %dma_start3A_30] : memref<2560x128xi32, #tpu.memory_space<hbm>> -> memref<160x128xi32, #tpu.memory_space<hbm>>
        %dma_start3A_32 = arith.constant 0 : i32
        %dma_start3A_33 = tpu.memref_slice %arg4[%mul3A_7, %dma_start3A_32] : memref<2560x128xi32, #tpu.memory_space<hbm>> -> memref<160x128xi32, #tpu.memory_space<hbm>>
        tpu.enqueue_dma source(%dma_start3A_33 : memref<160x128xi32, #tpu.memory_space<hbm>>) target(%arg8 : memref<160x128xi32, #tpu.memory_space<vmem>>) target_semaphore(%run_scoped3A : memref<!tpu.dma_semaphore, #tpu.memory_space<semaphore_mem>>)
        %dma_wait3A_34 = arith.constant 0 : i32
        %dma_wait3A_35 = tpu.memref_slice %arg4[%mul3A_7, %dma_wait3A_34] : memref<2560x128xi32, #tpu.memory_space<hbm>> -> memref<160x128xi32, #tpu.memory_space<hbm>>
        %dma_wait3A_36 = arith.constant 0 : i32
        %dma_wait3A_37 = tpu.memref_slice %arg4[%mul3A_7, %dma_wait3A_36] : memref<2560x128xi32, #tpu.memory_space<hbm>> -> memref<160x128xi32, #tpu.memory_space<hbm>>
        tpu.wait_dma2 semaphore(%run_scoped3A : memref<!tpu.dma_semaphore, #tpu.memory_space<semaphore_mem>>) src(%dma_wait3A_37 : memref<160x128xi32, #tpu.memory_space<hbm>>) dst(%arg8 : memref<160x128xi32, #tpu.memory_space<vmem>>)
        tpu.yield
      }) : () -> ()
      %dma_start3A = arith.constant 0 : i32
      %dma_start3A_8 = arith.constant 0 : i32
      %dma_start3A_9 = tpu.memref_slice %arg8[%dma_start3A, %dma_start3A_8] : memref<160x128xi32, #tpu.memory_space<vmem>> -> memref<1x128xi32, #tpu.memory_space<vmem>>
      %dma_start3A_10 = tpu.memref_squeeze %dma_start3A_9 : memref<1x128xi32, #tpu.memory_space<vmem>> -> memref<128xi32, #tpu.memory_space<vmem>>
      %dma_start3A_11 = arith.constant 0 : i32
      %dma_start3A_12 = arith.constant 0 : i32
      %dma_start3A_13 = tpu.memref_slice %arg2[%dma_start3A_11, %dma_start3A_12] : memref<12288x128xf32, #tpu.memory_space<hbm>> -> memref<12288x128xf32, #tpu.memory_space<hbm>>
      tpu.enqueue_indirect_dma source(%dma_start3A_13 : memref<12288x128xf32, #tpu.memory_space<hbm>>) target(%arg9 : memref<128x128xf32, #tpu.memory_space<vmem>>) offsets(%dma_start3A_10 : memref<128xi32, #tpu.memory_space<vmem>>) semaphore(%arg11 : memref<!tpu.dma_semaphore, #tpu.memory_space<semaphore_mem>>)
      %scan3A = arith.constant 0 : i32
      %scan3A_14 = arith.constant 0 : i32
      %scan3A_15 = arith.constant 80 : i32
      %scan3A_16 = arith.addi %scan3A_14, %scan3A_15 : i32
      %scan3A_17 = arith.constant 1 : i32
      scf.for %scan3A_30 = %scan3A_14 to %scan3A_16 step %scan3A_17  : i32 {
        %mul3A_31 = arith.constant 2 : i32
        %mul3A_32 = arith.muli %mul3A_31, %scan3A_30 : i32
        %add3A = arith.constant 1 : i32
        %add3A_33 = arith.addi %mul3A_32, %add3A : i32
        %dma_wait3A_34 = arith.constant 0 : i32
        %dma_wait3A_35 = tpu.memref_slice %arg8[%mul3A_32, %dma_wait3A_34] : memref<160x128xi32, #tpu.memory_space<vmem>> -> memref<1x128xi32, #tpu.memory_space<vmem>>
        %dma_wait3A_36 = tpu.memref_squeeze %dma_wait3A_35 : memref<1x128xi32, #tpu.memory_space<vmem>> -> memref<128xi32, #tpu.memory_space<vmem>>
        %dma_wait3A_37 = arith.constant 0 : i32
        %dma_wait3A_38 = arith.constant 0 : i32
        %dma_wait3A_39 = tpu.memref_slice %arg2[%dma_wait3A_37, %dma_wait3A_38] : memref<12288x128xf32, #tpu.memory_space<hbm>> -> memref<12288x128xf32, #tpu.memory_space<hbm>>
        tpu.wait_indirect_dma semaphore(%arg11 : memref<!tpu.dma_semaphore, #tpu.memory_space<semaphore_mem>>) src(%dma_wait3A_39 : memref<12288x128xf32, #tpu.memory_space<hbm>>) dst(%arg9 : memref<128x128xf32, #tpu.memory_space<vmem>>)
        %gt3A = arith.constant 0 : i32
        %gt3A_40 = arith.cmpi sgt, %scan3A_30, %gt3A : i32
        %convert_element_type3A_41 = arith.extui %gt3A_40 : i1 to i32
        %cond3A_42 = arith.constant 0 : i32
        %cond3A_43 = arith.cmpi ne, %convert_element_type3A_41, %cond3A_42 : i32
        scf.if %cond3A_43 {
          %dma_wait3A_74 = arith.constant 0 : i32
          %dma_wait3A_75 = arith.constant 0 : i32
          %dma_wait3A_76 = tpu.memref_slice %arg6[%dma_wait3A_74, %dma_wait3A_75] : memref<327680x128xf32, #tpu.memory_space<hbm>> -> memref<128x128xf32, #tpu.memory_space<hbm>>
          %dma_wait3A_77 = arith.constant 0 : i32
          %dma_wait3A_78 = arith.constant 0 : i32
          %dma_wait3A_79 = tpu.memref_slice %arg6[%dma_wait3A_77, %dma_wait3A_78] : memref<327680x128xf32, #tpu.memory_space<hbm>> -> memref<128x128xf32, #tpu.memory_space<hbm>>
          tpu.wait_dma2 semaphore(%arg14 : memref<!tpu.dma_semaphore, #tpu.memory_space<semaphore_mem>>) src(%arg10 : memref<128x128xf32, #tpu.memory_space<vmem>>) dst(%dma_wait3A_79 : memref<128x128xf32, #tpu.memory_space<hbm>>)
        } else {
        }
        %dma_start3A_44 = arith.constant 0 : i32
        %dma_start3A_45 = tpu.memref_slice %arg8[%add3A_33, %dma_start3A_44] : memref<160x128xi32, #tpu.memory_space<vmem>> -> memref<1x128xi32, #tpu.memory_space<vmem>>
        %dma_start3A_46 = tpu.memref_squeeze %dma_start3A_45 : memref<1x128xi32, #tpu.memory_space<vmem>> -> memref<128xi32, #tpu.memory_space<vmem>>
        %dma_start3A_47 = arith.constant 0 : i32
        %dma_start3A_48 = arith.constant 0 : i32
        %dma_start3A_49 = tpu.memref_slice %arg2[%dma_start3A_47, %dma_start3A_48] : memref<12288x128xf32, #tpu.memory_space<hbm>> -> memref<12288x128xf32, #tpu.memory_space<hbm>>
        tpu.enqueue_indirect_dma source(%dma_start3A_49 : memref<12288x128xf32, #tpu.memory_space<hbm>>) target(%arg10 : memref<128x128xf32, #tpu.memory_space<vmem>>) offsets(%dma_start3A_46 : memref<128xi32, #tpu.memory_space<vmem>>) semaphore(%arg12 : memref<!tpu.dma_semaphore, #tpu.memory_space<semaphore_mem>>)
        %add3A_50 = arith.addi %mul3A_7, %mul3A_32 : i32
        %mul3A_51 = arith.constant 128 : i32
        %mul3A_52 = arith.muli %add3A_50, %mul3A_51 : i32
        %dma_start3A_53 = arith.constant 0 : i32
        %dma_start3A_54 = tpu.memref_slice %arg6[%mul3A_52, %dma_start3A_53] : memref<327680x128xf32, #tpu.memory_space<hbm>> -> memref<128x128xf32, #tpu.memory_space<hbm>>
        %dma_start3A_55 = arith.constant 0 : i32
        %dma_start3A_56 = tpu.memref_slice %arg6[%mul3A_52, %dma_start3A_55] : memref<327680x128xf32, #tpu.memory_space<hbm>> -> memref<128x128xf32, #tpu.memory_space<hbm>>
        tpu.enqueue_dma source(%arg9 : memref<128x128xf32, #tpu.memory_space<vmem>>) target(%dma_start3A_56 : memref<128x128xf32, #tpu.memory_space<hbm>>) target_semaphore(%arg13 : memref<!tpu.dma_semaphore, #tpu.memory_space<semaphore_mem>>)
        %dma_wait3A_57 = arith.constant 0 : i32
        %dma_wait3A_58 = tpu.memref_slice %arg8[%add3A_33, %dma_wait3A_57] : memref<160x128xi32, #tpu.memory_space<vmem>> -> memref<1x128xi32, #tpu.memory_space<vmem>>
        %dma_wait3A_59 = tpu.memref_squeeze %dma_wait3A_58 : memref<1x128xi32, #tpu.memory_space<vmem>> -> memref<128xi32, #tpu.memory_space<vmem>>
        %dma_wait3A_60 = arith.constant 0 : i32
        %dma_wait3A_61 = arith.constant 0 : i32
        %dma_wait3A_62 = tpu.memref_slice %arg2[%dma_wait3A_60, %dma_wait3A_61] : memref<12288x128xf32, #tpu.memory_space<hbm>> -> memref<12288x128xf32, #tpu.memory_space<hbm>>
        tpu.wait_indirect_dma semaphore(%arg12 : memref<!tpu.dma_semaphore, #tpu.memory_space<semaphore_mem>>) src(%dma_wait3A_62 : memref<12288x128xf32, #tpu.memory_space<hbm>>) dst(%arg10 : memref<128x128xf32, #tpu.memory_space<vmem>>)
        %lt3A = arith.constant 79 : i32
        %lt3A_63 = arith.cmpi slt, %scan3A_30, %lt3A : i32
        %convert_element_type3A_64 = arith.extui %lt3A_63 : i1 to i32
        %cond3A_65 = arith.constant 0 : i32
        %cond3A_66 = arith.cmpi ne, %convert_element_type3A_64, %cond3A_65 : i32
        scf.if %cond3A_66 {
          %dma_wait3A_74 = arith.constant 0 : i32
          %dma_wait3A_75 = arith.constant 0 : i32
          %dma_wait3A_76 = tpu.memref_slice %arg6[%dma_wait3A_74, %dma_wait3A_75] : memref<327680x128xf32, #tpu.memory_space<hbm>> -> memref<128x128xf32, #tpu.memory_space<hbm>>
          %dma_wait3A_77 = arith.constant 0 : i32
          %dma_wait3A_78 = arith.constant 0 : i32
          %dma_wait3A_79 = tpu.memref_slice %arg6[%dma_wait3A_77, %dma_wait3A_78] : memref<327680x128xf32, #tpu.memory_space<hbm>> -> memref<128x128xf32, #tpu.memory_space<hbm>>
          tpu.wait_dma2 semaphore(%arg13 : memref<!tpu.dma_semaphore, #tpu.memory_space<semaphore_mem>>) src(%arg9 : memref<128x128xf32, #tpu.memory_space<vmem>>) dst(%dma_wait3A_79 : memref<128x128xf32, #tpu.memory_space<hbm>>)
          %add3A_80 = arith.constant 2 : i32
          %add3A_81 = arith.addi %mul3A_32, %add3A_80 : i32
          %dma_start3A_82 = arith.constant 0 : i32
          %dma_start3A_83 = tpu.memref_slice %arg8[%add3A_81, %dma_start3A_82] : memref<160x128xi32, #tpu.memory_space<vmem>> -> memref<1x128xi32, #tpu.memory_space<vmem>>
          %dma_start3A_84 = tpu.memref_squeeze %dma_start3A_83 : memref<1x128xi32, #tpu.memory_space<vmem>> -> memref<128xi32, #tpu.memory_space<vmem>>
          %dma_start3A_85 = arith.constant 0 : i32
          %dma_start3A_86 = arith.constant 0 : i32
          %dma_start3A_87 = tpu.memref_slice %arg2[%dma_start3A_85, %dma_start3A_86] : memref<12288x128xf32, #tpu.memory_space<hbm>> -> memref<12288x128xf32, #tpu.memory_space<hbm>>
          tpu.enqueue_indirect_dma source(%dma_start3A_87 : memref<12288x128xf32, #tpu.memory_space<hbm>>) target(%arg9 : memref<128x128xf32, #tpu.memory_space<vmem>>) offsets(%dma_start3A_84 : memref<128xi32, #tpu.memory_space<vmem>>) semaphore(%arg11 : memref<!tpu.dma_semaphore, #tpu.memory_space<semaphore_mem>>)
        } else {
        }
        %add3A_67 = arith.addi %mul3A_7, %add3A_33 : i32
        %mul3A_68 = arith.constant 128 : i32
        %mul3A_69 = arith.muli %add3A_67, %mul3A_68 : i32
        %dma_start3A_70 = arith.constant 0 : i32
        %dma_start3A_71 = tpu.memref_slice %arg6[%mul3A_69, %dma_start3A_70] : memref<327680x128xf32, #tpu.memory_space<hbm>> -> memref<128x128xf32, #tpu.memory_space<hbm>>
        %dma_start3A_72 = arith.constant 0 : i32
        %dma_start3A_73 = tpu.memref_slice %arg6[%mul3A_69, %dma_start3A_72] : memref<327680x128xf32, #tpu.memory_space<hbm>> -> memref<128x128xf32, #tpu.memory_space<hbm>>
        tpu.enqueue_dma source(%arg10 : memref<128x128xf32, #tpu.memory_space<vmem>>) target(%dma_start3A_73 : memref<128x128xf32, #tpu.memory_space<hbm>>) target_semaphore(%arg14 : memref<!tpu.dma_semaphore, #tpu.memory_space<semaphore_mem>>)
      }
      %scan3A_18 = arith.constant 80 : i32
      %dma_wait3A = arith.constant 0 : i32
      %dma_wait3A_19 = arith.constant 0 : i32
      %dma_wait3A_20 = tpu.memref_slice %arg6[%dma_wait3A, %dma_wait3A_19] : memref<327680x128xf32, #tpu.memory_space<hbm>> -> memref<128x128xf32, #tpu.memory_space<hbm>>
      %dma_wait3A_21 = arith.constant 0 : i32
      %dma_wait3A_22 = arith.constant 0 : i32
      %dma_wait3A_23 = tpu.memref_slice %arg6[%dma_wait3A_21, %dma_wait3A_22] : memref<327680x128xf32, #tpu.memory_space<hbm>> -> memref<128x128xf32, #tpu.memory_space<hbm>>
      tpu.wait_dma2 semaphore(%arg13 : memref<!tpu.dma_semaphore, #tpu.memory_space<semaphore_mem>>) src(%arg9 : memref<128x128xf32, #tpu.memory_space<vmem>>) dst(%dma_wait3A_23 : memref<128x128xf32, #tpu.memory_space<hbm>>)
      %dma_wait3A_24 = arith.constant 0 : i32
      %dma_wait3A_25 = arith.constant 0 : i32
      %dma_wait3A_26 = tpu.memref_slice %arg6[%dma_wait3A_24, %dma_wait3A_25] : memref<327680x128xf32, #tpu.memory_space<hbm>> -> memref<128x128xf32, #tpu.memory_space<hbm>>
      %dma_wait3A_27 = arith.constant 0 : i32
      %dma_wait3A_28 = arith.constant 0 : i32
      %dma_wait3A_29 = tpu.memref_slice %arg6[%dma_wait3A_27, %dma_wait3A_28] : memref<327680x128xf32, #tpu.memory_space<hbm>> -> memref<128x128xf32, #tpu.memory_space<hbm>>
      tpu.wait_dma2 semaphore(%arg14 : memref<!tpu.dma_semaphore, #tpu.memory_space<semaphore_mem>>) src(%arg10 : memref<128x128xf32, #tpu.memory_space<vmem>>) dst(%dma_wait3A_29 : memref<128x128xf32, #tpu.memory_space<hbm>>)
    } else {
    }
    %eq3A_2 = arith.constant 1 : i32
    %eq3A_3 = arith.cmpi eq, %arg0, %eq3A_2 : i32
    %convert_element_type3A_4 = arith.extui %eq3A_3 : i1 to i32
    %cond3A_5 = arith.constant 0 : i32
    %cond3A_6 = arith.cmpi ne, %convert_element_type3A_4, %cond3A_5 : i32
    scf.if %cond3A_6 {
      %mul3A = arith.constant 160 : i32
      %mul3A_7 = arith.muli %arg1, %mul3A : i32
      "tpu.region"() ({
        %run_scoped3A = tpu.sem_alloc : memref<!tpu.dma_semaphore, #tpu.memory_space<semaphore_mem>>
        %dma_start3A_30 = arith.constant 0 : i32
        %dma_start3A_31 = tpu.memref_slice %arg5[%mul3A_7, %dma_start3A_30] : memref<2560x128xi32, #tpu.memory_space<hbm>> -> memref<160x128xi32, #tpu.memory_space<hbm>>
        %dma_start3A_32 = arith.constant 0 : i32
        %dma_start3A_33 = tpu.memref_slice %arg5[%mul3A_7, %dma_start3A_32] : memref<2560x128xi32, #tpu.memory_space<hbm>> -> memref<160x128xi32, #tpu.memory_space<hbm>>
        tpu.enqueue_dma source(%dma_start3A_33 : memref<160x128xi32, #tpu.memory_space<hbm>>) target(%arg8 : memref<160x128xi32, #tpu.memory_space<vmem>>) target_semaphore(%run_scoped3A : memref<!tpu.dma_semaphore, #tpu.memory_space<semaphore_mem>>)
        %dma_wait3A_34 = arith.constant 0 : i32
        %dma_wait3A_35 = tpu.memref_slice %arg5[%mul3A_7, %dma_wait3A_34] : memref<2560x128xi32, #tpu.memory_space<hbm>> -> memref<160x128xi32, #tpu.memory_space<hbm>>
        %dma_wait3A_36 = arith.constant 0 : i32
        %dma_wait3A_37 = tpu.memref_slice %arg5[%mul3A_7, %dma_wait3A_36] : memref<2560x128xi32, #tpu.memory_space<hbm>> -> memref<160x128xi32, #tpu.memory_space<hbm>>
        tpu.wait_dma2 semaphore(%run_scoped3A : memref<!tpu.dma_semaphore, #tpu.memory_space<semaphore_mem>>) src(%dma_wait3A_37 : memref<160x128xi32, #tpu.memory_space<hbm>>) dst(%arg8 : memref<160x128xi32, #tpu.memory_space<vmem>>)
        tpu.yield
      }) : () -> ()
      %dma_start3A = arith.constant 0 : i32
      %dma_start3A_8 = arith.constant 0 : i32
      %dma_start3A_9 = tpu.memref_slice %arg8[%dma_start3A, %dma_start3A_8] : memref<160x128xi32, #tpu.memory_space<vmem>> -> memref<1x128xi32, #tpu.memory_space<vmem>>
      %dma_start3A_10 = tpu.memref_squeeze %dma_start3A_9 : memref<1x128xi32, #tpu.memory_space<vmem>> -> memref<128xi32, #tpu.memory_space<vmem>>
      %dma_start3A_11 = arith.constant 0 : i32
      %dma_start3A_12 = arith.constant 0 : i32
      %dma_start3A_13 = tpu.memref_slice %arg3[%dma_start3A_11, %dma_start3A_12] : memref<12288x128xf32, #tpu.memory_space<hbm>> -> memref<12288x128xf32, #tpu.memory_space<hbm>>
      tpu.enqueue_indirect_dma source(%dma_start3A_13 : memref<12288x128xf32, #tpu.memory_space<hbm>>) target(%arg9 : memref<128x128xf32, #tpu.memory_space<vmem>>) offsets(%dma_start3A_10 : memref<128xi32, #tpu.memory_space<vmem>>) semaphore(%arg11 : memref<!tpu.dma_semaphore, #tpu.memory_space<semaphore_mem>>)
      %scan3A = arith.constant 0 : i32
      %scan3A_14 = arith.constant 0 : i32
      %scan3A_15 = arith.constant 80 : i32
      %scan3A_16 = arith.addi %scan3A_14, %scan3A_15 : i32
      %scan3A_17 = arith.constant 1 : i32
      scf.for %scan3A_30 = %scan3A_14 to %scan3A_16 step %scan3A_17  : i32 {
        %mul3A_31 = arith.constant 2 : i32
        %mul3A_32 = arith.muli %mul3A_31, %scan3A_30 : i32
        %add3A = arith.constant 1 : i32
        %add3A_33 = arith.addi %mul3A_32, %add3A : i32
        %dma_wait3A_34 = arith.constant 0 : i32
        %dma_wait3A_35 = tpu.memref_slice %arg8[%mul3A_32, %dma_wait3A_34] : memref<160x128xi32, #tpu.memory_space<vmem>> -> memref<1x128xi32, #tpu.memory_space<vmem>>
        %dma_wait3A_36 = tpu.memref_squeeze %dma_wait3A_35 : memref<1x128xi32, #tpu.memory_space<vmem>> -> memref<128xi32, #tpu.memory_space<vmem>>
        %dma_wait3A_37 = arith.constant 0 : i32
        %dma_wait3A_38 = arith.constant 0 : i32
        %dma_wait3A_39 = tpu.memref_slice %arg3[%dma_wait3A_37, %dma_wait3A_38] : memref<12288x128xf32, #tpu.memory_space<hbm>> -> memref<12288x128xf32, #tpu.memory_space<hbm>>
        tpu.wait_indirect_dma semaphore(%arg11 : memref<!tpu.dma_semaphore, #tpu.memory_space<semaphore_mem>>) src(%dma_wait3A_39 : memref<12288x128xf32, #tpu.memory_space<hbm>>) dst(%arg9 : memref<128x128xf32, #tpu.memory_space<vmem>>)
        %gt3A = arith.constant 0 : i32
        %gt3A_40 = arith.cmpi sgt, %scan3A_30, %gt3A : i32
        %convert_element_type3A_41 = arith.extui %gt3A_40 : i1 to i32
        %cond3A_42 = arith.constant 0 : i32
        %cond3A_43 = arith.cmpi ne, %convert_element_type3A_41, %cond3A_42 : i32
        scf.if %cond3A_43 {
          %dma_wait3A_74 = arith.constant 0 : i32
          %dma_wait3A_75 = arith.constant 0 : i32
          %dma_wait3A_76 = tpu.memref_slice %arg7[%dma_wait3A_74, %dma_wait3A_75] : memref<327680x128xf32, #tpu.memory_space<hbm>> -> memref<128x128xf32, #tpu.memory_space<hbm>>
          %dma_wait3A_77 = arith.constant 0 : i32
          %dma_wait3A_78 = arith.constant 0 : i32
          %dma_wait3A_79 = tpu.memref_slice %arg7[%dma_wait3A_77, %dma_wait3A_78] : memref<327680x128xf32, #tpu.memory_space<hbm>> -> memref<128x128xf32, #tpu.memory_space<hbm>>
          tpu.wait_dma2 semaphore(%arg14 : memref<!tpu.dma_semaphore, #tpu.memory_space<semaphore_mem>>) src(%arg10 : memref<128x128xf32, #tpu.memory_space<vmem>>) dst(%dma_wait3A_79 : memref<128x128xf32, #tpu.memory_space<hbm>>)
        } else {
        }
        %dma_start3A_44 = arith.constant 0 : i32
        %dma_start3A_45 = tpu.memref_slice %arg8[%add3A_33, %dma_start3A_44] : memref<160x128xi32, #tpu.memory_space<vmem>> -> memref<1x128xi32, #tpu.memory_space<vmem>>
        %dma_start3A_46 = tpu.memref_squeeze %dma_start3A_45 : memref<1x128xi32, #tpu.memory_space<vmem>> -> memref<128xi32, #tpu.memory_space<vmem>>
        %dma_start3A_47 = arith.constant 0 : i32
        %dma_start3A_48 = arith.constant 0 : i32
        %dma_start3A_49 = tpu.memref_slice %arg3[%dma_start3A_47, %dma_start3A_48] : memref<12288x128xf32, #tpu.memory_space<hbm>> -> memref<12288x128xf32, #tpu.memory_space<hbm>>
        tpu.enqueue_indirect_dma source(%dma_start3A_49 : memref<12288x128xf32, #tpu.memory_space<hbm>>) target(%arg10 : memref<128x128xf32, #tpu.memory_space<vmem>>) offsets(%dma_start3A_46 : memref<128xi32, #tpu.memory_space<vmem>>) semaphore(%arg12 : memref<!tpu.dma_semaphore, #tpu.memory_space<semaphore_mem>>)
        %add3A_50 = arith.addi %mul3A_7, %mul3A_32 : i32
        %mul3A_51 = arith.constant 128 : i32
        %mul3A_52 = arith.muli %add3A_50, %mul3A_51 : i32
        %dma_start3A_53 = arith.constant 0 : i32
        %dma_start3A_54 = tpu.memref_slice %arg7[%mul3A_52, %dma_start3A_53] : memref<327680x128xf32, #tpu.memory_space<hbm>> -> memref<128x128xf32, #tpu.memory_space<hbm>>
        %dma_start3A_55 = arith.constant 0 : i32
        %dma_start3A_56 = tpu.memref_slice %arg7[%mul3A_52, %dma_start3A_55] : memref<327680x128xf32, #tpu.memory_space<hbm>> -> memref<128x128xf32, #tpu.memory_space<hbm>>
        tpu.enqueue_dma source(%arg9 : memref<128x128xf32, #tpu.memory_space<vmem>>) target(%dma_start3A_56 : memref<128x128xf32, #tpu.memory_space<hbm>>) target_semaphore(%arg13 : memref<!tpu.dma_semaphore, #tpu.memory_space<semaphore_mem>>)
        %dma_wait3A_57 = arith.constant 0 : i32
        %dma_wait3A_58 = tpu.memref_slice %arg8[%add3A_33, %dma_wait3A_57] : memref<160x128xi32, #tpu.memory_space<vmem>> -> memref<1x128xi32, #tpu.memory_space<vmem>>
        %dma_wait3A_59 = tpu.memref_squeeze %dma_wait3A_58 : memref<1x128xi32, #tpu.memory_space<vmem>> -> memref<128xi32, #tpu.memory_space<vmem>>
        %dma_wait3A_60 = arith.constant 0 : i32
        %dma_wait3A_61 = arith.constant 0 : i32
        %dma_wait3A_62 = tpu.memref_slice %arg3[%dma_wait3A_60, %dma_wait3A_61] : memref<12288x128xf32, #tpu.memory_space<hbm>> -> memref<12288x128xf32, #tpu.memory_space<hbm>>
        tpu.wait_indirect_dma semaphore(%arg12 : memref<!tpu.dma_semaphore, #tpu.memory_space<semaphore_mem>>) src(%dma_wait3A_62 : memref<12288x128xf32, #tpu.memory_space<hbm>>) dst(%arg10 : memref<128x128xf32, #tpu.memory_space<vmem>>)
        %lt3A = arith.constant 79 : i32
        %lt3A_63 = arith.cmpi slt, %scan3A_30, %lt3A : i32
        %convert_element_type3A_64 = arith.extui %lt3A_63 : i1 to i32
        %cond3A_65 = arith.constant 0 : i32
        %cond3A_66 = arith.cmpi ne, %convert_element_type3A_64, %cond3A_65 : i32
        scf.if %cond3A_66 {
          %dma_wait3A_74 = arith.constant 0 : i32
          %dma_wait3A_75 = arith.constant 0 : i32
          %dma_wait3A_76 = tpu.memref_slice %arg7[%dma_wait3A_74, %dma_wait3A_75] : memref<327680x128xf32, #tpu.memory_space<hbm>> -> memref<128x128xf32, #tpu.memory_space<hbm>>
          %dma_wait3A_77 = arith.constant 0 : i32
          %dma_wait3A_78 = arith.constant 0 : i32
          %dma_wait3A_79 = tpu.memref_slice %arg7[%dma_wait3A_77, %dma_wait3A_78] : memref<327680x128xf32, #tpu.memory_space<hbm>> -> memref<128x128xf32, #tpu.memory_space<hbm>>
          tpu.wait_dma2 semaphore(%arg13 : memref<!tpu.dma_semaphore, #tpu.memory_space<semaphore_mem>>) src(%arg9 : memref<128x128xf32, #tpu.memory_space<vmem>>) dst(%dma_wait3A_79 : memref<128x128xf32, #tpu.memory_space<hbm>>)
          %add3A_80 = arith.constant 2 : i32
          %add3A_81 = arith.addi %mul3A_32, %add3A_80 : i32
          %dma_start3A_82 = arith.constant 0 : i32
          %dma_start3A_83 = tpu.memref_slice %arg8[%add3A_81, %dma_start3A_82] : memref<160x128xi32, #tpu.memory_space<vmem>> -> memref<1x128xi32, #tpu.memory_space<vmem>>
          %dma_start3A_84 = tpu.memref_squeeze %dma_start3A_83 : memref<1x128xi32, #tpu.memory_space<vmem>> -> memref<128xi32, #tpu.memory_space<vmem>>
          %dma_start3A_85 = arith.constant 0 : i32
          %dma_start3A_86 = arith.constant 0 : i32
          %dma_start3A_87 = tpu.memref_slice %arg3[%dma_start3A_85, %dma_start3A_86] : memref<12288x128xf32, #tpu.memory_space<hbm>> -> memref<12288x128xf32, #tpu.memory_space<hbm>>
          tpu.enqueue_indirect_dma source(%dma_start3A_87 : memref<12288x128xf32, #tpu.memory_space<hbm>>) target(%arg9 : memref<128x128xf32, #tpu.memory_space<vmem>>) offsets(%dma_start3A_84 : memref<128xi32, #tpu.memory_space<vmem>>) semaphore(%arg11 : memref<!tpu.dma_semaphore, #tpu.memory_space<semaphore_mem>>)
        } else {
        }
        %add3A_67 = arith.addi %mul3A_7, %add3A_33 : i32
        %mul3A_68 = arith.constant 128 : i32
        %mul3A_69 = arith.muli %add3A_67, %mul3A_68 : i32
        %dma_start3A_70 = arith.constant 0 : i32
        %dma_start3A_71 = tpu.memref_slice %arg7[%mul3A_69, %dma_start3A_70] : memref<327680x128xf32, #tpu.memory_space<hbm>> -> memref<128x128xf32, #tpu.memory_space<hbm>>
        %dma_start3A_72 = arith.constant 0 : i32
        %dma_start3A_73 = tpu.memref_slice %arg7[%mul3A_69, %dma_start3A_72] : memref<327680x128xf32, #tpu.memory_space<hbm>> -> memref<128x128xf32, #tpu.memory_space<hbm>>
        tpu.enqueue_dma source(%arg10 : memref<128x128xf32, #tpu.memory_space<vmem>>) target(%dma_start3A_73 : memref<128x128xf32, #tpu.memory_space<hbm>>) target_semaphore(%arg14 : memref<!tpu.dma_semaphore, #tpu.memory_space<semaphore_mem>>)
      }
      %scan3A_18 = arith.constant 80 : i32
      %dma_wait3A = arith.constant 0 : i32
      %dma_wait3A_19 = arith.constant 0 : i32
      %dma_wait3A_20 = tpu.memref_slice %arg7[%dma_wait3A, %dma_wait3A_19] : memref<327680x128xf32, #tpu.memory_space<hbm>> -> memref<128x128xf32, #tpu.memory_space<hbm>>
      %dma_wait3A_21 = arith.constant 0 : i32
      %dma_wait3A_22 = arith.constant 0 : i32
      %dma_wait3A_23 = tpu.memref_slice %arg7[%dma_wait3A_21, %dma_wait3A_22] : memref<327680x128xf32, #tpu.memory_space<hbm>> -> memref<128x128xf32, #tpu.memory_space<hbm>>
      tpu.wait_dma2 semaphore(%arg13 : memref<!tpu.dma_semaphore, #tpu.memory_space<semaphore_mem>>) src(%arg9 : memref<128x128xf32, #tpu.memory_space<vmem>>) dst(%dma_wait3A_23 : memref<128x128xf32, #tpu.memory_space<hbm>>)
      %dma_wait3A_24 = arith.constant 0 : i32
      %dma_wait3A_25 = arith.constant 0 : i32
      %dma_wait3A_26 = tpu.memref_slice %arg7[%dma_wait3A_24, %dma_wait3A_25] : memref<327680x128xf32, #tpu.memory_space<hbm>> -> memref<128x128xf32, #tpu.memory_space<hbm>>
      %dma_wait3A_27 = arith.constant 0 : i32
      %dma_wait3A_28 = arith.constant 0 : i32
      %dma_wait3A_29 = tpu.memref_slice %arg7[%dma_wait3A_27, %dma_wait3A_28] : memref<327680x128xf32, #tpu.memory_space<hbm>> -> memref<128x128xf32, #tpu.memory_space<hbm>>
      tpu.wait_dma2 semaphore(%arg14 : memref<!tpu.dma_semaphore, #tpu.memory_space<semaphore_mem>>) src(%arg10 : memref<128x128xf32, #tpu.memory_space<vmem>>) dst(%dma_wait3A_29 : memref<128x128xf32, #tpu.memory_space<hbm>>)
    } else {
    }
    return
  }
}

#map = affine_map<(d0, d1) -> (0, 0)>
module attributes {stable_mosaic.version = 14 : i64} {
  func.func @_agg_body(%arg0: i32, %arg1: i32, %arg2: memref<327680x128xf32, #tpu.memory_space<hbm>>, %arg3: memref<2560x128xi32, #tpu.memory_space<hbm>>, %arg4: memref<768x64xf32, #tpu.memory_space<hbm>>, %arg5: memref<12288x128xf32, #tpu.memory_space<hbm>>, %arg6: memref<12288x64xf32, #tpu.memory_space<vmem_shared>>, %arg7: memref<768x64xf32, #tpu.memory_space<vmem>>, %arg8: memref<128x64xf32, #tpu.memory_space<vmem>>, %arg9: memref<128x64xf32, #tpu.memory_space<vmem>>, %arg10: memref<128xi32, #tpu.memory_space<vmem>>, %arg11: memref<128xi32, #tpu.memory_space<vmem>>, %arg12: memref<!tpu.dma_semaphore, #tpu.memory_space<semaphore_mem>>, %arg13: memref<!tpu.dma_semaphore, #tpu.memory_space<semaphore_mem>>, %arg14: memref<!tpu.dma_semaphore, #tpu.memory_space<semaphore_mem>>, %arg15: memref<!tpu.dma_semaphore, #tpu.memory_space<semaphore_mem>>) attributes {dimension_semantics = [#tpu.dimension_semantics<core_parallel>, #tpu.dimension_semantics<subcore_parallel>], iteration_bounds = array<i64: 2, 16>, scalar_prefetch = 0 : i64, scratch_operands = 10 : i64, tpu.core_type = #tpu.core_type<sc_vector_subcore>, window_params = [{transform_indices = #map}, {transform_indices = #map}, {transform_indices = #map}, {transform_indices = #map}]} {
    %mul3A = arith.constant 64 : i32
    %mul3A_0 = arith.muli %arg0, %mul3A : i32
    "tpu.region"() ({
      %run_scoped3A = tpu.sem_alloc : memref<!tpu.dma_semaphore, #tpu.memory_space<semaphore_mem>>
      tpu.enqueue_dma source(%arg4 : memref<768x64xf32, #tpu.memory_space<hbm>>) target(%arg7 : memref<768x64xf32, #tpu.memory_space<vmem>>) target_semaphore(%run_scoped3A : memref<!tpu.dma_semaphore, #tpu.memory_space<semaphore_mem>>)
      tpu.wait_dma2 semaphore(%run_scoped3A : memref<!tpu.dma_semaphore, #tpu.memory_space<semaphore_mem>>) src(%arg4 : memref<768x64xf32, #tpu.memory_space<hbm>>) dst(%arg7 : memref<768x64xf32, #tpu.memory_space<vmem>>)
      tpu.yield
    }) : () -> ()
    %mul3A_1 = arith.constant 768 : i32
    %mul3A_2 = arith.muli %arg1, %mul3A_1 : i32
    "tpu.region"() ({
      %run_scoped3A = tpu.sem_alloc : memref<!tpu.dma_semaphore, #tpu.memory_space<semaphore_mem>>
      %dma_start3A_29 = arith.constant 0 : i32
      %dma_start3A_30 = tpu.memref_slice %arg6[%mul3A_2, %dma_start3A_29] : memref<12288x64xf32, #tpu.memory_space<vmem_shared>> -> memref<768x64xf32, #tpu.memory_space<vmem_shared>>
      %dma_start3A_31 = arith.constant 0 : i32
      %dma_start3A_32 = tpu.memref_slice %arg6[%mul3A_2, %dma_start3A_31] : memref<12288x64xf32, #tpu.memory_space<vmem_shared>> -> memref<768x64xf32, #tpu.memory_space<vmem_shared>>
      tpu.enqueue_dma source(%arg7 : memref<768x64xf32, #tpu.memory_space<vmem>>) target(%dma_start3A_32 : memref<768x64xf32, #tpu.memory_space<vmem_shared>>) target_semaphore(%run_scoped3A : memref<!tpu.dma_semaphore, #tpu.memory_space<semaphore_mem>>)
      %dma_wait3A_33 = arith.constant 0 : i32
      %dma_wait3A_34 = tpu.memref_slice %arg6[%mul3A_2, %dma_wait3A_33] : memref<12288x64xf32, #tpu.memory_space<vmem_shared>> -> memref<768x64xf32, #tpu.memory_space<vmem_shared>>
      %dma_wait3A_35 = arith.constant 0 : i32
      %dma_wait3A_36 = tpu.memref_slice %arg6[%mul3A_2, %dma_wait3A_35] : memref<12288x64xf32, #tpu.memory_space<vmem_shared>> -> memref<768x64xf32, #tpu.memory_space<vmem_shared>>
      tpu.wait_dma2 semaphore(%run_scoped3A : memref<!tpu.dma_semaphore, #tpu.memory_space<semaphore_mem>>) src(%arg7 : memref<768x64xf32, #tpu.memory_space<vmem>>) dst(%dma_wait3A_36 : memref<768x64xf32, #tpu.memory_space<vmem_shared>>)
      tpu.yield
    }) : () -> ()
    %barrier3A = arith.constant 0 : index
    tpu.barrier barrier_id(%barrier3A)
    %mul3A_3 = arith.constant 160 : i32
    %mul3A_4 = arith.muli %arg1, %mul3A_3 : i32
    %dma_start3A = arith.constant 0 : i32
    %dma_start3A_5 = tpu.memref_slice %arg3[%mul3A_4, %dma_start3A] : memref<2560x128xi32, #tpu.memory_space<hbm>> -> memref<1x128xi32, #tpu.memory_space<hbm>>
    %dma_start3A_6 = tpu.memref_squeeze %dma_start3A_5 : memref<1x128xi32, #tpu.memory_space<hbm>> -> memref<128xi32, #tpu.memory_space<hbm>>
    %dma_start3A_7 = arith.constant 0 : i32
    %dma_start3A_8 = tpu.memref_slice %arg3[%mul3A_4, %dma_start3A_7] : memref<2560x128xi32, #tpu.memory_space<hbm>> -> memref<1x128xi32, #tpu.memory_space<hbm>>
    %dma_start3A_9 = tpu.memref_squeeze %dma_start3A_8 : memref<1x128xi32, #tpu.memory_space<hbm>> -> memref<128xi32, #tpu.memory_space<hbm>>
    tpu.enqueue_dma source(%dma_start3A_9 : memref<128xi32, #tpu.memory_space<hbm>>) target(%arg10 : memref<128xi32, #tpu.memory_space<vmem>>) target_semaphore(%arg12 : memref<!tpu.dma_semaphore, #tpu.memory_space<semaphore_mem>>)
    %mul3A_10 = arith.constant 128 : i32
    %mul3A_11 = arith.muli %mul3A_4, %mul3A_10 : i32
    %dma_start3A_12 = tpu.memref_slice %arg2[%mul3A_11, %mul3A_0] : memref<327680x128xf32, #tpu.memory_space<hbm>> -> memref<128x64xf32, #tpu.memory_space<hbm>>
    %dma_start3A_13 = tpu.memref_slice %arg2[%mul3A_11, %mul3A_0] : memref<327680x128xf32, #tpu.memory_space<hbm>> -> memref<128x64xf32, #tpu.memory_space<hbm>>
    tpu.enqueue_dma source(%dma_start3A_13 : memref<128x64xf32, #tpu.memory_space<hbm>>) target(%arg8 : memref<128x64xf32, #tpu.memory_space<vmem>>) target_semaphore(%arg12 : memref<!tpu.dma_semaphore, #tpu.memory_space<semaphore_mem>>)
    %scan3A = arith.constant 0 : i32
    %scan3A_14 = arith.constant 0 : i32
    %scan3A_15 = arith.constant 80 : i32
    %scan3A_16 = arith.addi %scan3A_14, %scan3A_15 : i32
    %scan3A_17 = arith.constant 1 : i32
    scf.for %scan3A_29 = %scan3A_14 to %scan3A_16 step %scan3A_17  : i32 {
      %mul3A_30 = arith.constant 2 : i32
      %mul3A_31 = arith.muli %mul3A_30, %scan3A_29 : i32
      %add3A = arith.addi %mul3A_4, %mul3A_31 : i32
      %add3A_32 = arith.constant 1 : i32
      %add3A_33 = arith.addi %add3A, %add3A_32 : i32
      %dma_wait3A_34 = arith.constant 0 : i32
      %dma_wait3A_35 = tpu.memref_slice %arg3[%add3A, %dma_wait3A_34] : memref<2560x128xi32, #tpu.memory_space<hbm>> -> memref<1x128xi32, #tpu.memory_space<hbm>>
      %dma_wait3A_36 = tpu.memref_squeeze %dma_wait3A_35 : memref<1x128xi32, #tpu.memory_space<hbm>> -> memref<128xi32, #tpu.memory_space<hbm>>
      %dma_wait3A_37 = arith.constant 0 : i32
      %dma_wait3A_38 = tpu.memref_slice %arg3[%add3A, %dma_wait3A_37] : memref<2560x128xi32, #tpu.memory_space<hbm>> -> memref<1x128xi32, #tpu.memory_space<hbm>>
      %dma_wait3A_39 = tpu.memref_squeeze %dma_wait3A_38 : memref<1x128xi32, #tpu.memory_space<hbm>> -> memref<128xi32, #tpu.memory_space<hbm>>
      tpu.wait_dma2 semaphore(%arg12 : memref<!tpu.dma_semaphore, #tpu.memory_space<semaphore_mem>>) src(%dma_wait3A_39 : memref<128xi32, #tpu.memory_space<hbm>>) dst(%arg10 : memref<128xi32, #tpu.memory_space<vmem>>)
      %mul3A_40 = arith.constant 128 : i32
      %mul3A_41 = arith.muli %add3A, %mul3A_40 : i32
      %dma_wait3A_42 = tpu.memref_slice %arg2[%mul3A_41, %mul3A_0] : memref<327680x128xf32, #tpu.memory_space<hbm>> -> memref<128x64xf32, #tpu.memory_space<hbm>>
      %dma_wait3A_43 = tpu.memref_slice %arg2[%mul3A_41, %mul3A_0] : memref<327680x128xf32, #tpu.memory_space<hbm>> -> memref<128x64xf32, #tpu.memory_space<hbm>>
      tpu.wait_dma2 semaphore(%arg12 : memref<!tpu.dma_semaphore, #tpu.memory_space<semaphore_mem>>) src(%dma_wait3A_43 : memref<128x64xf32, #tpu.memory_space<hbm>>) dst(%arg8 : memref<128x64xf32, #tpu.memory_space<vmem>>)
      %gt3A = arith.constant 0 : i32
      %gt3A_44 = arith.cmpi sgt, %scan3A_29, %gt3A : i32
      %convert_element_type3A = arith.extui %gt3A_44 : i1 to i32
      %cond3A = arith.constant 0 : i32
      %cond3A_45 = arith.cmpi ne, %convert_element_type3A, %cond3A : i32
      scf.if %cond3A_45 {
        %dma_wait3A_76 = arith.constant 0 : i32
        %dma_wait3A_77 = arith.constant 0 : i32
        %dma_wait3A_78 = tpu.memref_slice %arg6[%dma_wait3A_76, %dma_wait3A_77] : memref<12288x64xf32, #tpu.memory_space<vmem_shared>> -> memref<12288x64xf32, #tpu.memory_space<vmem_shared>>
        tpu.wait_indirect_dma semaphore(%arg15 : memref<!tpu.dma_semaphore, #tpu.memory_space<semaphore_mem>>) src(%arg9 : memref<128x64xf32, #tpu.memory_space<vmem>>) dst(%dma_wait3A_78 : memref<12288x64xf32, #tpu.memory_space<vmem_shared>>)
      } else {
      }
      %dma_start3A_46 = arith.constant 0 : i32
      %dma_start3A_47 = tpu.memref_slice %arg3[%add3A_33, %dma_start3A_46] : memref<2560x128xi32, #tpu.memory_space<hbm>> -> memref<1x128xi32, #tpu.memory_space<hbm>>
      %dma_start3A_48 = tpu.memref_squeeze %dma_start3A_47 : memref<1x128xi32, #tpu.memory_space<hbm>> -> memref<128xi32, #tpu.memory_space<hbm>>
      %dma_start3A_49 = arith.constant 0 : i32
      %dma_start3A_50 = tpu.memref_slice %arg3[%add3A_33, %dma_start3A_49] : memref<2560x128xi32, #tpu.memory_space<hbm>> -> memref<1x128xi32, #tpu.memory_space<hbm>>
      %dma_start3A_51 = tpu.memref_squeeze %dma_start3A_50 : memref<1x128xi32, #tpu.memory_space<hbm>> -> memref<128xi32, #tpu.memory_space<hbm>>
      tpu.enqueue_dma source(%dma_start3A_51 : memref<128xi32, #tpu.memory_space<hbm>>) target(%arg11 : memref<128xi32, #tpu.memory_space<vmem>>) target_semaphore(%arg13 : memref<!tpu.dma_semaphore, #tpu.memory_space<semaphore_mem>>)
      %mul3A_52 = arith.constant 128 : i32
      %mul3A_53 = arith.muli %add3A_33, %mul3A_52 : i32
      %dma_start3A_54 = tpu.memref_slice %arg2[%mul3A_53, %mul3A_0] : memref<327680x128xf32, #tpu.memory_space<hbm>> -> memref<128x64xf32, #tpu.memory_space<hbm>>
      %dma_start3A_55 = tpu.memref_slice %arg2[%mul3A_53, %mul3A_0] : memref<327680x128xf32, #tpu.memory_space<hbm>> -> memref<128x64xf32, #tpu.memory_space<hbm>>
      tpu.enqueue_dma source(%dma_start3A_55 : memref<128x64xf32, #tpu.memory_space<hbm>>) target(%arg9 : memref<128x64xf32, #tpu.memory_space<vmem>>) target_semaphore(%arg13 : memref<!tpu.dma_semaphore, #tpu.memory_space<semaphore_mem>>)
      %dma_start3A_56 = arith.constant 0 : i32
      %dma_start3A_57 = arith.constant 0 : i32
      %dma_start3A_58 = tpu.memref_slice %arg6[%dma_start3A_56, %dma_start3A_57] : memref<12288x64xf32, #tpu.memory_space<vmem_shared>> -> memref<12288x64xf32, #tpu.memory_space<vmem_shared>>
      tpu.enqueue_indirect_dma source(%arg8 : memref<128x64xf32, #tpu.memory_space<vmem>>) target(%dma_start3A_58 : memref<12288x64xf32, #tpu.memory_space<vmem_shared>>) offsets(%arg10 : memref<128xi32, #tpu.memory_space<vmem>>) semaphore(%arg14 : memref<!tpu.dma_semaphore, #tpu.memory_space<semaphore_mem>>) {add = true}
      %dma_wait3A_59 = arith.constant 0 : i32
      %dma_wait3A_60 = tpu.memref_slice %arg3[%add3A_33, %dma_wait3A_59] : memref<2560x128xi32, #tpu.memory_space<hbm>> -> memref<1x128xi32, #tpu.memory_space<hbm>>
      %dma_wait3A_61 = tpu.memref_squeeze %dma_wait3A_60 : memref<1x128xi32, #tpu.memory_space<hbm>> -> memref<128xi32, #tpu.memory_space<hbm>>
      %dma_wait3A_62 = arith.constant 0 : i32
      %dma_wait3A_63 = tpu.memref_slice %arg3[%add3A_33, %dma_wait3A_62] : memref<2560x128xi32, #tpu.memory_space<hbm>> -> memref<1x128xi32, #tpu.memory_space<hbm>>
      %dma_wait3A_64 = tpu.memref_squeeze %dma_wait3A_63 : memref<1x128xi32, #tpu.memory_space<hbm>> -> memref<128xi32, #tpu.memory_space<hbm>>
      tpu.wait_dma2 semaphore(%arg13 : memref<!tpu.dma_semaphore, #tpu.memory_space<semaphore_mem>>) src(%dma_wait3A_64 : memref<128xi32, #tpu.memory_space<hbm>>) dst(%arg11 : memref<128xi32, #tpu.memory_space<vmem>>)
      %mul3A_65 = arith.constant 128 : i32
      %mul3A_66 = arith.muli %add3A_33, %mul3A_65 : i32
      %dma_wait3A_67 = tpu.memref_slice %arg2[%mul3A_66, %mul3A_0] : memref<327680x128xf32, #tpu.memory_space<hbm>> -> memref<128x64xf32, #tpu.memory_space<hbm>>
      %dma_wait3A_68 = tpu.memref_slice %arg2[%mul3A_66, %mul3A_0] : memref<327680x128xf32, #tpu.memory_space<hbm>> -> memref<128x64xf32, #tpu.memory_space<hbm>>
      tpu.wait_dma2 semaphore(%arg13 : memref<!tpu.dma_semaphore, #tpu.memory_space<semaphore_mem>>) src(%dma_wait3A_68 : memref<128x64xf32, #tpu.memory_space<hbm>>) dst(%arg9 : memref<128x64xf32, #tpu.memory_space<vmem>>)
      %lt3A = arith.constant 79 : i32
      %lt3A_69 = arith.cmpi slt, %scan3A_29, %lt3A : i32
      %convert_element_type3A_70 = arith.extui %lt3A_69 : i1 to i32
      %cond3A_71 = arith.constant 0 : i32
      %cond3A_72 = arith.cmpi ne, %convert_element_type3A_70, %cond3A_71 : i32
      scf.if %cond3A_72 {
        %dma_wait3A_76 = arith.constant 0 : i32
        %dma_wait3A_77 = arith.constant 0 : i32
        %dma_wait3A_78 = tpu.memref_slice %arg6[%dma_wait3A_76, %dma_wait3A_77] : memref<12288x64xf32, #tpu.memory_space<vmem_shared>> -> memref<12288x64xf32, #tpu.memory_space<vmem_shared>>
        tpu.wait_indirect_dma semaphore(%arg14 : memref<!tpu.dma_semaphore, #tpu.memory_space<semaphore_mem>>) src(%arg8 : memref<128x64xf32, #tpu.memory_space<vmem>>) dst(%dma_wait3A_78 : memref<12288x64xf32, #tpu.memory_space<vmem_shared>>)
        %add3A_79 = arith.constant 2 : i32
        %add3A_80 = arith.addi %add3A, %add3A_79 : i32
        %dma_start3A_81 = arith.constant 0 : i32
        %dma_start3A_82 = tpu.memref_slice %arg3[%add3A_80, %dma_start3A_81] : memref<2560x128xi32, #tpu.memory_space<hbm>> -> memref<1x128xi32, #tpu.memory_space<hbm>>
        %dma_start3A_83 = tpu.memref_squeeze %dma_start3A_82 : memref<1x128xi32, #tpu.memory_space<hbm>> -> memref<128xi32, #tpu.memory_space<hbm>>
        %dma_start3A_84 = arith.constant 0 : i32
        %dma_start3A_85 = tpu.memref_slice %arg3[%add3A_80, %dma_start3A_84] : memref<2560x128xi32, #tpu.memory_space<hbm>> -> memref<1x128xi32, #tpu.memory_space<hbm>>
        %dma_start3A_86 = tpu.memref_squeeze %dma_start3A_85 : memref<1x128xi32, #tpu.memory_space<hbm>> -> memref<128xi32, #tpu.memory_space<hbm>>
        tpu.enqueue_dma source(%dma_start3A_86 : memref<128xi32, #tpu.memory_space<hbm>>) target(%arg10 : memref<128xi32, #tpu.memory_space<vmem>>) target_semaphore(%arg12 : memref<!tpu.dma_semaphore, #tpu.memory_space<semaphore_mem>>)
        %mul3A_87 = arith.constant 128 : i32
        %mul3A_88 = arith.muli %add3A_80, %mul3A_87 : i32
        %dma_start3A_89 = tpu.memref_slice %arg2[%mul3A_88, %mul3A_0] : memref<327680x128xf32, #tpu.memory_space<hbm>> -> memref<128x64xf32, #tpu.memory_space<hbm>>
        %dma_start3A_90 = tpu.memref_slice %arg2[%mul3A_88, %mul3A_0] : memref<327680x128xf32, #tpu.memory_space<hbm>> -> memref<128x64xf32, #tpu.memory_space<hbm>>
        tpu.enqueue_dma source(%dma_start3A_90 : memref<128x64xf32, #tpu.memory_space<hbm>>) target(%arg8 : memref<128x64xf32, #tpu.memory_space<vmem>>) target_semaphore(%arg12 : memref<!tpu.dma_semaphore, #tpu.memory_space<semaphore_mem>>)
      } else {
      }
      %dma_start3A_73 = arith.constant 0 : i32
      %dma_start3A_74 = arith.constant 0 : i32
      %dma_start3A_75 = tpu.memref_slice %arg6[%dma_start3A_73, %dma_start3A_74] : memref<12288x64xf32, #tpu.memory_space<vmem_shared>> -> memref<12288x64xf32, #tpu.memory_space<vmem_shared>>
      tpu.enqueue_indirect_dma source(%arg9 : memref<128x64xf32, #tpu.memory_space<vmem>>) target(%dma_start3A_75 : memref<12288x64xf32, #tpu.memory_space<vmem_shared>>) offsets(%arg11 : memref<128xi32, #tpu.memory_space<vmem>>) semaphore(%arg15 : memref<!tpu.dma_semaphore, #tpu.memory_space<semaphore_mem>>) {add = true}
    }
    %scan3A_18 = arith.constant 80 : i32
    %dma_wait3A = arith.constant 0 : i32
    %dma_wait3A_19 = arith.constant 0 : i32
    %dma_wait3A_20 = tpu.memref_slice %arg6[%dma_wait3A, %dma_wait3A_19] : memref<12288x64xf32, #tpu.memory_space<vmem_shared>> -> memref<12288x64xf32, #tpu.memory_space<vmem_shared>>
    tpu.wait_indirect_dma semaphore(%arg14 : memref<!tpu.dma_semaphore, #tpu.memory_space<semaphore_mem>>) src(%arg8 : memref<128x64xf32, #tpu.memory_space<vmem>>) dst(%dma_wait3A_20 : memref<12288x64xf32, #tpu.memory_space<vmem_shared>>)
    %dma_wait3A_21 = arith.constant 0 : i32
    %dma_wait3A_22 = arith.constant 0 : i32
    %dma_wait3A_23 = tpu.memref_slice %arg6[%dma_wait3A_21, %dma_wait3A_22] : memref<12288x64xf32, #tpu.memory_space<vmem_shared>> -> memref<12288x64xf32, #tpu.memory_space<vmem_shared>>
    tpu.wait_indirect_dma semaphore(%arg15 : memref<!tpu.dma_semaphore, #tpu.memory_space<semaphore_mem>>) src(%arg9 : memref<128x64xf32, #tpu.memory_space<vmem>>) dst(%dma_wait3A_23 : memref<12288x64xf32, #tpu.memory_space<vmem_shared>>)
    %barrier3A_24 = arith.constant 0 : index
    tpu.barrier barrier_id(%barrier3A_24)
    %mul3A_25 = arith.constant 768 : i32
    %mul3A_26 = arith.muli %arg1, %mul3A_25 : i32
    "tpu.region"() ({
      %run_scoped3A = tpu.sem_alloc : memref<!tpu.dma_semaphore, #tpu.memory_space<semaphore_mem>>
      %dma_start3A_29 = arith.constant 0 : i32
      %dma_start3A_30 = tpu.memref_slice %arg6[%mul3A_26, %dma_start3A_29] : memref<12288x64xf32, #tpu.memory_space<vmem_shared>> -> memref<768x64xf32, #tpu.memory_space<vmem_shared>>
      %dma_start3A_31 = arith.constant 0 : i32
      %dma_start3A_32 = tpu.memref_slice %arg6[%mul3A_26, %dma_start3A_31] : memref<12288x64xf32, #tpu.memory_space<vmem_shared>> -> memref<768x64xf32, #tpu.memory_space<vmem_shared>>
      tpu.enqueue_dma source(%dma_start3A_32 : memref<768x64xf32, #tpu.memory_space<vmem_shared>>) target(%arg7 : memref<768x64xf32, #tpu.memory_space<vmem>>) target_semaphore(%run_scoped3A : memref<!tpu.dma_semaphore, #tpu.memory_space<semaphore_mem>>)
      %dma_wait3A_33 = arith.constant 0 : i32
      %dma_wait3A_34 = tpu.memref_slice %arg6[%mul3A_26, %dma_wait3A_33] : memref<12288x64xf32, #tpu.memory_space<vmem_shared>> -> memref<768x64xf32, #tpu.memory_space<vmem_shared>>
      %dma_wait3A_35 = arith.constant 0 : i32
      %dma_wait3A_36 = tpu.memref_slice %arg6[%mul3A_26, %dma_wait3A_35] : memref<12288x64xf32, #tpu.memory_space<vmem_shared>> -> memref<768x64xf32, #tpu.memory_space<vmem_shared>>
      tpu.wait_dma2 semaphore(%run_scoped3A : memref<!tpu.dma_semaphore, #tpu.memory_space<semaphore_mem>>) src(%dma_wait3A_36 : memref<768x64xf32, #tpu.memory_space<vmem_shared>>) dst(%arg7 : memref<768x64xf32, #tpu.memory_space<vmem>>)
      tpu.yield
    }) : () -> ()
    %mul3A_27 = arith.constant 768 : i32
    %mul3A_28 = arith.muli %arg1, %mul3A_27 : i32
    "tpu.region"() ({
      %run_scoped3A = tpu.sem_alloc : memref<!tpu.dma_semaphore, #tpu.memory_space<semaphore_mem>>
      %dma_start3A_29 = tpu.memref_slice %arg5[%mul3A_28, %mul3A_0] : memref<12288x128xf32, #tpu.memory_space<hbm>> -> memref<768x64xf32, #tpu.memory_space<hbm>>
      %dma_start3A_30 = tpu.memref_slice %arg5[%mul3A_28, %mul3A_0] : memref<12288x128xf32, #tpu.memory_space<hbm>> -> memref<768x64xf32, #tpu.memory_space<hbm>>
      tpu.enqueue_dma source(%arg7 : memref<768x64xf32, #tpu.memory_space<vmem>>) target(%dma_start3A_30 : memref<768x64xf32, #tpu.memory_space<hbm>>) target_semaphore(%run_scoped3A : memref<!tpu.dma_semaphore, #tpu.memory_space<semaphore_mem>>)
      %dma_wait3A_31 = tpu.memref_slice %arg5[%mul3A_28, %mul3A_0] : memref<12288x128xf32, #tpu.memory_space<hbm>> -> memref<768x64xf32, #tpu.memory_space<hbm>>
      %dma_wait3A_32 = tpu.memref_slice %arg5[%mul3A_28, %mul3A_0] : memref<12288x128xf32, #tpu.memory_space<hbm>> -> memref<768x64xf32, #tpu.memory_space<hbm>>
      tpu.wait_dma2 semaphore(%run_scoped3A : memref<!tpu.dma_semaphore, #tpu.memory_space<semaphore_mem>>) src(%arg7 : memref<768x64xf32, #tpu.memory_space<vmem>>) dst(%dma_wait3A_32 : memref<768x64xf32, #tpu.memory_space<hbm>>)
      tpu.yield
    }) : () -> ()
    return
  }
}

module attributes {stable_mosaic.version = 14 : i64} {
  func.func @_encode_body(%arg0: i32, %arg1: memref<2048x128xf32, #tpu.memory_space<vmem>>, %arg2: memref<128x128xf32, #tpu.memory_space<vmem>>, %arg3: memref<1x128xf32, #tpu.memory_space<vmem>>, %arg4: memref<128x128xf32, #tpu.memory_space<vmem>>, %arg5: memref<1x128xf32, #tpu.memory_space<vmem>>, %arg6: memref<1x128xf32, #tpu.memory_space<vmem>>, %arg7: memref<1x128xf32, #tpu.memory_space<vmem>>, %arg8: memref<128x128xf32, #tpu.memory_space<vmem>>, %arg9: memref<128x128xf32, #tpu.memory_space<vmem>>, %arg10: memref<2048x128xf32, #tpu.memory_space<vmem>>, %arg11: memref<2048x128xf32, #tpu.memory_space<vmem>>, %arg12: memref<2048x128xf32, #tpu.memory_space<vmem>>) attributes {dimension_semantics = [#tpu.dimension_semantics<arbitrary>], iteration_bounds = array<i64: 6>, scalar_prefetch = 0 : i64, scratch_operands = 0 : i64, tpu.core_type = #tpu.core_type<tc>, window_params = [{transform_indices = @transform_0, window_bounds = array<i64: 2048, 128>}, {pipeline_mode = #tpu.pipeline_mode<synchronous>, transform_indices = @transform_1, window_bounds = array<i64: 128, 128>}, {pipeline_mode = #tpu.pipeline_mode<synchronous>, transform_indices = @transform_2, window_bounds = array<i64: 1, 128>}, {pipeline_mode = #tpu.pipeline_mode<synchronous>, transform_indices = @transform_3, window_bounds = array<i64: 128, 128>}, {pipeline_mode = #tpu.pipeline_mode<synchronous>, transform_indices = @transform_4, window_bounds = array<i64: 1, 128>}, {pipeline_mode = #tpu.pipeline_mode<synchronous>, transform_indices = @transform_5, window_bounds = array<i64: 1, 128>}, {pipeline_mode = #tpu.pipeline_mode<synchronous>, transform_indices = @transform_6, window_bounds = array<i64: 1, 128>}, {pipeline_mode = #tpu.pipeline_mode<synchronous>, transform_indices = @transform_7, window_bounds = array<i64: 128, 128>}, {pipeline_mode = #tpu.pipeline_mode<synchronous>, transform_indices = @transform_8, window_bounds = array<i64: 128, 128>}, {transform_indices = @transform_9, window_bounds = array<i64: 2048, 128>}, {transform_indices = @transform_10, window_bounds = array<i64: 2048, 128>}, {transform_indices = @transform_11, window_bounds = array<i64: 2048, 128>}]} {
    %get3A = arith.constant 0 : index
    %get3A_0 = arith.constant 0 : index
    %get3A_1 = vector.load %arg1[%get3A, %get3A_0] : memref<2048x128xf32, #tpu.memory_space<vmem>>, vector<2048x128xf32>
    %get3A_2 = arith.constant 0 : index
    %get3A_3 = arith.constant 0 : index
    %get3A_4 = vector.load %arg2[%get3A_2, %get3A_3] : memref<128x128xf32, #tpu.memory_space<vmem>>, vector<128x128xf32>
    %dot_general3A = arith.constant dense<0.000000e+00> : vector<2048x128xf32>
    %dot_general3A_5 = tpu.matmul %get3A_1, %get3A_4, %dot_general3A {dimension_numbers = #tpu.dot_dimension_numbers<[1], [0], [0], [1], [0, 0, 1, 1], [], []>, transpose_lhs_hint = false} : vector<2048x128xf32>, vector<128x128xf32>, vector<2048x128xf32> -> vector<2048x128xf32>
    %get3A_6 = arith.constant 0 : index
    %get3A_7 = arith.constant 0 : index
    %get3A_8 = vector.load %arg3[%get3A_6, %get3A_7] : memref<1x128xf32, #tpu.memory_space<vmem>>, vector<1x128xf32>
    %add3A = vector.broadcast %get3A_8 : vector<1x128xf32> to vector<2048x128xf32>
    %add3A_9 = arith.addf %dot_general3A_5, %add3A : vector<2048x128xf32>
    %gt3A = arith.constant 0.000000e+00 : f32
    %gt3A_10 = vector.broadcast %gt3A : f32 to vector<2048x128xf32>
    %gt3A_11 = arith.cmpf ogt, %add3A_9, %gt3A_10 : vector<2048x128xf32>
    %min3A = arith.constant 0.000000e+00 : f32
    %min3A_12 = vector.broadcast %min3A : f32 to vector<2048x128xf32>
    %min3A_13 = arith.minimumf %add3A_9, %min3A_12 : vector<2048x128xf32>
    %exp3A = math.exp %min3A_13 : vector<2048x128xf32>
    %sub3A = arith.constant 1.000000e+00 : f32
    %sub3A_14 = vector.broadcast %sub3A : f32 to vector<2048x128xf32>
    %sub3A_15 = arith.subf %exp3A, %sub3A_14 : vector<2048x128xf32>
    %select_n3A = arith.select %gt3A_11, %add3A_9, %sub3A_15 : vector<2048x128xi1>, vector<2048x128xf32>
    %get3A_16 = arith.constant 0 : index
    %get3A_17 = arith.constant 0 : index
    %get3A_18 = vector.load %arg4[%get3A_16, %get3A_17] : memref<128x128xf32, #tpu.memory_space<vmem>>, vector<128x128xf32>
    %dot_general3A_19 = arith.constant dense<0.000000e+00> : vector<2048x128xf32>
    %dot_general3A_20 = tpu.matmul %select_n3A, %get3A_18, %dot_general3A_19 {dimension_numbers = #tpu.dot_dimension_numbers<[1], [0], [0], [1], [0, 0, 1, 1], [], []>, transpose_lhs_hint = false} : vector<2048x128xf32>, vector<128x128xf32>, vector<2048x128xf32> -> vector<2048x128xf32>
    %get3A_21 = arith.constant 0 : index
    %get3A_22 = arith.constant 0 : index
    %get3A_23 = vector.load %arg5[%get3A_21, %get3A_22] : memref<1x128xf32, #tpu.memory_space<vmem>>, vector<1x128xf32>
    %add3A_24 = vector.broadcast %get3A_23 : vector<1x128xf32> to vector<2048x128xf32>
    %add3A_25 = arith.addf %dot_general3A_20, %add3A_24 : vector<2048x128xf32>
    %broadcast_in_dim3A = arith.constant 0.000000e+00 : f32
    %broadcast_in_dim3A_26 = vector.broadcast %broadcast_in_dim3A : f32 to vector<2048x128xf32>
    %reduce_sum3A = arith.constant dense<0.000000e+00> : vector<2048xf32>
    %reduce_sum3A_27 = vector.multi_reduction <add>, %add3A_25, %reduce_sum3A [1] : vector<2048x128xf32> to vector<2048xf32>
    %broadcast_in_dim3A_28 = vector.shape_cast %reduce_sum3A_27 : vector<2048xf32> to vector<2048x1xf32>
    %div3A = arith.constant 1.280000e+02 : f32
    %div3A_29 = vector.broadcast %div3A : f32 to vector<2048x1xf32>
    %div3A_30 = arith.divf %broadcast_in_dim3A_28, %div3A_29 : vector<2048x1xf32>
    %sub3A_31 = vector.broadcast %div3A_30 : vector<2048x1xf32> to vector<2048x128xf32>
    %sub3A_32 = arith.subf %add3A_25, %sub3A_31 : vector<2048x128xf32>
    %integer_pow3A = arith.mulf %sub3A_32, %sub3A_32 : vector<2048x128xf32>
    %reduce_sum3A_33 = arith.constant dense<0.000000e+00> : vector<2048xf32>
    %reduce_sum3A_34 = vector.multi_reduction <add>, %integer_pow3A, %reduce_sum3A_33 [1] : vector<2048x128xf32> to vector<2048xf32>
    %broadcast_in_dim3A_35 = vector.shape_cast %reduce_sum3A_34 : vector<2048xf32> to vector<2048x1xf32>
    %div3A_36 = arith.constant 1.280000e+02 : f32
    %div3A_37 = vector.broadcast %div3A_36 : f32 to vector<2048x1xf32>
    %div3A_38 = arith.divf %broadcast_in_dim3A_35, %div3A_37 : vector<2048x1xf32>
    %sub3A_39 = vector.broadcast %div3A_30 : vector<2048x1xf32> to vector<2048x128xf32>
    %sub3A_40 = arith.subf %add3A_25, %sub3A_39 : vector<2048x128xf32>
    %add3A_41 = arith.constant 9.99999974E-6 : f32
    %add3A_42 = vector.broadcast %add3A_41 : f32 to vector<2048x1xf32>
    %add3A_43 = arith.addf %div3A_38, %add3A_42 : vector<2048x1xf32>
    %rsqrt3A = math.rsqrt %add3A_43 : vector<2048x1xf32>
    %mul3A = vector.broadcast %rsqrt3A : vector<2048x1xf32> to vector<2048x128xf32>
    %mul3A_44 = arith.mulf %sub3A_40, %mul3A : vector<2048x128xf32>
    %get3A_45 = arith.constant 0 : index
    %get3A_46 = arith.constant 0 : index
    %get3A_47 = vector.load %arg6[%get3A_45, %get3A_46] : memref<1x128xf32, #tpu.memory_space<vmem>>, vector<1x128xf32>
    %mul3A_48 = vector.broadcast %get3A_47 : vector<1x128xf32> to vector<2048x128xf32>
    %mul3A_49 = arith.mulf %mul3A_44, %mul3A_48 : vector<2048x128xf32>
    %add3A_50 = arith.addf %broadcast_in_dim3A_26, %mul3A_49 : vector<2048x128xf32>
    %get3A_51 = arith.constant 0 : index
    %get3A_52 = arith.constant 0 : index
    %get3A_53 = vector.load %arg7[%get3A_51, %get3A_52] : memref<1x128xf32, #tpu.memory_space<vmem>>, vector<1x128xf32>
    %add3A_54 = vector.broadcast %get3A_53 : vector<1x128xf32> to vector<2048x128xf32>
    %add3A_55 = arith.addf %add3A_50, %add3A_54 : vector<2048x128xf32>
    %swap3A = arith.constant 0 : index
    %swap3A_56 = arith.constant 0 : index
    %swap3A_57 = vector.load %arg10[%swap3A, %swap3A_56] : memref<2048x128xf32, #tpu.memory_space<vmem>>, vector<2048x128xf32>
    tpu.vector_store %arg10[%swap3A, %swap3A_56], %add3A_55 {strides = array<i32>} : memref<2048x128xf32, #tpu.memory_space<vmem>>, vector<2048x128xf32>,
    %get3A_58 = arith.constant 0 : index
    %get3A_59 = arith.constant 0 : index
    %get3A_60 = vector.load %arg8[%get3A_58, %get3A_59] : memref<128x128xf32, #tpu.memory_space<vmem>>, vector<128x128xf32>
    %dot_general3A_61 = arith.constant dense<0.000000e+00> : vector<2048x128xf32>
    %dot_general3A_62 = tpu.matmul %add3A_55, %get3A_60, %dot_general3A_61 {dimension_numbers = #tpu.dot_dimension_numbers<[1], [0], [0], [1], [0, 0, 1, 1], [], []>, transpose_lhs_hint = false} : vector<2048x128xf32>, vector<128x128xf32>, vector<2048x128xf32> -> vector<2048x128xf32>
    %swap3A_63 = arith.constant 0 : index
    %swap3A_64 = arith.constant 0 : index
    %swap3A_65 = vector.load %arg11[%swap3A_63, %swap3A_64] : memref<2048x128xf32, #tpu.memory_space<vmem>>, vector<2048x128xf32>
    tpu.vector_store %arg11[%swap3A_63, %swap3A_64], %dot_general3A_62 {strides = array<i32>} : memref<2048x128xf32, #tpu.memory_space<vmem>>, vector<2048x128xf32>,
    %get3A_66 = arith.constant 0 : index
    %get3A_67 = arith.constant 0 : index
    %get3A_68 = vector.load %arg9[%get3A_66, %get3A_67] : memref<128x128xf32, #tpu.memory_space<vmem>>, vector<128x128xf32>
    %dot_general3A_69 = arith.constant dense<0.000000e+00> : vector<2048x128xf32>
    %dot_general3A_70 = tpu.matmul %add3A_55, %get3A_68, %dot_general3A_69 {dimension_numbers = #tpu.dot_dimension_numbers<[1], [0], [0], [1], [0, 0, 1, 1], [], []>, transpose_lhs_hint = false} : vector<2048x128xf32>, vector<128x128xf32>, vector<2048x128xf32> -> vector<2048x128xf32>
    %swap3A_71 = arith.constant 0 : index
    %swap3A_72 = arith.constant 0 : index
    %swap3A_73 = vector.load %arg12[%swap3A_71, %swap3A_72] : memref<2048x128xf32, #tpu.memory_space<vmem>>, vector<2048x128xf32>
    tpu.vector_store %arg12[%swap3A_71, %swap3A_72], %dot_general3A_70 {strides = array<i32>} : memref<2048x128xf32, #tpu.memory_space<vmem>>, vector<2048x128xf32>,
    return
  }
  func.func @transform_0(%arg0: i32) -> (i32, i32) {
    %c0_i32 = arith.constant 0 : i32
    %c0_i32_0 = arith.constant 0 : i32
    return %arg0, %c0_i32 : i32, i32
  }
  func.func @transform_1(%arg0: i32) -> (i32, i32) {
    %c0_i32 = arith.constant 0 : i32
    %c0_i32_0 = arith.constant 0 : i32
    %c0_i32_1 = arith.constant 0 : i32
    return %c0_i32, %c0_i32_0 : i32, i32
  }
  func.func @transform_2(%arg0: i32) -> (i32, i32) {
    %c0_i32 = arith.constant 0 : i32
    %c0_i32_0 = arith.constant 0 : i32
    %c0_i32_1 = arith.constant 0 : i32
    return %c0_i32, %c0_i32_0 : i32, i32
  }
  func.func @transform_3(%arg0: i32) -> (i32, i32) {
    %c0_i32 = arith.constant 0 : i32
    %c0_i32_0 = arith.constant 0 : i32
    %c0_i32_1 = arith.constant 0 : i32
    return %c0_i32, %c0_i32_0 : i32, i32
  }
  func.func @transform_4(%arg0: i32) -> (i32, i32) {
    %c0_i32 = arith.constant 0 : i32
    %c0_i32_0 = arith.constant 0 : i32
    %c0_i32_1 = arith.constant 0 : i32
    return %c0_i32, %c0_i32_0 : i32, i32
  }
  func.func @transform_5(%arg0: i32) -> (i32, i32) {
    %c0_i32 = arith.constant 0 : i32
    %c0_i32_0 = arith.constant 0 : i32
    %c0_i32_1 = arith.constant 0 : i32
    return %c0_i32, %c0_i32_0 : i32, i32
  }
  func.func @transform_6(%arg0: i32) -> (i32, i32) {
    %c0_i32 = arith.constant 0 : i32
    %c0_i32_0 = arith.constant 0 : i32
    %c0_i32_1 = arith.constant 0 : i32
    return %c0_i32, %c0_i32_0 : i32, i32
  }
  func.func @transform_7(%arg0: i32) -> (i32, i32) {
    %c0_i32 = arith.constant 0 : i32
    %c0_i32_0 = arith.constant 0 : i32
    %c0_i32_1 = arith.constant 0 : i32
    return %c0_i32, %c0_i32_0 : i32, i32
  }
  func.func @transform_8(%arg0: i32) -> (i32, i32) {
    %c0_i32 = arith.constant 0 : i32
    %c0_i32_0 = arith.constant 0 : i32
    %c0_i32_1 = arith.constant 0 : i32
    return %c0_i32, %c0_i32_0 : i32, i32
  }
  func.func @transform_9(%arg0: i32) -> (i32, i32) {
    %c0_i32 = arith.constant 0 : i32
    %c0_i32_0 = arith.constant 0 : i32
    return %arg0, %c0_i32 : i32, i32
  }
  func.func @transform_10(%arg0: i32) -> (i32, i32) {
    %c0_i32 = arith.constant 0 : i32
    %c0_i32_0 = arith.constant 0 : i32
    return %arg0, %c0_i32 : i32, i32
  }
  func.func @transform_11(%arg0: i32) -> (i32, i32) {
    %c0_i32 = arith.constant 0 : i32
    %c0_i32_0 = arith.constant 0 : i32
    return %arg0, %c0_i32 : i32, i32
  }
}

module attributes {stable_mosaic.version = 14 : i64} {
  func.func @_edge0_body(%arg0: i32, %arg1: memref<2048x16xf32, #tpu.memory_space<vmem>>, %arg2: memref<2048x128xf32, #tpu.memory_space<vmem>>, %arg3: memref<2048x128xf32, #tpu.memory_space<vmem>>, %arg4: memref<16x128xf32, #tpu.memory_space<vmem>>, %arg5: memref<1x128xf32, #tpu.memory_space<vmem>>, %arg6: memref<128x128xf32, #tpu.memory_space<vmem>>, %arg7: memref<1x128xf32, #tpu.memory_space<vmem>>, %arg8: memref<1x128xf32, #tpu.memory_space<vmem>>, %arg9: memref<1x128xf32, #tpu.memory_space<vmem>>, %arg10: memref<128x128xf32, #tpu.memory_space<vmem>>, %arg11: memref<1x128xf32, #tpu.memory_space<vmem>>, %arg12: memref<128x128xf32, #tpu.memory_space<vmem>>, %arg13: memref<1x128xf32, #tpu.memory_space<vmem>>, %arg14: memref<1x128xf32, #tpu.memory_space<vmem>>, %arg15: memref<1x128xf32, #tpu.memory_space<vmem>>, %arg16: memref<2048x128xf32, #tpu.memory_space<vmem>>) attributes {dimension_semantics = [#tpu.dimension_semantics<arbitrary>], iteration_bounds = array<i64: 160>, scalar_prefetch = 0 : i64, scratch_operands = 0 : i64, tpu.core_type = #tpu.core_type<tc>, window_params = [{transform_indices = @transform_0, window_bounds = array<i64: 2048, 16>}, {transform_indices = @transform_1, window_bounds = array<i64: 2048, 128>}, {transform_indices = @transform_2, window_bounds = array<i64: 2048, 128>}, {pipeline_mode = #tpu.pipeline_mode<synchronous>, transform_indices = @transform_3, window_bounds = array<i64: 16, 128>}, {pipeline_mode = #tpu.pipeline_mode<synchronous>, transform_indices = @transform_4, window_bounds = array<i64: 1, 128>}, {pipeline_mode = #tpu.pipeline_mode<synchronous>, transform_indices = @transform_5, window_bounds = array<i64: 128, 128>}, {pipeline_mode = #tpu.pipeline_mode<synchronous>, transform_indices = @transform_6, window_bounds = array<i64: 1, 128>}, {pipeline_mode = #tpu.pipeline_mode<synchronous>, transform_indices = @transform_7, window_bounds = array<i64: 1, 128>}, {pipeline_mode = #tpu.pipeline_mode<synchronous>, transform_indices = @transform_8, window_bounds = array<i64: 1, 128>}, {pipeline_mode = #tpu.pipeline_mode<synchronous>, transform_indices = @transform_9, window_bounds = array<i64: 128, 128>}, {pipeline_mode = #tpu.pipeline_mode<synchronous>, transform_indices = @transform_10, window_bounds = array<i64: 1, 128>}, {pipeline_mode = #tpu.pipeline_mode<synchronous>, transform_indices = @transform_11, window_bounds = array<i64: 128, 128>}, {pipeline_mode = #tpu.pipeline_mode<synchronous>, transform_indices = @transform_12, window_bounds = array<i64: 1, 128>}, {pipeline_mode = #tpu.pipeline_mode<synchronous>, transform_indices = @transform_13, window_bounds = array<i64: 1, 128>}, {pipeline_mode = #tpu.pipeline_mode<synchronous>, transform_indices = @transform_14, window_bounds = array<i64: 1, 128>}, {transform_indices = @transform_15, window_bounds = array<i64: 2048, 128>}]} {
    %get3A = arith.constant 0 : index
    %get3A_0 = arith.constant 0 : index
    %get3A_1 = vector.load %arg1[%get3A, %get3A_0] : memref<2048x16xf32, #tpu.memory_space<vmem>>, vector<2048x16xf32>
    %get3A_2 = arith.constant 0 : index
    %get3A_3 = arith.constant 0 : index
    %get3A_4 = vector.load %arg4[%get3A_2, %get3A_3] : memref<16x128xf32, #tpu.memory_space<vmem>>, vector<16x128xf32>
    %dot_general3A = arith.constant dense<0.000000e+00> : vector<2048x128xf32>
    %dot_general3A_5 = tpu.matmul %get3A_1, %get3A_4, %dot_general3A {dimension_numbers = #tpu.dot_dimension_numbers<[1], [0], [0], [1], [0, 0, 1, 1], [], []>, transpose_lhs_hint = false} : vector<2048x16xf32>, vector<16x128xf32>, vector<2048x128xf32> -> vector<2048x128xf32>
    %get3A_6 = arith.constant 0 : index
    %get3A_7 = arith.constant 0 : index
    %get3A_8 = vector.load %arg5[%get3A_6, %get3A_7] : memref<1x128xf32, #tpu.memory_space<vmem>>, vector<1x128xf32>
    %add3A = vector.broadcast %get3A_8 : vector<1x128xf32> to vector<2048x128xf32>
    %add3A_9 = arith.addf %dot_general3A_5, %add3A : vector<2048x128xf32>
    %gt3A = arith.constant 0.000000e+00 : f32
    %gt3A_10 = vector.broadcast %gt3A : f32 to vector<2048x128xf32>
    %gt3A_11 = arith.cmpf ogt, %add3A_9, %gt3A_10 : vector<2048x128xf32>
    %min3A = arith.constant 0.000000e+00 : f32
    %min3A_12 = vector.broadcast %min3A : f32 to vector<2048x128xf32>
    %min3A_13 = arith.minimumf %add3A_9, %min3A_12 : vector<2048x128xf32>
    %exp3A = math.exp %min3A_13 : vector<2048x128xf32>
    %sub3A = arith.constant 1.000000e+00 : f32
    %sub3A_14 = vector.broadcast %sub3A : f32 to vector<2048x128xf32>
    %sub3A_15 = arith.subf %exp3A, %sub3A_14 : vector<2048x128xf32>
    %select_n3A = arith.select %gt3A_11, %add3A_9, %sub3A_15 : vector<2048x128xi1>, vector<2048x128xf32>
    %get3A_16 = arith.constant 0 : index
    %get3A_17 = arith.constant 0 : index
    %get3A_18 = vector.load %arg6[%get3A_16, %get3A_17] : memref<128x128xf32, #tpu.memory_space<vmem>>, vector<128x128xf32>
    %dot_general3A_19 = arith.constant dense<0.000000e+00> : vector<2048x128xf32>
    %dot_general3A_20 = tpu.matmul %select_n3A, %get3A_18, %dot_general3A_19 {dimension_numbers = #tpu.dot_dimension_numbers<[1], [0], [0], [1], [0, 0, 1, 1], [], []>, transpose_lhs_hint = false} : vector<2048x128xf32>, vector<128x128xf32>, vector<2048x128xf32> -> vector<2048x128xf32>
    %get3A_21 = arith.constant 0 : index
    %get3A_22 = arith.constant 0 : index
    %get3A_23 = vector.load %arg7[%get3A_21, %get3A_22] : memref<1x128xf32, #tpu.memory_space<vmem>>, vector<1x128xf32>
    %add3A_24 = vector.broadcast %get3A_23 : vector<1x128xf32> to vector<2048x128xf32>
    %add3A_25 = arith.addf %dot_general3A_20, %add3A_24 : vector<2048x128xf32>
    %broadcast_in_dim3A = arith.constant 0.000000e+00 : f32
    %broadcast_in_dim3A_26 = vector.broadcast %broadcast_in_dim3A : f32 to vector<2048x128xf32>
    %reduce_sum3A = arith.constant dense<0.000000e+00> : vector<2048xf32>
    %reduce_sum3A_27 = vector.multi_reduction <add>, %add3A_25, %reduce_sum3A [1] : vector<2048x128xf32> to vector<2048xf32>
    %broadcast_in_dim3A_28 = vector.shape_cast %reduce_sum3A_27 : vector<2048xf32> to vector<2048x1xf32>
    %div3A = arith.constant 1.280000e+02 : f32
    %div3A_29 = vector.broadcast %div3A : f32 to vector<2048x1xf32>
    %div3A_30 = arith.divf %broadcast_in_dim3A_28, %div3A_29 : vector<2048x1xf32>
    %sub3A_31 = vector.broadcast %div3A_30 : vector<2048x1xf32> to vector<2048x128xf32>
    %sub3A_32 = arith.subf %add3A_25, %sub3A_31 : vector<2048x128xf32>
    %integer_pow3A = arith.mulf %sub3A_32, %sub3A_32 : vector<2048x128xf32>
    %reduce_sum3A_33 = arith.constant dense<0.000000e+00> : vector<2048xf32>
    %reduce_sum3A_34 = vector.multi_reduction <add>, %integer_pow3A, %reduce_sum3A_33 [1] : vector<2048x128xf32> to vector<2048xf32>
    %broadcast_in_dim3A_35 = vector.shape_cast %reduce_sum3A_34 : vector<2048xf32> to vector<2048x1xf32>
    %div3A_36 = arith.constant 1.280000e+02 : f32
    %div3A_37 = vector.broadcast %div3A_36 : f32 to vector<2048x1xf32>
    %div3A_38 = arith.divf %broadcast_in_dim3A_35, %div3A_37 : vector<2048x1xf32>
    %sub3A_39 = vector.broadcast %div3A_30 : vector<2048x1xf32> to vector<2048x128xf32>
    %sub3A_40 = arith.subf %add3A_25, %sub3A_39 : vector<2048x128xf32>
    %add3A_41 = arith.constant 9.99999974E-6 : f32
    %add3A_42 = vector.broadcast %add3A_41 : f32 to vector<2048x1xf32>
    %add3A_43 = arith.addf %div3A_38, %add3A_42 : vector<2048x1xf32>
    %rsqrt3A = math.rsqrt %add3A_43 : vector<2048x1xf32>
    %mul3A = vector.broadcast %rsqrt3A : vector<2048x1xf32> to vector<2048x128xf32>
    %mul3A_44 = arith.mulf %sub3A_40, %mul3A : vector<2048x128xf32>
    %get3A_45 = arith.constant 0 : index
    %get3A_46 = arith.constant 0 : index
    %get3A_47 = vector.load %arg8[%get3A_45, %get3A_46] : memref<1x128xf32, #tpu.memory_space<vmem>>, vector<1x128xf32>
    %mul3A_48 = vector.broadcast %get3A_47 : vector<1x128xf32> to vector<2048x128xf32>
    %mul3A_49 = arith.mulf %mul3A_44, %mul3A_48 : vector<2048x128xf32>
    %add3A_50 = arith.addf %broadcast_in_dim3A_26, %mul3A_49 : vector<2048x128xf32>
    %get3A_51 = arith.constant 0 : index
    %get3A_52 = arith.constant 0 : index
    %get3A_53 = vector.load %arg9[%get3A_51, %get3A_52] : memref<1x128xf32, #tpu.memory_space<vmem>>, vector<1x128xf32>
    %add3A_54 = vector.broadcast %get3A_53 : vector<1x128xf32> to vector<2048x128xf32>
    %add3A_55 = arith.addf %add3A_50, %add3A_54 : vector<2048x128xf32>
    %get3A_56 = arith.constant 0 : index
    %get3A_57 = arith.constant 0 : index
    %get3A_58 = vector.load %arg2[%get3A_56, %get3A_57] : memref<2048x128xf32, #tpu.memory_space<vmem>>, vector<2048x128xf32>
    %get3A_59 = arith.constant 0 : index
    %get3A_60 = arith.constant 0 : index
    %get3A_61 = vector.load %arg3[%get3A_59, %get3A_60] : memref<2048x128xf32, #tpu.memory_space<vmem>>, vector<2048x128xf32>
    %add3A_62 = arith.addf %get3A_58, %get3A_61 : vector<2048x128xf32>
    %get3A_63 = arith.constant 0 : index
    %get3A_64 = arith.constant 0 : index
    %get3A_65 = vector.load %arg11[%get3A_63, %get3A_64] : memref<1x128xf32, #tpu.memory_space<vmem>>, vector<1x128xf32>
    %add3A_66 = vector.broadcast %get3A_65 : vector<1x128xf32> to vector<2048x128xf32>
    %add3A_67 = arith.addf %add3A_62, %add3A_66 : vector<2048x128xf32>
    %get3A_68 = arith.constant 0 : index
    %get3A_69 = arith.constant 0 : index
    %get3A_70 = vector.load %arg10[%get3A_68, %get3A_69] : memref<128x128xf32, #tpu.memory_space<vmem>>, vector<128x128xf32>
    %dot_general3A_71 = arith.constant dense<0.000000e+00> : vector<2048x128xf32>
    %dot_general3A_72 = tpu.matmul %add3A_55, %get3A_70, %dot_general3A_71 {dimension_numbers = #tpu.dot_dimension_numbers<[1], [0], [0], [1], [0, 0, 1, 1], [], []>, transpose_lhs_hint = false} : vector<2048x128xf32>, vector<128x128xf32>, vector<2048x128xf32> -> vector<2048x128xf32>
    %add3A_73 = arith.addf %add3A_67, %dot_general3A_72 : vector<2048x128xf32>
    %gt3A_74 = arith.constant 0.000000e+00 : f32
    %gt3A_75 = vector.broadcast %gt3A_74 : f32 to vector<2048x128xf32>
    %gt3A_76 = arith.cmpf ogt, %add3A_73, %gt3A_75 : vector<2048x128xf32>
    %min3A_77 = arith.constant 0.000000e+00 : f32
    %min3A_78 = vector.broadcast %min3A_77 : f32 to vector<2048x128xf32>
    %min3A_79 = arith.minimumf %add3A_73, %min3A_78 : vector<2048x128xf32>
    %exp3A_80 = math.exp %min3A_79 : vector<2048x128xf32>
    %sub3A_81 = arith.constant 1.000000e+00 : f32
    %sub3A_82 = vector.broadcast %sub3A_81 : f32 to vector<2048x128xf32>
    %sub3A_83 = arith.subf %exp3A_80, %sub3A_82 : vector<2048x128xf32>
    %select_n3A_84 = arith.select %gt3A_76, %add3A_73, %sub3A_83 : vector<2048x128xi1>, vector<2048x128xf32>
    %get3A_85 = arith.constant 0 : index
    %get3A_86 = arith.constant 0 : index
    %get3A_87 = vector.load %arg12[%get3A_85, %get3A_86] : memref<128x128xf32, #tpu.memory_space<vmem>>, vector<128x128xf32>
    %dot_general3A_88 = arith.constant dense<0.000000e+00> : vector<2048x128xf32>
    %dot_general3A_89 = tpu.matmul %select_n3A_84, %get3A_87, %dot_general3A_88 {dimension_numbers = #tpu.dot_dimension_numbers<[1], [0], [0], [1], [0, 0, 1, 1], [], []>, transpose_lhs_hint = false} : vector<2048x128xf32>, vector<128x128xf32>, vector<2048x128xf32> -> vector<2048x128xf32>
    %get3A_90 = arith.constant 0 : index
    %get3A_91 = arith.constant 0 : index
    %get3A_92 = vector.load %arg13[%get3A_90, %get3A_91] : memref<1x128xf32, #tpu.memory_space<vmem>>, vector<1x128xf32>
    %add3A_93 = vector.broadcast %get3A_92 : vector<1x128xf32> to vector<2048x128xf32>
    %add3A_94 = arith.addf %dot_general3A_89, %add3A_93 : vector<2048x128xf32>
    %reduce_sum3A_95 = arith.constant dense<0.000000e+00> : vector<2048xf32>
    %reduce_sum3A_96 = vector.multi_reduction <add>, %add3A_94, %reduce_sum3A_95 [1] : vector<2048x128xf32> to vector<2048xf32>
    %broadcast_in_dim3A_97 = vector.shape_cast %reduce_sum3A_96 : vector<2048xf32> to vector<2048x1xf32>
    %div3A_98 = arith.constant 1.280000e+02 : f32
    %div3A_99 = vector.broadcast %div3A_98 : f32 to vector<2048x1xf32>
    %div3A_100 = arith.divf %broadcast_in_dim3A_97, %div3A_99 : vector<2048x1xf32>
    %sub3A_101 = vector.broadcast %div3A_100 : vector<2048x1xf32> to vector<2048x128xf32>
    %sub3A_102 = arith.subf %add3A_94, %sub3A_101 : vector<2048x128xf32>
    %integer_pow3A_103 = arith.mulf %sub3A_102, %sub3A_102 : vector<2048x128xf32>
    %reduce_sum3A_104 = arith.constant dense<0.000000e+00> : vector<2048xf32>
    %reduce_sum3A_105 = vector.multi_reduction <add>, %integer_pow3A_103, %reduce_sum3A_104 [1] : vector<2048x128xf32> to vector<2048xf32>
    %broadcast_in_dim3A_106 = vector.shape_cast %reduce_sum3A_105 : vector<2048xf32> to vector<2048x1xf32>
    %div3A_107 = arith.constant 1.280000e+02 : f32
    %div3A_108 = vector.broadcast %div3A_107 : f32 to vector<2048x1xf32>
    %div3A_109 = arith.divf %broadcast_in_dim3A_106, %div3A_108 : vector<2048x1xf32>
    %sub3A_110 = vector.broadcast %div3A_100 : vector<2048x1xf32> to vector<2048x128xf32>
    %sub3A_111 = arith.subf %add3A_94, %sub3A_110 : vector<2048x128xf32>
    %add3A_112 = arith.constant 9.99999974E-6 : f32
    %add3A_113 = vector.broadcast %add3A_112 : f32 to vector<2048x1xf32>
    %add3A_114 = arith.addf %div3A_109, %add3A_113 : vector<2048x1xf32>
    %rsqrt3A_115 = math.rsqrt %add3A_114 : vector<2048x1xf32>
    %mul3A_116 = vector.broadcast %rsqrt3A_115 : vector<2048x1xf32> to vector<2048x128xf32>
    %mul3A_117 = arith.mulf %sub3A_111, %mul3A_116 : vector<2048x128xf32>
    %get3A_118 = arith.constant 0 : index
    %get3A_119 = arith.constant 0 : index
    %get3A_120 = vector.load %arg14[%get3A_118, %get3A_119] : memref<1x128xf32, #tpu.memory_space<vmem>>, vector<1x128xf32>
    %mul3A_121 = vector.broadcast %get3A_120 : vector<1x128xf32> to vector<2048x128xf32>
    %mul3A_122 = arith.mulf %mul3A_117, %mul3A_121 : vector<2048x128xf32>
    %add3A_123 = arith.addf %add3A_55, %mul3A_122 : vector<2048x128xf32>
    %get3A_124 = arith.constant 0 : index
    %get3A_125 = arith.constant 0 : index
    %get3A_126 = vector.load %arg15[%get3A_124, %get3A_125] : memref<1x128xf32, #tpu.memory_space<vmem>>, vector<1x128xf32>
    %add3A_127 = vector.broadcast %get3A_126 : vector<1x128xf32> to vector<2048x128xf32>
    %add3A_128 = arith.addf %add3A_123, %add3A_127 : vector<2048x128xf32>
    %swap3A = arith.constant 0 : index
    %swap3A_129 = arith.constant 0 : index
    %swap3A_130 = vector.load %arg16[%swap3A, %swap3A_129] : memref<2048x128xf32, #tpu.memory_space<vmem>>, vector<2048x128xf32>
    tpu.vector_store %arg16[%swap3A, %swap3A_129], %add3A_128 {strides = array<i32>} : memref<2048x128xf32, #tpu.memory_space<vmem>>, vector<2048x128xf32>,
    return
  }
  func.func @transform_0(%arg0: i32) -> (i32, i32) {
    %c0_i32 = arith.constant 0 : i32
    %c0_i32_0 = arith.constant 0 : i32
    return %arg0, %c0_i32 : i32, i32
  }
  func.func @transform_1(%arg0: i32) -> (i32, i32) {
    %c0_i32 = arith.constant 0 : i32
    %c0_i32_0 = arith.constant 0 : i32
    return %arg0, %c0_i32 : i32, i32
  }
  func.func @transform_2(%arg0: i32) -> (i32, i32) {
    %c0_i32 = arith.constant 0 : i32
    %c0_i32_0 = arith.constant 0 : i32
    return %arg0, %c0_i32 : i32, i32
  }
  func.func @transform_3(%arg0: i32) -> (i32, i32) {
    %c0_i32 = arith.constant 0 : i32
    %c0_i32_0 = arith.constant 0 : i32
    %c0_i32_1 = arith.constant 0 : i32
    return %c0_i32, %c0_i32_0 : i32, i32
  }
  func.func @transform_4(%arg0: i32) -> (i32, i32) {
    %c0_i32 = arith.constant 0 : i32
    %c0_i32_0 = arith.constant 0 : i32
    %c0_i32_1 = arith.constant 0 : i32
    return %c0_i32, %c0_i32_0 : i32, i32
  }
  func.func @transform_5(%arg0: i32) -> (i32, i32) {
    %c0_i32 = arith.constant 0 : i32
    %c0_i32_0 = arith.constant 0 : i32
    %c0_i32_1 = arith.constant 0 : i32
    return %c0_i32, %c0_i32_0 : i32, i32
  }
  func.func @transform_6(%arg0: i32) -> (i32, i32) {
    %c0_i32 = arith.constant 0 : i32
    %c0_i32_0 = arith.constant 0 : i32
    %c0_i32_1 = arith.constant 0 : i32
    return %c0_i32, %c0_i32_0 : i32, i32
  }
  func.func @transform_7(%arg0: i32) -> (i32, i32) {
    %c0_i32 = arith.constant 0 : i32
    %c0_i32_0 = arith.constant 0 : i32
    %c0_i32_1 = arith.constant 0 : i32
    return %c0_i32, %c0_i32_0 : i32, i32
  }
  func.func @transform_8(%arg0: i32) -> (i32, i32) {
    %c0_i32 = arith.constant 0 : i32
    %c0_i32_0 = arith.constant 0 : i32
    %c0_i32_1 = arith.constant 0 : i32
    return %c0_i32, %c0_i32_0 : i32, i32
  }
  func.func @transform_9(%arg0: i32) -> (i32, i32) {
    %c0_i32 = arith.constant 0 : i32
    %c0_i32_0 = arith.constant 0 : i32
    %c0_i32_1 = arith.constant 0 : i32
    return %c0_i32, %c0_i32_0 : i32, i32
  }
  func.func @transform_10(%arg0: i32) -> (i32, i32) {
    %c0_i32 = arith.constant 0 : i32
    %c0_i32_0 = arith.constant 0 : i32
    %c0_i32_1 = arith.constant 0 : i32
    return %c0_i32, %c0_i32_0 : i32, i32
  }
  func.func @transform_11(%arg0: i32) -> (i32, i32) {
    %c0_i32 = arith.constant 0 : i32
    %c0_i32_0 = arith.constant 0 : i32
    %c0_i32_1 = arith.constant 0 : i32
    return %c0_i32, %c0_i32_0 : i32, i32
  }
  func.func @transform_12(%arg0: i32) -> (i32, i32) {
    %c0_i32 = arith.constant 0 : i32
    %c0_i32_0 = arith.constant 0 : i32
    %c0_i32_1 = arith.constant 0 : i32
    return %c0_i32, %c0_i32_0 : i32, i32
  }
  func.func @transform_13(%arg0: i32) -> (i32, i32) {
    %c0_i32 = arith.constant 0 : i32
    %c0_i32_0 = arith.constant 0 : i32
    %c0_i32_1 = arith.constant 0 : i32
    return %c0_i32, %c0_i32_0 : i32, i32
  }
  func.func @transform_14(%arg0: i32) -> (i32, i32) {
    %c0_i32 = arith.constant 0 : i32
    %c0_i32_0 = arith.constant 0 : i32
    %c0_i32_1 = arith.constant 0 : i32
    return %c0_i32, %c0_i32_0 : i32, i32
  }
  func.func @transform_15(%arg0: i32) -> (i32, i32) {
    %c0_i32 = arith.constant 0 : i32
    %c0_i32_0 = arith.constant 0 : i32
    return %arg0, %c0_i32 : i32, i32
  }
}

module attributes {stable_mosaic.version = 14 : i64} {
  func.func @_node_body(%arg0: i32, %arg1: memref<2048x128xf32, #tpu.memory_space<vmem>>, %arg2: memref<2048x128xf32, #tpu.memory_space<vmem>>, %arg3: memref<2048x16xf32, #tpu.memory_space<vmem>>, %arg4: memref<2048x16xf32, #tpu.memory_space<vmem>>, %arg5: memref<128x128xf32, #tpu.memory_space<vmem>>, %arg6: memref<128x128xf32, #tpu.memory_space<vmem>>, %arg7: memref<1x128xf32, #tpu.memory_space<vmem>>, %arg8: memref<128x128xf32, #tpu.memory_space<vmem>>, %arg9: memref<1x128xf32, #tpu.memory_space<vmem>>, %arg10: memref<1x128xf32, #tpu.memory_space<vmem>>, %arg11: memref<1x128xf32, #tpu.memory_space<vmem>>, %arg12: memref<128x128xf32, #tpu.memory_space<vmem>>, %arg13: memref<128x128xf32, #tpu.memory_space<vmem>>, %arg14: memref<2048x128xf32, #tpu.memory_space<vmem>>, %arg15: memref<2048x128xf32, #tpu.memory_space<vmem>>, %arg16: memref<2048x128xf32, #tpu.memory_space<vmem>>) attributes {dimension_semantics = [#tpu.dimension_semantics<arbitrary>], iteration_bounds = array<i64: 6>, scalar_prefetch = 0 : i64, scratch_operands = 0 : i64, tpu.core_type = #tpu.core_type<tc>, window_params = [{transform_indices = @transform_0, window_bounds = array<i64: 2048, 128>}, {transform_indices = @transform_1, window_bounds = array<i64: 2048, 128>}, {transform_indices = @transform_2, window_bounds = array<i64: 2048, 16>}, {transform_indices = @transform_3, window_bounds = array<i64: 2048, 16>}, {pipeline_mode = #tpu.pipeline_mode<synchronous>, transform_indices = @transform_4, window_bounds = array<i64: 128, 128>}, {pipeline_mode = #tpu.pipeline_mode<synchronous>, transform_indices = @transform_5, window_bounds = array<i64: 128, 128>}, {pipeline_mode = #tpu.pipeline_mode<synchronous>, transform_indices = @transform_6, window_bounds = array<i64: 1, 128>}, {pipeline_mode = #tpu.pipeline_mode<synchronous>, transform_indices = @transform_7, window_bounds = array<i64: 128, 128>}, {pipeline_mode = #tpu.pipeline_mode<synchronous>, transform_indices = @transform_8, window_bounds = array<i64: 1, 128>}, {pipeline_mode = #tpu.pipeline_mode<synchronous>, transform_indices = @transform_9, window_bounds = array<i64: 1, 128>}, {pipeline_mode = #tpu.pipeline_mode<synchronous>, transform_indices = @transform_10, window_bounds = array<i64: 1, 128>}, {pipeline_mode = #tpu.pipeline_mode<synchronous>, transform_indices = @transform_11, window_bounds = array<i64: 128, 128>}, {pipeline_mode = #tpu.pipeline_mode<synchronous>, transform_indices = @transform_12, window_bounds = array<i64: 128, 128>}, {transform_indices = @transform_13, window_bounds = array<i64: 2048, 128>}, {transform_indices = @transform_14, window_bounds = array<i64: 2048, 128>}, {transform_indices = @transform_15, window_bounds = array<i64: 2048, 128>}]} {
    %get3A = arith.constant 0 : index
    %get3A_0 = arith.constant 0 : index
    %get3A_1 = vector.load %arg3[%get3A, %get3A_0] : memref<2048x16xf32, #tpu.memory_space<vmem>>, vector<2048x1xf32>
    %get3A_2 = arith.constant 0 : index
    %get3A_3 = arith.constant 0 : index
    %get3A_4 = vector.load %arg4[%get3A_2, %get3A_3] : memref<2048x16xf32, #tpu.memory_space<vmem>>, vector<2048x1xf32>
    %add3A = arith.addf %get3A_1, %get3A_4 : vector<2048x1xf32>
    %max3A = arith.constant 1.000000e+00 : f32
    %max3A_5 = vector.broadcast %max3A : f32 to vector<2048x1xf32>
    %max3A_6 = arith.maximumf %add3A, %max3A_5 : vector<2048x1xf32>
    %get3A_7 = arith.constant 0 : index
    %get3A_8 = arith.constant 0 : index
    %get3A_9 = vector.load %arg2[%get3A_7, %get3A_8] : memref<2048x128xf32, #tpu.memory_space<vmem>>, vector<2048x128xf32>
    %div3A = vector.broadcast %max3A_6 : vector<2048x1xf32> to vector<2048x128xf32>
    %div3A_10 = arith.divf %get3A_9, %div3A : vector<2048x128xf32>
    %get3A_11 = arith.constant 0 : index
    %get3A_12 = arith.constant 0 : index
    %get3A_13 = vector.load %arg1[%get3A_11, %get3A_12] : memref<2048x128xf32, #tpu.memory_space<vmem>>, vector<2048x128xf32>
    %get3A_14 = arith.constant 0 : index
    %get3A_15 = arith.constant 0 : index
    %get3A_16 = vector.load %arg5[%get3A_14, %get3A_15] : memref<128x128xf32, #tpu.memory_space<vmem>>, vector<128x128xf32>
    %dot_general3A = arith.constant dense<0.000000e+00> : vector<2048x128xf32>
    %dot_general3A_17 = tpu.matmul %get3A_13, %get3A_16, %dot_general3A {dimension_numbers = #tpu.dot_dimension_numbers<[1], [0], [0], [1], [0, 0, 1, 1], [], []>, transpose_lhs_hint = false} : vector<2048x128xf32>, vector<128x128xf32>, vector<2048x128xf32> -> vector<2048x128xf32>
    %get3A_18 = arith.constant 0 : index
    %get3A_19 = arith.constant 0 : index
    %get3A_20 = vector.load %arg6[%get3A_18, %get3A_19] : memref<128x128xf32, #tpu.memory_space<vmem>>, vector<128x128xf32>
    %dot_general3A_21 = arith.constant dense<0.000000e+00> : vector<2048x128xf32>
    %dot_general3A_22 = tpu.matmul %div3A_10, %get3A_20, %dot_general3A_21 {dimension_numbers = #tpu.dot_dimension_numbers<[1], [0], [0], [1], [0, 0, 1, 1], [], []>, transpose_lhs_hint = false} : vector<2048x128xf32>, vector<128x128xf32>, vector<2048x128xf32> -> vector<2048x128xf32>
    %add3A_23 = arith.addf %dot_general3A_17, %dot_general3A_22 : vector<2048x128xf32>
    %get3A_24 = arith.constant 0 : index
    %get3A_25 = arith.constant 0 : index
    %get3A_26 = vector.load %arg7[%get3A_24, %get3A_25] : memref<1x128xf32, #tpu.memory_space<vmem>>, vector<1x128xf32>
    %add3A_27 = vector.broadcast %get3A_26 : vector<1x128xf32> to vector<2048x128xf32>
    %add3A_28 = arith.addf %add3A_23, %add3A_27 : vector<2048x128xf32>
    %gt3A = arith.constant 0.000000e+00 : f32
    %gt3A_29 = vector.broadcast %gt3A : f32 to vector<2048x128xf32>
    %gt3A_30 = arith.cmpf ogt, %add3A_28, %gt3A_29 : vector<2048x128xf32>
    %min3A = arith.constant 0.000000e+00 : f32
    %min3A_31 = vector.broadcast %min3A : f32 to vector<2048x128xf32>
    %min3A_32 = arith.minimumf %add3A_28, %min3A_31 : vector<2048x128xf32>
    %exp3A = math.exp %min3A_32 : vector<2048x128xf32>
    %sub3A = arith.constant 1.000000e+00 : f32
    %sub3A_33 = vector.broadcast %sub3A : f32 to vector<2048x128xf32>
    %sub3A_34 = arith.subf %exp3A, %sub3A_33 : vector<2048x128xf32>
    %select_n3A = arith.select %gt3A_30, %add3A_28, %sub3A_34 : vector<2048x128xi1>, vector<2048x128xf32>
    %get3A_35 = arith.constant 0 : index
    %get3A_36 = arith.constant 0 : index
    %get3A_37 = vector.load %arg8[%get3A_35, %get3A_36] : memref<128x128xf32, #tpu.memory_space<vmem>>, vector<128x128xf32>
    %dot_general3A_38 = arith.constant dense<0.000000e+00> : vector<2048x128xf32>
    %dot_general3A_39 = tpu.matmul %select_n3A, %get3A_37, %dot_general3A_38 {dimension_numbers = #tpu.dot_dimension_numbers<[1], [0], [0], [1], [0, 0, 1, 1], [], []>, transpose_lhs_hint = false} : vector<2048x128xf32>, vector<128x128xf32>, vector<2048x128xf32> -> vector<2048x128xf32>
    %get3A_40 = arith.constant 0 : index
    %get3A_41 = arith.constant 0 : index
    %get3A_42 = vector.load %arg9[%get3A_40, %get3A_41] : memref<1x128xf32, #tpu.memory_space<vmem>>, vector<1x128xf32>
    %add3A_43 = vector.broadcast %get3A_42 : vector<1x128xf32> to vector<2048x128xf32>
    %add3A_44 = arith.addf %dot_general3A_39, %add3A_43 : vector<2048x128xf32>
    %get3A_45 = arith.constant 0 : index
    %get3A_46 = arith.constant 0 : index
    %get3A_47 = vector.load %arg1[%get3A_45, %get3A_46] : memref<2048x128xf32, #tpu.memory_space<vmem>>, vector<2048x128xf32>
    %reduce_sum3A = arith.constant dense<0.000000e+00> : vector<2048xf32>
    %reduce_sum3A_48 = vector.multi_reduction <add>, %add3A_44, %reduce_sum3A [1] : vector<2048x128xf32> to vector<2048xf32>
    %broadcast_in_dim3A = vector.shape_cast %reduce_sum3A_48 : vector<2048xf32> to vector<2048x1xf32>
    %div3A_49 = arith.constant 1.280000e+02 : f32
    %div3A_50 = vector.broadcast %div3A_49 : f32 to vector<2048x1xf32>
    %div3A_51 = arith.divf %broadcast_in_dim3A, %div3A_50 : vector<2048x1xf32>
    %sub3A_52 = vector.broadcast %div3A_51 : vector<2048x1xf32> to vector<2048x128xf32>
    %sub3A_53 = arith.subf %add3A_44, %sub3A_52 : vector<2048x128xf32>
    %integer_pow3A = arith.mulf %sub3A_53, %sub3A_53 : vector<2048x128xf32>
    %reduce_sum3A_54 = arith.constant dense<0.000000e+00> : vector<2048xf32>
    %reduce_sum3A_55 = vector.multi_reduction <add>, %integer_pow3A, %reduce_sum3A_54 [1] : vector<2048x128xf32> to vector<2048xf32>
    %broadcast_in_dim3A_56 = vector.shape_cast %reduce_sum3A_55 : vector<2048xf32> to vector<2048x1xf32>
    %div3A_57 = arith.constant 1.280000e+02 : f32
    %div3A_58 = vector.broadcast %div3A_57 : f32 to vector<2048x1xf32>
    %div3A_59 = arith.divf %broadcast_in_dim3A_56, %div3A_58 : vector<2048x1xf32>
    %sub3A_60 = vector.broadcast %div3A_51 : vector<2048x1xf32> to vector<2048x128xf32>
    %sub3A_61 = arith.subf %add3A_44, %sub3A_60 : vector<2048x128xf32>
    %add3A_62 = arith.constant 9.99999974E-6 : f32
    %add3A_63 = vector.broadcast %add3A_62 : f32 to vector<2048x1xf32>
    %add3A_64 = arith.addf %div3A_59, %add3A_63 : vector<2048x1xf32>
    %rsqrt3A = math.rsqrt %add3A_64 : vector<2048x1xf32>
    %mul3A = vector.broadcast %rsqrt3A : vector<2048x1xf32> to vector<2048x128xf32>
    %mul3A_65 = arith.mulf %sub3A_61, %mul3A : vector<2048x128xf32>
    %get3A_66 = arith.constant 0 : index
    %get3A_67 = arith.constant 0 : index
    %get3A_68 = vector.load %arg10[%get3A_66, %get3A_67] : memref<1x128xf32, #tpu.memory_space<vmem>>, vector<1x128xf32>
    %mul3A_69 = vector.broadcast %get3A_68 : vector<1x128xf32> to vector<2048x128xf32>
    %mul3A_70 = arith.mulf %mul3A_65, %mul3A_69 : vector<2048x128xf32>
    %add3A_71 = arith.addf %get3A_47, %mul3A_70 : vector<2048x128xf32>
    %get3A_72 = arith.constant 0 : index
    %get3A_73 = arith.constant 0 : index
    %get3A_74 = vector.load %arg11[%get3A_72, %get3A_73] : memref<1x128xf32, #tpu.memory_space<vmem>>, vector<1x128xf32>
    %add3A_75 = vector.broadcast %get3A_74 : vector<1x128xf32> to vector<2048x128xf32>
    %add3A_76 = arith.addf %add3A_71, %add3A_75 : vector<2048x128xf32>
    %swap3A = arith.constant 0 : index
    %swap3A_77 = arith.constant 0 : index
    %swap3A_78 = vector.load %arg14[%swap3A, %swap3A_77] : memref<2048x128xf32, #tpu.memory_space<vmem>>, vector<2048x128xf32>
    tpu.vector_store %arg14[%swap3A, %swap3A_77], %add3A_76 {strides = array<i32>} : memref<2048x128xf32, #tpu.memory_space<vmem>>, vector<2048x128xf32>,
    %get3A_79 = arith.constant 0 : index
    %get3A_80 = arith.constant 0 : index
    %get3A_81 = vector.load %arg12[%get3A_79, %get3A_80] : memref<128x128xf32, #tpu.memory_space<vmem>>, vector<128x128xf32>
    %dot_general3A_82 = arith.constant dense<0.000000e+00> : vector<2048x128xf32>
    %dot_general3A_83 = tpu.matmul %add3A_76, %get3A_81, %dot_general3A_82 {dimension_numbers = #tpu.dot_dimension_numbers<[1], [0], [0], [1], [0, 0, 1, 1], [], []>, transpose_lhs_hint = false} : vector<2048x128xf32>, vector<128x128xf32>, vector<2048x128xf32> -> vector<2048x128xf32>
    %swap3A_84 = arith.constant 0 : index
    %swap3A_85 = arith.constant 0 : index
    %swap3A_86 = vector.load %arg15[%swap3A_84, %swap3A_85] : memref<2048x128xf32, #tpu.memory_space<vmem>>, vector<2048x128xf32>
    tpu.vector_store %arg15[%swap3A_84, %swap3A_85], %dot_general3A_83 {strides = array<i32>} : memref<2048x128xf32, #tpu.memory_space<vmem>>, vector<2048x128xf32>,
    %get3A_87 = arith.constant 0 : index
    %get3A_88 = arith.constant 0 : index
    %get3A_89 = vector.load %arg13[%get3A_87, %get3A_88] : memref<128x128xf32, #tpu.memory_space<vmem>>, vector<128x128xf32>
    %dot_general3A_90 = arith.constant dense<0.000000e+00> : vector<2048x128xf32>
    %dot_general3A_91 = tpu.matmul %add3A_76, %get3A_89, %dot_general3A_90 {dimension_numbers = #tpu.dot_dimension_numbers<[1], [0], [0], [1], [0, 0, 1, 1], [], []>, transpose_lhs_hint = false} : vector<2048x128xf32>, vector<128x128xf32>, vector<2048x128xf32> -> vector<2048x128xf32>
    %swap3A_92 = arith.constant 0 : index
    %swap3A_93 = arith.constant 0 : index
    %swap3A_94 = vector.load %arg16[%swap3A_92, %swap3A_93] : memref<2048x128xf32, #tpu.memory_space<vmem>>, vector<2048x128xf32>
    tpu.vector_store %arg16[%swap3A_92, %swap3A_93], %dot_general3A_91 {strides = array<i32>} : memref<2048x128xf32, #tpu.memory_space<vmem>>, vector<2048x128xf32>,
    return
  }
  func.func @transform_0(%arg0: i32) -> (i32, i32) {
    %c0_i32 = arith.constant 0 : i32
    %c0_i32_0 = arith.constant 0 : i32
    return %arg0, %c0_i32 : i32, i32
  }
  func.func @transform_1(%arg0: i32) -> (i32, i32) {
    %c0_i32 = arith.constant 0 : i32
    %c0_i32_0 = arith.constant 0 : i32
    return %arg0, %c0_i32 : i32, i32
  }
  func.func @transform_2(%arg0: i32) -> (i32, i32) {
    %c0_i32 = arith.constant 0 : i32
    %c0_i32_0 = arith.constant 0 : i32
    return %arg0, %c0_i32 : i32, i32
  }
  func.func @transform_3(%arg0: i32) -> (i32, i32) {
    %c0_i32 = arith.constant 0 : i32
    %c0_i32_0 = arith.constant 0 : i32
    return %arg0, %c0_i32 : i32, i32
  }
  func.func @transform_4(%arg0: i32) -> (i32, i32) {
    %c0_i32 = arith.constant 0 : i32
    %c0_i32_0 = arith.constant 0 : i32
    %c0_i32_1 = arith.constant 0 : i32
    return %c0_i32, %c0_i32_0 : i32, i32
  }
  func.func @transform_5(%arg0: i32) -> (i32, i32) {
    %c0_i32 = arith.constant 0 : i32
    %c0_i32_0 = arith.constant 0 : i32
    %c0_i32_1 = arith.constant 0 : i32
    return %c0_i32, %c0_i32_0 : i32, i32
  }
  func.func @transform_6(%arg0: i32) -> (i32, i32) {
    %c0_i32 = arith.constant 0 : i32
    %c0_i32_0 = arith.constant 0 : i32
    %c0_i32_1 = arith.constant 0 : i32
    return %c0_i32, %c0_i32_0 : i32, i32
  }
  func.func @transform_7(%arg0: i32) -> (i32, i32) {
    %c0_i32 = arith.constant 0 : i32
    %c0_i32_0 = arith.constant 0 : i32
    %c0_i32_1 = arith.constant 0 : i32
    return %c0_i32, %c0_i32_0 : i32, i32
  }
  func.func @transform_8(%arg0: i32) -> (i32, i32) {
    %c0_i32 = arith.constant 0 : i32
    %c0_i32_0 = arith.constant 0 : i32
    %c0_i32_1 = arith.constant 0 : i32
    return %c0_i32, %c0_i32_0 : i32, i32
  }
  func.func @transform_9(%arg0: i32) -> (i32, i32) {
    %c0_i32 = arith.constant 0 : i32
    %c0_i32_0 = arith.constant 0 : i32
    %c0_i32_1 = arith.constant 0 : i32
    return %c0_i32, %c0_i32_0 : i32, i32
  }
  func.func @transform_10(%arg0: i32) -> (i32, i32) {
    %c0_i32 = arith.constant 0 : i32
    %c0_i32_0 = arith.constant 0 : i32
    %c0_i32_1 = arith.constant 0 : i32
    return %c0_i32, %c0_i32_0 : i32, i32
  }
  func.func @transform_11(%arg0: i32) -> (i32, i32) {
    %c0_i32 = arith.constant 0 : i32
    %c0_i32_0 = arith.constant 0 : i32
    %c0_i32_1 = arith.constant 0 : i32
    return %c0_i32, %c0_i32_0 : i32, i32
  }
  func.func @transform_12(%arg0: i32) -> (i32, i32) {
    %c0_i32 = arith.constant 0 : i32
    %c0_i32_0 = arith.constant 0 : i32
    %c0_i32_1 = arith.constant 0 : i32
    return %c0_i32, %c0_i32_0 : i32, i32
  }
  func.func @transform_13(%arg0: i32) -> (i32, i32) {
    %c0_i32 = arith.constant 0 : i32
    %c0_i32_0 = arith.constant 0 : i32
    return %arg0, %c0_i32 : i32, i32
  }
  func.func @transform_14(%arg0: i32) -> (i32, i32) {
    %c0_i32 = arith.constant 0 : i32
    %c0_i32_0 = arith.constant 0 : i32
    return %arg0, %c0_i32 : i32, i32
  }
  func.func @transform_15(%arg0: i32) -> (i32, i32) {
    %c0_i32 = arith.constant 0 : i32
    %c0_i32_0 = arith.constant 0 : i32
    return %arg0, %c0_i32 : i32, i32
  }
}

module attributes {stable_mosaic.version = 14 : i64} {
  func.func @_edge_body(%arg0: i32, %arg1: memref<2048x128xf32, #tpu.memory_space<vmem>>, %arg2: memref<2048x128xf32, #tpu.memory_space<vmem>>, %arg3: memref<2048x128xf32, #tpu.memory_space<vmem>>, %arg4: memref<128x128xf32, #tpu.memory_space<vmem>>, %arg5: memref<1x128xf32, #tpu.memory_space<vmem>>, %arg6: memref<128x128xf32, #tpu.memory_space<vmem>>, %arg7: memref<1x128xf32, #tpu.memory_space<vmem>>, %arg8: memref<1x128xf32, #tpu.memory_space<vmem>>, %arg9: memref<1x128xf32, #tpu.memory_space<vmem>>, %arg10: memref<2048x128xf32, #tpu.memory_space<vmem>>) attributes {dimension_semantics = [#tpu.dimension_semantics<arbitrary>], iteration_bounds = array<i64: 160>, scalar_prefetch = 0 : i64, scratch_operands = 0 : i64, tpu.core_type = #tpu.core_type<tc>, window_params = [{transform_indices = @transform_0, window_bounds = array<i64: 2048, 128>}, {transform_indices = @transform_1, window_bounds = array<i64: 2048, 128>}, {transform_indices = @transform_2, window_bounds = array<i64: 2048, 128>}, {pipeline_mode = #tpu.pipeline_mode<synchronous>, transform_indices = @transform_3, window_bounds = array<i64: 128, 128>}, {pipeline_mode = #tpu.pipeline_mode<synchronous>, transform_indices = @transform_4, window_bounds = array<i64: 1, 128>}, {pipeline_mode = #tpu.pipeline_mode<synchronous>, transform_indices = @transform_5, window_bounds = array<i64: 128, 128>}, {pipeline_mode = #tpu.pipeline_mode<synchronous>, transform_indices = @transform_6, window_bounds = array<i64: 1, 128>}, {pipeline_mode = #tpu.pipeline_mode<synchronous>, transform_indices = @transform_7, window_bounds = array<i64: 1, 128>}, {pipeline_mode = #tpu.pipeline_mode<synchronous>, transform_indices = @transform_8, window_bounds = array<i64: 1, 128>}, {transform_indices = @transform_9, window_bounds = array<i64: 2048, 128>}]} {
    %get3A = arith.constant 0 : index
    %get3A_0 = arith.constant 0 : index
    %get3A_1 = vector.load %arg1[%get3A, %get3A_0] : memref<2048x128xf32, #tpu.memory_space<vmem>>, vector<2048x128xf32>
    %get3A_2 = arith.constant 0 : index
    %get3A_3 = arith.constant 0 : index
    %get3A_4 = vector.load %arg2[%get3A_2, %get3A_3] : memref<2048x128xf32, #tpu.memory_space<vmem>>, vector<2048x128xf32>
    %get3A_5 = arith.constant 0 : index
    %get3A_6 = arith.constant 0 : index
    %get3A_7 = vector.load %arg3[%get3A_5, %get3A_6] : memref<2048x128xf32, #tpu.memory_space<vmem>>, vector<2048x128xf32>
    %add3A = arith.addf %get3A_4, %get3A_7 : vector<2048x128xf32>
    %get3A_8 = arith.constant 0 : index
    %get3A_9 = arith.constant 0 : index
    %get3A_10 = vector.load %arg5[%get3A_8, %get3A_9] : memref<1x128xf32, #tpu.memory_space<vmem>>, vector<1x128xf32>
    %add3A_11 = vector.broadcast %get3A_10 : vector<1x128xf32> to vector<2048x128xf32>
    %add3A_12 = arith.addf %add3A, %add3A_11 : vector<2048x128xf32>
    %get3A_13 = arith.constant 0 : index
    %get3A_14 = arith.constant 0 : index
    %get3A_15 = vector.load %arg4[%get3A_13, %get3A_14] : memref<128x128xf32, #tpu.memory_space<vmem>>, vector<128x128xf32>
    %dot_general3A = arith.constant dense<0.000000e+00> : vector<2048x128xf32>
    %dot_general3A_16 = tpu.matmul %get3A_1, %get3A_15, %dot_general3A {dimension_numbers = #tpu.dot_dimension_numbers<[1], [0], [0], [1], [0, 0, 1, 1], [], []>, transpose_lhs_hint = false} : vector<2048x128xf32>, vector<128x128xf32>, vector<2048x128xf32> -> vector<2048x128xf32>
    %add3A_17 = arith.addf %add3A_12, %dot_general3A_16 : vector<2048x128xf32>
    %gt3A = arith.constant 0.000000e+00 : f32
    %gt3A_18 = vector.broadcast %gt3A : f32 to vector<2048x128xf32>
    %gt3A_19 = arith.cmpf ogt, %add3A_17, %gt3A_18 : vector<2048x128xf32>
    %min3A = arith.constant 0.000000e+00 : f32
    %min3A_20 = vector.broadcast %min3A : f32 to vector<2048x128xf32>
    %min3A_21 = arith.minimumf %add3A_17, %min3A_20 : vector<2048x128xf32>
    %exp3A = math.exp %min3A_21 : vector<2048x128xf32>
    %sub3A = arith.constant 1.000000e+00 : f32
    %sub3A_22 = vector.broadcast %sub3A : f32 to vector<2048x128xf32>
    %sub3A_23 = arith.subf %exp3A, %sub3A_22 : vector<2048x128xf32>
    %select_n3A = arith.select %gt3A_19, %add3A_17, %sub3A_23 : vector<2048x128xi1>, vector<2048x128xf32>
    %get3A_24 = arith.constant 0 : index
    %get3A_25 = arith.constant 0 : index
    %get3A_26 = vector.load %arg6[%get3A_24, %get3A_25] : memref<128x128xf32, #tpu.memory_space<vmem>>, vector<128x128xf32>
    %dot_general3A_27 = arith.constant dense<0.000000e+00> : vector<2048x128xf32>
    %dot_general3A_28 = tpu.matmul %select_n3A, %get3A_26, %dot_general3A_27 {dimension_numbers = #tpu.dot_dimension_numbers<[1], [0], [0], [1], [0, 0, 1, 1], [], []>, transpose_lhs_hint = false} : vector<2048x128xf32>, vector<128x128xf32>, vector<2048x128xf32> -> vector<2048x128xf32>
    %get3A_29 = arith.constant 0 : index
    %get3A_30 = arith.constant 0 : index
    %get3A_31 = vector.load %arg7[%get3A_29, %get3A_30] : memref<1x128xf32, #tpu.memory_space<vmem>>, vector<1x128xf32>
    %add3A_32 = vector.broadcast %get3A_31 : vector<1x128xf32> to vector<2048x128xf32>
    %add3A_33 = arith.addf %dot_general3A_28, %add3A_32 : vector<2048x128xf32>
    %reduce_sum3A = arith.constant dense<0.000000e+00> : vector<2048xf32>
    %reduce_sum3A_34 = vector.multi_reduction <add>, %add3A_33, %reduce_sum3A [1] : vector<2048x128xf32> to vector<2048xf32>
    %broadcast_in_dim3A = vector.shape_cast %reduce_sum3A_34 : vector<2048xf32> to vector<2048x1xf32>
    %div3A = arith.constant 1.280000e+02 : f32
    %div3A_35 = vector.broadcast %div3A : f32 to vector<2048x1xf32>
    %div3A_36 = arith.divf %broadcast_in_dim3A, %div3A_35 : vector<2048x1xf32>
    %sub3A_37 = vector.broadcast %div3A_36 : vector<2048x1xf32> to vector<2048x128xf32>
    %sub3A_38 = arith.subf %add3A_33, %sub3A_37 : vector<2048x128xf32>
    %integer_pow3A = arith.mulf %sub3A_38, %sub3A_38 : vector<2048x128xf32>
    %reduce_sum3A_39 = arith.constant dense<0.000000e+00> : vector<2048xf32>
    %reduce_sum3A_40 = vector.multi_reduction <add>, %integer_pow3A, %reduce_sum3A_39 [1] : vector<2048x128xf32> to vector<2048xf32>
    %broadcast_in_dim3A_41 = vector.shape_cast %reduce_sum3A_40 : vector<2048xf32> to vector<2048x1xf32>
    %div3A_42 = arith.constant 1.280000e+02 : f32
    %div3A_43 = vector.broadcast %div3A_42 : f32 to vector<2048x1xf32>
    %div3A_44 = arith.divf %broadcast_in_dim3A_41, %div3A_43 : vector<2048x1xf32>
    %sub3A_45 = vector.broadcast %div3A_36 : vector<2048x1xf32> to vector<2048x128xf32>
    %sub3A_46 = arith.subf %add3A_33, %sub3A_45 : vector<2048x128xf32>
    %add3A_47 = arith.constant 9.99999974E-6 : f32
    %add3A_48 = vector.broadcast %add3A_47 : f32 to vector<2048x1xf32>
    %add3A_49 = arith.addf %div3A_44, %add3A_48 : vector<2048x1xf32>
    %rsqrt3A = math.rsqrt %add3A_49 : vector<2048x1xf32>
    %mul3A = vector.broadcast %rsqrt3A : vector<2048x1xf32> to vector<2048x128xf32>
    %mul3A_50 = arith.mulf %sub3A_46, %mul3A : vector<2048x128xf32>
    %get3A_51 = arith.constant 0 : index
    %get3A_52 = arith.constant 0 : index
    %get3A_53 = vector.load %arg8[%get3A_51, %get3A_52] : memref<1x128xf32, #tpu.memory_space<vmem>>, vector<1x128xf32>
    %mul3A_54 = vector.broadcast %get3A_53 : vector<1x128xf32> to vector<2048x128xf32>
    %mul3A_55 = arith.mulf %mul3A_50, %mul3A_54 : vector<2048x128xf32>
    %add3A_56 = arith.addf %get3A_1, %mul3A_55 : vector<2048x128xf32>
    %get3A_57 = arith.constant 0 : index
    %get3A_58 = arith.constant 0 : index
    %get3A_59 = vector.load %arg9[%get3A_57, %get3A_58] : memref<1x128xf32, #tpu.memory_space<vmem>>, vector<1x128xf32>
    %add3A_60 = vector.broadcast %get3A_59 : vector<1x128xf32> to vector<2048x128xf32>
    %add3A_61 = arith.addf %add3A_56, %add3A_60 : vector<2048x128xf32>
    %swap3A = arith.constant 0 : index
    %swap3A_62 = arith.constant 0 : index
    %swap3A_63 = vector.load %arg10[%swap3A, %swap3A_62] : memref<2048x128xf32, #tpu.memory_space<vmem>>, vector<2048x128xf32>
    tpu.vector_store %arg10[%swap3A, %swap3A_62], %add3A_61 {strides = array<i32>} : memref<2048x128xf32, #tpu.memory_space<vmem>>, vector<2048x128xf32>,
    return
  }
  func.func @transform_0(%arg0: i32) -> (i32, i32) {
    %c0_i32 = arith.constant 0 : i32
    %c0_i32_0 = arith.constant 0 : i32
    return %arg0, %c0_i32 : i32, i32
  }
  func.func @transform_1(%arg0: i32) -> (i32, i32) {
    %c0_i32 = arith.constant 0 : i32
    %c0_i32_0 = arith.constant 0 : i32
    return %arg0, %c0_i32 : i32, i32
  }
  func.func @transform_2(%arg0: i32) -> (i32, i32) {
    %c0_i32 = arith.constant 0 : i32
    %c0_i32_0 = arith.constant 0 : i32
    return %arg0, %c0_i32 : i32, i32
  }
  func.func @transform_3(%arg0: i32) -> (i32, i32) {
    %c0_i32 = arith.constant 0 : i32
    %c0_i32_0 = arith.constant 0 : i32
    %c0_i32_1 = arith.constant 0 : i32
    return %c0_i32, %c0_i32_0 : i32, i32
  }
  func.func @transform_4(%arg0: i32) -> (i32, i32) {
    %c0_i32 = arith.constant 0 : i32
    %c0_i32_0 = arith.constant 0 : i32
    %c0_i32_1 = arith.constant 0 : i32
    return %c0_i32, %c0_i32_0 : i32, i32
  }
  func.func @transform_5(%arg0: i32) -> (i32, i32) {
    %c0_i32 = arith.constant 0 : i32
    %c0_i32_0 = arith.constant 0 : i32
    %c0_i32_1 = arith.constant 0 : i32
    return %c0_i32, %c0_i32_0 : i32, i32
  }
  func.func @transform_6(%arg0: i32) -> (i32, i32) {
    %c0_i32 = arith.constant 0 : i32
    %c0_i32_0 = arith.constant 0 : i32
    %c0_i32_1 = arith.constant 0 : i32
    return %c0_i32, %c0_i32_0 : i32, i32
  }
  func.func @transform_7(%arg0: i32) -> (i32, i32) {
    %c0_i32 = arith.constant 0 : i32
    %c0_i32_0 = arith.constant 0 : i32
    %c0_i32_1 = arith.constant 0 : i32
    return %c0_i32, %c0_i32_0 : i32, i32
  }
  func.func @transform_8(%arg0: i32) -> (i32, i32) {
    %c0_i32 = arith.constant 0 : i32
    %c0_i32_0 = arith.constant 0 : i32
    %c0_i32_1 = arith.constant 0 : i32
    return %c0_i32, %c0_i32_0 : i32, i32
  }
  func.func @transform_9(%arg0: i32) -> (i32, i32) {
    %c0_i32 = arith.constant 0 : i32
    %c0_i32_0 = arith.constant 0 : i32
    return %arg0, %c0_i32 : i32, i32
  }
}

module attributes {stable_mosaic.version = 14 : i64} {
  func.func @_node_last_body(%arg0: i32, %arg1: memref<2048x128xf32, #tpu.memory_space<vmem>>, %arg2: memref<2048x128xf32, #tpu.memory_space<vmem>>, %arg3: memref<2048x16xf32, #tpu.memory_space<vmem>>, %arg4: memref<2048x16xf32, #tpu.memory_space<vmem>>, %arg5: memref<128x128xf32, #tpu.memory_space<vmem>>, %arg6: memref<128x128xf32, #tpu.memory_space<vmem>>, %arg7: memref<1x128xf32, #tpu.memory_space<vmem>>, %arg8: memref<128x128xf32, #tpu.memory_space<vmem>>, %arg9: memref<1x128xf32, #tpu.memory_space<vmem>>, %arg10: memref<1x128xf32, #tpu.memory_space<vmem>>, %arg11: memref<1x128xf32, #tpu.memory_space<vmem>>, %arg12: memref<128x128xf32, #tpu.memory_space<vmem>>, %arg13: memref<1x128xf32, #tpu.memory_space<vmem>>, %arg14: memref<128x128xf32, #tpu.memory_space<vmem>>, %arg15: memref<1x128xf32, #tpu.memory_space<vmem>>, %arg16: memref<2048x128xf32, #tpu.memory_space<vmem>>) attributes {dimension_semantics = [#tpu.dimension_semantics<arbitrary>], iteration_bounds = array<i64: 6>, scalar_prefetch = 0 : i64, scratch_operands = 0 : i64, tpu.core_type = #tpu.core_type<tc>, window_params = [{transform_indices = @transform_0, window_bounds = array<i64: 2048, 128>}, {transform_indices = @transform_1, window_bounds = array<i64: 2048, 128>}, {transform_indices = @transform_2, window_bounds = array<i64: 2048, 16>}, {transform_indices = @transform_3, window_bounds = array<i64: 2048, 16>}, {pipeline_mode = #tpu.pipeline_mode<synchronous>, transform_indices = @transform_4, window_bounds = array<i64: 128, 128>}, {pipeline_mode = #tpu.pipeline_mode<synchronous>, transform_indices = @transform_5, window_bounds = array<i64: 128, 128>}, {pipeline_mode = #tpu.pipeline_mode<synchronous>, transform_indices = @transform_6, window_bounds = array<i64: 1, 128>}, {pipeline_mode = #tpu.pipeline_mode<synchronous>, transform_indices = @transform_7, window_bounds = array<i64: 128, 128>}, {pipeline_mode = #tpu.pipeline_mode<synchronous>, transform_indices = @transform_8, window_bounds = array<i64: 1, 128>}, {pipeline_mode = #tpu.pipeline_mode<synchronous>, transform_indices = @transform_9, window_bounds = array<i64: 1, 128>}, {pipeline_mode = #tpu.pipeline_mode<synchronous>, transform_indices = @transform_10, window_bounds = array<i64: 1, 128>}, {pipeline_mode = #tpu.pipeline_mode<synchronous>, transform_indices = @transform_11, window_bounds = array<i64: 128, 128>}, {pipeline_mode = #tpu.pipeline_mode<synchronous>, transform_indices = @transform_12, window_bounds = array<i64: 1, 128>}, {pipeline_mode = #tpu.pipeline_mode<synchronous>, transform_indices = @transform_13, window_bounds = array<i64: 128, 128>}, {pipeline_mode = #tpu.pipeline_mode<synchronous>, transform_indices = @transform_14, window_bounds = array<i64: 1, 128>}, {transform_indices = @transform_15, window_bounds = array<i64: 2048, 128>}]} {
    %get3A = arith.constant 0 : index
    %get3A_0 = arith.constant 0 : index
    %get3A_1 = vector.load %arg3[%get3A, %get3A_0] : memref<2048x16xf32, #tpu.memory_space<vmem>>, vector<2048x1xf32>
    %get3A_2 = arith.constant 0 : index
    %get3A_3 = arith.constant 0 : index
    %get3A_4 = vector.load %arg4[%get3A_2, %get3A_3] : memref<2048x16xf32, #tpu.memory_space<vmem>>, vector<2048x1xf32>
    %add3A = arith.addf %get3A_1, %get3A_4 : vector<2048x1xf32>
    %max3A = arith.constant 1.000000e+00 : f32
    %max3A_5 = vector.broadcast %max3A : f32 to vector<2048x1xf32>
    %max3A_6 = arith.maximumf %add3A, %max3A_5 : vector<2048x1xf32>
    %get3A_7 = arith.constant 0 : index
    %get3A_8 = arith.constant 0 : index
    %get3A_9 = vector.load %arg2[%get3A_7, %get3A_8] : memref<2048x128xf32, #tpu.memory_space<vmem>>, vector<2048x128xf32>
    %div3A = vector.broadcast %max3A_6 : vector<2048x1xf32> to vector<2048x128xf32>
    %div3A_10 = arith.divf %get3A_9, %div3A : vector<2048x128xf32>
    %get3A_11 = arith.constant 0 : index
    %get3A_12 = arith.constant 0 : index
    %get3A_13 = vector.load %arg1[%get3A_11, %get3A_12] : memref<2048x128xf32, #tpu.memory_space<vmem>>, vector<2048x128xf32>
    %get3A_14 = arith.constant 0 : index
    %get3A_15 = arith.constant 0 : index
    %get3A_16 = vector.load %arg5[%get3A_14, %get3A_15] : memref<128x128xf32, #tpu.memory_space<vmem>>, vector<128x128xf32>
    %dot_general3A = arith.constant dense<0.000000e+00> : vector<2048x128xf32>
    %dot_general3A_17 = tpu.matmul %get3A_13, %get3A_16, %dot_general3A {dimension_numbers = #tpu.dot_dimension_numbers<[1], [0], [0], [1], [0, 0, 1, 1], [], []>, transpose_lhs_hint = false} : vector<2048x128xf32>, vector<128x128xf32>, vector<2048x128xf32> -> vector<2048x128xf32>
    %get3A_18 = arith.constant 0 : index
    %get3A_19 = arith.constant 0 : index
    %get3A_20 = vector.load %arg6[%get3A_18, %get3A_19] : memref<128x128xf32, #tpu.memory_space<vmem>>, vector<128x128xf32>
    %dot_general3A_21 = arith.constant dense<0.000000e+00> : vector<2048x128xf32>
    %dot_general3A_22 = tpu.matmul %div3A_10, %get3A_20, %dot_general3A_21 {dimension_numbers = #tpu.dot_dimension_numbers<[1], [0], [0], [1], [0, 0, 1, 1], [], []>, transpose_lhs_hint = false} : vector<2048x128xf32>, vector<128x128xf32>, vector<2048x128xf32> -> vector<2048x128xf32>
    %add3A_23 = arith.addf %dot_general3A_17, %dot_general3A_22 : vector<2048x128xf32>
    %get3A_24 = arith.constant 0 : index
    %get3A_25 = arith.constant 0 : index
    %get3A_26 = vector.load %arg7[%get3A_24, %get3A_25] : memref<1x128xf32, #tpu.memory_space<vmem>>, vector<1x128xf32>
    %add3A_27 = vector.broadcast %get3A_26 : vector<1x128xf32> to vector<2048x128xf32>
    %add3A_28 = arith.addf %add3A_23, %add3A_27 : vector<2048x128xf32>
    %gt3A = arith.constant 0.000000e+00 : f32
    %gt3A_29 = vector.broadcast %gt3A : f32 to vector<2048x128xf32>
    %gt3A_30 = arith.cmpf ogt, %add3A_28, %gt3A_29 : vector<2048x128xf32>
    %min3A = arith.constant 0.000000e+00 : f32
    %min3A_31 = vector.broadcast %min3A : f32 to vector<2048x128xf32>
    %min3A_32 = arith.minimumf %add3A_28, %min3A_31 : vector<2048x128xf32>
    %exp3A = math.exp %min3A_32 : vector<2048x128xf32>
    %sub3A = arith.constant 1.000000e+00 : f32
    %sub3A_33 = vector.broadcast %sub3A : f32 to vector<2048x128xf32>
    %sub3A_34 = arith.subf %exp3A, %sub3A_33 : vector<2048x128xf32>
    %select_n3A = arith.select %gt3A_30, %add3A_28, %sub3A_34 : vector<2048x128xi1>, vector<2048x128xf32>
    %get3A_35 = arith.constant 0 : index
    %get3A_36 = arith.constant 0 : index
    %get3A_37 = vector.load %arg8[%get3A_35, %get3A_36] : memref<128x128xf32, #tpu.memory_space<vmem>>, vector<128x128xf32>
    %dot_general3A_38 = arith.constant dense<0.000000e+00> : vector<2048x128xf32>
    %dot_general3A_39 = tpu.matmul %select_n3A, %get3A_37, %dot_general3A_38 {dimension_numbers = #tpu.dot_dimension_numbers<[1], [0], [0], [1], [0, 0, 1, 1], [], []>, transpose_lhs_hint = false} : vector<2048x128xf32>, vector<128x128xf32>, vector<2048x128xf32> -> vector<2048x128xf32>
    %get3A_40 = arith.constant 0 : index
    %get3A_41 = arith.constant 0 : index
    %get3A_42 = vector.load %arg9[%get3A_40, %get3A_41] : memref<1x128xf32, #tpu.memory_space<vmem>>, vector<1x128xf32>
    %add3A_43 = vector.broadcast %get3A_42 : vector<1x128xf32> to vector<2048x128xf32>
    %add3A_44 = arith.addf %dot_general3A_39, %add3A_43 : vector<2048x128xf32>
    %get3A_45 = arith.constant 0 : index
    %get3A_46 = arith.constant 0 : index
    %get3A_47 = vector.load %arg1[%get3A_45, %get3A_46] : memref<2048x128xf32, #tpu.memory_space<vmem>>, vector<2048x128xf32>
    %reduce_sum3A = arith.constant dense<0.000000e+00> : vector<2048xf32>
    %reduce_sum3A_48 = vector.multi_reduction <add>, %add3A_44, %reduce_sum3A [1] : vector<2048x128xf32> to vector<2048xf32>
    %broadcast_in_dim3A = vector.shape_cast %reduce_sum3A_48 : vector<2048xf32> to vector<2048x1xf32>
    %div3A_49 = arith.constant 1.280000e+02 : f32
    %div3A_50 = vector.broadcast %div3A_49 : f32 to vector<2048x1xf32>
    %div3A_51 = arith.divf %broadcast_in_dim3A, %div3A_50 : vector<2048x1xf32>
    %sub3A_52 = vector.broadcast %div3A_51 : vector<2048x1xf32> to vector<2048x128xf32>
    %sub3A_53 = arith.subf %add3A_44, %sub3A_52 : vector<2048x128xf32>
    %integer_pow3A = arith.mulf %sub3A_53, %sub3A_53 : vector<2048x128xf32>
    %reduce_sum3A_54 = arith.constant dense<0.000000e+00> : vector<2048xf32>
    %reduce_sum3A_55 = vector.multi_reduction <add>, %integer_pow3A, %reduce_sum3A_54 [1] : vector<2048x128xf32> to vector<2048xf32>
    %broadcast_in_dim3A_56 = vector.shape_cast %reduce_sum3A_55 : vector<2048xf32> to vector<2048x1xf32>
    %div3A_57 = arith.constant 1.280000e+02 : f32
    %div3A_58 = vector.broadcast %div3A_57 : f32 to vector<2048x1xf32>
    %div3A_59 = arith.divf %broadcast_in_dim3A_56, %div3A_58 : vector<2048x1xf32>
    %sub3A_60 = vector.broadcast %div3A_51 : vector<2048x1xf32> to vector<2048x128xf32>
    %sub3A_61 = arith.subf %add3A_44, %sub3A_60 : vector<2048x128xf32>
    %add3A_62 = arith.constant 9.99999974E-6 : f32
    %add3A_63 = vector.broadcast %add3A_62 : f32 to vector<2048x1xf32>
    %add3A_64 = arith.addf %div3A_59, %add3A_63 : vector<2048x1xf32>
    %rsqrt3A = math.rsqrt %add3A_64 : vector<2048x1xf32>
    %mul3A = vector.broadcast %rsqrt3A : vector<2048x1xf32> to vector<2048x128xf32>
    %mul3A_65 = arith.mulf %sub3A_61, %mul3A : vector<2048x128xf32>
    %get3A_66 = arith.constant 0 : index
    %get3A_67 = arith.constant 0 : index
    %get3A_68 = vector.load %arg10[%get3A_66, %get3A_67] : memref<1x128xf32, #tpu.memory_space<vmem>>, vector<1x128xf32>
    %mul3A_69 = vector.broadcast %get3A_68 : vector<1x128xf32> to vector<2048x128xf32>
    %mul3A_70 = arith.mulf %mul3A_65, %mul3A_69 : vector<2048x128xf32>
    %add3A_71 = arith.addf %get3A_47, %mul3A_70 : vector<2048x128xf32>
    %get3A_72 = arith.constant 0 : index
    %get3A_73 = arith.constant 0 : index
    %get3A_74 = vector.load %arg11[%get3A_72, %get3A_73] : memref<1x128xf32, #tpu.memory_space<vmem>>, vector<1x128xf32>
    %add3A_75 = vector.broadcast %get3A_74 : vector<1x128xf32> to vector<2048x128xf32>
    %add3A_76 = arith.addf %add3A_71, %add3A_75 : vector<2048x128xf32>
    %get3A_77 = arith.constant 0 : index
    %get3A_78 = arith.constant 0 : index
    %get3A_79 = vector.load %arg12[%get3A_77, %get3A_78] : memref<128x128xf32, #tpu.memory_space<vmem>>, vector<128x128xf32>
    %dot_general3A_80 = arith.constant dense<0.000000e+00> : vector<2048x128xf32>
    %dot_general3A_81 = tpu.matmul %add3A_76, %get3A_79, %dot_general3A_80 {dimension_numbers = #tpu.dot_dimension_numbers<[1], [0], [0], [1], [0, 0, 1, 1], [], []>, transpose_lhs_hint = false} : vector<2048x128xf32>, vector<128x128xf32>, vector<2048x128xf32> -> vector<2048x128xf32>
    %get3A_82 = arith.constant 0 : index
    %get3A_83 = arith.constant 0 : index
    %get3A_84 = vector.load %arg13[%get3A_82, %get3A_83] : memref<1x128xf32, #tpu.memory_space<vmem>>, vector<1x128xf32>
    %add3A_85 = vector.broadcast %get3A_84 : vector<1x128xf32> to vector<2048x128xf32>
    %add3A_86 = arith.addf %dot_general3A_81, %add3A_85 : vector<2048x128xf32>
    %gt3A_87 = arith.constant 0.000000e+00 : f32
    %gt3A_88 = vector.broadcast %gt3A_87 : f32 to vector<2048x128xf32>
    %gt3A_89 = arith.cmpf ogt, %add3A_86, %gt3A_88 : vector<2048x128xf32>
    %min3A_90 = arith.constant 0.000000e+00 : f32
    %min3A_91 = vector.broadcast %min3A_90 : f32 to vector<2048x128xf32>
    %min3A_92 = arith.minimumf %add3A_86, %min3A_91 : vector<2048x128xf32>
    %exp3A_93 = math.exp %min3A_92 : vector<2048x128xf32>
    %sub3A_94 = arith.constant 1.000000e+00 : f32
    %sub3A_95 = vector.broadcast %sub3A_94 : f32 to vector<2048x128xf32>
    %sub3A_96 = arith.subf %exp3A_93, %sub3A_95 : vector<2048x128xf32>
    %select_n3A_97 = arith.select %gt3A_89, %add3A_86, %sub3A_96 : vector<2048x128xi1>, vector<2048x128xf32>
    %get3A_98 = arith.constant 0 : index
    %get3A_99 = arith.constant 0 : index
    %get3A_100 = vector.load %arg14[%get3A_98, %get3A_99] : memref<128x128xf32, #tpu.memory_space<vmem>>, vector<128x128xf32>
    %dot_general3A_101 = arith.constant dense<0.000000e+00> : vector<2048x128xf32>
    %dot_general3A_102 = tpu.matmul %select_n3A_97, %get3A_100, %dot_general3A_101 {dimension_numbers = #tpu.dot_dimension_numbers<[1], [0], [0], [1], [0, 0, 1, 1], [], []>, transpose_lhs_hint = false} : vector<2048x128xf32>, vector<128x128xf32>, vector<2048x128xf32> -> vector<2048x128xf32>
    %get3A_103 = arith.constant 0 : index
    %get3A_104 = arith.constant 0 : index
    %get3A_105 = vector.load %arg15[%get3A_103, %get3A_104] : memref<1x128xf32, #tpu.memory_space<vmem>>, vector<1x128xf32>
    %add3A_106 = vector.broadcast %get3A_105 : vector<1x128xf32> to vector<2048x128xf32>
    %add3A_107 = arith.addf %dot_general3A_102, %add3A_106 : vector<2048x128xf32>
    %swap3A = arith.constant 0 : index
    %swap3A_108 = arith.constant 0 : index
    %swap3A_109 = vector.load %arg16[%swap3A, %swap3A_108] : memref<2048x128xf32, #tpu.memory_space<vmem>>, vector<2048x128xf32>
    tpu.vector_store %arg16[%swap3A, %swap3A_108], %add3A_107 {strides = array<i32>} : memref<2048x128xf32, #tpu.memory_space<vmem>>, vector<2048x128xf32>,
    return
  }
  func.func @transform_0(%arg0: i32) -> (i32, i32) {
    %c0_i32 = arith.constant 0 : i32
    %c0_i32_0 = arith.constant 0 : i32
    return %arg0, %c0_i32 : i32, i32
  }
  func.func @transform_1(%arg0: i32) -> (i32, i32) {
    %c0_i32 = arith.constant 0 : i32
    %c0_i32_0 = arith.constant 0 : i32
    return %arg0, %c0_i32 : i32, i32
  }
  func.func @transform_2(%arg0: i32) -> (i32, i32) {
    %c0_i32 = arith.constant 0 : i32
    %c0_i32_0 = arith.constant 0 : i32
    return %arg0, %c0_i32 : i32, i32
  }
  func.func @transform_3(%arg0: i32) -> (i32, i32) {
    %c0_i32 = arith.constant 0 : i32
    %c0_i32_0 = arith.constant 0 : i32
    return %arg0, %c0_i32 : i32, i32
  }
  func.func @transform_4(%arg0: i32) -> (i32, i32) {
    %c0_i32 = arith.constant 0 : i32
    %c0_i32_0 = arith.constant 0 : i32
    %c0_i32_1 = arith.constant 0 : i32
    return %c0_i32, %c0_i32_0 : i32, i32
  }
  func.func @transform_5(%arg0: i32) -> (i32, i32) {
    %c0_i32 = arith.constant 0 : i32
    %c0_i32_0 = arith.constant 0 : i32
    %c0_i32_1 = arith.constant 0 : i32
    return %c0_i32, %c0_i32_0 : i32, i32
  }
  func.func @transform_6(%arg0: i32) -> (i32, i32) {
    %c0_i32 = arith.constant 0 : i32
    %c0_i32_0 = arith.constant 0 : i32
    %c0_i32_1 = arith.constant 0 : i32
    return %c0_i32, %c0_i32_0 : i32, i32
  }
  func.func @transform_7(%arg0: i32) -> (i32, i32) {
    %c0_i32 = arith.constant 0 : i32
    %c0_i32_0 = arith.constant 0 : i32
    %c0_i32_1 = arith.constant 0 : i32
    return %c0_i32, %c0_i32_0 : i32, i32
  }
  func.func @transform_8(%arg0: i32) -> (i32, i32) {
    %c0_i32 = arith.constant 0 : i32
    %c0_i32_0 = arith.constant 0 : i32
    %c0_i32_1 = arith.constant 0 : i32
    return %c0_i32, %c0_i32_0 : i32, i32
  }
  func.func @transform_9(%arg0: i32) -> (i32, i32) {
    %c0_i32 = arith.constant 0 : i32
    %c0_i32_0 = arith.constant 0 : i32
    %c0_i32_1 = arith.constant 0 : i32
    return %c0_i32, %c0_i32_0 : i32, i32
  }
  func.func @transform_10(%arg0: i32) -> (i32, i32) {
    %c0_i32 = arith.constant 0 : i32
    %c0_i32_0 = arith.constant 0 : i32
    %c0_i32_1 = arith.constant 0 : i32
    return %c0_i32, %c0_i32_0 : i32, i32
  }
  func.func @transform_11(%arg0: i32) -> (i32, i32) {
    %c0_i32 = arith.constant 0 : i32
    %c0_i32_0 = arith.constant 0 : i32
    %c0_i32_1 = arith.constant 0 : i32
    return %c0_i32, %c0_i32_0 : i32, i32
  }
  func.func @transform_12(%arg0: i32) -> (i32, i32) {
    %c0_i32 = arith.constant 0 : i32
    %c0_i32_0 = arith.constant 0 : i32
    %c0_i32_1 = arith.constant 0 : i32
    return %c0_i32, %c0_i32_0 : i32, i32
  }
  func.func @transform_13(%arg0: i32) -> (i32, i32) {
    %c0_i32 = arith.constant 0 : i32
    %c0_i32_0 = arith.constant 0 : i32
    %c0_i32_1 = arith.constant 0 : i32
    return %c0_i32, %c0_i32_0 : i32, i32
  }
  func.func @transform_14(%arg0: i32) -> (i32, i32) {
    %c0_i32 = arith.constant 0 : i32
    %c0_i32_0 = arith.constant 0 : i32
    %c0_i32_1 = arith.constant 0 : i32
    return %c0_i32, %c0_i32_0 : i32, i32
  }
  func.func @transform_15(%arg0: i32) -> (i32, i32) {
    %c0_i32 = arith.constant 0 : i32
    %c0_i32_0 = arith.constant 0 : i32
    return %arg0, %c0_i32 : i32, i32
  }
}

</mosaic_0001>

<sc_bundles>
// kernel: kernel.20.cloned.1.call-start
scs
__scs_entry_jumppad:
0x0: {  	(pc) =	sbr.rel $0x88, $3  }
0x1: {  	(tag) =	ssettag $0x0;
	lr =	simm.s32 $0x1  }
0x2: {  	[smem:$0x3F5E] =	sst lr;
	_ =	strace $0xD0000000  }
0x3: {  	_ = 	snop  }
0x4: {  	_ = 	snop  }
0x5: {  	_ = 	snop  }
0x6: {  	_ = 	snop  }
0x7: {  	_ = 	snop  }
__scs_overlays_trampoline_lowered:
0x8: {  	[smem:$0x3F6D] =	sst s0  }
0x9: {  	[smem:$0x3F6E] =	sst s1  }
0xa: {  	[smem:$0x3F6F] =	sst s2  }
0xb: {  	[smem:$0x3F70] =	sst s3  }
0xc: {  	[smem:$0x3F71] =	sst s4  }
0xd: {  	[smem:$0x3F72] =	sst s5  }
0xe: {  	[smem:$0x3F73] =	sst s6  }
0xf: {  	[smem:$0x3F74] =	sst s7  }
0x10: {  	[smem:$0x3F75] =	sst s8  }
0x11: {  	[smem:$0x3F76] =	sst s9;
	s0 =	simm.s32 @!p0 $0x0  }
0x12: {  	s1 =	sld [smem:$0x3F5C];
	s0 =	simm.s32 @p0 $0x1  }
0x13: {  	[smem:$0x3F77] =	sst s0;
	s0 =	simm.s32 @!p1 $0x0  }
0x14: {  	s2 =	sld [smem:$0x3F5B];
	s0 =	simm.s32 @p1 $0x1  }
0x15: {  	[smem:$0x3F78] =	sst s0;
	s0 =	simm.s32 @!p2 $0x0  }
0x16: {  	s3 =	sld [smem:$0x3FDB];
	s0 =	simm.s32 @p2 $0x1  }
0x17: {  	s4 =	simm.s32 $0x1BF5;
	[smem:$0x3F7A] =	sst s0  }
0x18: {  	s0 =	sld [smem:$0x3F5D];
	_ =	swait.ge [sflag:s4], $0x0  }
0x19: {  	s7 =	sld [smem:$0x3F5E]  }
0x1a: {  	s8 =	sadd.s32 $0xFFFFE003, lr  }
0x1b: {  	s9 =	sadd.s32 $0xFFFFFEF7, lr;
	s5 =	simm.s32 $0xFFFFFFFF;
	p2 =	slt.u32 s8, $0xFFFFF086  }
0x1c: {  	p1 =	slt.u32 s9, $0xF7A;
	s5 =	simm.s32 @!p2 $0x0  }
0x1d: {  	s5 =	simm.s32 @p1 $0x1;
	p0 =	seq.s32 s7, s2  }
0x1e: {  	s7 =	smul.u32 @!p0 $0xF7A, s2;
	p2 =	seq.s32 @!p0 s5, $0x0  }
0x1f: {  	s9 =	smul.u32 $0xF7A, s1;
	s8 =	simm.s32 @!p0 $0x1BF5;
	p2 =	por !p2, p0  }
0x20: {  	[sflag:s8] =	ssyncset.s32 @!p0 $0xFFFFF086;
	s6 =	sadd.s32 @!p0 s3, s7;
	s7 =	simm.s32 @!p0 $0x108  }
0x21: {  	s3 =	sadd.s32 s3, s9;
	s6 =	sadd.s32 @!p0 $0x88, s6;
	s7 =	simm.s32 @p2 $0x1082  }
0x22: {  	[simem:s7], [sflag:s8] =	dma.local @!p0 [hbm:s6], $0xF7A  }
0x23: {  	s9 =	sor.u32 $0xD0000000, s2;
	s6 =	simm.s32 $0x108;
	_ =	swait.ge @!p0 [sflag:s8], $0x0  }
0x24: {  	s3 =	sadd.s32 $0x88, s3;
	s6 =	simm.s32 @!p1 $0x1082;
	[sflag:s4] =	ssyncset.s32 $0xFFFFF086  }
0x25: {  	[simem:s6], [sflag:s4] =	dma.local [hbm:s3], $0xF7A  }
0x26: {  	[smem:$0x3F5E] =	sst s1;
	(tag) =	ssettag s2;
	_ =	strace s9  }
0x27: {  	s1 =	sld [smem:$0x3F6E]  }
0x28: {  	s2 =	sld [smem:$0x3F6F]  }
0x29: {  	s4 =	sld [smem:$0x3F71]  }
0x2a: {  	p0 =	seq.s32 s5, $0x0;
	s5 =	sld [smem:$0x3F72]  }
0x2b: {  	s6 =	sld [smem:$0x3F73]  }
0x2c: {  	s7 =	sld [smem:$0x3F74]  }
0x2d: {  	s3 =	simm.s32 $0x108;
	s8 =	sld [smem:$0x3F75]  }
0x2e: {  	s3 =	simm.s32 @!p0 $0x1082;
	s9 =	sld [smem:$0x3F76]  }
0x2f: {  	lr =	sadd.s32 s0, s3;
	s0 =	sld [smem:$0x3F6D]  }
0x30: {  	s3 =	sld [smem:$0x3F70]  }
0x31: {  	[smem:$0x3F79] =	sst s10  }
0x32: {  	s10 =	sld [smem:$0x3F77];
	_ =	sdelay $0x3  }
0x33: {  	p0 =	seq.s32 s10, $0x1;
	s10 =	sld [smem:$0x3F79];
	_ =	sdelay $0x3  }
0x34: {  	[smem:$0x3F79] =	sst s10  }
0x35: {  	s10 =	sld [smem:$0x3F78];
	_ =	sdelay $0x3  }
0x36: {  	p1 =	seq.s32 s10, $0x1;
	s10 =	sld [smem:$0x3F79];
	_ =	sdelay $0x3  }
0x37: {  	[smem:$0x3F79] =	sst s10  }
0x38: {  	s10 =	sld [smem:$0x3F7A]  }
0x39: {  	_ = 	snop;
	(pc) =	sbr.ind lr, $3  }
0x3a: {  	_ = 	snop  }
0x3b: {  	_ = 	snop  }
0x3c: {  	p2 =	seq.s32 s10, $0x1;
	s10 =	sld [smem:$0x3F79]  }
0x3d: {  	_ =	shalt  }
0x3e: {  	_ =	shalt  }
0x3f: {  	_ =	shalt  }
0x40: {  	_ =	shalt  }
0x41: {  	_ =	shalt  }
0x42: {  	_ =	shalt  }
0x43: {  	_ =	shalt  }
0x44: {  	_ =	shalt  }
0x45: {  	_ =	shalt  }
0x46: {  	_ =	shalt  }
0x47: {  	_ =	shalt  }
0x48: {  	_ =	shalt  }
0x49: {  	_ =	shalt  }
0x4a: {  	_ =	shalt  }
0x4b: {  	_ =	shalt  }
0x4c: {  	_ =	shalt  }
0x4d: {  	_ =	shalt  }
0x4e: {  	_ =	shalt  }
0x4f: {  	_ =	shalt  }
0x50: {  	_ =	shalt  }
0x51: {  	_ =	shalt  }
0x52: {  	_ =	shalt  }
0x53: {  	_ =	shalt  }
0x54: {  	_ =	shalt  }
0x55: {  	_ =	shalt  }
0x56: {  	_ =	shalt  }
0x57: {  	_ =	shalt  }
0x58: {  	_ =	shalt  }
0x59: {  	_ =	shalt  }
0x5a: {  	_ =	shalt  }
0x5b: {  	_ =	shalt  }
0x5c: {  	_ =	shalt  }
0x5d: {  	_ =	shalt  }
0x5e: {  	_ =	shalt  }
0x5f: {  	_ =	shalt  }
0x60: {  	_ =	shalt  }
0x61: {  	_ =	shalt  }
0x62: {  	_ =	shalt  }
0x63: {  	_ =	shalt  }
0x64: {  	_ =	shalt  }
0x65: {  	_ =	shalt  }
0x66: {  	_ =	shalt  }
0x67: {  	_ =	shalt  }
0x68: {  	_ =	shalt  }
0x69: {  	_ =	shalt  }
0x6a: {  	_ =	shalt  }
0x6b: {  	_ =	shalt  }
0x6c: {  	_ =	shalt  }
0x6d: {  	_ =	shalt  }
0x6e: {  	_ =	shalt  }
0x6f: {  	_ =	shalt  }
0x70: {  	_ =	shalt  }
0x71: {  	_ =	shalt  }
0x72: {  	_ =	shalt  }
0x73: {  	_ =	shalt  }
0x74: {  	_ =	shalt  }
0x75: {  	_ =	shalt  }
0x76: {  	_ =	shalt  }
0x77: {  	_ =	shalt  }
0x78: {  	_ =	shalt  }
0x79: {  	_ =	shalt  }
0x7a: {  	_ =	shalt  }
0x7b: {  	_ =	shalt  }
0x7c: {  	_ =	shalt  }
0x7d: {  	_ =	shalt  }
0x7e: {  	_ =	shalt  }
0x7f: {  	_ =	shalt  }
0x80: {  	_ =	shalt  }
0x81: {  	_ =	shalt  }
0x82: {  	_ =	shalt  }
0x83: {  	_ =	shalt  }
0x84: {  	_ =	shalt  }
0x85: {  	_ =	shalt  }
0x86: {  	_ =	shalt  }
0x87: {  	_ =	shalt  }
.Lfunc_end0:
.L_simem_size_0:
called_computation_lowered:
.L_overlay_start_0:
0x88: {  	s2 =	sld [smem:$0x3FD9]  }
0x89: {  	s3 =	sld [smem:$0x3FFE];
	_ =	sdelay $0x1  }
0x8a: {  	s1 =	srdreg.scid  }
0x8b: {  	s0 =	sand.u32 $0x1, s1  }
0x8c: {  	s17 =	sshll.u32 s0, $0xA;
	s2 =	sadd.s32 s3, s2  }
0x8d: {  	s2 =	sadd.s32 s2, s17  }
0x8e: {  	[smem:$0x3F85] =	sst s2  }
0x8f: {  	_ = 	snop  }
0x90: {  	s18 =	sld [smem:$0x3FD0];
	(tm) =	ssettm $0x1  }
0x91: {  	s19 =	sld [smem:$0x3FFB];
	_ =	sdelay $0x3  }
0x92: {  	_ =	strace s19  }
0x93: {  	s2 =	sld [smem:$0x3FFC];
	_ =	sdelay $0x3  }
0x94: {  	_ =	strace s2  }
0x95: {  	s2 =	sld [smem:$0x3FFD];
	_ =	sdelay $0x3  }
0x96: {  	_ =	strace s2  }
0x97: {  	_ =	strace $0x8FFFFFFF  }
0x98: {  	s20 =	sld [smem:$0x3FDB];
	_ =	sdelay $0x1  }
0x99: {  	s4 =	simm.s32 $_scs_section_size  }
0x9a: {  	s5 =	simm.s32 $_size__tile_overlayer_lowered;
	s6 =	simm.s32 $_tile_overlayer_lowered  }
0x9b: {  	s7 =	simm.s32 $0x1BFF;
	s21 =	sshll.u32 s6, $0x1;
	s4 =	sadd.s32 s4, s20  }
0x9c: {  	s22 =	simm.s32 $0x0;
	s5 =	sshll.u32 s5, $0x1;
	s6 =	sadd.s32 s21, s4  }
0x9d: {  	[timem:s22], [sflag:s7] =	dma.local [hbm:s6], s5  }
0x9e: {  	_ =	swait.ge [sflag:s7], s5  }
0x9f: {  	s5 =	ssub.s32 $0x0, s5;
	[sflag:s7] =	ssyncset.done $0x0  }
0xa0: {  	[sflag:s7] =	ssyncadd.s32 s5;
	_ =	sdelay $0x1  }
0xa1: {  	s23 =	simm.s32 $0x1B8B  }
0xa2: {  	_ =	swait.ge [sflag:s23], $0x1  }
0xa3: {  	[sflag:s23] =	ssyncset.done $0x0  }
0xa4: {  	[sflag:s23] =	ssyncadd.s32 $0xFFFFFFFF  }
0xa5: {  	s5 =	sld [smem:$0x0]  }
0xa6: {  	s6 =	sand.u32 $0xFFFFFFFE, s1  }
0xa7: {  	p0 =	sne.s32 s1, s6  }
0xa8: {  	s6 =	sshll.u32 @p0 s6, $0xE  }
0xa9: {  	s6 =	sadd.s32 @p0 $0x11B8D, s6;
	s7 =	sshll.u32 @p0 s5, $0x11  }
0xaa: {  	s6 =	sor.u32 @p0 s7, s6  }
0xab: {  	[sflag:s6] =	ssyncadd.remote.s32 @p0 $0x1;
	_ =	sdelay $0x1  }
0xac: {  	s6 =	simm.s32 @p0 $0x1B8D  }
0xad: {  	_ =	swait.eq @p0 [sflag:s6], $0x1  }
0xae: {  	[sflag:s6] =	ssyncadd.s32 @p0 $0xFFFFFFFF  }
0xaf: {  	s7 =	sshll.u32 @!p0 s1, $0xE  }
0xb0: {  	s7 =	sor.u32 @!p0 $0x4000, s7;
	s6 =	simm.s32 @!p0 $0x1B8D  }
0xb1: {  	s5 =	sshll.u32 @!p0 s5, $0x11;
	s7 =	sadd.s32 @!p0 $0x11B8D, s7;
	_ =	swait.eq @!p0 [sflag:s6], $0x1  }
0xb2: {  	s5 =	sor.u32 @!p0 s5, s7;
	[sflag:s6] =	ssyncadd.s32 @!p0 $0xFFFFFFFF  }
0xb3: {  	s25 =	simm.s32 $0x1B8E;
	s24 =	sld [smem:$0x3FFE];
	[sflag:s5] =	ssyncadd.remote.s32 @!p0 $0x1  }
0xb4: {  	s26 =	simm.s32 $execute0_lowered;
	[smem:$0x3FD2] =	sst s25  }
0xb5: {  	s6 =	sshll.u32 s26, $0x1;
	_ =	strace $0x80000049;
	[dreg:$0x1] =	wrdreg $0xFFFFFFFF  }
0xb6: {  	s28 =	simm.s32 $_size_execute0_lowered;
	s4 =	sadd.s32 s4, s6;
	[dreg:$0x0] =	wrdreg $0x0  }
0xb7: {  	s6 =	sshll.u32 s28, $0x1;
	[dreg:$0x2] =	wrdreg s4  }
0xb8: {  	[dreg:$0x3] =	wrdreg s6  }
0xb9: {  	[dreg:$0x4] =	wrdreg $0xC0  }
0xba: {  	_ =	task [dreg:s22], $0x5FFFF  }
0xbb: {  	[dreg:$0x1] =	wrdreg $0xFFFFFFFF  }
0xbc: {  	[dreg:$0x0] =	wrdreg $0x60  }
0xbd: {  	[dreg:$0x2] =	wrdreg s18  }
0xbe: {  	[dreg:$0x3] =	wrdreg s24  }
0xbf: {  	[dreg:$0x4] =	wrdreg $0x0  }
0xc0: {  	[dreg:$0x5] =	wrdreg $0x9  }
0xc1: {  	_ =	task.clear_ibuf [dreg:s22], $0x6FFFF;
	_ =	strace $0x90000049  }
0xc2: {  	s29 =	simm.s32 $0x9;
	_ =	strace $0x8000004B  }
0xc3: {  	_ =	swait.ge [sflag:s29], $0x1  }
0xc4: {  	[sflag:s29] =	ssyncadd.s32 $0xFFFFFFFF  }
0xc5: {  	_ =	strace $0x9000004B  }
0xc6: {  	_ =	sfence  }
0xc7: {  	s30 =	sld [smem:$0x0];
	_ =	sdelay $0x2  }
0xc8: {  	s31 =	sshll.u32 s1, $0xD;
	s1 =	sshrl.u32 s1, $0x2  }
0xc9: {  	s4 =	sand.u32 $0x4000, s31;
	s1 =	sadd.s32 s1, s30  }
0xca: {  	s0 =	sor.u32 s4, s0;
	s1 =	sshll.u32 s1, $0x11  }
0xcb: {  	s0 =	sor.u32 s1, s0  }
0xcc: {  	s0 =	sadd.s32 $0x8F2B, s0  }
0xcd: {  	[sflag:s0] =	ssyncadd.remote.s32 $0x1  }
0xce: {  	_ =	sfence.sel $0xFFFF  }
0xcf: {  	[dreg:$0x0] =	wrdreg $0xFFFFFFFF;
	(pc) =	sbr.abs _section_cstart, $3  }
0xd0: {  	[dreg:$0x1] =	wrdreg $0xFFFFFFFF  }
0xd1: {  	_ =	task.clear_ibuf [dreg:s22], $0x2FFFF;
	_ =	strace $0x9FFFFFFF  }
0xd2: {  	(tm) =	ssettm $0x7FFFFFFF  }
0xd3: {  	_ =	shalt  }
tec
execute0_lowered:
.L_overlay_start_1:
0x0: {  	(tag) =	ssettag $0x1  }
0x1: {  	s12 =	rddreg [dreg:$0x0]  }
0x2: {  	s10 =	rddreg [dreg:$0x1]  }
0x3: {  	s1 =	rddreg [dreg:$0x2];
	s2 =	srdreg.scid  }
0x4: {  	s0 =	rddreg [dreg:$0x3];
	s3 =	simm.s32 $0x0;
	s14 =	simm.s32 $0xAB0600  }
0x5: {  	s16 =	simm.s32 $0x6800;
	s17 =	simm.s32 $0x1;
	s18 =	simm.s32 $0x6880  }
0x6: {  	s19 =	simm.s32 $0x80;
	s20 =	simm.s32 $0x2;
	s21 =	simm.s32 $0x3  }
0x7: {  	s22 =	simm.s32 $0x4;
	s23 =	simm.s32 $0x0;
	s9 =	sand.u32 $0x1, s2  }
0x8: {  	s2 =	stileid.u32;
	[smem:$0x7FF] =	sst s3;
	s5 =	sadd.s32 $0xAA9E00, s10  }
0x9: {  	s4 =	sshll.u32 s9, $0x4;
	s8 =	smul.u32 $0x3000, s2;
	_ =	strace $0x8000004A  }
0xa: {  	s6 =	ssub.s32 $0x2, s9;
	p0 =	seq.s32 s9, $0x1;
	s15 =	smul.u32 $0x5000, s9  }
0xb: {  	s31 =	smul.u32 $0x500, s2;
	s4 =	sor.u32 s2, s4;
	s11 =	sshrl.u32 s6, $0x1  }
0xc: {  	s14 =	simm.s32 @!p0 $0xAAA600;
	s7 =	smul.u32 $0x500, s4;
	s4 =	sadd.s32 $0xAAA000, s10  }
.Ltmp0:
0xd: {  	s11 =	ssub.s32 s6, s11;
	s6 =	sadd.s32 s8, s1;
	(pc) =	sbr.rel .LBB2_1-.Ltmp0, $4  }
0xe: {  	s13 =	sshrl.u32 s8, $0x3;
	s30 =	sadd.s32 s14, s10;
	s14 =	simm.s32 $0x5  }
0xf: {  	s8 =	smax.u32 s11, $0x1;
	s11 =	sadd.s32 s30, s13;
	s13 =	simm.s32 $0x6000  }
0x10: {  	s7 =	sadd.s32 s12, s7;
	s12 =	sadd.s32 s15, s12;
	s15 =	simm.s32 $0x3000  }
0x11: {  	s9 =	sadd.s32 $0x10, s7;
	s10 =	sadd.s32 $0x20, s7;
	s12 =	sadd.s32 s31, s12  }
.LBB2_4:
0x12: {  	[spmem:s1] =	stream.indirect.scatter.add.f32 [tilespmem:s13], [sflag:$0x4], $0x10, s18, s19, $0xb8;
	[tilespmem:$0x6900] =	vst v63  }
0x13: {  	_ =	swait.ge [sflag:s21], $0x800  }
0x14: {  	[sflag:s21] =	ssyncset.done $0x0  }
0x15: {  	[sflag:s21] =	ssyncadd.s32 $0xFFFFF800  }
0x16: {  	_ =	swait.ge [sflag:s22], $0x800  }
0x17: {  	[sflag:s22] =	ssyncset.done $0x0  }
0x18: {  	[sflag:s22] =	ssyncadd.s32 $0xFFFFF800  }
0x19: {  	[bflag:$0x0] =	sbarrier.arrive $0xFFFF  }
0x1a: {  	[tilespmem:s15], [sflag:$0x5] =	stream.linear.gather [spmem:s6], $0x3000, $0x38;
	[tilespmem:$0x6900] =	vst v63  }
0x1b: {  	s23 =	sadd.s32 $0x1, s23;
	_ =	swait.ge [sflag:s14], $0x3000  }
0x1c: {  	p0 =	sne.s32 s23, s8;
	[sflag:s14] =	ssyncset.done $0x0  }
.Ltmp1:
0x1d: {  	[sflag:s14] =	ssyncadd.s32 $0xFFFFD000;
	(pc) =	sbr.rel @!p0 .LBB2_5-.Ltmp1, $4  }
0x1e: {  	[hbm4b:s11+s3] =	stream.linear.scatter [tilespmem:s15], [sflag:$0x5], $0x3000, $0x38;
	[tilespmem:$0x6900] =	vst v63  }
0x1f: {  	_ =	swait.ge [sflag:s14], $0x3000  }
0x20: {  	[sflag:s14] =	ssyncset.done $0x0  }
0x21: {  	[sflag:s14] =	ssyncadd.s32 $0xFFFFD000  }
.LBB2_1:
0x22: {  	[tilespmem:s13], [sflag:$0x5] =	stream.linear.gather [hbm4b:s5+s3], $0x800, $0x38;
	[tilespmem:$0x6900] =	vst v63  }
0x23: {  	_ =	swait.ge [sflag:s14], $0x800  }
0x24: {  	[sflag:s14] =	ssyncset.done $0x0  }
0x25: {  	[sflag:s14] =	ssyncadd.s32 $0xFFFFF800  }
0x26: {  	[tilespmem:s15], [sflag:$0x5] =	stream.linear.gather [hbm4b:s4+s3], $0x3000, $0x38;
	[tilespmem:$0x6900] =	vst v63  }
0x27: {  	_ =	swait.ge [sflag:s14], $0x3000  }
0x28: {  	[sflag:s14] =	ssyncset.done $0x0  }
0x29: {  	[sflag:s14] =	ssyncadd.s32 $0xFFFFD000  }
0x2a: {  	[spmem:s6] =	stream.linear.scatter [tilespmem:s15], [sflag:$0x5], $0x3000, $0x38;
	[tilespmem:$0x6900] =	vst v63  }
0x2b: {  	_ =	swait.ge [sflag:s14], $0x3000  }
0x2c: {  	[sflag:s14] =	ssyncset.done $0x0  }
0x2d: {  	[sflag:s14] =	ssyncadd.s32 $0xFFFFD000  }
0x2e: {  	[bflag:$0x0] =	sbarrier.arrive $0xFFFF  }
0x2f: {  	[tilespmem:s16], [sflag:$0x1] =	stream.linear.gather [hbm4b:s7+s3], $0x80, $0x38;
	[tilespmem:$0x6900] =	vst v63  }
0x30: {  	_ =	swait.ge [sflag:s17], $0x80  }
0x31: {  	[sflag:s17] =	ssyncset.done $0x0  }
0x32: {  	[sflag:s17] =	ssyncadd.s32 $0xFFFFFF80  }
0x33: {  	[tilespmem:s18], [sflag:$0x2] =	stream.linear.gather [hbm4b:s9+s3], $0x80, $0x38;
	[tilespmem:$0x6900] =	vst v63  }
0x34: {  	_ = 	snop  }
0x35: {  	[spmem:s1] =	stream.indirect.scatter.add.f32 [tilespmem:s13], [sflag:$0x3], $0x10, s16, s19, $0xb8;
	[tilespmem:$0x6900] =	vst v63  }
0x36: {  	_ =	swait.ge [sflag:s20], $0x80  }
0x37: {  	[sflag:s20] =	ssyncset.done $0x0  }
0x38: {  	[sflag:s20] =	ssyncadd.s32 $0xFFFFFF80  }
0x39: {  	_ =	swait.ge [sflag:s21], $0x800  }
0x3a: {  	[sflag:s21] =	ssyncset.done $0x0  }
0x3b: {  	[sflag:s21] =	ssyncadd.s32 $0xFFFFF800  }
0x3c: {  	[tilespmem:s16], [sflag:$0x1] =	stream.linear.gather [hbm4b:s10+s3], $0x80, $0x38;
	[tilespmem:$0x6900] =	vst v63  }
0x3d: {  	s24 =	simm.s32 $0xFFFFFB40  }
0x3e: {  	[spmem:s1] =	stream.indirect.scatter.add.f32 [tilespmem:s13], [sflag:$0x4], $0x10, s18, s19, $0xb8;
	[tilespmem:$0x6900] =	vst v63  }
.LBB2_2:
0x3f: {  	_ =	swait.ge [sflag:s17], $0x80  }
0x40: {  	[sflag:s17] =	ssyncset.done $0x0  }
0x41: {  	[sflag:s17] =	ssyncadd.s32 $0xFFFFFF80  }
0x42: {  	_ =	swait.ge [sflag:s22], $0x800  }
0x43: {  	s25 =	sadd.s32 s24, s12;
	[sflag:s22] =	ssyncset.done $0x0  }
0x44: {  	p0 =	seq.s32 s24, $0x0;
	s26 =	sadd.s32 $0x4F0, s25;
	[sflag:s22] =	ssyncadd.s32 $0xFFFFF800  }
0x45: {  	[tilespmem:s18], [sflag:$0x2] =	stream.linear.gather [hbm4b:s26+s3], $0x80, $0x38;
	[tilespmem:$0x6900] =	vst v63  }
.Ltmp2:
0x46: {  	_ = 	snop;
	(pc) =	sbr.rel @p0 .LBB2_4-.Ltmp2, $4  }
0x47: {  	[spmem:s1] =	stream.indirect.scatter.add.f32 [tilespmem:s13], [sflag:$0x3], $0x10, s16, s19, $0xb8;
	[tilespmem:$0x6900] =	vst v63  }
0x48: {  	_ =	swait.ge [sflag:s20], $0x80  }
0x49: {  	[sflag:s20] =	ssyncset.done $0x0  }
0x4a: {  	[sflag:s20] =	ssyncadd.s32 $0xFFFFFF80  }
0x4b: {  	_ =	swait.ge [sflag:s21], $0x800  }
.Ltmp3:
0x4c: {  	[sflag:s21] =	ssyncset.done $0x0;
	(pc) =	sbr.rel .LBB2_2-.Ltmp3, $4  }
0x4d: {  	s25 =	sadd.s32 $0x500, s25;
	[sflag:s21] =	ssyncadd.s32 $0xFFFFF800  }
0x4e: {  	[tilespmem:s16], [sflag:$0x1] =	stream.linear.gather [hbm4b:s25+s3], $0x80, $0x38;
	[tilespmem:$0x6900] =	vst v63  }
0x4f: {  	s24 =	sadd.s32 $0x20, s24  }
0x50: {  	[spmem:s1] =	stream.indirect.scatter.add.f32 [tilespmem:s13], [sflag:$0x4], $0x10, s18, s19, $0xb8;
	[tilespmem:$0x6900] =	vst v63  }
.LBB2_5:
0x51: {  	_ =	sfence.sel $0x180000  }
0x52: {  	[bflag:$0x0] =	sbarrier.arrive $0xFFFF  }
0x53: {  	p0 =	sne.s32 s2, $0x0;
	_ =	strace $0x9000004A  }
0x54: {  	s0 =	sadd.s32 @!p0 $0x100000, s0;
	[bflag:$0x2] =	sbarrier.arrive $0xFFFF  }
0x55: {  	[sflag:s0] =	ssyncadd.tile.s32 @!p0 $0x1;
	_ =	shalt  }
.Lfunc_end2:
_tile_overlayer_lowered:
.L_overlay_start_2:
0x56: {  	(tag) =	ssettag $0x2  }
0x57: {  	s0 =	rddreg [dreg:$0x0];
	s2 =	stileid.u32  }
0x58: {  	s1 =	rddreg [dreg:$0x1];
	p0 =	sne.s32 s2, $0x0  }
0x59: {  	s3 =	rddreg [dreg:$0x2];
	[bflag:$0x3] =	sbarrier.arrive $0xFFFF;
	s2 =	simm.s32 @!p0 $0x1C05  }
0x5a: {  	[timem:s3], [sflag:s2] =	dma.local @!p0 [hbm:s0], s1  }
0x5b: {  	s0 =	simm.s32 @!p0 $0x5  }
0x5c: {  	_ =	swait.ge @!p0 [sflag:s0], s1  }
0x5d: {  	s1 =	ssub.s32 @!p0 $0x0, s1;
	[sflag:s0] =	ssyncset.done @!p0 $0x0  }
0x5e: {  	[sflag:s0] =	ssyncadd.s32 @!p0 s1  }
0x5f: {  	[bflag:$0x3] =	sbarrier.arrive $0xFFFF  }
0x60: {  	_ =	shalt  }

// kernel: kernel.23.cloned.1.call-start
scs
__scs_entry_jumppad:
0x0: {  	(pc) =	sbr.rel $0x88, $3  }
0x1: {  	(tag) =	ssettag $0x0;
	lr =	simm.s32 $0x1  }
0x2: {  	[smem:$0x3F5E] =	sst lr;
	_ =	strace $0xD0000000  }
0x3: {  	_ = 	snop  }
0x4: {  	_ = 	snop  }
0x5: {  	_ = 	snop  }
0x6: {  	_ = 	snop  }
0x7: {  	_ = 	snop  }
__scs_overlays_trampoline_lowered:
0x8: {  	[smem:$0x3F6D] =	sst s0  }
0x9: {  	[smem:$0x3F6E] =	sst s1  }
0xa: {  	[smem:$0x3F6F] =	sst s2  }
0xb: {  	[smem:$0x3F70] =	sst s3  }
0xc: {  	[smem:$0x3F71] =	sst s4  }
0xd: {  	[smem:$0x3F72] =	sst s5  }
0xe: {  	[smem:$0x3F73] =	sst s6  }
0xf: {  	[smem:$0x3F74] =	sst s7  }
0x10: {  	[smem:$0x3F75] =	sst s8  }
0x11: {  	[smem:$0x3F76] =	sst s9;
	s0 =	simm.s32 @!p0 $0x0  }
0x12: {  	s1 =	sld [smem:$0x3F5C];
	s0 =	simm.s32 @p0 $0x1  }
0x13: {  	[smem:$0x3F77] =	sst s0;
	s0 =	simm.s32 @!p1 $0x0  }
0x14: {  	s2 =	sld [smem:$0x3F5B];
	s0 =	simm.s32 @p1 $0x1  }
0x15: {  	[smem:$0x3F78] =	sst s0;
	s0 =	simm.s32 @!p2 $0x0  }
0x16: {  	s3 =	sld [smem:$0x3FDB];
	s0 =	simm.s32 @p2 $0x1  }
0x17: {  	s4 =	simm.s32 $0x1BF5;
	[smem:$0x3F7A] =	sst s0  }
0x18: {  	s0 =	sld [smem:$0x3F5D];
	_ =	swait.ge [sflag:s4], $0x0  }
0x19: {  	s7 =	sld [smem:$0x3F5E]  }
0x1a: {  	s8 =	sadd.s32 $0xFFFFE003, lr  }
0x1b: {  	s9 =	sadd.s32 $0xFFFFFEF7, lr;
	s5 =	simm.s32 $0xFFFFFFFF;
	p2 =	slt.u32 s8, $0xFFFFF086  }
0x1c: {  	p1 =	slt.u32 s9, $0xF7A;
	s5 =	simm.s32 @!p2 $0x0  }
0x1d: {  	s5 =	simm.s32 @p1 $0x1;
	p0 =	seq.s32 s7, s2  }
0x1e: {  	s7 =	smul.u32 @!p0 $0xF7A, s2;
	p2 =	seq.s32 @!p0 s5, $0x0  }
0x1f: {  	s9 =	smul.u32 $0xF7A, s1;
	s8 =	simm.s32 @!p0 $0x1BF5;
	p2 =	por !p2, p0  }
0x20: {  	[sflag:s8] =	ssyncset.s32 @!p0 $0xFFFFF086;
	s6 =	sadd.s32 @!p0 s3, s7;
	s7 =	simm.s32 @!p0 $0x108  }
0x21: {  	s3 =	sadd.s32 s3, s9;
	s6 =	sadd.s32 @!p0 $0x88, s6;
	s7 =	simm.s32 @p2 $0x1082  }
0x22: {  	[simem:s7], [sflag:s8] =	dma.local @!p0 [hbm:s6], $0xF7A  }
0x23: {  	s9 =	sor.u32 $0xD0000000, s2;
	s6 =	simm.s32 $0x108;
	_ =	swait.ge @!p0 [sflag:s8], $0x0  }
0x24: {  	s3 =	sadd.s32 $0x88, s3;
	s6 =	simm.s32 @!p1 $0x1082;
	[sflag:s4] =	ssyncset.s32 $0xFFFFF086  }
0x25: {  	[simem:s6], [sflag:s4] =	dma.local [hbm:s3], $0xF7A  }
0x26: {  	[smem:$0x3F5E] =	sst s1;
	(tag) =	ssettag s2;
	_ =	strace s9  }
0x27: {  	s1 =	sld [smem:$0x3F6E]  }
0x28: {  	s2 =	sld [smem:$0x3F6F]  }
0x29: {  	s4 =	sld [smem:$0x3F71]  }
0x2a: {  	p0 =	seq.s32 s5, $0x0;
	s5 =	sld [smem:$0x3F72]  }
0x2b: {  	s6 =	sld [smem:$0x3F73]  }
0x2c: {  	s7 =	sld [smem:$0x3F74]  }
0x2d: {  	s3 =	simm.s32 $0x108;
	s8 =	sld [smem:$0x3F75]  }
0x2e: {  	s3 =	simm.s32 @!p0 $0x1082;
	s9 =	sld [smem:$0x3F76]  }
0x2f: {  	lr =	sadd.s32 s0, s3;
	s0 =	sld [smem:$0x3F6D]  }
0x30: {  	s3 =	sld [smem:$0x3F70]  }
0x31: {  	[smem:$0x3F79] =	sst s10  }
0x32: {  	s10 =	sld [smem:$0x3F77];
	_ =	sdelay $0x3  }
0x33: {  	p0 =	seq.s32 s10, $0x1;
	s10 =	sld [smem:$0x3F79];
	_ =	sdelay $0x3  }
0x34: {  	[smem:$0x3F79] =	sst s10  }
0x35: {  	s10 =	sld [smem:$0x3F78];
	_ =	sdelay $0x3  }
0x36: {  	p1 =	seq.s32 s10, $0x1;
	s10 =	sld [smem:$0x3F79];
	_ =	sdelay $0x3  }
0x37: {  	[smem:$0x3F79] =	sst s10  }
0x38: {  	s10 =	sld [smem:$0x3F7A]  }
0x39: {  	_ = 	snop;
	(pc) =	sbr.ind lr, $3  }
0x3a: {  	_ = 	snop  }
0x3b: {  	_ = 	snop  }
0x3c: {  	p2 =	seq.s32 s10, $0x1;
	s10 =	sld [smem:$0x3F79]  }
0x3d: {  	_ =	shalt  }
0x3e: {  	_ =	shalt  }
0x3f: {  	_ =	shalt  }
0x40: {  	_ =	shalt  }
0x41: {  	_ =	shalt  }
0x42: {  	_ =	shalt  }
0x43: {  	_ =	shalt  }
0x44: {  	_ =	shalt  }
0x45: {  	_ =	shalt  }
0x46: {  	_ =	shalt  }
0x47: {  	_ =	shalt  }
0x48: {  	_ =	shalt  }
0x49: {  	_ =	shalt  }
0x4a: {  	_ =	shalt  }
0x4b: {  	_ =	shalt  }
0x4c: {  	_ =	shalt  }
0x4d: {  	_ =	shalt  }
0x4e: {  	_ =	shalt  }
0x4f: {  	_ =	shalt  }
0x50: {  	_ =	shalt  }
0x51: {  	_ =	shalt  }
0x52: {  	_ =	shalt  }
0x53: {  	_ =	shalt  }
0x54: {  	_ =	shalt  }
0x55: {  	_ =	shalt  }
0x56: {  	_ =	shalt  }
0x57: {  	_ =	shalt  }
0x58: {  	_ =	shalt  }
0x59: {  	_ =	shalt  }
0x5a: {  	_ =	shalt  }
0x5b: {  	_ =	shalt  }
0x5c: {  	_ =	shalt  }
0x5d: {  	_ =	shalt  }
0x5e: {  	_ =	shalt  }
0x5f: {  	_ =	shalt  }
0x60: {  	_ =	shalt  }
0x61: {  	_ =	shalt  }
0x62: {  	_ =	shalt  }
0x63: {  	_ =	shalt  }
0x64: {  	_ =	shalt  }
0x65: {  	_ =	shalt  }
0x66: {  	_ =	shalt  }
0x67: {  	_ =	shalt  }
0x68: {  	_ =	shalt  }
0x69: {  	_ =	shalt  }
0x6a: {  	_ =	shalt  }
0x6b: {  	_ =	shalt  }
0x6c: {  	_ =	shalt  }
0x6d: {  	_ =	shalt  }
0x6e: {  	_ =	shalt  }
0x6f: {  	_ =	shalt  }
0x70: {  	_ =	shalt  }
0x71: {  	_ =	shalt  }
0x72: {  	_ =	shalt  }
0x73: {  	_ =	shalt  }
0x74: {  	_ =	shalt  }
0x75: {  	_ =	shalt  }
0x76: {  	_ =	shalt  }
0x77: {  	_ =	shalt  }
0x78: {  	_ =	shalt  }
0x79: {  	_ =	shalt  }
0x7a: {  	_ =	shalt  }
0x7b: {  	_ =	shalt  }
0x7c: {  	_ =	shalt  }
0x7d: {  	_ =	shalt  }
0x7e: {  	_ =	shalt  }
0x7f: {  	_ =	shalt  }
0x80: {  	_ =	shalt  }
0x81: {  	_ =	shalt  }
0x82: {  	_ =	shalt  }
0x83: {  	_ =	shalt  }
0x84: {  	_ =	shalt  }
0x85: {  	_ =	shalt  }
0x86: {  	_ =	shalt  }
0x87: {  	_ =	shalt  }
.Lfunc_end0:
.L_simem_size_0:
called_computation.1_lowered:
.L_overlay_start_0:
0x88: {  	s2 =	sld [smem:$0x3FD9]  }
0x89: {  	s3 =	sld [smem:$0x3FFE];
	_ =	sdelay $0x1  }
0x8a: {  	s1 =	srdreg.scid  }
0x8b: {  	s0 =	sand.u32 $0x1, s1  }
0x8c: {  	s17 =	sshll.u32 s0, $0xA;
	s2 =	sadd.s32 s3, s2  }
0x8d: {  	s2 =	sadd.s32 s2, s17  }
0x8e: {  	[smem:$0x3F85] =	sst s2  }
0x8f: {  	_ = 	snop  }
0x90: {  	s2 =	sld [smem:$0x3FD0];
	(tm) =	ssettm $0x1  }
0x91: {  	s18 =	sld [smem:$0x3FFB];
	_ =	sdelay $0x3  }
0x92: {  	_ =	strace s18  }
0x93: {  	s3 =	sld [smem:$0x3FFC];
	_ =	sdelay $0x3  }
0x94: {  	_ =	strace s3  }
0x95: {  	s3 =	sld [smem:$0x3FFD];
	_ =	sdelay $0x3  }
0x96: {  	_ =	strace s3  }
0x97: {  	_ =	strace $0x8FFFFFFF  }
0x98: {  	s19 =	sld [smem:$0x3FDB];
	_ =	sdelay $0x1  }
0x99: {  	s4 =	simm.s32 $_scs_section_size  }
0x9a: {  	s5 =	simm.s32 $_size__tile_overlayer_lowered;
	s6 =	simm.s32 $_tile_overlayer_lowered  }
0x9b: {  	s22 =	simm.s32 $0x1BFF;
	s21 =	sshll.u32 s6, $0x1;
	s3 =	sadd.s32 s4, s19  }
0x9c: {  	s7 =	simm.s32 $0x0;
	s20 =	sshll.u32 s5, $0x1;
	s5 =	sadd.s32 s21, s3  }
0x9d: {  	[timem:s7], [sflag:s22] =	dma.local [hbm:s5], s20  }
0x9e: {  	_ =	swait.ge [sflag:s22], s20  }
0x9f: {  	s4 =	ssub.s32 $0x0, s20;
	[sflag:s22] =	ssyncset.done $0x0  }
0xa0: {  	[sflag:s22] =	ssyncadd.s32 s4;
	_ =	sdelay $0x1  }
0xa1: {  	s23 =	simm.s32 $0x1B8B  }
0xa2: {  	_ =	swait.ge [sflag:s23], $0x1  }
0xa3: {  	[sflag:s23] =	ssyncset.done $0x0  }
0xa4: {  	s25 =	simm.s32 $0x1B8E;
	s24 =	sld [smem:$0x3FFE];
	[sflag:s23] =	ssyncadd.s32 $0xFFFFFFFF  }
0xa5: {  	s26 =	simm.s32 $execute0_lowered;
	[smem:$0x3FD2] =	sst s25  }
0xa6: {  	s5 =	sshll.u32 s26, $0x1;
	_ =	strace $0x80000046;
	[dreg:$0x1] =	wrdreg $0xFFFFFFFF  }
0xa7: {  	s28 =	simm.s32 $_size_execute0_lowered;
	s3 =	sadd.s32 s3, s5;
	[dreg:$0x0] =	wrdreg $0x0  }
0xa8: {  	s5 =	sshll.u32 s28, $0x1;
	[dreg:$0x2] =	wrdreg s3  }
0xa9: {  	[dreg:$0x3] =	wrdreg s5  }
0xaa: {  	[dreg:$0x4] =	wrdreg $0xC0  }
0xab: {  	_ =	task [dreg:s7], $0x5FFFF  }
0xac: {  	[dreg:$0x1] =	wrdreg $0xFFFFFFFF  }
0xad: {  	[dreg:$0x0] =	wrdreg $0x60  }
0xae: {  	[dreg:$0x2] =	wrdreg s24  }
0xaf: {  	[dreg:$0x3] =	wrdreg s2  }
0xb0: {  	[dreg:$0x4] =	wrdreg $0xA  }
0xb1: {  	_ =	task.clear_ibuf [dreg:s7], $0x5FFFF;
	_ =	strace $0x90000046  }
0xb2: {  	s29 =	simm.s32 $0xA;
	_ =	strace $0x80000048  }
0xb3: {  	_ =	swait.ge [sflag:s29], $0x1  }
0xb4: {  	[sflag:s29] =	ssyncadd.s32 $0xFFFFFFFF  }
0xb5: {  	_ =	strace $0x90000048  }
0xb6: {  	_ =	sfence  }
0xb7: {  	s30 =	sld [smem:$0x0];
	_ =	sdelay $0x2  }
0xb8: {  	s31 =	sshll.u32 s1, $0xD;
	s1 =	sshrl.u32 s1, $0x2  }
0xb9: {  	s3 =	sand.u32 $0x4000, s31;
	s1 =	sadd.s32 s1, s30  }
0xba: {  	s0 =	sor.u32 s3, s0;
	s1 =	sshll.u32 s1, $0x11  }
0xbb: {  	s0 =	sor.u32 s1, s0  }
0xbc: {  	s0 =	sadd.s32 $0x8F2B, s0  }
0xbd: {  	[sflag:s0] =	ssyncadd.remote.s32 $0x1  }
0xbe: {  	_ =	sfence.sel $0xFFFF  }
0xbf: {  	[dreg:$0x0] =	wrdreg $0xFFFFFFFF;
	(pc) =	sbr.abs _section_cstart, $3  }
0xc0: {  	[dreg:$0x1] =	wrdreg $0xFFFFFFFF  }
0xc1: {  	_ =	task.clear_ibuf [dreg:s7], $0x2FFFF;
	_ =	strace $0x9FFFFFFF  }
0xc2: {  	(tm) =	ssettm $0x7FFFFFFF  }
0xc3: {  	_ =	shalt  }
tec
execute0_lowered:
.L_overlay_start_1:
0x0: {  	(tag) =	ssettag $0x1  }
0x1: {  	s5 =	rddreg [dreg:$0x0]  }
0x2: {  	s6 =	rddreg [dreg:$0x1]  }
0x3: {  	s0 =	rddreg [dreg:$0x2];
	s2 =	simm.s32 $0x0  }
0x4: {  	s1 =	stileid.u32;
	s8 =	srdreg.scid;
	s17 =	simm.s32 $0x80  }
0x5: {  	s18 =	simm.s32 $0x5000;
	s19 =	simm.s32 $0x1;
	s20 =	simm.s32 $0x9000  }
0x6: {  	s21 =	simm.s32 $0x2;
	s22 =	simm.s32 $0x3;
	s23 =	simm.s32 $0x100  }
0x7: {  	s24 =	simm.s32 $0x4;
	s25 =	simm.s32 $0x4F80;
	s26 =	simm.s32 $0x0  }
0x8: {  	[smem:$0x7FF] =	sst s2;
	s7 =	smul.u32 $0xA00, s1;
	s3 =	sadd.s32 $0x19E00, s5  }
0x9: {  	s4 =	sadd.s32 $0x49E00, s5;
	s8 =	sand.u32 $0x1, s8;
	s15 =	sadd.s32 $0x5A9E00, s5  }
0xa: {  	s13 =	sadd.s32 $0xA9E00, s5;
	s12 =	smul.u32 $0x50000, s1;
	_ =	strace $0x80000047  }
0xb: {  	s10 =	ssub.s32 $0x2, s8;
	p0 =	seq.s32 s8, $0x1;
	s9 =	sadd.s32 s7, s5  }
0xc: {  	s31 =	sshrl.u32 s10, $0x1;
	s5 =	sadd.s32 s6, s7;
	s11 =	sor.u32 $0x800, s12  }
.Ltmp0:
0xd: {  	s8 =	sadd.s32 s13, s12;
	s14 =	sadd.s32 $0x4F000, s12;
	(pc) =	sbr.rel .LBB2_1-.Ltmp0, $4  }
0xe: {  	s16 =	sadd.s32 $0x4F800, s12;
	s10 =	ssub.s32 s10, s31;
	s6 =	sadd.s32 $0xFE00, s9  }
0xf: {  	s9 =	sadd.s32 s13, s11;
	s11 =	sadd.s32 s15, s11;
	s7 =	smax.u32 s10, $0x1  }
0x10: {  	s10 =	sadd.s32 s15, s12;
	s12 =	sadd.s32 s13, s14;
	s13 =	sadd.s32 s13, s16  }
0x11: {  	s14 =	sadd.s32 s15, s14;
	s15 =	sadd.s32 s15, s16;
	s16 =	simm.s32 $0x5  }
.LBB2_7:
0x12: {  	[hbm4b:s30+s2] =	stream.linear.scatter [tilespmem:s20], [sflag:$0x4], $0x4000, $0x38;
	[tilespmem:$0xD000] =	vst v63  }
0x13: {  	_ =	swait.ge [sflag:s19], $0x4000  }
0x14: {  	[sflag:s19] =	ssyncset.done $0x0  }
0x15: {  	[sflag:s19] =	ssyncadd.s32 $0xFFFFC000  }
0x16: {  	_ =	swait.ge [sflag:s24], $0x4000  }
0x17: {  	[sflag:s24] =	ssyncset.done $0x0  }
0x18: {  	[sflag:s24] =	ssyncadd.s32 $0xFFFFC000  }
0x19: {  	[tilespmem:s20], [sflag:$0x2] =	stream.indirect.gather [hbm4b:s4+s17], $0x80, s25, s17, $0xb8;
	[tilespmem:$0xD000] =	vst v63  }
0x1a: {  	_ = 	snop  }
0x1b: {  	[hbm4b:s14+s2] =	stream.linear.scatter [tilespmem:s18], [sflag:$0x3], $0x4000, $0x38;
	[tilespmem:$0xD000] =	vst v63  }
0x1c: {  	_ =	swait.ge [sflag:s21], $0x4000  }
0x1d: {  	[sflag:s21] =	ssyncset.done $0x0  }
0x1e: {  	[sflag:s21] =	ssyncadd.s32 $0xFFFFC000  }
0x1f: {  	[hbm4b:s15+s2] =	stream.linear.scatter [tilespmem:s20], [sflag:$0x4], $0x4000, $0x38;
	[tilespmem:$0xD000] =	vst v63  }
.LBB2_8:
0x20: {  	s26 =	sadd.s32 $0x1, s26  }
0x21: {  	_ =	swait.ge [sflag:s22], $0x4000;
	p1 =	sne.s32 s26, s7  }
.Ltmp1:
0x22: {  	[sflag:s22] =	ssyncset.done $0x0;
	(pc) =	sbr.rel @!p1 .LBB2_9-.Ltmp1, $4  }
0x23: {  	[sflag:s22] =	ssyncadd.s32 $0xFFFFC000  }
0x24: {  	_ =	swait.ge [sflag:s24], $0x4000  }
0x25: {  	[sflag:s24] =	ssyncset.done $0x0  }
0x26: {  	[sflag:s24] =	ssyncadd.s32 $0xFFFFC000  }
.LBB2_1:
.Ltmp2:
0x27: {  	(pc) =	sbr.rel @!p0 .LBB2_2-.Ltmp2, $1  }
0x28: {  	_ =	sdelay $0x3  }
0x29: {  	[tilespmem:s2], [sflag:$0x5] =	stream.linear.gather [hbm4b:s6+s2], $0x5000, $0x38;
	[tilespmem:$0xD000] =	vst v63  }
0x2a: {  	_ =	swait.ge [sflag:s16], $0x5000  }
0x2b: {  	[sflag:s16] =	ssyncset.done $0x0  }
0x2c: {  	[sflag:s16] =	ssyncadd.s32 $0xFFFFB000  }
0x2d: {  	[tilespmem:s18], [sflag:$0x1] =	stream.indirect.gather [hbm4b:s4+s17], $0x80, s2, s17, $0xb8;
	[tilespmem:$0xD000] =	vst v63  }
0x2e: {  	_ =	swait.ge [sflag:s19], $0x4000  }
0x2f: {  	[sflag:s19] =	ssyncset.done $0x0  }
0x30: {  	[sflag:s19] =	ssyncadd.s32 $0xFFFFC000  }
0x31: {  	[tilespmem:s20], [sflag:$0x2] =	stream.indirect.gather [hbm4b:s4+s17], $0x80, s17, s17, $0xb8;
	[tilespmem:$0xD000] =	vst v63  }
0x32: {  	_ = 	snop  }
0x33: {  	[hbm4b:s10+s2] =	stream.linear.scatter [tilespmem:s18], [sflag:$0x3], $0x4000, $0x38;
	[tilespmem:$0xD000] =	vst v63  }
0x34: {  	_ =	swait.ge [sflag:s21], $0x4000  }
0x35: {  	[sflag:s21] =	ssyncset.done $0x0  }
0x36: {  	[sflag:s21] =	ssyncadd.s32 $0xFFFFC000  }
0x37: {  	_ =	swait.ge [sflag:s22], $0x4000  }
0x38: {  	[sflag:s22] =	ssyncset.done $0x0  }
0x39: {  	[sflag:s22] =	ssyncadd.s32 $0xFFFFC000  }
0x3a: {  	[tilespmem:s18], [sflag:$0x1] =	stream.indirect.gather [hbm4b:s4+s17], $0x80, s23, s17, $0xb8;
	[tilespmem:$0xD000] =	vst v63  }
0x3b: {  	_ = 	snop  }
0x3c: {  	[hbm4b:s11+s2] =	stream.linear.scatter [tilespmem:s20], [sflag:$0x4], $0x4000, $0x38;
	[tilespmem:$0xD000] =	vst v63  }
0x3d: {  	_ =	swait.ge [sflag:s19], $0x4000  }
0x3e: {  	[sflag:s19] =	ssyncset.done $0x0  }
0x3f: {  	[sflag:s19] =	ssyncadd.s32 $0xFFFFC000  }
0x40: {  	_ =	swait.ge [sflag:s24], $0x4000  }
0x41: {  	[sflag:s24] =	ssyncset.done $0x0  }
0x42: {  	s28 =	simm.s32 $0x180;
	s29 =	sadd.s32 $0xFFFB2000, s10;
	[sflag:s24] =	ssyncadd.s32 $0xFFFFC000  }
0x43: {  	[tilespmem:s20], [sflag:$0x2] =	stream.indirect.gather [hbm4b:s4+s17], $0x80, s28, s17, $0xb8;
	[tilespmem:$0xD000] =	vst v63  }
0x44: {  	s28 =	sadd.s32 $0x4F000, s29  }
0x45: {  	[hbm4b:s28+s2] =	stream.linear.scatter [tilespmem:s18], [sflag:$0x3], $0x4000, $0x38;
	[tilespmem:$0xD000] =	vst v63  }
0x46: {  	_ =	swait.ge [sflag:s21], $0x4000  }
0x47: {  	[sflag:s21] =	ssyncset.done $0x0  }
0x48: {  	[sflag:s21] =	ssyncadd.s32 $0xFFFFC000  }
0x49: {  	_ =	swait.ge [sflag:s22], $0x4000  }
0x4a: {  	[sflag:s22] =	ssyncset.done $0x0  }
0x4b: {  	s28 =	simm.s32 $0x200;
	[sflag:s22] =	ssyncadd.s32 $0xFFFFC000  }
0x4c: {  	[tilespmem:s18], [sflag:$0x1] =	stream.indirect.gather [hbm4b:s4+s17], $0x80, s28, s17, $0xb8;
	[tilespmem:$0xD000] =	vst v63  }
0x4d: {  	s30 =	sadd.s32 $0x4F800, s29;
	s29 =	simm.s32 $0x300;
	s28 =	simm.s32 $0xFFFB3000  }
.LBB2_6:
0x4e: {  	[hbm4b:s30+s2] =	stream.linear.scatter [tilespmem:s20], [sflag:$0x4], $0x4000, $0x38;
	[tilespmem:$0xD000] =	vst v63  }
0x4f: {  	s30 =	smov.u32 s28  }
0x50: {  	p1 =	sne.s32 s28, $0xFFFFF000;
	s28 =	sadd.s32 $0x1000, s28;
	_ =	swait.ge [sflag:s19], $0x4000  }
0x51: {  	[sflag:s19] =	ssyncset.done $0x0  }
0x52: {  	[sflag:s19] =	ssyncadd.s32 $0xFFFFC000  }
0x53: {  	_ =	swait.ge [sflag:s24], $0x4000  }
0x54: {  	[sflag:s24] =	ssyncset.done $0x0  }
0x55: {  	s31 =	sadd.s32 $0xFFFFFF80, s29;
	s30 =	sadd.s32 s30, s10;
	[sflag:s24] =	ssyncadd.s32 $0xFFFFC000  }
0x56: {  	[tilespmem:s20], [sflag:$0x2] =	stream.indirect.gather [hbm4b:s4+s17], $0x80, s31, s17, $0xb8;
	[tilespmem:$0xD000] =	vst v63  }
0x57: {  	s31 =	sadd.s32 $0x4F000, s30  }
0x58: {  	[hbm4b:s31+s2] =	stream.linear.scatter [tilespmem:s18], [sflag:$0x3], $0x4000, $0x38;
	[tilespmem:$0xD000] =	vst v63  }
0x59: {  	_ =	swait.ge [sflag:s21], $0x4000  }
0x5a: {  	[sflag:s21] =	ssyncset.done $0x0  }
0x5b: {  	[sflag:s21] =	ssyncadd.s32 $0xFFFFC000  }
.Ltmp3:
0x5c: {  	_ =	swait.ge [sflag:s22], $0x4000;
	(pc) =	sbr.rel @p1 .LBB2_6-.Ltmp3, $4  }
0x5d: {  	[sflag:s22] =	ssyncset.done $0x0  }
0x5e: {  	[sflag:s22] =	ssyncadd.s32 $0xFFFFC000  }
0x5f: {  	[tilespmem:s18], [sflag:$0x1] =	stream.indirect.gather [hbm4b:s4+s17], $0x80, s29, s17, $0xb8;
	[tilespmem:$0xD000] =	vst v63  }
0x60: {  	s30 =	sadd.s32 $0x4F800, s30;
	s29 =	sadd.s32 $0x100, s29  }
.Ltmp4:
0x61: {  	_ = 	snop;
	(pc) =	sbr.rel .LBB2_7-.Ltmp4, $1  }
0x62: {  	_ =	sdelay $0x3  }
.LBB2_2:
0x63: {  	[tilespmem:s2], [sflag:$0x5] =	stream.linear.gather [hbm4b:s5+s2], $0x5000, $0x38;
	[tilespmem:$0xD000] =	vst v63  }
0x64: {  	_ =	swait.ge [sflag:s16], $0x5000  }
0x65: {  	[sflag:s16] =	ssyncset.done $0x0  }
0x66: {  	[sflag:s16] =	ssyncadd.s32 $0xFFFFB000  }
0x67: {  	[tilespmem:s18], [sflag:$0x1] =	stream.indirect.gather [hbm4b:s3+s17], $0x80, s2, s17, $0xb8;
	[tilespmem:$0xD000] =	vst v63  }
0x68: {  	_ =	swait.ge [sflag:s19], $0x4000  }
0x69: {  	[sflag:s19] =	ssyncset.done $0x0  }
0x6a: {  	[sflag:s19] =	ssyncadd.s32 $0xFFFFC000  }
0x6b: {  	[tilespmem:s20], [sflag:$0x2] =	stream.indirect.gather [hbm4b:s3+s17], $0x80, s17, s17, $0xb8;
	[tilespmem:$0xD000] =	vst v63  }
0x6c: {  	_ = 	snop  }
0x6d: {  	[hbm4b:s8+s2] =	stream.linear.scatter [tilespmem:s18], [sflag:$0x3], $0x4000, $0x38;
	[tilespmem:$0xD000] =	vst v63  }
0x6e: {  	_ =	swait.ge [sflag:s21], $0x4000  }
0x6f: {  	[sflag:s21] =	ssyncset.done $0x0  }
0x70: {  	[sflag:s21] =	ssyncadd.s32 $0xFFFFC000  }
0x71: {  	_ =	swait.ge [sflag:s22], $0x4000  }
0x72: {  	[sflag:s22] =	ssyncset.done $0x0  }
0x73: {  	[sflag:s22] =	ssyncadd.s32 $0xFFFFC000  }
0x74: {  	[tilespmem:s18], [sflag:$0x1] =	stream.indirect.gather [hbm4b:s3+s17], $0x80, s23, s17, $0xb8;
	[tilespmem:$0xD000] =	vst v63  }
0x75: {  	_ = 	snop  }
0x76: {  	[hbm4b:s9+s2] =	stream.linear.scatter [tilespmem:s20], [sflag:$0x4], $0x4000, $0x38;
	[tilespmem:$0xD000] =	vst v63  }
0x77: {  	_ =	swait.ge [sflag:s19], $0x4000  }
0x78: {  	[sflag:s19] =	ssyncset.done $0x0  }
0x79: {  	[sflag:s19] =	ssyncadd.s32 $0xFFFFC000  }
0x7a: {  	_ =	swait.ge [sflag:s24], $0x4000  }
0x7b: {  	[sflag:s24] =	ssyncset.done $0x0  }
0x7c: {  	s28 =	simm.s32 $0x180;
	s29 =	sadd.s32 $0xFFFB2000, s8;
	[sflag:s24] =	ssyncadd.s32 $0xFFFFC000  }
0x7d: {  	[tilespmem:s20], [sflag:$0x2] =	stream.indirect.gather [hbm4b:s3+s17], $0x80, s28, s17, $0xb8;
	[tilespmem:$0xD000] =	vst v63  }
0x7e: {  	s28 =	sadd.s32 $0x4F000, s29  }
0x7f: {  	[hbm4b:s28+s2] =	stream.linear.scatter [tilespmem:s18], [sflag:$0x3], $0x4000, $0x38;
	[tilespmem:$0xD000] =	vst v63  }
0x80: {  	_ =	swait.ge [sflag:s21], $0x4000  }
0x81: {  	[sflag:s21] =	ssyncset.done $0x0  }
0x82: {  	[sflag:s21] =	ssyncadd.s32 $0xFFFFC000  }
0x83: {  	_ =	swait.ge [sflag:s22], $0x4000  }
0x84: {  	[sflag:s22] =	ssyncset.done $0x0  }
0x85: {  	s28 =	simm.s32 $0x200;
	[sflag:s22] =	ssyncadd.s32 $0xFFFFC000  }
0x86: {  	[tilespmem:s18], [sflag:$0x1] =	stream.indirect.gather [hbm4b:s3+s17], $0x80, s28, s17, $0xb8;
	[tilespmem:$0xD000] =	vst v63  }
0x87: {  	s30 =	sadd.s32 $0x4F800, s29;
	s29 =	simm.s32 $0x300;
	s28 =	simm.s32 $0xFFFB3000  }
.LBB2_3:
0x88: {  	[hbm4b:s30+s2] =	stream.linear.scatter [tilespmem:s20], [sflag:$0x4], $0x4000, $0x38;
	[tilespmem:$0xD000] =	vst v63  }
0x89: {  	s30 =	smov.u32 s28  }
0x8a: {  	p1 =	seq.s32 s28, $0xFFFFF000;
	s28 =	sadd.s32 $0x1000, s28;
	_ =	swait.ge [sflag:s19], $0x4000  }
0x8b: {  	[sflag:s19] =	ssyncset.done $0x0  }
0x8c: {  	[sflag:s19] =	ssyncadd.s32 $0xFFFFC000  }
0x8d: {  	_ =	swait.ge [sflag:s24], $0x4000  }
0x8e: {  	[sflag:s24] =	ssyncset.done $0x0  }
0x8f: {  	s31 =	sadd.s32 $0xFFFFFF80, s29;
	s30 =	sadd.s32 s30, s8;
	[sflag:s24] =	ssyncadd.s32 $0xFFFFC000  }
0x90: {  	[tilespmem:s20], [sflag:$0x2] =	stream.indirect.gather [hbm4b:s3+s17], $0x80, s31, s17, $0xb8;
	[tilespmem:$0xD000] =	vst v63  }
0x91: {  	s31 =	sadd.s32 $0x4F000, s30  }
0x92: {  	[hbm4b:s31+s2] =	stream.linear.scatter [tilespmem:s18], [sflag:$0x3], $0x4000, $0x38;
	[tilespmem:$0xD000] =	vst v63  }
0x93: {  	_ =	swait.ge [sflag:s21], $0x4000  }
0x94: {  	[sflag:s21] =	ssyncset.done $0x0  }
0x95: {  	[sflag:s21] =	ssyncadd.s32 $0xFFFFC000  }
.Ltmp5:
0x96: {  	_ =	swait.ge [sflag:s22], $0x4000;
	(pc) =	sbr.rel @!p1 .LBB2_3-.Ltmp5, $4  }
0x97: {  	[sflag:s22] =	ssyncset.done $0x0  }
0x98: {  	[sflag:s22] =	ssyncadd.s32 $0xFFFFC000  }
0x99: {  	[tilespmem:s18], [sflag:$0x1] =	stream.indirect.gather [hbm4b:s3+s17], $0x80, s29, s17, $0xb8;
	[tilespmem:$0xD000] =	vst v63  }
0x9a: {  	s30 =	sadd.s32 $0x4F800, s30;
	s29 =	sadd.s32 $0x100, s29  }
0x9b: {  	[hbm4b:s30+s2] =	stream.linear.scatter [tilespmem:s20], [sflag:$0x4], $0x4000, $0x38;
	[tilespmem:$0xD000] =	vst v63  }
0x9c: {  	_ =	swait.ge [sflag:s19], $0x4000  }
0x9d: {  	[sflag:s19] =	ssyncset.done $0x0  }
0x9e: {  	[sflag:s19] =	ssyncadd.s32 $0xFFFFC000  }
0x9f: {  	_ =	swait.ge [sflag:s24], $0x4000  }
0xa0: {  	[sflag:s24] =	ssyncset.done $0x0  }
0xa1: {  	[sflag:s24] =	ssyncadd.s32 $0xFFFFC000  }
0xa2: {  	[tilespmem:s20], [sflag:$0x2] =	stream.indirect.gather [hbm4b:s3+s17], $0x80, s25, s17, $0xb8;
	[tilespmem:$0xD000] =	vst v63  }
0xa3: {  	_ = 	snop  }
0xa4: {  	[hbm4b:s12+s2] =	stream.linear.scatter [tilespmem:s18], [sflag:$0x3], $0x4000, $0x38;
	[tilespmem:$0xD000] =	vst v63  }
.Ltmp6:
0xa5: {  	_ = 	snop;
	(pc) =	sbr.rel .LBB2_8-.Ltmp6, $4  }
0xa6: {  	_ =	swait.ge [sflag:s21], $0x4000  }
0xa7: {  	[sflag:s21] =	ssyncset.done $0x0  }
0xa8: {  	[sflag:s21] =	ssyncadd.s32 $0xFFFFC000  }
0xa9: {  	[hbm4b:s13+s2] =	stream.linear.scatter [tilespmem:s20], [sflag:$0x4], $0x4000, $0x38;
	[tilespmem:$0xD000] =	vst v63  }
.LBB2_9:
0xaa: {  	_ =	sfence.sel $0x180000  }
0xab: {  	[bflag:$0x0] =	sbarrier.arrive $0xFFFF  }
0xac: {  	p0 =	sne.s32 s1, $0x0;
	_ =	strace $0x90000047  }
0xad: {  	s0 =	sadd.s32 @!p0 $0x100000, s0;
	[bflag:$0x2] =	sbarrier.arrive $0xFFFF  }
0xae: {  	[sflag:s0] =	ssyncadd.tile.s32 @!p0 $0x1;
	_ =	shalt  }
.Lfunc_end2:
_tile_overlayer_lowered:
.L_overlay_start_2:
0xaf: {  	(tag) =	ssettag $0x2  }
0xb0: {  	s0 =	rddreg [dreg:$0x0];
	s2 =	stileid.u32  }
0xb1: {  	s1 =	rddreg [dreg:$0x1];
	p0 =	sne.s32 s2, $0x0  }
0xb2: {  	s3 =	rddreg [dreg:$0x2];
	[bflag:$0x3] =	sbarrier.arrive $0xFFFF;
	s2 =	simm.s32 @!p0 $0x1C05  }
0xb3: {  	[timem:s3], [sflag:s2] =	dma.local @!p0 [hbm:s0], s1  }
0xb4: {  	s0 =	simm.s32 @!p0 $0x5  }
0xb5: {  	_ =	swait.ge @!p0 [sflag:s0], s1  }
0xb6: {  	s1 =	ssub.s32 @!p0 $0x0, s1;
	[sflag:s0] =	ssyncset.done @!p0 $0x0  }
0xb7: {  	[sflag:s0] =	ssyncadd.s32 @!p0 s1  }
0xb8: {  	[bflag:$0x3] =	sbarrier.arrive $0xFFFF  }
0xb9: {  	_ =	shalt  }

// kernel: kernel.26.cloned.1.call-start
scs
__scs_entry_jumppad:
0x0: {  	(pc) =	sbr.rel $0x88, $3  }
0x1: {  	(tag) =	ssettag $0x0;
	lr =	simm.s32 $0x1  }
0x2: {  	[smem:$0x3F5E] =	sst lr;
	_ =	strace $0xD0000000  }
0x3: {  	_ = 	snop  }
0x4: {  	_ = 	snop  }
0x5: {  	_ = 	snop  }
0x6: {  	_ = 	snop  }
0x7: {  	_ = 	snop  }
__scs_overlays_trampoline_lowered:
0x8: {  	[smem:$0x3F6D] =	sst s0  }
0x9: {  	[smem:$0x3F6E] =	sst s1  }
0xa: {  	[smem:$0x3F6F] =	sst s2  }
0xb: {  	[smem:$0x3F70] =	sst s3  }
0xc: {  	[smem:$0x3F71] =	sst s4  }
0xd: {  	[smem:$0x3F72] =	sst s5  }
0xe: {  	[smem:$0x3F73] =	sst s6  }
0xf: {  	[smem:$0x3F74] =	sst s7  }
0x10: {  	[smem:$0x3F75] =	sst s8  }
0x11: {  	[smem:$0x3F76] =	sst s9;
	s0 =	simm.s32 @!p0 $0x0  }
0x12: {  	s1 =	sld [smem:$0x3F5C];
	s0 =	simm.s32 @p0 $0x1  }
0x13: {  	[smem:$0x3F77] =	sst s0;
	s0 =	simm.s32 @!p1 $0x0  }
0x14: {  	s2 =	sld [smem:$0x3F5B];
	s0 =	simm.s32 @p1 $0x1  }
0x15: {  	[smem:$0x3F78] =	sst s0;
	s0 =	simm.s32 @!p2 $0x0  }
0x16: {  	s3 =	sld [smem:$0x3FDB];
	s0 =	simm.s32 @p2 $0x1  }
0x17: {  	s4 =	simm.s32 $0x1BF5;
	[smem:$0x3F7A] =	sst s0  }
0x18: {  	s0 =	sld [smem:$0x3F5D];
	_ =	swait.ge [sflag:s4], $0x0  }
0x19: {  	s7 =	sld [smem:$0x3F5E]  }
0x1a: {  	s8 =	sadd.s32 $0xFFFFE003, lr  }
0x1b: {  	s9 =	sadd.s32 $0xFFFFFEF7, lr;
	s5 =	simm.s32 $0xFFFFFFFF;
	p2 =	slt.u32 s8, $0xFFFFF086  }
0x1c: {  	p1 =	slt.u32 s9, $0xF7A;
	s5 =	simm.s32 @!p2 $0x0  }
0x1d: {  	s5 =	simm.s32 @p1 $0x1;
	p0 =	seq.s32 s7, s2  }
0x1e: {  	s7 =	smul.u32 @!p0 $0xF7A, s2;
	p2 =	seq.s32 @!p0 s5, $0x0  }
0x1f: {  	s9 =	smul.u32 $0xF7A, s1;
	s8 =	simm.s32 @!p0 $0x1BF5;
	p2 =	por !p2, p0  }
0x20: {  	[sflag:s8] =	ssyncset.s32 @!p0 $0xFFFFF086;
	s6 =	sadd.s32 @!p0 s3, s7;
	s7 =	simm.s32 @!p0 $0x108  }
0x21: {  	s3 =	sadd.s32 s3, s9;
	s6 =	sadd.s32 @!p0 $0x88, s6;
	s7 =	simm.s32 @p2 $0x1082  }
0x22: {  	[simem:s7], [sflag:s8] =	dma.local @!p0 [hbm:s6], $0xF7A  }
0x23: {  	s9 =	sor.u32 $0xD0000000, s2;
	s6 =	simm.s32 $0x108;
	_ =	swait.ge @!p0 [sflag:s8], $0x0  }
0x24: {  	s3 =	sadd.s32 $0x88, s3;
	s6 =	simm.s32 @!p1 $0x1082;
	[sflag:s4] =	ssyncset.s32 $0xFFFFF086  }
0x25: {  	[simem:s6], [sflag:s4] =	dma.local [hbm:s3], $0xF7A  }
0x26: {  	[smem:$0x3F5E] =	sst s1;
	(tag) =	ssettag s2;
	_ =	strace s9  }
0x27: {  	s1 =	sld [smem:$0x3F6E]  }
0x28: {  	s2 =	sld [smem:$0x3F6F]  }
0x29: {  	s4 =	sld [smem:$0x3F71]  }
0x2a: {  	p0 =	seq.s32 s5, $0x0;
	s5 =	sld [smem:$0x3F72]  }
0x2b: {  	s6 =	sld [smem:$0x3F73]  }
0x2c: {  	s7 =	sld [smem:$0x3F74]  }
0x2d: {  	s3 =	simm.s32 $0x108;
	s8 =	sld [smem:$0x3F75]  }
0x2e: {  	s3 =	simm.s32 @!p0 $0x1082;
	s9 =	sld [smem:$0x3F76]  }
0x2f: {  	lr =	sadd.s32 s0, s3;
	s0 =	sld [smem:$0x3F6D]  }
0x30: {  	s3 =	sld [smem:$0x3F70]  }
0x31: {  	[smem:$0x3F79] =	sst s10  }
0x32: {  	s10 =	sld [smem:$0x3F77];
	_ =	sdelay $0x3  }
0x33: {  	p0 =	seq.s32 s10, $0x1;
	s10 =	sld [smem:$0x3F79];
	_ =	sdelay $0x3  }
0x34: {  	[smem:$0x3F79] =	sst s10  }
0x35: {  	s10 =	sld [smem:$0x3F78];
	_ =	sdelay $0x3  }
0x36: {  	p1 =	seq.s32 s10, $0x1;
	s10 =	sld [smem:$0x3F79];
	_ =	sdelay $0x3  }
0x37: {  	[smem:$0x3F79] =	sst s10  }
0x38: {  	s10 =	sld [smem:$0x3F7A]  }
0x39: {  	_ = 	snop;
	(pc) =	sbr.ind lr, $3  }
0x3a: {  	_ = 	snop  }
0x3b: {  	_ = 	snop  }
0x3c: {  	p2 =	seq.s32 s10, $0x1;
	s10 =	sld [smem:$0x3F79]  }
0x3d: {  	_ =	shalt  }
0x3e: {  	_ =	shalt  }
0x3f: {  	_ =	shalt  }
0x40: {  	_ =	shalt  }
0x41: {  	_ =	shalt  }
0x42: {  	_ =	shalt  }
0x43: {  	_ =	shalt  }
0x44: {  	_ =	shalt  }
0x45: {  	_ =	shalt  }
0x46: {  	_ =	shalt  }
0x47: {  	_ =	shalt  }
0x48: {  	_ =	shalt  }
0x49: {  	_ =	shalt  }
0x4a: {  	_ =	shalt  }
0x4b: {  	_ =	shalt  }
0x4c: {  	_ =	shalt  }
0x4d: {  	_ =	shalt  }
0x4e: {  	_ =	shalt  }
0x4f: {  	_ =	shalt  }
0x50: {  	_ =	shalt  }
0x51: {  	_ =	shalt  }
0x52: {  	_ =	shalt  }
0x53: {  	_ =	shalt  }
0x54: {  	_ =	shalt  }
0x55: {  	_ =	shalt  }
0x56: {  	_ =	shalt  }
0x57: {  	_ =	shalt  }
0x58: {  	_ =	shalt  }
0x59: {  	_ =	shalt  }
0x5a: {  	_ =	shalt  }
0x5b: {  	_ =	shalt  }
0x5c: {  	_ =	shalt  }
0x5d: {  	_ =	shalt  }
0x5e: {  	_ =	shalt  }
0x5f: {  	_ =	shalt  }
0x60: {  	_ =	shalt  }
0x61: {  	_ =	shalt  }
0x62: {  	_ =	shalt  }
0x63: {  	_ =	shalt  }
0x64: {  	_ =	shalt  }
0x65: {  	_ =	shalt  }
0x66: {  	_ =	shalt  }
0x67: {  	_ =	shalt  }
0x68: {  	_ =	shalt  }
0x69: {  	_ =	shalt  }
0x6a: {  	_ =	shalt  }
0x6b: {  	_ =	shalt  }
0x6c: {  	_ =	shalt  }
0x6d: {  	_ =	shalt  }
0x6e: {  	_ =	shalt  }
0x6f: {  	_ =	shalt  }
0x70: {  	_ =	shalt  }
0x71: {  	_ =	shalt  }
0x72: {  	_ =	shalt  }
0x73: {  	_ =	shalt  }
0x74: {  	_ =	shalt  }
0x75: {  	_ =	shalt  }
0x76: {  	_ =	shalt  }
0x77: {  	_ =	shalt  }
0x78: {  	_ =	shalt  }
0x79: {  	_ =	shalt  }
0x7a: {  	_ =	shalt  }
0x7b: {  	_ =	shalt  }
0x7c: {  	_ =	shalt  }
0x7d: {  	_ =	shalt  }
0x7e: {  	_ =	shalt  }
0x7f: {  	_ =	shalt  }
0x80: {  	_ =	shalt  }
0x81: {  	_ =	shalt  }
0x82: {  	_ =	shalt  }
0x83: {  	_ =	shalt  }
0x84: {  	_ =	shalt  }
0x85: {  	_ =	shalt  }
0x86: {  	_ =	shalt  }
0x87: {  	_ =	shalt  }
.Lfunc_end0:
.L_simem_size_0:
called_computation.2_lowered:
.L_overlay_start_0:
0x88: {  	s2 =	sld [smem:$0x3FD9]  }
0x89: {  	s3 =	sld [smem:$0x3FFE];
	_ =	sdelay $0x1  }
0x8a: {  	s1 =	srdreg.scid  }
0x8b: {  	s0 =	sand.u32 $0x1, s1  }
0x8c: {  	s17 =	sshll.u32 s0, $0xA;
	s2 =	sadd.s32 s3, s2  }
0x8d: {  	s2 =	sadd.s32 s2, s17  }
0x8e: {  	[smem:$0x3F85] =	sst s2  }
0x8f: {  	_ = 	snop  }
0x90: {  	s18 =	sld [smem:$0x3FD0];
	(tm) =	ssettm $0x1  }
0x91: {  	s19 =	sld [smem:$0x3FFB];
	_ =	sdelay $0x3  }
0x92: {  	_ =	strace s19  }
0x93: {  	s2 =	sld [smem:$0x3FFC];
	_ =	sdelay $0x3  }
0x94: {  	_ =	strace s2  }
0x95: {  	s2 =	sld [smem:$0x3FFD];
	_ =	sdelay $0x3  }
0x96: {  	_ =	strace s2  }
0x97: {  	_ =	strace $0x8FFFFFFF  }
0x98: {  	s20 =	sld [smem:$0x3FDB];
	_ =	sdelay $0x1  }
0x99: {  	s4 =	simm.s32 $_scs_section_size  }
0x9a: {  	s5 =	simm.s32 $_size__tile_overlayer_lowered;
	s6 =	simm.s32 $_tile_overlayer_lowered  }
0x9b: {  	s7 =	simm.s32 $0x1BFF;
	s21 =	sshll.u32 s6, $0x1;
	s4 =	sadd.s32 s4, s20  }
0x9c: {  	s22 =	simm.s32 $0x0;
	s5 =	sshll.u32 s5, $0x1;
	s6 =	sadd.s32 s21, s4  }
0x9d: {  	[timem:s22], [sflag:s7] =	dma.local [hbm:s6], s5  }
0x9e: {  	_ =	swait.ge [sflag:s7], s5  }
0x9f: {  	s5 =	ssub.s32 $0x0, s5;
	[sflag:s7] =	ssyncset.done $0x0  }
0xa0: {  	[sflag:s7] =	ssyncadd.s32 s5;
	_ =	sdelay $0x1  }
0xa1: {  	s23 =	simm.s32 $0x1B8B  }
0xa2: {  	_ =	swait.ge [sflag:s23], $0x1  }
0xa3: {  	[sflag:s23] =	ssyncset.done $0x0  }
0xa4: {  	[sflag:s23] =	ssyncadd.s32 $0xFFFFFFFF  }
0xa5: {  	s5 =	sld [smem:$0x0]  }
0xa6: {  	s6 =	sand.u32 $0xFFFFFFFE, s1  }
0xa7: {  	p0 =	sne.s32 s1, s6  }
0xa8: {  	s6 =	sshll.u32 @p0 s6, $0xE  }
0xa9: {  	s6 =	sadd.s32 @p0 $0x11B8D, s6;
	s7 =	sshll.u32 @p0 s5, $0x11  }
0xaa: {  	s6 =	sor.u32 @p0 s7, s6  }
0xab: {  	[sflag:s6] =	ssyncadd.remote.s32 @p0 $0x1;
	_ =	sdelay $0x1  }
0xac: {  	s6 =	simm.s32 @p0 $0x1B8D  }
0xad: {  	_ =	swait.eq @p0 [sflag:s6], $0x1  }
0xae: {  	[sflag:s6] =	ssyncadd.s32 @p0 $0xFFFFFFFF  }
0xaf: {  	s7 =	sshll.u32 @!p0 s1, $0xE  }
0xb0: {  	s7 =	sor.u32 @!p0 $0x4000, s7;
	s6 =	simm.s32 @!p0 $0x1B8D  }
0xb1: {  	s5 =	sshll.u32 @!p0 s5, $0x11;
	s7 =	sadd.s32 @!p0 $0x11B8D, s7;
	_ =	swait.eq @!p0 [sflag:s6], $0x1  }
0xb2: {  	s5 =	sor.u32 @!p0 s5, s7;
	[sflag:s6] =	ssyncadd.s32 @!p0 $0xFFFFFFFF  }
0xb3: {  	s25 =	simm.s32 $0x1B8E;
	s24 =	sld [smem:$0x3FFE];
	[sflag:s5] =	ssyncadd.remote.s32 @!p0 $0x1  }
0xb4: {  	s26 =	simm.s32 $execute0_lowered;
	[smem:$0x3FD2] =	sst s25  }
0xb5: {  	s6 =	sshll.u32 s26, $0x1;
	_ =	strace $0x8000004C;
	[dreg:$0x1] =	wrdreg $0xFFFFFFFF  }
0xb6: {  	s28 =	simm.s32 $_size_execute0_lowered;
	s4 =	sadd.s32 s4, s6;
	[dreg:$0x0] =	wrdreg $0x0  }
0xb7: {  	s6 =	sshll.u32 s28, $0x1;
	[dreg:$0x2] =	wrdreg s4  }
0xb8: {  	[dreg:$0x3] =	wrdreg s6  }
0xb9: {  	[dreg:$0x4] =	wrdreg $0xC0  }
0xba: {  	_ =	task [dreg:s22], $0x5FFFF  }
0xbb: {  	[dreg:$0x1] =	wrdreg $0xFFFFFFFF  }
0xbc: {  	[dreg:$0x0] =	wrdreg $0x60  }
0xbd: {  	[dreg:$0x2] =	wrdreg s24  }
0xbe: {  	[dreg:$0x3] =	wrdreg s18  }
0xbf: {  	[dreg:$0x4] =	wrdreg $0x0  }
0xc0: {  	[dreg:$0x5] =	wrdreg $0xA  }
0xc1: {  	_ =	task.clear_ibuf [dreg:s22], $0x6FFFF;
	_ =	strace $0x9000004C  }
0xc2: {  	s29 =	simm.s32 $0xA;
	_ =	strace $0x8000004E  }
0xc3: {  	_ =	swait.ge [sflag:s29], $0x1  }
0xc4: {  	[sflag:s29] =	ssyncadd.s32 $0xFFFFFFFF  }
0xc5: {  	_ =	strace $0x9000004E  }
0xc6: {  	_ =	sfence  }
0xc7: {  	s30 =	sld [smem:$0x0];
	_ =	sdelay $0x2  }
0xc8: {  	s31 =	sshll.u32 s1, $0xD;
	s1 =	sshrl.u32 s1, $0x2  }
0xc9: {  	s4 =	sand.u32 $0x4000, s31;
	s1 =	sadd.s32 s1, s30  }
0xca: {  	s0 =	sor.u32 s4, s0;
	s1 =	sshll.u32 s1, $0x11  }
0xcb: {  	s0 =	sor.u32 s1, s0  }
0xcc: {  	s0 =	sadd.s32 $0x8F2B, s0  }
0xcd: {  	[sflag:s0] =	ssyncadd.remote.s32 $0x1  }
0xce: {  	_ =	sfence.sel $0xFFFF  }
0xcf: {  	[dreg:$0x0] =	wrdreg $0xFFFFFFFF;
	(pc) =	sbr.abs _section_cstart, $3  }
0xd0: {  	[dreg:$0x1] =	wrdreg $0xFFFFFFFF  }
0xd1: {  	_ =	task.clear_ibuf [dreg:s22], $0x2FFFF;
	_ =	strace $0x9FFFFFFF  }
0xd2: {  	(tm) =	ssettm $0x7FFFFFFF  }
0xd3: {  	_ =	shalt  }
tec
execute0_lowered:
.L_overlay_start_1:
0x0: {  	(tag) =	ssettag $0x1  }
0x1: {  	s0 =	rddreg [dreg:$0x0]  }
0x2: {  	s12 =	rddreg [dreg:$0x1]  }
0x3: {  	s2 =	rddreg [dreg:$0x2]  }
0x4: {  	s3 =	simm.s32 $0x0;
	s4 =	srdreg.scid;
	s1 =	stileid.u32  }
0x5: {  	s18 =	simm.s32 $0x5;
	s28 =	simm.s32 $0x3;
	s19 =	smul.u32 $0x18000, s1  }
0x6: {  	s29 =	simm.s32 $0x4;
	s30 =	simm.s32 $0x0;
	s7 =	smul.u32 $0x30000, s1  }
0x7: {  	[smem:$0x7FF] =	sst s3;
	s5 =	sand.u32 $0x1, s4;
	s8 =	smul.u32 $0xA00, s1  }
0x8: {  	s16 =	sadd.s32 $0x1498600, s0;
	s4 =	sadd.s32 $0x19E00, s0;
	s20 =	smul.u32 $0x280000, s1  }
0x9: {  	s11 =	smul.u32 $0x5000, s1;
	s13 =	sshll.u32 s5, $0x6;
	s5 =	ssub.s32 $0x2, s5  }
0xa: {  	_ =	strace $0x8000004D;
	s6 =	sor.u32 s13, s19;
	s9 =	sshrl.u32 s5, $0x1  }
0xb: {  	s7 =	sshrl.u32 s7, $0x2;
	s14 =	sor.u32 s13, s20;
	s10 =	sor.u32 $0x80, s11  }
0xc: {  	s15 =	sor.u32 $0x100, s11;
	s19 =	simm.s32 $0x1C000;
	s20 =	simm.s32 $0x40  }
0xd: {  	s6 =	sshrl.u32 s6, $0x3;
	s9 =	ssub.s32 s5, s9;
	s5 =	sadd.s32 s7, s2  }
0xe: {  	s21 =	sshrl.u32 s14, $0x3;
	s22 =	sshll.u32 s10, $0x7;
	s10 =	sshrl.u32 s10, $0x3  }
0xf: {  	s23 =	sshrl.u32 s15, $0x3;
	s15 =	sshll.u32 s15, $0x7;
	s25 =	sor.u32 $0xC000, s14  }
0x10: {  	s17 =	sor.u32 $0x10000, s14;
	s0 =	sadd.s32 s6, s0;
	s6 =	sadd.s32 s12, s8  }
0x11: {  	s7 =	sadd.s32 s16, s21;
	s9 =	smax.u32 s9, $0x1;
	s10 =	sadd.s32 s12, s10  }
0x12: {  	s12 =	sadd.s32 s12, s23;
	s24 =	sor.u32 s13, s15;
	s26 =	sshrl.u32 s25, $0x3  }
0x13: {  	s31 =	sshrl.u32 s17, $0x3;
	s17 =	simm.s32 $0xC000;
	s21 =	simm.s32 $0x80  }
.Ltmp0:
0x14: {  	s23 =	simm.s32 $0x1;
	s25 =	simm.s32 $0x1A000;
	(pc) =	sbr.rel .LBB2_1-.Ltmp0, $4  }
0x15: {  	s8 =	sadd.s32 $0x1B600, s0;
	s0 =	sor.u32 s13, s22;
	s14 =	sadd.s32 s26, s16  }
0x16: {  	s15 =	sadd.s32 $0x30, s6;
	s22 =	simm.s32 $0x18000;
	s0 =	sshrl.u32 s0, $0x3  }
0x17: {  	s26 =	simm.s32 $0x2;
	s11 =	sadd.s32 s16, s0;
	s0 =	sshrl.u32 s24, $0x3  }
0x18: {  	s24 =	simm.s32 $0x1C080;
	s13 =	sadd.s32 s16, s0;
	s16 =	sadd.s32 s31, s16  }
.LBB2_4:
0x19: {  	[spmem:s2] =	stream.indirect.scatter.add.f32 [tilespmem:s25], [sflag:$0x4], $0x40, s24, s21, $0xb8;
	[tilespmem:$0x1C100] =	vst v63  }
0x1a: {  	_ =	swait.ge [sflag:s28], $0x2000  }
0x1b: {  	[sflag:s28] =	ssyncset.done $0x0  }
0x1c: {  	[sflag:s28] =	ssyncadd.s32 $0xFFFFE000  }
0x1d: {  	_ =	swait.ge [sflag:s29], $0x2000  }
0x1e: {  	[sflag:s29] =	ssyncset.done $0x0  }
0x1f: {  	[sflag:s29] =	ssyncadd.s32 $0xFFFFE000  }
0x20: {  	[bflag:$0x0] =	sbarrier.arrive $0xFFFF  }
0x21: {  	[tilespmem:s17], [sflag:$0x5] =	stream.linear.gather [spmem:s5], $0xC000, $0x38;
	[tilespmem:$0x1C100] =	vst v63  }
0x22: {  	s30 =	sadd.s32 $0x1, s30;
	_ =	swait.ge [sflag:s18], $0xC000  }
0x23: {  	p0 =	sne.s32 s30, s9;
	[sflag:s18] =	ssyncset.done $0x0  }
.Ltmp1:
0x24: {  	[sflag:s18] =	ssyncadd.s32 $0xFFFF4000;
	(pc) =	sbr.rel @!p0 .LBB2_5-.Ltmp1, $4  }
0x25: {  	[hbm4b:s8+s20] =	stream.strided.scatter [tilespmem:s17], [sflag:$0x5], $0xC000, s21, s20, $0x38;
	[tilespmem:$0x1C100] =	vst v63  }
0x26: {  	_ =	swait.ge [sflag:s18], $0xC000  }
0x27: {  	[sflag:s18] =	ssyncset.done $0x0  }
0x28: {  	[sflag:s18] =	ssyncadd.s32 $0xFFFF4000  }
.LBB2_1:
0x29: {  	[tilespmem:s17], [sflag:$0x5] =	stream.linear.gather [hbm4b:s4+s3], $0xC000, $0x38;
	[tilespmem:$0x1C100] =	vst v63  }
0x2a: {  	_ =	swait.ge [sflag:s18], $0xC000  }
0x2b: {  	[sflag:s18] =	ssyncset.done $0x0  }
0x2c: {  	[sflag:s18] =	ssyncadd.s32 $0xFFFF4000  }
0x2d: {  	[spmem:s5] =	stream.linear.scatter [tilespmem:s17], [sflag:$0x5], $0xC000, $0x38;
	[tilespmem:$0x1C100] =	vst v63  }
0x2e: {  	_ =	swait.ge [sflag:s18], $0xC000  }
0x2f: {  	[sflag:s18] =	ssyncset.done $0x0  }
0x30: {  	[sflag:s18] =	ssyncadd.s32 $0xFFFF4000  }
0x31: {  	[bflag:$0x0] =	sbarrier.arrive $0xFFFF  }
0x32: {  	[tilespmem:s19], [sflag:$0x1] =	stream.linear.gather [hbm4b:s6+s3], $0x80, $0x38;
	[tilespmem:$0x1C100] =	vst v63  }
0x33: {  	_ = 	snop  }
0x34: {  	[tilespmem:s22], [sflag:$0x1] =	stream.strided.gather [hbm4b:s7+s20], $0x2000, s21, s20, $0x38;
	[tilespmem:$0x1C100] =	vst v63  }
0x35: {  	_ =	swait.ge [sflag:s23], $0x80  }
0x36: {  	[sflag:s23] =	ssyncset.done $0x0  }
0x37: {  	[sflag:s23] =	ssyncadd.s32 $0xFFFFFF80  }
0x38: {  	_ =	swait.ge [sflag:s23], $0x2000  }
0x39: {  	[sflag:s23] =	ssyncset.done $0x0  }
0x3a: {  	[sflag:s23] =	ssyncadd.s32 $0xFFFFE000  }
0x3b: {  	[tilespmem:s24], [sflag:$0x2] =	stream.linear.gather [hbm4b:s10+s3], $0x80, $0x38;
	[tilespmem:$0x1C100] =	vst v63  }
0x3c: {  	_ = 	snop  }
0x3d: {  	[tilespmem:s25], [sflag:$0x2] =	stream.strided.gather [hbm4b:s11+s20], $0x2000, s21, s20, $0x38;
	[tilespmem:$0x1C100] =	vst v63  }
0x3e: {  	_ = 	snop  }
0x3f: {  	[spmem:s2] =	stream.indirect.scatter.add.f32 [tilespmem:s22], [sflag:$0x3], $0x40, s19, s21, $0xb8;
	[tilespmem:$0x1C100] =	vst v63  }
0x40: {  	_ =	swait.ge [sflag:s26], $0x80  }
0x41: {  	[sflag:s26] =	ssyncset.done $0x0  }
0x42: {  	[sflag:s26] =	ssyncadd.s32 $0xFFFFFF80  }
0x43: {  	_ =	swait.ge [sflag:s26], $0x2000  }
0x44: {  	[sflag:s26] =	ssyncset.done $0x0  }
0x45: {  	[sflag:s26] =	ssyncadd.s32 $0xFFFFE000  }
0x46: {  	_ =	swait.ge [sflag:s28], $0x2000  }
0x47: {  	[sflag:s28] =	ssyncset.done $0x0  }
0x48: {  	[sflag:s28] =	ssyncadd.s32 $0xFFFFE000  }
0x49: {  	[tilespmem:s19], [sflag:$0x1] =	stream.linear.gather [hbm4b:s12+s3], $0x80, $0x38;
	[tilespmem:$0x1C100] =	vst v63  }
0x4a: {  	_ = 	snop  }
0x4b: {  	[tilespmem:s22], [sflag:$0x1] =	stream.strided.gather [hbm4b:s13+s20], $0x2000, s21, s20, $0x38;
	[tilespmem:$0x1C100] =	vst v63  }
0x4c: {  	s31 =	smov.u32 s15;
	s0 =	simm.s32 $0x0  }
0x4d: {  	[spmem:s2] =	stream.indirect.scatter.add.f32 [tilespmem:s25], [sflag:$0x4], $0x40, s24, s21, $0xb8;
	[tilespmem:$0x1C100] =	vst v63  }
.LBB2_2:
0x4e: {  	_ =	swait.ge [sflag:s23], $0x80  }
0x4f: {  	[sflag:s23] =	ssyncset.done $0x0  }
0x50: {  	[sflag:s23] =	ssyncadd.s32 $0xFFFFFF80  }
0x51: {  	_ =	swait.ge [sflag:s23], $0x2000  }
0x52: {  	[sflag:s23] =	ssyncset.done $0x0  }
0x53: {  	[sflag:s23] =	ssyncadd.s32 $0xFFFFE000  }
0x54: {  	_ =	swait.ge [sflag:s29], $0x2000  }
0x55: {  	[sflag:s29] =	ssyncset.done $0x0  }
0x56: {  	[sflag:s29] =	ssyncadd.s32 $0xFFFFE000  }
0x57: {  	[tilespmem:s24], [sflag:$0x2] =	stream.linear.gather [hbm4b:s31+s3], $0x80, $0x38;
	[tilespmem:$0x1C100] =	vst v63  }
0x58: {  	s1 =	sadd.s32 s0, s14  }
0x59: {  	[tilespmem:s25], [sflag:$0x2] =	stream.strided.gather [hbm4b:s1+s20], $0x2000, s21, s20, $0x38;
	[tilespmem:$0x1C100] =	vst v63  }
0x5a: {  	_ = 	snop  }
0x5b: {  	[spmem:s2] =	stream.indirect.scatter.add.f32 [tilespmem:s22], [sflag:$0x3], $0x40, s19, s21, $0xb8;
	[tilespmem:$0x1C100] =	vst v63  }
0x5c: {  	p0 =	seq.s32 s0, $0x4E000;
	_ =	swait.ge [sflag:s26], $0x80  }
.Ltmp2:
0x5d: {  	[sflag:s26] =	ssyncset.done $0x0;
	(pc) =	sbr.rel @p0 .LBB2_4-.Ltmp2, $4  }
0x5e: {  	[sflag:s26] =	ssyncadd.s32 $0xFFFFFF80  }
0x5f: {  	_ =	swait.ge [sflag:s26], $0x2000  }
0x60: {  	[sflag:s26] =	ssyncset.done $0x0  }
0x61: {  	[sflag:s26] =	ssyncadd.s32 $0xFFFFE000  }
0x62: {  	_ =	swait.ge [sflag:s28], $0x2000  }
0x63: {  	[sflag:s28] =	ssyncset.done $0x0  }
0x64: {  	s1 =	sadd.s32 $0x10, s31;
	[sflag:s28] =	ssyncadd.s32 $0xFFFFE000  }
0x65: {  	[tilespmem:s19], [sflag:$0x1] =	stream.linear.gather [hbm4b:s1+s3], $0x80, $0x38;
	[tilespmem:$0x1C100] =	vst v63  }
.Ltmp3:
0x66: {  	_ = 	snop;
	(pc) =	sbr.rel .LBB2_2-.Ltmp3, $4  }
0x67: {  	s1 =	sadd.s32 s0, s16  }
0x68: {  	[tilespmem:s22], [sflag:$0x1] =	stream.strided.gather [hbm4b:s1+s20], $0x2000, s21, s20, $0x38;
	[tilespmem:$0x1C100] =	vst v63  }
0x69: {  	s31 =	sadd.s32 $0x20, s31;
	s0 =	sadd.s32 $0x1000, s0  }
0x6a: {  	[spmem:s2] =	stream.indirect.scatter.add.f32 [tilespmem:s25], [sflag:$0x4], $0x40, s24, s21, $0xb8;
	[tilespmem:$0x1C100] =	vst v63  }
.LBB2_5:
0x6b: {  	_ =	sfence.sel $0x180000  }
0x6c: {  	[bflag:$0x0] =	sbarrier.arrive $0xFFFF  }
0x6d: {  	_ =	strace $0x9000004D  }
0x6e: {  	s0 =	stileid.u32;
	[bflag:$0x2] =	sbarrier.arrive $0xFFFF  }
0x6f: {  	p0 =	sne.s32 s0, $0x0;
	s0 =	rddreg [dreg:$0x3]  }
0x70: {  	s0 =	sadd.s32 @!p0 $0x100000, s0  }
0x71: {  	[sflag:s0] =	ssyncadd.tile.s32 @!p0 $0x1;
	_ =	shalt  }
.Lfunc_end2:
_tile_overlayer_lowered:
.L_overlay_start_2:
0x72: {  	(tag) =	ssettag $0x2  }
0x73: {  	s0 =	rddreg [dreg:$0x0];
	s2 =	stileid.u32  }
0x74: {  	s1 =	rddreg [dreg:$0x1];
	p0 =	sne.s32 s2, $0x0  }
0x75: {  	s3 =	rddreg [dreg:$0x2];
	[bflag:$0x3] =	sbarrier.arrive $0xFFFF;
	s2 =	simm.s32 @!p0 $0x1C05  }
0x76: {  	[timem:s3], [sflag:s2] =	dma.local @!p0 [hbm:s0], s1  }
0x77: {  	s0 =	simm.s32 @!p0 $0x5  }
0x78: {  	_ =	swait.ge @!p0 [sflag:s0], s1  }
0x79: {  	s1 =	ssub.s32 @!p0 $0x0, s1;
	[sflag:s0] =	ssyncset.done @!p0 $0x0  }
0x7a: {  	[sflag:s0] =	ssyncadd.s32 @!p0 s1  }
0x7b: {  	[bflag:$0x3] =	sbarrier.arrive $0xFFFF  }
0x7c: {  	_ =	shalt  }

// kernel: kernel.29.cloned.1.call-start
scs
__scs_entry_jumppad:
0x0: {  	(pc) =	sbr.rel $0x88, $3  }
0x1: {  	(tag) =	ssettag $0x0;
	lr =	simm.s32 $0x1  }
0x2: {  	[smem:$0x3F5E] =	sst lr;
	_ =	strace $0xD0000000  }
0x3: {  	_ = 	snop  }
0x4: {  	_ = 	snop  }
0x5: {  	_ = 	snop  }
0x6: {  	_ = 	snop  }
0x7: {  	_ = 	snop  }
__scs_overlays_trampoline_lowered:
0x8: {  	[smem:$0x3F6D] =	sst s0  }
0x9: {  	[smem:$0x3F6E] =	sst s1  }
0xa: {  	[smem:$0x3F6F] =	sst s2  }
0xb: {  	[smem:$0x3F70] =	sst s3  }
0xc: {  	[smem:$0x3F71] =	sst s4  }
0xd: {  	[smem:$0x3F72] =	sst s5  }
0xe: {  	[smem:$0x3F73] =	sst s6  }
0xf: {  	[smem:$0x3F74] =	sst s7  }
0x10: {  	[smem:$0x3F75] =	sst s8  }
0x11: {  	[smem:$0x3F76] =	sst s9;
	s0 =	simm.s32 @!p0 $0x0  }
0x12: {  	s1 =	sld [smem:$0x3F5C];
	s0 =	simm.s32 @p0 $0x1  }
0x13: {  	[smem:$0x3F77] =	sst s0;
	s0 =	simm.s32 @!p1 $0x0  }
0x14: {  	s2 =	sld [smem:$0x3F5B];
	s0 =	simm.s32 @p1 $0x1  }
0x15: {  	[smem:$0x3F78] =	sst s0;
	s0 =	simm.s32 @!p2 $0x0  }
0x16: {  	s3 =	sld [smem:$0x3FDB];
	s0 =	simm.s32 @p2 $0x1  }
0x17: {  	s4 =	simm.s32 $0x1BF5;
	[smem:$0x3F7A] =	sst s0  }
0x18: {  	s0 =	sld [smem:$0x3F5D];
	_ =	swait.ge [sflag:s4], $0x0  }
0x19: {  	s7 =	sld [smem:$0x3F5E]  }
0x1a: {  	s8 =	sadd.s32 $0xFFFFE003, lr  }
0x1b: {  	s9 =	sadd.s32 $0xFFFFFEF7, lr;
	s5 =	simm.s32 $0xFFFFFFFF;
	p2 =	slt.u32 s8, $0xFFFFF086  }
0x1c: {  	p1 =	slt.u32 s9, $0xF7A;
	s5 =	simm.s32 @!p2 $0x0  }
0x1d: {  	s5 =	simm.s32 @p1 $0x1;
	p0 =	seq.s32 s7, s2  }
0x1e: {  	s7 =	smul.u32 @!p0 $0xF7A, s2;
	p2 =	seq.s32 @!p0 s5, $0x0  }
0x1f: {  	s9 =	smul.u32 $0xF7A, s1;
	s8 =	simm.s32 @!p0 $0x1BF5;
	p2 =	por !p2, p0  }
0x20: {  	[sflag:s8] =	ssyncset.s32 @!p0 $0xFFFFF086;
	s6 =	sadd.s32 @!p0 s3, s7;
	s7 =	simm.s32 @!p0 $0x108  }
0x21: {  	s3 =	sadd.s32 s3, s9;
	s6 =	sadd.s32 @!p0 $0x88, s6;
	s7 =	simm.s32 @p2 $0x1082  }
0x22: {  	[simem:s7], [sflag:s8] =	dma.local @!p0 [hbm:s6], $0xF7A  }
0x23: {  	s9 =	sor.u32 $0xD0000000, s2;
	s6 =	simm.s32 $0x108;
	_ =	swait.ge @!p0 [sflag:s8], $0x0  }
0x24: {  	s3 =	sadd.s32 $0x88, s3;
	s6 =	simm.s32 @!p1 $0x1082;
	[sflag:s4] =	ssyncset.s32 $0xFFFFF086  }
0x25: {  	[simem:s6], [sflag:s4] =	dma.local [hbm:s3], $0xF7A  }
0x26: {  	[smem:$0x3F5E] =	sst s1;
	(tag) =	ssettag s2;
	_ =	strace s9  }
0x27: {  	s1 =	sld [smem:$0x3F6E]  }
0x28: {  	s2 =	sld [smem:$0x3F6F]  }
0x29: {  	s4 =	sld [smem:$0x3F71]  }
0x2a: {  	p0 =	seq.s32 s5, $0x0;
	s5 =	sld [smem:$0x3F72]  }
0x2b: {  	s6 =	sld [smem:$0x3F73]  }
0x2c: {  	s7 =	sld [smem:$0x3F74]  }
0x2d: {  	s3 =	simm.s32 $0x108;
	s8 =	sld [smem:$0x3F75]  }
0x2e: {  	s3 =	simm.s32 @!p0 $0x1082;
	s9 =	sld [smem:$0x3F76]  }
0x2f: {  	lr =	sadd.s32 s0, s3;
	s0 =	sld [smem:$0x3F6D]  }
0x30: {  	s3 =	sld [smem:$0x3F70]  }
0x31: {  	[smem:$0x3F79] =	sst s10  }
0x32: {  	s10 =	sld [smem:$0x3F77];
	_ =	sdelay $0x3  }
0x33: {  	p0 =	seq.s32 s10, $0x1;
	s10 =	sld [smem:$0x3F79];
	_ =	sdelay $0x3  }
0x34: {  	[smem:$0x3F79] =	sst s10  }
0x35: {  	s10 =	sld [smem:$0x3F78];
	_ =	sdelay $0x3  }
0x36: {  	p1 =	seq.s32 s10, $0x1;
	s10 =	sld [smem:$0x3F79];
	_ =	sdelay $0x3  }
0x37: {  	[smem:$0x3F79] =	sst s10  }
0x38: {  	s10 =	sld [smem:$0x3F7A]  }
0x39: {  	_ = 	snop;
	(pc) =	sbr.ind lr, $3  }
0x3a: {  	_ = 	snop  }
0x3b: {  	_ = 	snop  }
0x3c: {  	p2 =	seq.s32 s10, $0x1;
	s10 =	sld [smem:$0x3F79]  }
0x3d: {  	_ =	shalt  }
0x3e: {  	_ =	shalt  }
0x3f: {  	_ =	shalt  }
0x40: {  	_ =	shalt  }
0x41: {  	_ =	shalt  }
0x42: {  	_ =	shalt  }
0x43: {  	_ =	shalt  }
0x44: {  	_ =	shalt  }
0x45: {  	_ =	shalt  }
0x46: {  	_ =	shalt  }
0x47: {  	_ =	shalt  }
0x48: {  	_ =	shalt  }
0x49: {  	_ =	shalt  }
0x4a: {  	_ =	shalt  }
0x4b: {  	_ =	shalt  }
0x4c: {  	_ =	shalt  }
0x4d: {  	_ =	shalt  }
0x4e: {  	_ =	shalt  }
0x4f: {  	_ =	shalt  }
0x50: {  	_ =	shalt  }
0x51: {  	_ =	shalt  }
0x52: {  	_ =	shalt  }
0x53: {  	_ =	shalt  }
0x54: {  	_ =	shalt  }
0x55: {  	_ =	shalt  }
0x56: {  	_ =	shalt  }
0x57: {  	_ =	shalt  }
0x58: {  	_ =	shalt  }
0x59: {  	_ =	shalt  }
0x5a: {  	_ =	shalt  }
0x5b: {  	_ =	shalt  }
0x5c: {  	_ =	shalt  }
0x5d: {  	_ =	shalt  }
0x5e: {  	_ =	shalt  }
0x5f: {  	_ =	shalt  }
0x60: {  	_ =	shalt  }
0x61: {  	_ =	shalt  }
0x62: {  	_ =	shalt  }
0x63: {  	_ =	shalt  }
0x64: {  	_ =	shalt  }
0x65: {  	_ =	shalt  }
0x66: {  	_ =	shalt  }
0x67: {  	_ =	shalt  }
0x68: {  	_ =	shalt  }
0x69: {  	_ =	shalt  }
0x6a: {  	_ =	shalt  }
0x6b: {  	_ =	shalt  }
0x6c: {  	_ =	shalt  }
0x6d: {  	_ =	shalt  }
0x6e: {  	_ =	shalt  }
0x6f: {  	_ =	shalt  }
0x70: {  	_ =	shalt  }
0x71: {  	_ =	shalt  }
0x72: {  	_ =	shalt  }
0x73: {  	_ =	shalt  }
0x74: {  	_ =	shalt  }
0x75: {  	_ =	shalt  }
0x76: {  	_ =	shalt  }
0x77: {  	_ =	shalt  }
0x78: {  	_ =	shalt  }
0x79: {  	_ =	shalt  }
0x7a: {  	_ =	shalt  }
0x7b: {  	_ =	shalt  }
0x7c: {  	_ =	shalt  }
0x7d: {  	_ =	shalt  }
0x7e: {  	_ =	shalt  }
0x7f: {  	_ =	shalt  }
0x80: {  	_ =	shalt  }
0x81: {  	_ =	shalt  }
0x82: {  	_ =	shalt  }
0x83: {  	_ =	shalt  }
0x84: {  	_ =	shalt  }
0x85: {  	_ =	shalt  }
0x86: {  	_ =	shalt  }
0x87: {  	_ =	shalt  }
.Lfunc_end0:
.L_simem_size_0:
called_computation.3_lowered:
.L_overlay_start_0:
0x88: {  	s2 =	sld [smem:$0x3FD9]  }
0x89: {  	s3 =	sld [smem:$0x3FFE];
	_ =	sdelay $0x1  }
0x8a: {  	s1 =	srdreg.scid  }
0x8b: {  	s0 =	sand.u32 $0x1, s1  }
0x8c: {  	s17 =	sshll.u32 s0, $0xA;
	s2 =	sadd.s32 s3, s2  }
0x8d: {  	s2 =	sadd.s32 s2, s17  }
0x8e: {  	[smem:$0x3F85] =	sst s2  }
0x8f: {  	_ = 	snop  }
0x90: {  	s2 =	sld [smem:$0x3FD0];
	(tm) =	ssettm $0x1  }
0x91: {  	s18 =	sld [smem:$0x3FFB];
	_ =	sdelay $0x3  }
0x92: {  	_ =	strace s18  }
0x93: {  	s3 =	sld [smem:$0x3FFC];
	_ =	sdelay $0x3  }
0x94: {  	_ =	strace s3  }
0x95: {  	s3 =	sld [smem:$0x3FFD];
	_ =	sdelay $0x3  }
0x96: {  	_ =	strace s3  }
0x97: {  	_ =	strace $0x8FFFFFFF  }
0x98: {  	s19 =	sld [smem:$0x3FDB];
	_ =	sdelay $0x1  }
0x99: {  	s4 =	simm.s32 $_scs_section_size  }
0x9a: {  	s5 =	simm.s32 $_size__tile_overlayer_lowered;
	s6 =	simm.s32 $_tile_overlayer_lowered  }
0x9b: {  	s22 =	simm.s32 $0x1BFF;
	s21 =	sshll.u32 s6, $0x1;
	s3 =	sadd.s32 s4, s19  }
0x9c: {  	s7 =	simm.s32 $0x0;
	s20 =	sshll.u32 s5, $0x1;
	s5 =	sadd.s32 s21, s3  }
0x9d: {  	[timem:s7], [sflag:s22] =	dma.local [hbm:s5], s20  }
0x9e: {  	_ =	swait.ge [sflag:s22], s20  }
0x9f: {  	s4 =	ssub.s32 $0x0, s20;
	[sflag:s22] =	ssyncset.done $0x0  }
0xa0: {  	[sflag:s22] =	ssyncadd.s32 s4;
	_ =	sdelay $0x1  }
0xa1: {  	s23 =	simm.s32 $0x1B8B  }
0xa2: {  	_ =	swait.ge [sflag:s23], $0x1  }
0xa3: {  	[sflag:s23] =	ssyncset.done $0x0  }
0xa4: {  	s25 =	simm.s32 $0x1B8E;
	s24 =	sld [smem:$0x3FFE];
	[sflag:s23] =	ssyncadd.s32 $0xFFFFFFFF  }
0xa5: {  	s26 =	simm.s32 $execute0_lowered;
	[smem:$0x3FD2] =	sst s25  }
0xa6: {  	s5 =	sshll.u32 s26, $0x1;
	_ =	strace $0x8000004F;
	[dreg:$0x1] =	wrdreg $0xFFFFFFFF  }
0xa7: {  	s28 =	simm.s32 $_size_execute0_lowered;
	s3 =	sadd.s32 s3, s5;
	[dreg:$0x0] =	wrdreg $0x0  }
0xa8: {  	s5 =	sshll.u32 s28, $0x1;
	[dreg:$0x2] =	wrdreg s3  }
0xa9: {  	[dreg:$0x3] =	wrdreg s5  }
0xaa: {  	[dreg:$0x4] =	wrdreg $0xC0  }
0xab: {  	_ =	task [dreg:s7], $0x5FFFF  }
0xac: {  	[dreg:$0x1] =	wrdreg $0xFFFFFFFF  }
0xad: {  	[dreg:$0x0] =	wrdreg $0x60  }
0xae: {  	[dreg:$0x2] =	wrdreg s24  }
0xaf: {  	[dreg:$0x3] =	wrdreg s2  }
0xb0: {  	[dreg:$0x4] =	wrdreg $0x9  }
0xb1: {  	_ =	task.clear_ibuf [dreg:s7], $0x5FFFF;
	_ =	strace $0x9000004F  }
0xb2: {  	s29 =	simm.s32 $0x9;
	_ =	strace $0x80000051  }
0xb3: {  	_ =	swait.ge [sflag:s29], $0x1  }
0xb4: {  	[sflag:s29] =	ssyncadd.s32 $0xFFFFFFFF  }
0xb5: {  	_ =	strace $0x90000051  }
0xb6: {  	_ =	sfence  }
0xb7: {  	s30 =	sld [smem:$0x0];
	_ =	sdelay $0x2  }
0xb8: {  	s31 =	sshll.u32 s1, $0xD;
	s1 =	sshrl.u32 s1, $0x2  }
0xb9: {  	s3 =	sand.u32 $0x4000, s31;
	s1 =	sadd.s32 s1, s30  }
0xba: {  	s0 =	sor.u32 s3, s0;
	s1 =	sshll.u32 s1, $0x11  }
0xbb: {  	s0 =	sor.u32 s1, s0  }
0xbc: {  	s0 =	sadd.s32 $0x8F2B, s0  }
0xbd: {  	[sflag:s0] =	ssyncadd.remote.s32 $0x1  }
0xbe: {  	_ =	sfence.sel $0xFFFF  }
0xbf: {  	[dreg:$0x0] =	wrdreg $0xFFFFFFFF;
	(pc) =	sbr.abs _section_cstart, $3  }
0xc0: {  	[dreg:$0x1] =	wrdreg $0xFFFFFFFF  }
0xc1: {  	_ =	task.clear_ibuf [dreg:s7], $0x2FFFF;
	_ =	strace $0x9FFFFFFF  }
0xc2: {  	(tm) =	ssettm $0x7FFFFFFF  }
0xc3: {  	_ =	shalt  }
tec
execute0_lowered:
.L_overlay_start_1:
0x0: {  	(tag) =	ssettag $0x1  }
0x1: {  	s5 =	rddreg [dreg:$0x0]  }
0x2: {  	s6 =	rddreg [dreg:$0x1]  }
0x3: {  	s0 =	rddreg [dreg:$0x2];
	s2 =	simm.s32 $0x0  }
0x4: {  	s1 =	stileid.u32;
	s8 =	srdreg.scid;
	s17 =	simm.s32 $0x80  }
0x5: {  	s18 =	simm.s32 $0x5000;
	s19 =	simm.s32 $0x1;
	s20 =	simm.s32 $0x9000  }
0x6: {  	s21 =	simm.s32 $0x2;
	s22 =	simm.s32 $0x3;
	s23 =	simm.s32 $0x100  }
0x7: {  	s24 =	simm.s32 $0x4;
	s25 =	simm.s32 $0x4F80;
	s26 =	simm.s32 $0x0  }
0x8: {  	[smem:$0x7FF] =	sst s2;
	s7 =	smul.u32 $0xA00, s1;
	s3 =	sadd.s32 $0xB16600, s5  }
0x9: {  	s4 =	sadd.s32 $0xB46600, s5;
	s8 =	sand.u32 $0x1, s8;
	s13 =	sadd.s32 $0xBA6600, s5  }
0xa: {  	s15 =	sadd.s32 $0x1B600, s5;
	s12 =	smul.u32 $0x50000, s1;
	_ =	strace $0x80000050  }
0xb: {  	s10 =	ssub.s32 $0x2, s8;
	p0 =	seq.s32 s8, $0x1;
	s9 =	sadd.s32 s7, s5  }
0xc: {  	s31 =	sshrl.u32 s10, $0x1;
	s5 =	sadd.s32 s6, s7;
	s11 =	sor.u32 $0x800, s12  }
.Ltmp0:
0xd: {  	s8 =	sadd.s32 s13, s12;
	s14 =	sadd.s32 $0x4F000, s12;
	(pc) =	sbr.rel .LBB2_1-.Ltmp0, $4  }
0xe: {  	s16 =	sadd.s32 $0x4F800, s12;
	s10 =	ssub.s32 s10, s31;
	s6 =	sadd.s32 $0xFE00, s9  }
0xf: {  	s9 =	sadd.s32 s13, s11;
	s11 =	sadd.s32 s15, s11;
	s7 =	smax.u32 s10, $0x1  }
0x10: {  	s10 =	sadd.s32 s15, s12;
	s12 =	sadd.s32 s13, s14;
	s13 =	sadd.s32 s13, s16  }
0x11: {  	s14 =	sadd.s32 s15, s14;
	s15 =	sadd.s32 s15, s16;
	s16 =	simm.s32 $0x5  }
.LBB2_7:
0x12: {  	[hbm4b:s30+s2] =	stream.linear.scatter [tilespmem:s20], [sflag:$0x4], $0x4000, $0x38;
	[tilespmem:$0xD000] =	vst v63  }
0x13: {  	_ =	swait.ge [sflag:s19], $0x4000  }
0x14: {  	[sflag:s19] =	ssyncset.done $0x0  }
0x15: {  	[sflag:s19] =	ssyncadd.s32 $0xFFFFC000  }
0x16: {  	_ =	swait.ge [sflag:s24], $0x4000  }
0x17: {  	[sflag:s24] =	ssyncset.done $0x0  }
0x18: {  	[sflag:s24] =	ssyncadd.s32 $0xFFFFC000  }
0x19: {  	[tilespmem:s20], [sflag:$0x2] =	stream.indirect.gather [hbm4b:s4+s17], $0x80, s25, s17, $0xb8;
	[tilespmem:$0xD000] =	vst v63  }
0x1a: {  	_ = 	snop  }
0x1b: {  	[hbm4b:s14+s2] =	stream.linear.scatter [tilespmem:s18], [sflag:$0x3], $0x4000, $0x38;
	[tilespmem:$0xD000] =	vst v63  }
0x1c: {  	_ =	swait.ge [sflag:s21], $0x4000  }
0x1d: {  	[sflag:s21] =	ssyncset.done $0x0  }
0x1e: {  	[sflag:s21] =	ssyncadd.s32 $0xFFFFC000  }
0x1f: {  	[hbm4b:s15+s2] =	stream.linear.scatter [tilespmem:s20], [sflag:$0x4], $0x4000, $0x38;
	[tilespmem:$0xD000] =	vst v63  }
.LBB2_8:
0x20: {  	s26 =	sadd.s32 $0x1, s26  }
0x21: {  	_ =	swait.ge [sflag:s22], $0x4000;
	p1 =	sne.s32 s26, s7  }
.Ltmp1:
0x22: {  	[sflag:s22] =	ssyncset.done $0x0;
	(pc) =	sbr.rel @!p1 .LBB2_9-.Ltmp1, $4  }
0x23: {  	[sflag:s22] =	ssyncadd.s32 $0xFFFFC000  }
0x24: {  	_ =	swait.ge [sflag:s24], $0x4000  }
0x25: {  	[sflag:s24] =	ssyncset.done $0x0  }
0x26: {  	[sflag:s24] =	ssyncadd.s32 $0xFFFFC000  }
.LBB2_1:
.Ltmp2:
0x27: {  	(pc) =	sbr.rel @!p0 .LBB2_2-.Ltmp2, $1  }
0x28: {  	_ =	sdelay $0x3  }
0x29: {  	[tilespmem:s2], [sflag:$0x5] =	stream.linear.gather [hbm4b:s6+s2], $0x5000, $0x38;
	[tilespmem:$0xD000] =	vst v63  }
0x2a: {  	_ =	swait.ge [sflag:s16], $0x5000  }
0x2b: {  	[sflag:s16] =	ssyncset.done $0x0  }
0x2c: {  	[sflag:s16] =	ssyncadd.s32 $0xFFFFB000  }
0x2d: {  	[tilespmem:s18], [sflag:$0x1] =	stream.indirect.gather [hbm4b:s4+s17], $0x80, s2, s17, $0xb8;
	[tilespmem:$0xD000] =	vst v63  }
0x2e: {  	_ =	swait.ge [sflag:s19], $0x4000  }
0x2f: {  	[sflag:s19] =	ssyncset.done $0x0  }
0x30: {  	[sflag:s19] =	ssyncadd.s32 $0xFFFFC000  }
0x31: {  	[tilespmem:s20], [sflag:$0x2] =	stream.indirect.gather [hbm4b:s4+s17], $0x80, s17, s17, $0xb8;
	[tilespmem:$0xD000] =	vst v63  }
0x32: {  	_ = 	snop  }
0x33: {  	[hbm4b:s10+s2] =	stream.linear.scatter [tilespmem:s18], [sflag:$0x3], $0x4000, $0x38;
	[tilespmem:$0xD000] =	vst v63  }
0x34: {  	_ =	swait.ge [sflag:s21], $0x4000  }
0x35: {  	[sflag:s21] =	ssyncset.done $0x0  }
0x36: {  	[sflag:s21] =	ssyncadd.s32 $0xFFFFC000  }
0x37: {  	_ =	swait.ge [sflag:s22], $0x4000  }
0x38: {  	[sflag:s22] =	ssyncset.done $0x0  }
0x39: {  	[sflag:s22] =	ssyncadd.s32 $0xFFFFC000  }
0x3a: {  	[tilespmem:s18], [sflag:$0x1] =	stream.indirect.gather [hbm4b:s4+s17], $0x80, s23, s17, $0xb8;
	[tilespmem:$0xD000] =	vst v63  }
0x3b: {  	_ = 	snop  }
0x3c: {  	[hbm4b:s11+s2] =	stream.linear.scatter [tilespmem:s20], [sflag:$0x4], $0x4000, $0x38;
	[tilespmem:$0xD000] =	vst v63  }
0x3d: {  	_ =	swait.ge [sflag:s19], $0x4000  }
0x3e: {  	[sflag:s19] =	ssyncset.done $0x0  }
0x3f: {  	[sflag:s19] =	ssyncadd.s32 $0xFFFFC000  }
0x40: {  	_ =	swait.ge [sflag:s24], $0x4000  }
0x41: {  	[sflag:s24] =	ssyncset.done $0x0  }
0x42: {  	s28 =	simm.s32 $0x180;
	s29 =	sadd.s32 $0xFFFB2000, s10;
	[sflag:s24] =	ssyncadd.s32 $0xFFFFC000  }
0x43: {  	[tilespmem:s20], [sflag:$0x2] =	stream.indirect.gather [hbm4b:s4+s17], $0x80, s28, s17, $0xb8;
	[tilespmem:$0xD000] =	vst v63  }
0x44: {  	s28 =	sadd.s32 $0x4F000, s29  }
0x45: {  	[hbm4b:s28+s2] =	stream.linear.scatter [tilespmem:s18], [sflag:$0x3], $0x4000, $0x38;
	[tilespmem:$0xD000] =	vst v63  }
0x46: {  	_ =	swait.ge [sflag:s21], $0x4000  }
0x47: {  	[sflag:s21] =	ssyncset.done $0x0  }
0x48: {  	[sflag:s21] =	ssyncadd.s32 $0xFFFFC000  }
0x49: {  	_ =	swait.ge [sflag:s22], $0x4000  }
0x4a: {  	[sflag:s22] =	ssyncset.done $0x0  }
0x4b: {  	s28 =	simm.s32 $0x200;
	[sflag:s22] =	ssyncadd.s32 $0xFFFFC000  }
0x4c: {  	[tilespmem:s18], [sflag:$0x1] =	stream.indirect.gather [hbm4b:s4+s17], $0x80, s28, s17, $0xb8;
	[tilespmem:$0xD000] =	vst v63  }
0x4d: {  	s30 =	sadd.s32 $0x4F800, s29;
	s29 =	simm.s32 $0x300;
	s28 =	simm.s32 $0xFFFB3000  }
.LBB2_6:
0x4e: {  	[hbm4b:s30+s2] =	stream.linear.scatter [tilespmem:s20], [sflag:$0x4], $0x4000, $0x38;
	[tilespmem:$0xD000] =	vst v63  }
0x4f: {  	s30 =	smov.u32 s28  }
0x50: {  	p1 =	sne.s32 s28, $0xFFFFF000;
	s28 =	sadd.s32 $0x1000, s28;
	_ =	swait.ge [sflag:s19], $0x4000  }
0x51: {  	[sflag:s19] =	ssyncset.done $0x0  }
0x52: {  	[sflag:s19] =	ssyncadd.s32 $0xFFFFC000  }
0x53: {  	_ =	swait.ge [sflag:s24], $0x4000  }
0x54: {  	[sflag:s24] =	ssyncset.done $0x0  }
0x55: {  	s31 =	sadd.s32 $0xFFFFFF80, s29;
	s30 =	sadd.s32 s30, s10;
	[sflag:s24] =	ssyncadd.s32 $0xFFFFC000  }
0x56: {  	[tilespmem:s20], [sflag:$0x2] =	stream.indirect.gather [hbm4b:s4+s17], $0x80, s31, s17, $0xb8;
	[tilespmem:$0xD000] =	vst v63  }
0x57: {  	s31 =	sadd.s32 $0x4F000, s30  }
0x58: {  	[hbm4b:s31+s2] =	stream.linear.scatter [tilespmem:s18], [sflag:$0x3], $0x4000, $0x38;
	[tilespmem:$0xD000] =	vst v63  }
0x59: {  	_ =	swait.ge [sflag:s21], $0x4000  }
0x5a: {  	[sflag:s21] =	ssyncset.done $0x0  }
0x5b: {  	[sflag:s21] =	ssyncadd.s32 $0xFFFFC000  }
.Ltmp3:
0x5c: {  	_ =	swait.ge [sflag:s22], $0x4000;
	(pc) =	sbr.rel @p1 .LBB2_6-.Ltmp3, $4  }
0x5d: {  	[sflag:s22] =	ssyncset.done $0x0  }
0x5e: {  	[sflag:s22] =	ssyncadd.s32 $0xFFFFC000  }
0x5f: {  	[tilespmem:s18], [sflag:$0x1] =	stream.indirect.gather [hbm4b:s4+s17], $0x80, s29, s17, $0xb8;
	[tilespmem:$0xD000] =	vst v63  }
0x60: {  	s30 =	sadd.s32 $0x4F800, s30;
	s29 =	sadd.s32 $0x100, s29  }
.Ltmp4:
0x61: {  	_ = 	snop;
	(pc) =	sbr.rel .LBB2_7-.Ltmp4, $1  }
0x62: {  	_ =	sdelay $0x3  }
.LBB2_2:
0x63: {  	[tilespmem:s2], [sflag:$0x5] =	stream.linear.gather [hbm4b:s5+s2], $0x5000, $0x38;
	[tilespmem:$0xD000] =	vst v63  }
0x64: {  	_ =	swait.ge [sflag:s16], $0x5000  }
0x65: {  	[sflag:s16] =	ssyncset.done $0x0  }
0x66: {  	[sflag:s16] =	ssyncadd.s32 $0xFFFFB000  }
0x67: {  	[tilespmem:s18], [sflag:$0x1] =	stream.indirect.gather [hbm4b:s3+s17], $0x80, s2, s17, $0xb8;
	[tilespmem:$0xD000] =	vst v63  }
0x68: {  	_ =	swait.ge [sflag:s19], $0x4000  }
0x69: {  	[sflag:s19] =	ssyncset.done $0x0  }
0x6a: {  	[sflag:s19] =	ssyncadd.s32 $0xFFFFC000  }
0x6b: {  	[tilespmem:s20], [sflag:$0x2] =	stream.indirect.gather [hbm4b:s3+s17], $0x80, s17, s17, $0xb8;
	[tilespmem:$0xD000] =	vst v63  }
0x6c: {  	_ = 	snop  }
0x6d: {  	[hbm4b:s8+s2] =	stream.linear.scatter [tilespmem:s18], [sflag:$0x3], $0x4000, $0x38;
	[tilespmem:$0xD000] =	vst v63  }
0x6e: {  	_ =	swait.ge [sflag:s21], $0x4000  }
0x6f: {  	[sflag:s21] =	ssyncset.done $0x0  }
0x70: {  	[sflag:s21] =	ssyncadd.s32 $0xFFFFC000  }
0x71: {  	_ =	swait.ge [sflag:s22], $0x4000  }
0x72: {  	[sflag:s22] =	ssyncset.done $0x0  }
0x73: {  	[sflag:s22] =	ssyncadd.s32 $0xFFFFC000  }
0x74: {  	[tilespmem:s18], [sflag:$0x1] =	stream.indirect.gather [hbm4b:s3+s17], $0x80, s23, s17, $0xb8;
	[tilespmem:$0xD000] =	vst v63  }
0x75: {  	_ = 	snop  }
0x76: {  	[hbm4b:s9+s2] =	stream.linear.scatter [tilespmem:s20], [sflag:$0x4], $0x4000, $0x38;
	[tilespmem:$0xD000] =	vst v63  }
0x77: {  	_ =	swait.ge [sflag:s19], $0x4000  }
0x78: {  	[sflag:s19] =	ssyncset.done $0x0  }
0x79: {  	[sflag:s19] =	ssyncadd.s32 $0xFFFFC000  }
0x7a: {  	_ =	swait.ge [sflag:s24], $0x4000  }
0x7b: {  	[sflag:s24] =	ssyncset.done $0x0  }
0x7c: {  	s28 =	simm.s32 $0x180;
	s29 =	sadd.s32 $0xFFFB2000, s8;
	[sflag:s24] =	ssyncadd.s32 $0xFFFFC000  }
0x7d: {  	[tilespmem:s20], [sflag:$0x2] =	stream.indirect.gather [hbm4b:s3+s17], $0x80, s28, s17, $0xb8;
	[tilespmem:$0xD000] =	vst v63  }
0x7e: {  	s28 =	sadd.s32 $0x4F000, s29  }
0x7f: {  	[hbm4b:s28+s2] =	stream.linear.scatter [tilespmem:s18], [sflag:$0x3], $0x4000, $0x38;
	[tilespmem:$0xD000] =	vst v63  }
0x80: {  	_ =	swait.ge [sflag:s21], $0x4000  }
0x81: {  	[sflag:s21] =	ssyncset.done $0x0  }
0x82: {  	[sflag:s21] =	ssyncadd.s32 $0xFFFFC000  }
0x83: {  	_ =	swait.ge [sflag:s22], $0x4000  }
0x84: {  	[sflag:s22] =	ssyncset.done $0x0  }
0x85: {  	s28 =	simm.s32 $0x200;
	[sflag:s22] =	ssyncadd.s32 $0xFFFFC000  }
0x86: {  	[tilespmem:s18], [sflag:$0x1] =	stream.indirect.gather [hbm4b:s3+s17], $0x80, s28, s17, $0xb8;
	[tilespmem:$0xD000] =	vst v63  }
0x87: {  	s30 =	sadd.s32 $0x4F800, s29;
	s29 =	simm.s32 $0x300;
	s28 =	simm.s32 $0xFFFB3000  }
.LBB2_3:
0x88: {  	[hbm4b:s30+s2] =	stream.linear.scatter [tilespmem:s20], [sflag:$0x4], $0x4000, $0x38;
	[tilespmem:$0xD000] =	vst v63  }
0x89: {  	s30 =	smov.u32 s28  }
0x8a: {  	p1 =	seq.s32 s28, $0xFFFFF000;
	s28 =	sadd.s32 $0x1000, s28;
	_ =	swait.ge [sflag:s19], $0x4000  }
0x8b: {  	[sflag:s19] =	ssyncset.done $0x0  }
0x8c: {  	[sflag:s19] =	ssyncadd.s32 $0xFFFFC000  }
0x8d: {  	_ =	swait.ge [sflag:s24], $0x4000  }
0x8e: {  	[sflag:s24] =	ssyncset.done $0x0  }
0x8f: {  	s31 =	sadd.s32 $0xFFFFFF80, s29;
	s30 =	sadd.s32 s30, s8;
	[sflag:s24] =	ssyncadd.s32 $0xFFFFC000  }
0x90: {  	[tilespmem:s20], [sflag:$0x2] =	stream.indirect.gather [hbm4b:s3+s17], $0x80, s31, s17, $0xb8;
	[tilespmem:$0xD000] =	vst v63  }
0x91: {  	s31 =	sadd.s32 $0x4F000, s30  }
0x92: {  	[hbm4b:s31+s2] =	stream.linear.scatter [tilespmem:s18], [sflag:$0x3], $0x4000, $0x38;
	[tilespmem:$0xD000] =	vst v63  }
0x93: {  	_ =	swait.ge [sflag:s21], $0x4000  }
0x94: {  	[sflag:s21] =	ssyncset.done $0x0  }
0x95: {  	[sflag:s21] =	ssyncadd.s32 $0xFFFFC000  }
.Ltmp5:
0x96: {  	_ =	swait.ge [sflag:s22], $0x4000;
	(pc) =	sbr.rel @!p1 .LBB2_3-.Ltmp5, $4  }
0x97: {  	[sflag:s22] =	ssyncset.done $0x0  }
0x98: {  	[sflag:s22] =	ssyncadd.s32 $0xFFFFC000  }
0x99: {  	[tilespmem:s18], [sflag:$0x1] =	stream.indirect.gather [hbm4b:s3+s17], $0x80, s29, s17, $0xb8;
	[tilespmem:$0xD000] =	vst v63  }
0x9a: {  	s30 =	sadd.s32 $0x4F800, s30;
	s29 =	sadd.s32 $0x100, s29  }
0x9b: {  	[hbm4b:s30+s2] =	stream.linear.scatter [tilespmem:s20], [sflag:$0x4], $0x4000, $0x38;
	[tilespmem:$0xD000] =	vst v63  }
0x9c: {  	_ =	swait.ge [sflag:s19], $0x4000  }
0x9d: {  	[sflag:s19] =	ssyncset.done $0x0  }
0x9e: {  	[sflag:s19] =	ssyncadd.s32 $0xFFFFC000  }
0x9f: {  	_ =	swait.ge [sflag:s24], $0x4000  }
0xa0: {  	[sflag:s24] =	ssyncset.done $0x0  }
0xa1: {  	[sflag:s24] =	ssyncadd.s32 $0xFFFFC000  }
0xa2: {  	[tilespmem:s20], [sflag:$0x2] =	stream.indirect.gather [hbm4b:s3+s17], $0x80, s25, s17, $0xb8;
	[tilespmem:$0xD000] =	vst v63  }
0xa3: {  	_ = 	snop  }
0xa4: {  	[hbm4b:s12+s2] =	stream.linear.scatter [tilespmem:s18], [sflag:$0x3], $0x4000, $0x38;
	[tilespmem:$0xD000] =	vst v63  }
.Ltmp6:
0xa5: {  	_ = 	snop;
	(pc) =	sbr.rel .LBB2_8-.Ltmp6, $4  }
0xa6: {  	_ =	swait.ge [sflag:s21], $0x4000  }
0xa7: {  	[sflag:s21] =	ssyncset.done $0x0  }
0xa8: {  	[sflag:s21] =	ssyncadd.s32 $0xFFFFC000  }
0xa9: {  	[hbm4b:s13+s2] =	stream.linear.scatter [tilespmem:s20], [sflag:$0x4], $0x4000, $0x38;
	[tilespmem:$0xD000] =	vst v63  }
.LBB2_9:
0xaa: {  	_ =	sfence.sel $0x180000  }
0xab: {  	[bflag:$0x0] =	sbarrier.arrive $0xFFFF  }
0xac: {  	p0 =	sne.s32 s1, $0x0;
	_ =	strace $0x90000050  }
0xad: {  	s0 =	sadd.s32 @!p0 $0x100000, s0;
	[bflag:$0x2] =	sbarrier.arrive $0xFFFF  }
0xae: {  	[sflag:s0] =	ssyncadd.tile.s32 @!p0 $0x1;
	_ =	shalt  }
.Lfunc_end2:
_tile_overlayer_lowered:
.L_overlay_start_2:
0xaf: {  	(tag) =	ssettag $0x2  }
0xb0: {  	s0 =	rddreg [dreg:$0x0];
	s2 =	stileid.u32  }
0xb1: {  	s1 =	rddreg [dreg:$0x1];
	p0 =	sne.s32 s2, $0x0  }
0xb2: {  	s3 =	rddreg [dreg:$0x2];
	[bflag:$0x3] =	sbarrier.arrive $0xFFFF;
	s2 =	simm.s32 @!p0 $0x1C05  }
0xb3: {  	[timem:s3], [sflag:s2] =	dma.local @!p0 [hbm:s0], s1  }
0xb4: {  	s0 =	simm.s32 @!p0 $0x5  }
0xb5: {  	_ =	swait.ge @!p0 [sflag:s0], s1  }
0xb6: {  	s1 =	ssub.s32 @!p0 $0x0, s1;
	[sflag:s0] =	ssyncset.done @!p0 $0x0  }
0xb7: {  	[sflag:s0] =	ssyncadd.s32 @!p0 s1  }
0xb8: {  	[bflag:$0x3] =	sbarrier.arrive $0xFFFF  }
0xb9: {  	_ =	shalt  }

// kernel: kernel.32.cloned.1.call-start
scs
__scs_entry_jumppad:
0x0: {  	(pc) =	sbr.rel $0x88, $3  }
0x1: {  	(tag) =	ssettag $0x0;
	lr =	simm.s32 $0x1  }
0x2: {  	[smem:$0x3F5E] =	sst lr;
	_ =	strace $0xD0000000  }
0x3: {  	_ = 	snop  }
0x4: {  	_ = 	snop  }
0x5: {  	_ = 	snop  }
0x6: {  	_ = 	snop  }
0x7: {  	_ = 	snop  }
__scs_overlays_trampoline_lowered:
0x8: {  	[smem:$0x3F6D] =	sst s0  }
0x9: {  	[smem:$0x3F6E] =	sst s1  }
0xa: {  	[smem:$0x3F6F] =	sst s2  }
0xb: {  	[smem:$0x3F70] =	sst s3  }
0xc: {  	[smem:$0x3F71] =	sst s4  }
0xd: {  	[smem:$0x3F72] =	sst s5  }
0xe: {  	[smem:$0x3F73] =	sst s6  }
0xf: {  	[smem:$0x3F74] =	sst s7  }
0x10: {  	[smem:$0x3F75] =	sst s8  }
0x11: {  	[smem:$0x3F76] =	sst s9;
	s0 =	simm.s32 @!p0 $0x0  }
0x12: {  	s1 =	sld [smem:$0x3F5C];
	s0 =	simm.s32 @p0 $0x1  }
0x13: {  	[smem:$0x3F77] =	sst s0;
	s0 =	simm.s32 @!p1 $0x0  }
0x14: {  	s2 =	sld [smem:$0x3F5B];
	s0 =	simm.s32 @p1 $0x1  }
0x15: {  	[smem:$0x3F78] =	sst s0;
	s0 =	simm.s32 @!p2 $0x0  }
0x16: {  	s3 =	sld [smem:$0x3FDB];
	s0 =	simm.s32 @p2 $0x1  }
0x17: {  	s4 =	simm.s32 $0x1BF5;
	[smem:$0x3F7A] =	sst s0  }
0x18: {  	s0 =	sld [smem:$0x3F5D];
	_ =	swait.ge [sflag:s4], $0x0  }
0x19: {  	s7 =	sld [smem:$0x3F5E]  }
0x1a: {  	s8 =	sadd.s32 $0xFFFFE003, lr  }
0x1b: {  	s9 =	sadd.s32 $0xFFFFFEF7, lr;
	s5 =	simm.s32 $0xFFFFFFFF;
	p2 =	slt.u32 s8, $0xFFFFF086  }
0x1c: {  	p1 =	slt.u32 s9, $0xF7A;
	s5 =	simm.s32 @!p2 $0x0  }
0x1d: {  	s5 =	simm.s32 @p1 $0x1;
	p0 =	seq.s32 s7, s2  }
0x1e: {  	s7 =	smul.u32 @!p0 $0xF7A, s2;
	p2 =	seq.s32 @!p0 s5, $0x0  }
0x1f: {  	s9 =	smul.u32 $0xF7A, s1;
	s8 =	simm.s32 @!p0 $0x1BF5;
	p2 =	por !p2, p0  }
0x20: {  	[sflag:s8] =	ssyncset.s32 @!p0 $0xFFFFF086;
	s6 =	sadd.s32 @!p0 s3, s7;
	s7 =	simm.s32 @!p0 $0x108  }
0x21: {  	s3 =	sadd.s32 s3, s9;
	s6 =	sadd.s32 @!p0 $0x88, s6;
	s7 =	simm.s32 @p2 $0x1082  }
0x22: {  	[simem:s7], [sflag:s8] =	dma.local @!p0 [hbm:s6], $0xF7A  }
0x23: {  	s9 =	sor.u32 $0xD0000000, s2;
	s6 =	simm.s32 $0x108;
	_ =	swait.ge @!p0 [sflag:s8], $0x0  }
0x24: {  	s3 =	sadd.s32 $0x88, s3;
	s6 =	simm.s32 @!p1 $0x1082;
	[sflag:s4] =	ssyncset.s32 $0xFFFFF086  }
0x25: {  	[simem:s6], [sflag:s4] =	dma.local [hbm:s3], $0xF7A  }
0x26: {  	[smem:$0x3F5E] =	sst s1;
	(tag) =	ssettag s2;
	_ =	strace s9  }
0x27: {  	s1 =	sld [smem:$0x3F6E]  }
0x28: {  	s2 =	sld [smem:$0x3F6F]  }
0x29: {  	s4 =	sld [smem:$0x3F71]  }
0x2a: {  	p0 =	seq.s32 s5, $0x0;
	s5 =	sld [smem:$0x3F72]  }
0x2b: {  	s6 =	sld [smem:$0x3F73]  }
0x2c: {  	s7 =	sld [smem:$0x3F74]  }
0x2d: {  	s3 =	simm.s32 $0x108;
	s8 =	sld [smem:$0x3F75]  }
0x2e: {  	s3 =	simm.s32 @!p0 $0x1082;
	s9 =	sld [smem:$0x3F76]  }
0x2f: {  	lr =	sadd.s32 s0, s3;
	s0 =	sld [smem:$0x3F6D]  }
0x30: {  	s3 =	sld [smem:$0x3F70]  }
0x31: {  	[smem:$0x3F79] =	sst s10  }
0x32: {  	s10 =	sld [smem:$0x3F77];
	_ =	sdelay $0x3  }
0x33: {  	p0 =	seq.s32 s10, $0x1;
	s10 =	sld [smem:$0x3F79];
	_ =	sdelay $0x3  }
0x34: {  	[smem:$0x3F79] =	sst s10  }
0x35: {  	s10 =	sld [smem:$0x3F78];
	_ =	sdelay $0x3  }
0x36: {  	p1 =	seq.s32 s10, $0x1;
	s10 =	sld [smem:$0x3F79];
	_ =	sdelay $0x3  }
0x37: {  	[smem:$0x3F79] =	sst s10  }
0x38: {  	s10 =	sld [smem:$0x3F7A]  }
0x39: {  	_ = 	snop;
	(pc) =	sbr.ind lr, $3  }
0x3a: {  	_ = 	snop  }
0x3b: {  	_ = 	snop  }
0x3c: {  	p2 =	seq.s32 s10, $0x1;
	s10 =	sld [smem:$0x3F79]  }
0x3d: {  	_ =	shalt  }
0x3e: {  	_ =	shalt  }
0x3f: {  	_ =	shalt  }
0x40: {  	_ =	shalt  }
0x41: {  	_ =	shalt  }
0x42: {  	_ =	shalt  }
0x43: {  	_ =	shalt  }
0x44: {  	_ =	shalt  }
0x45: {  	_ =	shalt  }
0x46: {  	_ =	shalt  }
0x47: {  	_ =	shalt  }
0x48: {  	_ =	shalt  }
0x49: {  	_ =	shalt  }
0x4a: {  	_ =	shalt  }
0x4b: {  	_ =	shalt  }
0x4c: {  	_ =	shalt  }
0x4d: {  	_ =	shalt  }
0x4e: {  	_ =	shalt  }
0x4f: {  	_ =	shalt  }
0x50: {  	_ =	shalt  }
0x51: {  	_ =	shalt  }
0x52: {  	_ =	shalt  }
0x53: {  	_ =	shalt  }
0x54: {  	_ =	shalt  }
0x55: {  	_ =	shalt  }
0x56: {  	_ =	shalt  }
0x57: {  	_ =	shalt  }
0x58: {  	_ =	shalt  }
0x59: {  	_ =	shalt  }
0x5a: {  	_ =	shalt  }
0x5b: {  	_ =	shalt  }
0x5c: {  	_ =	shalt  }
0x5d: {  	_ =	shalt  }
0x5e: {  	_ =	shalt  }
0x5f: {  	_ =	shalt  }
0x60: {  	_ =	shalt  }
0x61: {  	_ =	shalt  }
0x62: {  	_ =	shalt  }
0x63: {  	_ =	shalt  }
0x64: {  	_ =	shalt  }
0x65: {  	_ =	shalt  }
0x66: {  	_ =	shalt  }
0x67: {  	_ =	shalt  }
0x68: {  	_ =	shalt  }
0x69: {  	_ =	shalt  }
0x6a: {  	_ =	shalt  }
0x6b: {  	_ =	shalt  }
0x6c: {  	_ =	shalt  }
0x6d: {  	_ =	shalt  }
0x6e: {  	_ =	shalt  }
0x6f: {  	_ =	shalt  }
0x70: {  	_ =	shalt  }
0x71: {  	_ =	shalt  }
0x72: {  	_ =	shalt  }
0x73: {  	_ =	shalt  }
0x74: {  	_ =	shalt  }
0x75: {  	_ =	shalt  }
0x76: {  	_ =	shalt  }
0x77: {  	_ =	shalt  }
0x78: {  	_ =	shalt  }
0x79: {  	_ =	shalt  }
0x7a: {  	_ =	shalt  }
0x7b: {  	_ =	shalt  }
0x7c: {  	_ =	shalt  }
0x7d: {  	_ =	shalt  }
0x7e: {  	_ =	shalt  }
0x7f: {  	_ =	shalt  }
0x80: {  	_ =	shalt  }
0x81: {  	_ =	shalt  }
0x82: {  	_ =	shalt  }
0x83: {  	_ =	shalt  }
0x84: {  	_ =	shalt  }
0x85: {  	_ =	shalt  }
0x86: {  	_ =	shalt  }
0x87: {  	_ =	shalt  }
.Lfunc_end0:
.L_simem_size_0:
called_computation.4_lowered:
.L_overlay_start_0:
0x88: {  	s2 =	sld [smem:$0x3FD9]  }
0x89: {  	s3 =	sld [smem:$0x3FFE];
	_ =	sdelay $0x1  }
0x8a: {  	s1 =	srdreg.scid  }
0x8b: {  	s0 =	sand.u32 $0x1, s1  }
0x8c: {  	s17 =	sshll.u32 s0, $0xA;
	s2 =	sadd.s32 s3, s2  }
0x8d: {  	s2 =	sadd.s32 s2, s17  }
0x8e: {  	[smem:$0x3F85] =	sst s2  }
0x8f: {  	_ = 	snop  }
0x90: {  	s2 =	sld [smem:$0x3FD0];
	(tm) =	ssettm $0x1  }
0x91: {  	s18 =	sld [smem:$0x3FFB];
	_ =	sdelay $0x3  }
0x92: {  	_ =	strace s18  }
0x93: {  	s3 =	sld [smem:$0x3FFC];
	_ =	sdelay $0x3  }
0x94: {  	_ =	strace s3  }
0x95: {  	s3 =	sld [smem:$0x3FFD];
	_ =	sdelay $0x3  }
0x96: {  	_ =	strace s3  }
0x97: {  	_ =	strace $0x8FFFFFFF  }
0x98: {  	s19 =	sld [smem:$0x3FDB];
	_ =	sdelay $0x1  }
0x99: {  	s4 =	simm.s32 $_scs_section_size  }
0x9a: {  	s5 =	simm.s32 $_size__tile_overlayer_lowered;
	s6 =	simm.s32 $_tile_overlayer_lowered  }
0x9b: {  	s22 =	simm.s32 $0x1BFF;
	s21 =	sshll.u32 s6, $0x1;
	s3 =	sadd.s32 s4, s19  }
0x9c: {  	s7 =	simm.s32 $0x0;
	s20 =	sshll.u32 s5, $0x1;
	s5 =	sadd.s32 s21, s3  }
0x9d: {  	[timem:s7], [sflag:s22] =	dma.local [hbm:s5], s20  }
0x9e: {  	_ =	swait.ge [sflag:s22], s20  }
0x9f: {  	s4 =	ssub.s32 $0x0, s20;
	[sflag:s22] =	ssyncset.done $0x0  }
0xa0: {  	[sflag:s22] =	ssyncadd.s32 s4;
	_ =	sdelay $0x1  }
0xa1: {  	s23 =	simm.s32 $0x1B8B  }
0xa2: {  	_ =	swait.ge [sflag:s23], $0x1  }
0xa3: {  	[sflag:s23] =	ssyncset.done $0x0  }
0xa4: {  	s25 =	simm.s32 $0x1B8E;
	s24 =	sld [smem:$0x3FFE];
	[sflag:s23] =	ssyncadd.s32 $0xFFFFFFFF  }
0xa5: {  	s26 =	simm.s32 $execute0_lowered;
	[smem:$0x3FD2] =	sst s25  }
0xa6: {  	s5 =	sshll.u32 s26, $0x1;
	_ =	strace $0x80000052;
	[dreg:$0x1] =	wrdreg $0xFFFFFFFF  }
0xa7: {  	s28 =	simm.s32 $_size_execute0_lowered;
	s3 =	sadd.s32 s3, s5;
	[dreg:$0x0] =	wrdreg $0x0  }
0xa8: {  	s5 =	sshll.u32 s28, $0x1;
	[dreg:$0x2] =	wrdreg s3  }
0xa9: {  	[dreg:$0x3] =	wrdreg s5  }
0xaa: {  	[dreg:$0x4] =	wrdreg $0xC0  }
0xab: {  	_ =	task [dreg:s7], $0x5FFFF  }
0xac: {  	[dreg:$0x1] =	wrdreg $0xFFFFFFFF  }
0xad: {  	[dreg:$0x0] =	wrdreg $0x60  }
0xae: {  	[dreg:$0x2] =	wrdreg s24  }
0xaf: {  	[dreg:$0x3] =	wrdreg s2  }
0xb0: {  	[dreg:$0x4] =	wrdreg $0x0  }
0xb1: {  	[dreg:$0x5] =	wrdreg $0x9  }
0xb2: {  	_ =	task.clear_ibuf [dreg:s7], $0x6FFFF;
	_ =	strace $0x90000052  }
0xb3: {  	s29 =	simm.s32 $0x9;
	_ =	strace $0x80000054  }
0xb4: {  	_ =	swait.ge [sflag:s29], $0x1  }
0xb5: {  	[sflag:s29] =	ssyncadd.s32 $0xFFFFFFFF  }
0xb6: {  	_ =	strace $0x90000054  }
0xb7: {  	_ =	sfence  }
0xb8: {  	s30 =	sld [smem:$0x0];
	_ =	sdelay $0x2  }
0xb9: {  	s31 =	sshll.u32 s1, $0xD;
	s1 =	sshrl.u32 s1, $0x2  }
0xba: {  	s3 =	sand.u32 $0x4000, s31;
	s1 =	sadd.s32 s1, s30  }
0xbb: {  	s0 =	sor.u32 s3, s0;
	s1 =	sshll.u32 s1, $0x11  }
0xbc: {  	s0 =	sor.u32 s1, s0  }
0xbd: {  	s0 =	sadd.s32 $0x8F2B, s0  }
0xbe: {  	[sflag:s0] =	ssyncadd.remote.s32 $0x1  }
0xbf: {  	_ =	sfence.sel $0xFFFF  }
0xc0: {  	[dreg:$0x0] =	wrdreg $0xFFFFFFFF;
	(pc) =	sbr.abs _section_cstart, $3  }
0xc1: {  	[dreg:$0x1] =	wrdreg $0xFFFFFFFF  }
0xc2: {  	_ =	task.clear_ibuf [dreg:s7], $0x2FFFF;
	_ =	strace $0x9FFFFFFF  }
0xc3: {  	(tm) =	ssettm $0x7FFFFFFF  }
tec
execute0_lowered:
.L_overlay_start_1:
0x0: {  	(tag) =	ssettag $0x1  }
0x1: {  	s0 =	rddreg [dreg:$0x0]  }
0x2: {  	s12 =	rddreg [dreg:$0x1]  }
0x3: {  	s2 =	rddreg [dreg:$0x2]  }
0x4: {  	s3 =	simm.s32 $0x0;
	s4 =	srdreg.scid;
	s1 =	stileid.u32  }
0x5: {  	s18 =	simm.s32 $0x5;
	s28 =	simm.s32 $0x3;
	s19 =	smul.u32 $0x18000, s1  }
0x6: {  	s29 =	simm.s32 $0x4;
	s30 =	simm.s32 $0x0;
	s7 =	smul.u32 $0x30000, s1  }
0x7: {  	[smem:$0x7FF] =	sst s3;
	s5 =	sand.u32 $0x1, s4;
	s8 =	smul.u32 $0xA00, s1  }
0x8: {  	s16 =	sadd.s32 $0x51B600, s0;
	s4 =	sadd.s32 $0x19E00, s0;
	s20 =	smul.u32 $0x280000, s1  }
0x9: {  	s11 =	smul.u32 $0x5000, s1;
	s13 =	sshll.u32 s5, $0x6;
	s5 =	ssub.s32 $0x2, s5  }
0xa: {  	_ =	strace $0x80000053;
	s6 =	sor.u32 s13, s19;
	s9 =	sshrl.u32 s5, $0x1  }
0xb: {  	s7 =	sshrl.u32 s7, $0x2;
	s14 =	sor.u32 s13, s20;
	s10 =	sor.u32 $0x80, s11  }
0xc: {  	s15 =	sor.u32 $0x100, s11;
	s19 =	simm.s32 $0x1C000;
	s20 =	simm.s32 $0x40  }
0xd: {  	s6 =	sshrl.u32 s6, $0x3;
	s9 =	ssub.s32 s5, s9;
	s5 =	sadd.s32 s7, s2  }
0xe: {  	s21 =	sshrl.u32 s14, $0x3;
	s22 =	sshll.u32 s10, $0x7;
	s10 =	sshrl.u32 s10, $0x3  }
0xf: {  	s23 =	sshrl.u32 s15, $0x3;
	s15 =	sshll.u32 s15, $0x7;
	s25 =	sor.u32 $0xC000, s14  }
0x10: {  	s17 =	sor.u32 $0x10000, s14;
	s0 =	sadd.s32 s6, s0;
	s6 =	sadd.s32 s12, s8  }
0x11: {  	s7 =	sadd.s32 s16, s21;
	s9 =	smax.u32 s9, $0x1;
	s10 =	sadd.s32 s12, s10  }
0x12: {  	s12 =	sadd.s32 s12, s23;
	s24 =	sor.u32 s13, s15;
	s26 =	sshrl.u32 s25, $0x3  }
0x13: {  	s31 =	sshrl.u32 s17, $0x3;
	s17 =	simm.s32 $0xC000;
	s21 =	simm.s32 $0x80  }
.Ltmp0:
0x14: {  	s23 =	simm.s32 $0x1;
	s25 =	simm.s32 $0x1A000;
	(pc) =	sbr.rel .LBB2_1-.Ltmp0, $4  }
0x15: {  	s8 =	sadd.s32 $0xB16600, s0;
	s0 =	sor.u32 s13, s22;
	s14 =	sadd.s32 s26, s16  }
0x16: {  	s15 =	sadd.s32 $0x30, s6;
	s22 =	simm.s32 $0x18000;
	s0 =	sshrl.u32 s0, $0x3  }
0x17: {  	s26 =	simm.s32 $0x2;
	s11 =	sadd.s32 s16, s0;
	s0 =	sshrl.u32 s24, $0x3  }
0x18: {  	s24 =	simm.s32 $0x1C080;
	s13 =	sadd.s32 s16, s0;
	s16 =	sadd.s32 s31, s16  }
.LBB2_4:
0x19: {  	[spmem:s2] =	stream.indirect.scatter.add.f32 [tilespmem:s25], [sflag:$0x4], $0x40, s24, s21, $0xb8;
	[tilespmem:$0x1C100] =	vst v63  }
0x1a: {  	_ =	swait.ge [sflag:s28], $0x2000  }
0x1b: {  	[sflag:s28] =	ssyncset.done $0x0  }
0x1c: {  	[sflag:s28] =	ssyncadd.s32 $0xFFFFE000  }
0x1d: {  	_ =	swait.ge [sflag:s29], $0x2000  }
0x1e: {  	[sflag:s29] =	ssyncset.done $0x0  }
0x1f: {  	[sflag:s29] =	ssyncadd.s32 $0xFFFFE000  }
0x20: {  	[bflag:$0x0] =	sbarrier.arrive $0xFFFF  }
0x21: {  	[tilespmem:s17], [sflag:$0x5] =	stream.linear.gather [spmem:s5], $0xC000, $0x38;
	[tilespmem:$0x1C100] =	vst v63  }
0x22: {  	s30 =	sadd.s32 $0x1, s30;
	_ =	swait.ge [sflag:s18], $0xC000  }
0x23: {  	p0 =	sne.s32 s30, s9;
	[sflag:s18] =	ssyncset.done $0x0  }
.Ltmp1:
0x24: {  	[sflag:s18] =	ssyncadd.s32 $0xFFFF4000;
	(pc) =	sbr.rel @!p0 .LBB2_5-.Ltmp1, $4  }
0x25: {  	[hbm4b:s8+s20] =	stream.strided.scatter [tilespmem:s17], [sflag:$0x5], $0xC000, s21, s20, $0x38;
	[tilespmem:$0x1C100] =	vst v63  }
0x26: {  	_ =	swait.ge [sflag:s18], $0xC000  }
0x27: {  	[sflag:s18] =	ssyncset.done $0x0  }
0x28: {  	[sflag:s18] =	ssyncadd.s32 $0xFFFF4000  }
.LBB2_1:
0x29: {  	[tilespmem:s17], [sflag:$0x5] =	stream.linear.gather [hbm4b:s4+s3], $0xC000, $0x38;
	[tilespmem:$0x1C100] =	vst v63  }
0x2a: {  	_ =	swait.ge [sflag:s18], $0xC000  }
0x2b: {  	[sflag:s18] =	ssyncset.done $0x0  }
0x2c: {  	[sflag:s18] =	ssyncadd.s32 $0xFFFF4000  }
0x2d: {  	[spmem:s5] =	stream.linear.scatter [tilespmem:s17], [sflag:$0x5], $0xC000, $0x38;
	[tilespmem:$0x1C100] =	vst v63  }
0x2e: {  	_ =	swait.ge [sflag:s18], $0xC000  }
0x2f: {  	[sflag:s18] =	ssyncset.done $0x0  }
0x30: {  	[sflag:s18] =	ssyncadd.s32 $0xFFFF4000  }
0x31: {  	[bflag:$0x0] =	sbarrier.arrive $0xFFFF  }
0x32: {  	[tilespmem:s19], [sflag:$0x1] =	stream.linear.gather [hbm4b:s6+s3], $0x80, $0x38;
	[tilespmem:$0x1C100] =	vst v63  }
0x33: {  	_ = 	snop  }
0x34: {  	[tilespmem:s22], [sflag:$0x1] =	stream.strided.gather [hbm4b:s7+s20], $0x2000, s21, s20, $0x38;
	[tilespmem:$0x1C100] =	vst v63  }
0x35: {  	_ =	swait.ge [sflag:s23], $0x80  }
0x36: {  	[sflag:s23] =	ssyncset.done $0x0  }
0x37: {  	[sflag:s23] =	ssyncadd.s32 $0xFFFFFF80  }
0x38: {  	_ =	swait.ge [sflag:s23], $0x2000  }
0x39: {  	[sflag:s23] =	ssyncset.done $0x0  }
0x3a: {  	[sflag:s23] =	ssyncadd.s32 $0xFFFFE000  }
0x3b: {  	[tilespmem:s24], [sflag:$0x2] =	stream.linear.gather [hbm4b:s10+s3], $0x80, $0x38;
	[tilespmem:$0x1C100] =	vst v63  }
0x3c: {  	_ = 	snop  }
0x3d: {  	[tilespmem:s25], [sflag:$0x2] =	stream.strided.gather [hbm4b:s11+s20], $0x2000, s21, s20, $0x38;
	[tilespmem:$0x1C100] =	vst v63  }
0x3e: {  	_ = 	snop  }
0x3f: {  	[spmem:s2] =	stream.indirect.scatter.add.f32 [tilespmem:s22], [sflag:$0x3], $0x40, s19, s21, $0xb8;
	[tilespmem:$0x1C100] =	vst v63  }
0x40: {  	_ =	swait.ge [sflag:s26], $0x80  }
0x41: {  	[sflag:s26] =	ssyncset.done $0x0  }
0x42: {  	[sflag:s26] =	ssyncadd.s32 $0xFFFFFF80  }
0x43: {  	_ =	swait.ge [sflag:s26], $0x2000  }
0x44: {  	[sflag:s26] =	ssyncset.done $0x0  }
0x45: {  	[sflag:s26] =	ssyncadd.s32 $0xFFFFE000  }
0x46: {  	_ =	swait.ge [sflag:s28], $0x2000  }
0x47: {  	[sflag:s28] =	ssyncset.done $0x0  }
0x48: {  	[sflag:s28] =	ssyncadd.s32 $0xFFFFE000  }
0x49: {  	[tilespmem:s19], [sflag:$0x1] =	stream.linear.gather [hbm4b:s12+s3], $0x80, $0x38;
	[tilespmem:$0x1C100] =	vst v63  }
0x4a: {  	_ = 	snop  }
0x4b: {  	[tilespmem:s22], [sflag:$0x1] =	stream.strided.gather [hbm4b:s13+s20], $0x2000, s21, s20, $0x38;
	[tilespmem:$0x1C100] =	vst v63  }
0x4c: {  	s31 =	smov.u32 s15;
	s0 =	simm.s32 $0x0  }
0x4d: {  	[spmem:s2] =	stream.indirect.scatter.add.f32 [tilespmem:s25], [sflag:$0x4], $0x40, s24, s21, $0xb8;
	[tilespmem:$0x1C100] =	vst v63  }
.LBB2_2:
0x4e: {  	_ =	swait.ge [sflag:s23], $0x80  }
0x4f: {  	[sflag:s23] =	ssyncset.done $0x0  }
0x50: {  	[sflag:s23] =	ssyncadd.s32 $0xFFFFFF80  }
0x51: {  	_ =	swait.ge [sflag:s23], $0x2000  }
0x52: {  	[sflag:s23] =	ssyncset.done $0x0  }
0x53: {  	[sflag:s23] =	ssyncadd.s32 $0xFFFFE000  }
0x54: {  	_ =	swait.ge [sflag:s29], $0x2000  }
0x55: {  	[sflag:s29] =	ssyncset.done $0x0  }
0x56: {  	[sflag:s29] =	ssyncadd.s32 $0xFFFFE000  }
0x57: {  	[tilespmem:s24], [sflag:$0x2] =	stream.linear.gather [hbm4b:s31+s3], $0x80, $0x38;
	[tilespmem:$0x1C100] =	vst v63  }
0x58: {  	s1 =	sadd.s32 s0, s14  }
0x59: {  	[tilespmem:s25], [sflag:$0x2] =	stream.strided.gather [hbm4b:s1+s20], $0x2000, s21, s20, $0x38;
	[tilespmem:$0x1C100] =	vst v63  }
0x5a: {  	_ = 	snop  }
0x5b: {  	[spmem:s2] =	stream.indirect.scatter.add.f32 [tilespmem:s22], [sflag:$0x3], $0x40, s19, s21, $0xb8;
	[tilespmem:$0x1C100] =	vst v63  }
0x5c: {  	p0 =	seq.s32 s0, $0x4E000;
	_ =	swait.ge [sflag:s26], $0x80  }
.Ltmp2:
0x5d: {  	[sflag:s26] =	ssyncset.done $0x0;
	(pc) =	sbr.rel @p0 .LBB2_4-.Ltmp2, $4  }
0x5e: {  	[sflag:s26] =	ssyncadd.s32 $0xFFFFFF80  }
0x5f: {  	_ =	swait.ge [sflag:s26], $0x2000  }
0x60: {  	[sflag:s26] =	ssyncset.done $0x0  }
0x61: {  	[sflag:s26] =	ssyncadd.s32 $0xFFFFE000  }
0x62: {  	_ =	swait.ge [sflag:s28], $0x2000  }
0x63: {  	[sflag:s28] =	ssyncset.done $0x0  }
0x64: {  	s1 =	sadd.s32 $0x10, s31;
	[sflag:s28] =	ssyncadd.s32 $0xFFFFE000  }
0x65: {  	[tilespmem:s19], [sflag:$0x1] =	stream.linear.gather [hbm4b:s1+s3], $0x80, $0x38;
	[tilespmem:$0x1C100] =	vst v63  }
.Ltmp3:
0x66: {  	_ = 	snop;
	(pc) =	sbr.rel .LBB2_2-.Ltmp3, $4  }
0x67: {  	s1 =	sadd.s32 s0, s16  }
0x68: {  	[tilespmem:s22], [sflag:$0x1] =	stream.strided.gather [hbm4b:s1+s20], $0x2000, s21, s20, $0x38;
	[tilespmem:$0x1C100] =	vst v63  }
0x69: {  	s31 =	sadd.s32 $0x20, s31;
	s0 =	sadd.s32 $0x1000, s0  }
0x6a: {  	[spmem:s2] =	stream.indirect.scatter.add.f32 [tilespmem:s25], [sflag:$0x4], $0x40, s24, s21, $0xb8;
	[tilespmem:$0x1C100] =	vst v63  }
.LBB2_5:
0x6b: {  	_ =	sfence.sel $0x180000  }
0x6c: {  	[bflag:$0x0] =	sbarrier.arrive $0xFFFF  }
0x6d: {  	_ =	strace $0x90000053  }
0x6e: {  	s0 =	stileid.u32;
	[bflag:$0x2] =	sbarrier.arrive $0xFFFF  }
0x6f: {  	p0 =	sne.s32 s0, $0x0;
	s0 =	rddreg [dreg:$0x3]  }
0x70: {  	s0 =	sadd.s32 @!p0 $0x100000, s0  }
0x71: {  	[sflag:s0] =	ssyncadd.tile.s32 @!p0 $0x1;
	_ =	shalt  }
.Lfunc_end2:
_tile_overlayer_lowered:
.L_overlay_start_2:
0x72: {  	(tag) =	ssettag $0x2  }
0x73: {  	s0 =	rddreg [dreg:$0x0];
	s2 =	stileid.u32  }
0x74: {  	s1 =	rddreg [dreg:$0x1];
	p0 =	sne.s32 s2, $0x0  }
0x75: {  	s3 =	rddreg [dreg:$0x2];
	[bflag:$0x3] =	sbarrier.arrive $0xFFFF;
	s2 =	simm.s32 @!p0 $0x1C05  }
0x76: {  	[timem:s3], [sflag:s2] =	dma.local @!p0 [hbm:s0], s1  }
0x77: {  	s0 =	simm.s32 @!p0 $0x5  }
0x78: {  	_ =	swait.ge @!p0 [sflag:s0], s1  }
0x79: {  	s1 =	ssub.s32 @!p0 $0x0, s1;
	[sflag:s0] =	ssyncset.done @!p0 $0x0  }
0x7a: {  	[sflag:s0] =	ssyncadd.s32 @!p0 s1  }
0x7b: {  	[bflag:$0x3] =	sbarrier.arrive $0xFFFF  }
0x7c: {  	_ =	shalt  }

// kernel: kernel.35.cloned.1.call-start
scs
__scs_entry_jumppad:
0x0: {  	(pc) =	sbr.rel $0x88, $3  }
0x1: {  	(tag) =	ssettag $0x0;
	lr =	simm.s32 $0x1  }
0x2: {  	[smem:$0x3F5E] =	sst lr;
	_ =	strace $0xD0000000  }
0x3: {  	_ = 	snop  }
0x4: {  	_ = 	snop  }
0x5: {  	_ = 	snop  }
0x6: {  	_ = 	snop  }
0x7: {  	_ = 	snop  }
__scs_overlays_trampoline_lowered:
0x8: {  	[smem:$0x3F6D] =	sst s0  }
0x9: {  	[smem:$0x3F6E] =	sst s1  }
0xa: {  	[smem:$0x3F6F] =	sst s2  }
0xb: {  	[smem:$0x3F70] =	sst s3  }
0xc: {  	[smem:$0x3F71] =	sst s4  }
0xd: {  	[smem:$0x3F72] =	sst s5  }
0xe: {  	[smem:$0x3F73] =	sst s6  }
0xf: {  	[smem:$0x3F74] =	sst s7  }
0x10: {  	[smem:$0x3F75] =	sst s8  }
0x11: {  	[smem:$0x3F76] =	sst s9;
	s0 =	simm.s32 @!p0 $0x0  }
0x12: {  	s1 =	sld [smem:$0x3F5C];
	s0 =	simm.s32 @p0 $0x1  }
0x13: {  	[smem:$0x3F77] =	sst s0;
	s0 =	simm.s32 @!p1 $0x0  }
0x14: {  	s2 =	sld [smem:$0x3F5B];
	s0 =	simm.s32 @p1 $0x1  }
0x15: {  	[smem:$0x3F78] =	sst s0;
	s0 =	simm.s32 @!p2 $0x0  }
0x16: {  	s3 =	sld [smem:$0x3FDB];
	s0 =	simm.s32 @p2 $0x1  }
0x17: {  	s4 =	simm.s32 $0x1BF5;
	[smem:$0x3F7A] =	sst s0  }
0x18: {  	s0 =	sld [smem:$0x3F5D];
	_ =	swait.ge [sflag:s4], $0x0  }
0x19: {  	s7 =	sld [smem:$0x3F5E]  }
0x1a: {  	s8 =	sadd.s32 $0xFFFFE003, lr  }
0x1b: {  	s9 =	sadd.s32 $0xFFFFFEF7, lr;
	s5 =	simm.s32 $0xFFFFFFFF;
	p2 =	slt.u32 s8, $0xFFFFF086  }
0x1c: {  	p1 =	slt.u32 s9, $0xF7A;
	s5 =	simm.s32 @!p2 $0x0  }
0x1d: {  	s5 =	simm.s32 @p1 $0x1;
	p0 =	seq.s32 s7, s2  }
0x1e: {  	s7 =	smul.u32 @!p0 $0xF7A, s2;
	p2 =	seq.s32 @!p0 s5, $0x0  }
0x1f: {  	s9 =	smul.u32 $0xF7A, s1;
	s8 =	simm.s32 @!p0 $0x1BF5;
	p2 =	por !p2, p0  }
0x20: {  	[sflag:s8] =	ssyncset.s32 @!p0 $0xFFFFF086;
	s6 =	sadd.s32 @!p0 s3, s7;
	s7 =	simm.s32 @!p0 $0x108  }
0x21: {  	s3 =	sadd.s32 s3, s9;
	s6 =	sadd.s32 @!p0 $0x88, s6;
	s7 =	simm.s32 @p2 $0x1082  }
0x22: {  	[simem:s7], [sflag:s8] =	dma.local @!p0 [hbm:s6], $0xF7A  }
0x23: {  	s9 =	sor.u32 $0xD0000000, s2;
	s6 =	simm.s32 $0x108;
	_ =	swait.ge @!p0 [sflag:s8], $0x0  }
0x24: {  	s3 =	sadd.s32 $0x88, s3;
	s6 =	simm.s32 @!p1 $0x1082;
	[sflag:s4] =	ssyncset.s32 $0xFFFFF086  }
0x25: {  	[simem:s6], [sflag:s4] =	dma.local [hbm:s3], $0xF7A  }
0x26: {  	[smem:$0x3F5E] =	sst s1;
	(tag) =	ssettag s2;
	_ =	strace s9  }
0x27: {  	s1 =	sld [smem:$0x3F6E]  }
0x28: {  	s2 =	sld [smem:$0x3F6F]  }
0x29: {  	s4 =	sld [smem:$0x3F71]  }
0x2a: {  	p0 =	seq.s32 s5, $0x0;
	s5 =	sld [smem:$0x3F72]  }
0x2b: {  	s6 =	sld [smem:$0x3F73]  }
0x2c: {  	s7 =	sld [smem:$0x3F74]  }
0x2d: {  	s3 =	simm.s32 $0x108;
	s8 =	sld [smem:$0x3F75]  }
0x2e: {  	s3 =	simm.s32 @!p0 $0x1082;
	s9 =	sld [smem:$0x3F76]  }
0x2f: {  	lr =	sadd.s32 s0, s3;
	s0 =	sld [smem:$0x3F6D]  }
0x30: {  	s3 =	sld [smem:$0x3F70]  }
0x31: {  	[smem:$0x3F79] =	sst s10  }
0x32: {  	s10 =	sld [smem:$0x3F77];
	_ =	sdelay $0x3  }
0x33: {  	p0 =	seq.s32 s10, $0x1;
	s10 =	sld [smem:$0x3F79];
	_ =	sdelay $0x3  }
0x34: {  	[smem:$0x3F79] =	sst s10  }
0x35: {  	s10 =	sld [smem:$0x3F78];
	_ =	sdelay $0x3  }
0x36: {  	p1 =	seq.s32 s10, $0x1;
	s10 =	sld [smem:$0x3F79];
	_ =	sdelay $0x3  }
0x37: {  	[smem:$0x3F79] =	sst s10  }
0x38: {  	s10 =	sld [smem:$0x3F7A]  }
0x39: {  	_ = 	snop;
	(pc) =	sbr.ind lr, $3  }
0x3a: {  	_ = 	snop  }
0x3b: {  	_ = 	snop  }
0x3c: {  	p2 =	seq.s32 s10, $0x1;
	s10 =	sld [smem:$0x3F79]  }
0x3d: {  	_ =	shalt  }
0x3e: {  	_ =	shalt  }
0x3f: {  	_ =	shalt  }
0x40: {  	_ =	shalt  }
0x41: {  	_ =	shalt  }
0x42: {  	_ =	shalt  }
0x43: {  	_ =	shalt  }
0x44: {  	_ =	shalt  }
0x45: {  	_ =	shalt  }
0x46: {  	_ =	shalt  }
0x47: {  	_ =	shalt  }
0x48: {  	_ =	shalt  }
0x49: {  	_ =	shalt  }
0x4a: {  	_ =	shalt  }
0x4b: {  	_ =	shalt  }
0x4c: {  	_ =	shalt  }
0x4d: {  	_ =	shalt  }
0x4e: {  	_ =	shalt  }
0x4f: {  	_ =	shalt  }
0x50: {  	_ =	shalt  }
0x51: {  	_ =	shalt  }
0x52: {  	_ =	shalt  }
0x53: {  	_ =	shalt  }
0x54: {  	_ =	shalt  }
0x55: {  	_ =	shalt  }
0x56: {  	_ =	shalt  }
0x57: {  	_ =	shalt  }
0x58: {  	_ =	shalt  }
0x59: {  	_ =	shalt  }
0x5a: {  	_ =	shalt  }
0x5b: {  	_ =	shalt  }
0x5c: {  	_ =	shalt  }
0x5d: {  	_ =	shalt  }
0x5e: {  	_ =	shalt  }
0x5f: {  	_ =	shalt  }
0x60: {  	_ =	shalt  }
0x61: {  	_ =	shalt  }
0x62: {  	_ =	shalt  }
0x63: {  	_ =	shalt  }
0x64: {  	_ =	shalt  }
0x65: {  	_ =	shalt  }
0x66: {  	_ =	shalt  }
0x67: {  	_ =	shalt  }
0x68: {  	_ =	shalt  }
0x69: {  	_ =	shalt  }
0x6a: {  	_ =	shalt  }
0x6b: {  	_ =	shalt  }
0x6c: {  	_ =	shalt  }
0x6d: {  	_ =	shalt  }
0x6e: {  	_ =	shalt  }
0x6f: {  	_ =	shalt  }
0x70: {  	_ =	shalt  }
0x71: {  	_ =	shalt  }
0x72: {  	_ =	shalt  }
0x73: {  	_ =	shalt  }
0x74: {  	_ =	shalt  }
0x75: {  	_ =	shalt  }
0x76: {  	_ =	shalt  }
0x77: {  	_ =	shalt  }
0x78: {  	_ =	shalt  }
0x79: {  	_ =	shalt  }
0x7a: {  	_ =	shalt  }
0x7b: {  	_ =	shalt  }
0x7c: {  	_ =	shalt  }
0x7d: {  	_ =	shalt  }
0x7e: {  	_ =	shalt  }
0x7f: {  	_ =	shalt  }
0x80: {  	_ =	shalt  }
0x81: {  	_ =	shalt  }
0x82: {  	_ =	shalt  }
0x83: {  	_ =	shalt  }
0x84: {  	_ =	shalt  }
0x85: {  	_ =	shalt  }
0x86: {  	_ =	shalt  }
0x87: {  	_ =	shalt  }
.Lfunc_end0:
.L_simem_size_0:
called_computation.5_lowered:
.L_overlay_start_0:
0x88: {  	s2 =	sld [smem:$0x3FD9]  }
0x89: {  	s3 =	sld [smem:$0x3FFE];
	_ =	sdelay $0x1  }
0x8a: {  	s1 =	srdreg.scid  }
0x8b: {  	s0 =	sand.u32 $0x1, s1  }
0x8c: {  	s17 =	sshll.u32 s0, $0xA;
	s2 =	sadd.s32 s3, s2  }
0x8d: {  	s2 =	sadd.s32 s2, s17  }
0x8e: {  	[smem:$0x3F85] =	sst s2  }
0x8f: {  	_ = 	snop  }
0x90: {  	s2 =	sld [smem:$0x3FD0];
	(tm) =	ssettm $0x1  }
0x91: {  	s18 =	sld [smem:$0x3FFB];
	_ =	sdelay $0x3  }
0x92: {  	_ =	strace s18  }
0x93: {  	s3 =	sld [smem:$0x3FFC];
	_ =	sdelay $0x3  }
0x94: {  	_ =	strace s3  }
0x95: {  	s3 =	sld [smem:$0x3FFD];
	_ =	sdelay $0x3  }
0x96: {  	_ =	strace s3  }
0x97: {  	_ =	strace $0x8FFFFFFF  }
0x98: {  	s19 =	sld [smem:$0x3FDB];
	_ =	sdelay $0x1  }
0x99: {  	s4 =	simm.s32 $_scs_section_size  }
0x9a: {  	s5 =	simm.s32 $_size__tile_overlayer_lowered;
	s6 =	simm.s32 $_tile_overlayer_lowered  }
0x9b: {  	s22 =	simm.s32 $0x1BFF;
	s21 =	sshll.u32 s6, $0x1;
	s3 =	sadd.s32 s4, s19  }
0x9c: {  	s7 =	simm.s32 $0x0;
	s20 =	sshll.u32 s5, $0x1;
	s5 =	sadd.s32 s21, s3  }
0x9d: {  	[timem:s7], [sflag:s22] =	dma.local [hbm:s5], s20  }
0x9e: {  	_ =	swait.ge [sflag:s22], s20  }
0x9f: {  	s4 =	ssub.s32 $0x0, s20;
	[sflag:s22] =	ssyncset.done $0x0  }
0xa0: {  	[sflag:s22] =	ssyncadd.s32 s4;
	_ =	sdelay $0x1  }
0xa1: {  	s23 =	simm.s32 $0x1B8B  }
0xa2: {  	_ =	swait.ge [sflag:s23], $0x1  }
0xa3: {  	[sflag:s23] =	ssyncset.done $0x0  }
0xa4: {  	s25 =	simm.s32 $0x1B8E;
	s24 =	sld [smem:$0x3FFE];
	[sflag:s23] =	ssyncadd.s32 $0xFFFFFFFF  }
0xa5: {  	s26 =	simm.s32 $execute0_lowered;
	[smem:$0x3FD2] =	sst s25  }
0xa6: {  	s5 =	sshll.u32 s26, $0x1;
	_ =	strace $0x80000055;
	[dreg:$0x1] =	wrdreg $0xFFFFFFFF  }
0xa7: {  	s28 =	simm.s32 $_size_execute0_lowered;
	s3 =	sadd.s32 s3, s5;
	[dreg:$0x0] =	wrdreg $0x0  }
0xa8: {  	s5 =	sshll.u32 s28, $0x1;
	[dreg:$0x2] =	wrdreg s3  }
0xa9: {  	[dreg:$0x3] =	wrdreg s5  }
0xaa: {  	[dreg:$0x4] =	wrdreg $0xC0  }
0xab: {  	_ =	task [dreg:s7], $0x5FFFF  }
0xac: {  	[dreg:$0x1] =	wrdreg $0xFFFFFFFF  }
0xad: {  	[dreg:$0x0] =	wrdreg $0x60  }
0xae: {  	[dreg:$0x2] =	wrdreg s24  }
0xaf: {  	[dreg:$0x3] =	wrdreg s2  }
0xb0: {  	[dreg:$0x4] =	wrdreg $0x9  }
0xb1: {  	_ =	task.clear_ibuf [dreg:s7], $0x5FFFF;
	_ =	strace $0x90000055  }
0xb2: {  	s29 =	simm.s32 $0x9;
	_ =	strace $0x80000057  }
0xb3: {  	_ =	swait.ge [sflag:s29], $0x1  }
0xb4: {  	[sflag:s29] =	ssyncadd.s32 $0xFFFFFFFF  }
0xb5: {  	_ =	strace $0x90000057  }
0xb6: {  	_ =	sfence  }
0xb7: {  	s30 =	sld [smem:$0x0];
	_ =	sdelay $0x2  }
0xb8: {  	s31 =	sshll.u32 s1, $0xD;
	s1 =	sshrl.u32 s1, $0x2  }
0xb9: {  	s3 =	sand.u32 $0x4000, s31;
	s1 =	sadd.s32 s1, s30  }
0xba: {  	s0 =	sor.u32 s3, s0;
	s1 =	sshll.u32 s1, $0x11  }
0xbb: {  	s0 =	sor.u32 s1, s0  }
0xbc: {  	s0 =	sadd.s32 $0x8F2B, s0  }
0xbd: {  	[sflag:s0] =	ssyncadd.remote.s32 $0x1  }
0xbe: {  	_ =	sfence.sel $0xFFFF  }
0xbf: {  	[dreg:$0x0] =	wrdreg $0xFFFFFFFF;
	(pc) =	sbr.abs _section_cstart, $3  }
0xc0: {  	[dreg:$0x1] =	wrdreg $0xFFFFFFFF  }
0xc1: {  	_ =	task.clear_ibuf [dreg:s7], $0x2FFFF;
	_ =	strace $0x9FFFFFFF  }
0xc2: {  	(tm) =	ssettm $0x7FFFFFFF  }
0xc3: {  	_ =	shalt  }
tec
execute0_lowered:
.L_overlay_start_1:
0x0: {  	(tag) =	ssettag $0x1  }
0x1: {  	s5 =	rddreg [dreg:$0x0]  }
0x2: {  	s6 =	rddreg [dreg:$0x1]  }
0x3: {  	s0 =	rddreg [dreg:$0x2];
	s2 =	simm.s32 $0x0  }
0x4: {  	s1 =	stileid.u32;
	s8 =	srdreg.scid;
	s17 =	simm.s32 $0x80  }
0x5: {  	s18 =	simm.s32 $0x5000;
	s19 =	simm.s32 $0x1;
	s20 =	simm.s32 $0x9000  }
0x6: {  	s21 =	simm.s32 $0x2;
	s22 =	simm.s32 $0x3;
	s23 =	simm.s32 $0x100  }
0x7: {  	s24 =	simm.s32 $0x4;
	s25 =	simm.s32 $0x4F80;
	s26 =	simm.s32 $0x0  }
0x8: {  	[smem:$0x7FF] =	sst s2;
	s7 =	smul.u32 $0xA00, s1;
	s3 =	sadd.s32 $0xA1B600, s5  }
0x9: {  	s4 =	sadd.s32 $0xA4B600, s5;
	s8 =	sand.u32 $0x1, s8;
	s15 =	sadd.s32 $0xB16600, s5  }
0xa: {  	s13 =	sadd.s32 $0x1B600, s5;
	s12 =	smul.u32 $0x50000, s1;
	_ =	strace $0x80000056  }
0xb: {  	s10 =	ssub.s32 $0x2, s8;
	p0 =	seq.s32 s8, $0x1;
	s9 =	sadd.s32 s7, s5  }
0xc: {  	s31 =	sshrl.u32 s10, $0x1;
	s5 =	sadd.s32 s6, s7;
	s11 =	sor.u32 $0x800, s12  }
.Ltmp0:
0xd: {  	s8 =	sadd.s32 s13, s12;
	s14 =	sadd.s32 $0x4F000, s12;
	(pc) =	sbr.rel .LBB2_1-.Ltmp0, $4  }
0xe: {  	s16 =	sadd.s32 $0x4F800, s12;
	s10 =	ssub.s32 s10, s31;
	s6 =	sadd.s32 $0xFE00, s9  }
0xf: {  	s9 =	sadd.s32 s13, s11;
	s11 =	sadd.s32 s15, s11;
	s7 =	smax.u32 s10, $0x1  }
0x10: {  	s10 =	sadd.s32 s15, s12;
	s12 =	sadd.s32 s13, s14;
	s13 =	sadd.s32 s13, s16  }
0x11: {  	s14 =	sadd.s32 s15, s14;
	s15 =	sadd.s32 s15, s16;
	s16 =	simm.s32 $0x5  }
.LBB2_7:
0x12: {  	[hbm4b:s30+s2] =	stream.linear.scatter [tilespmem:s20], [sflag:$0x4], $0x4000, $0x38;
	[tilespmem:$0xD000] =	vst v63  }
0x13: {  	_ =	swait.ge [sflag:s19], $0x4000  }
0x14: {  	[sflag:s19] =	ssyncset.done $0x0  }
0x15: {  	[sflag:s19] =	ssyncadd.s32 $0xFFFFC000  }
0x16: {  	_ =	swait.ge [sflag:s24], $0x4000  }
0x17: {  	[sflag:s24] =	ssyncset.done $0x0  }
0x18: {  	[sflag:s24] =	ssyncadd.s32 $0xFFFFC000  }
0x19: {  	[tilespmem:s20], [sflag:$0x2] =	stream.indirect.gather [hbm4b:s4+s17], $0x80, s25, s17, $0xb8;
	[tilespmem:$0xD000] =	vst v63  }
0x1a: {  	_ = 	snop  }
0x1b: {  	[hbm4b:s14+s2] =	stream.linear.scatter [tilespmem:s18], [sflag:$0x3], $0x4000, $0x38;
	[tilespmem:$0xD000] =	vst v63  }
0x1c: {  	_ =	swait.ge [sflag:s21], $0x4000  }
0x1d: {  	[sflag:s21] =	ssyncset.done $0x0  }
0x1e: {  	[sflag:s21] =	ssyncadd.s32 $0xFFFFC000  }
0x1f: {  	[hbm4b:s15+s2] =	stream.linear.scatter [tilespmem:s20], [sflag:$0x4], $0x4000, $0x38;
	[tilespmem:$0xD000] =	vst v63  }
.LBB2_8:
0x20: {  	s26 =	sadd.s32 $0x1, s26  }
0x21: {  	_ =	swait.ge [sflag:s22], $0x4000;
	p1 =	sne.s32 s26, s7  }
.Ltmp1:
0x22: {  	[sflag:s22] =	ssyncset.done $0x0;
	(pc) =	sbr.rel @!p1 .LBB2_9-.Ltmp1, $4  }
0x23: {  	[sflag:s22] =	ssyncadd.s32 $0xFFFFC000  }
0x24: {  	_ =	swait.ge [sflag:s24], $0x4000  }
0x25: {  	[sflag:s24] =	ssyncset.done $0x0  }
0x26: {  	[sflag:s24] =	ssyncadd.s32 $0xFFFFC000  }
.LBB2_1:
.Ltmp2:
0x27: {  	(pc) =	sbr.rel @!p0 .LBB2_2-.Ltmp2, $1  }
0x28: {  	_ =	sdelay $0x3  }
0x29: {  	[tilespmem:s2], [sflag:$0x5] =	stream.linear.gather [hbm4b:s6+s2], $0x5000, $0x38;
	[tilespmem:$0xD000] =	vst v63  }
0x2a: {  	_ =	swait.ge [sflag:s16], $0x5000  }
0x2b: {  	[sflag:s16] =	ssyncset.done $0x0  }
0x2c: {  	[sflag:s16] =	ssyncadd.s32 $0xFFFFB000  }
0x2d: {  	[tilespmem:s18], [sflag:$0x1] =	stream.indirect.gather [hbm4b:s4+s17], $0x80, s2, s17, $0xb8;
	[tilespmem:$0xD000] =	vst v63  }
0x2e: {  	_ =	swait.ge [sflag:s19], $0x4000  }
0x2f: {  	[sflag:s19] =	ssyncset.done $0x0  }
0x30: {  	[sflag:s19] =	ssyncadd.s32 $0xFFFFC000  }
0x31: {  	[tilespmem:s20], [sflag:$0x2] =	stream.indirect.gather [hbm4b:s4+s17], $0x80, s17, s17, $0xb8;
	[tilespmem:$0xD000] =	vst v63  }
0x32: {  	_ = 	snop  }
0x33: {  	[hbm4b:s10+s2] =	stream.linear.scatter [tilespmem:s18], [sflag:$0x3], $0x4000, $0x38;
	[tilespmem:$0xD000] =	vst v63  }
0x34: {  	_ =	swait.ge [sflag:s21], $0x4000  }
0x35: {  	[sflag:s21] =	ssyncset.done $0x0  }
0x36: {  	[sflag:s21] =	ssyncadd.s32 $0xFFFFC000  }
0x37: {  	_ =	swait.ge [sflag:s22], $0x4000  }
0x38: {  	[sflag:s22] =	ssyncset.done $0x0  }
0x39: {  	[sflag:s22] =	ssyncadd.s32 $0xFFFFC000  }
0x3a: {  	[tilespmem:s18], [sflag:$0x1] =	stream.indirect.gather [hbm4b:s4+s17], $0x80, s23, s17, $0xb8;
	[tilespmem:$0xD000] =	vst v63  }
0x3b: {  	_ = 	snop  }
0x3c: {  	[hbm4b:s11+s2] =	stream.linear.scatter [tilespmem:s20], [sflag:$0x4], $0x4000, $0x38;
	[tilespmem:$0xD000] =	vst v63  }
0x3d: {  	_ =	swait.ge [sflag:s19], $0x4000  }
0x3e: {  	[sflag:s19] =	ssyncset.done $0x0  }
0x3f: {  	[sflag:s19] =	ssyncadd.s32 $0xFFFFC000  }
0x40: {  	_ =	swait.ge [sflag:s24], $0x4000  }
0x41: {  	[sflag:s24] =	ssyncset.done $0x0  }
0x42: {  	s28 =	simm.s32 $0x180;
	s29 =	sadd.s32 $0xFFFB2000, s10;
	[sflag:s24] =	ssyncadd.s32 $0xFFFFC000  }
0x43: {  	[tilespmem:s20], [sflag:$0x2] =	stream.indirect.gather [hbm4b:s4+s17], $0x80, s28, s17, $0xb8;
	[tilespmem:$0xD000] =	vst v63  }
0x44: {  	s28 =	sadd.s32 $0x4F000, s29  }
0x45: {  	[hbm4b:s28+s2] =	stream.linear.scatter [tilespmem:s18], [sflag:$0x3], $0x4000, $0x38;
	[tilespmem:$0xD000] =	vst v63  }
0x46: {  	_ =	swait.ge [sflag:s21], $0x4000  }
0x47: {  	[sflag:s21] =	ssyncset.done $0x0  }
0x48: {  	[sflag:s21] =	ssyncadd.s32 $0xFFFFC000  }
0x49: {  	_ =	swait.ge [sflag:s22], $0x4000  }
0x4a: {  	[sflag:s22] =	ssyncset.done $0x0  }
0x4b: {  	s28 =	simm.s32 $0x200;
	[sflag:s22] =	ssyncadd.s32 $0xFFFFC000  }
0x4c: {  	[tilespmem:s18], [sflag:$0x1] =	stream.indirect.gather [hbm4b:s4+s17], $0x80, s28, s17, $0xb8;
	[tilespmem:$0xD000] =	vst v63  }
0x4d: {  	s30 =	sadd.s32 $0x4F800, s29;
	s29 =	simm.s32 $0x300;
	s28 =	simm.s32 $0xFFFB3000  }
.LBB2_6:
0x4e: {  	[hbm4b:s30+s2] =	stream.linear.scatter [tilespmem:s20], [sflag:$0x4], $0x4000, $0x38;
	[tilespmem:$0xD000] =	vst v63  }
0x4f: {  	s30 =	smov.u32 s28  }
0x50: {  	p1 =	sne.s32 s28, $0xFFFFF000;
	s28 =	sadd.s32 $0x1000, s28;
	_ =	swait.ge [sflag:s19], $0x4000  }
0x51: {  	[sflag:s19] =	ssyncset.done $0x0  }
0x52: {  	[sflag:s19] =	ssyncadd.s32 $0xFFFFC000  }
0x53: {  	_ =	swait.ge [sflag:s24], $0x4000  }
0x54: {  	[sflag:s24] =	ssyncset.done $0x0  }
0x55: {  	s31 =	sadd.s32 $0xFFFFFF80, s29;
	s30 =	sadd.s32 s30, s10;
	[sflag:s24] =	ssyncadd.s32 $0xFFFFC000  }
0x56: {  	[tilespmem:s20], [sflag:$0x2] =	stream.indirect.gather [hbm4b:s4+s17], $0x80, s31, s17, $0xb8;
	[tilespmem:$0xD000] =	vst v63  }
0x57: {  	s31 =	sadd.s32 $0x4F000, s30  }
0x58: {  	[hbm4b:s31+s2] =	stream.linear.scatter [tilespmem:s18], [sflag:$0x3], $0x4000, $0x38;
	[tilespmem:$0xD000] =	vst v63  }
0x59: {  	_ =	swait.ge [sflag:s21], $0x4000  }
0x5a: {  	[sflag:s21] =	ssyncset.done $0x0  }
0x5b: {  	[sflag:s21] =	ssyncadd.s32 $0xFFFFC000  }
.Ltmp3:
0x5c: {  	_ =	swait.ge [sflag:s22], $0x4000;
	(pc) =	sbr.rel @p1 .LBB2_6-.Ltmp3, $4  }
0x5d: {  	[sflag:s22] =	ssyncset.done $0x0  }
0x5e: {  	[sflag:s22] =	ssyncadd.s32 $0xFFFFC000  }
0x5f: {  	[tilespmem:s18], [sflag:$0x1] =	stream.indirect.gather [hbm4b:s4+s17], $0x80, s29, s17, $0xb8;
	[tilespmem:$0xD000] =	vst v63  }
0x60: {  	s30 =	sadd.s32 $0x4F800, s30;
	s29 =	sadd.s32 $0x100, s29  }
.Ltmp4:
0x61: {  	_ = 	snop;
	(pc) =	sbr.rel .LBB2_7-.Ltmp4, $1  }
0x62: {  	_ =	sdelay $0x3  }
.LBB2_2:
0x63: {  	[tilespmem:s2], [sflag:$0x5] =	stream.linear.gather [hbm4b:s5+s2], $0x5000, $0x38;
	[tilespmem:$0xD000] =	vst v63  }
0x64: {  	_ =	swait.ge [sflag:s16], $0x5000  }
0x65: {  	[sflag:s16] =	ssyncset.done $0x0  }
0x66: {  	[sflag:s16] =	ssyncadd.s32 $0xFFFFB000  }
0x67: {  	[tilespmem:s18], [sflag:$0x1] =	stream.indirect.gather [hbm4b:s3+s17], $0x80, s2, s17, $0xb8;
	[tilespmem:$0xD000] =	vst v63  }
0x68: {  	_ =	swait.ge [sflag:s19], $0x4000  }
0x69: {  	[sflag:s19] =	ssyncset.done $0x0  }
0x6a: {  	[sflag:s19] =	ssyncadd.s32 $0xFFFFC000  }
0x6b: {  	[tilespmem:s20], [sflag:$0x2] =	stream.indirect.gather [hbm4b:s3+s17], $0x80, s17, s17, $0xb8;
	[tilespmem:$0xD000] =	vst v63  }
0x6c: {  	_ = 	snop  }
0x6d: {  	[hbm4b:s8+s2] =	stream.linear.scatter [tilespmem:s18], [sflag:$0x3], $0x4000, $0x38;
	[tilespmem:$0xD000] =	vst v63  }
0x6e: {  	_ =	swait.ge [sflag:s21], $0x4000  }
0x6f: {  	[sflag:s21] =	ssyncset.done $0x0  }
0x70: {  	[sflag:s21] =	ssyncadd.s32 $0xFFFFC000  }
0x71: {  	_ =	swait.ge [sflag:s22], $0x4000  }
0x72: {  	[sflag:s22] =	ssyncset.done $0x0  }
0x73: {  	[sflag:s22] =	ssyncadd.s32 $0xFFFFC000  }
0x74: {  	[tilespmem:s18], [sflag:$0x1] =	stream.indirect.gather [hbm4b:s3+s17], $0x80, s23, s17, $0xb8;
	[tilespmem:$0xD000] =	vst v63  }
0x75: {  	_ = 	snop  }
0x76: {  	[hbm4b:s9+s2] =	stream.linear.scatter [tilespmem:s20], [sflag:$0x4], $0x4000, $0x38;
	[tilespmem:$0xD000] =	vst v63  }
0x77: {  	_ =	swait.ge [sflag:s19], $0x4000  }
0x78: {  	[sflag:s19] =	ssyncset.done $0x0  }
0x79: {  	[sflag:s19] =	ssyncadd.s32 $0xFFFFC000  }
0x7a: {  	_ =	swait.ge [sflag:s24], $0x4000  }
0x7b: {  	[sflag:s24] =	ssyncset.done $0x0  }
0x7c: {  	s28 =	simm.s32 $0x180;
	s29 =	sadd.s32 $0xFFFB2000, s8;
	[sflag:s24] =	ssyncadd.s32 $0xFFFFC000  }
0x7d: {  	[tilespmem:s20], [sflag:$0x2] =	stream.indirect.gather [hbm4b:s3+s17], $0x80, s28, s17, $0xb8;
	[tilespmem:$0xD000] =	vst v63  }
0x7e: {  	s28 =	sadd.s32 $0x4F000, s29  }
0x7f: {  	[hbm4b:s28+s2] =	stream.linear.scatter [tilespmem:s18], [sflag:$0x3], $0x4000, $0x38;
	[tilespmem:$0xD000] =	vst v63  }
0x80: {  	_ =	swait.ge [sflag:s21], $0x4000  }
0x81: {  	[sflag:s21] =	ssyncset.done $0x0  }
0x82: {  	[sflag:s21] =	ssyncadd.s32 $0xFFFFC000  }
0x83: {  	_ =	swait.ge [sflag:s22], $0x4000  }
0x84: {  	[sflag:s22] =	ssyncset.done $0x0  }
0x85: {  	s28 =	simm.s32 $0x200;
	[sflag:s22] =	ssyncadd.s32 $0xFFFFC000  }
0x86: {  	[tilespmem:s18], [sflag:$0x1] =	stream.indirect.gather [hbm4b:s3+s17], $0x80, s28, s17, $0xb8;
	[tilespmem:$0xD000] =	vst v63  }
0x87: {  	s30 =	sadd.s32 $0x4F800, s29;
	s29 =	simm.s32 $0x300;
	s28 =	simm.s32 $0xFFFB3000  }
.LBB2_3:
0x88: {  	[hbm4b:s30+s2] =	stream.linear.scatter [tilespmem:s20], [sflag:$0x4], $0x4000, $0x38;
	[tilespmem:$0xD000] =	vst v63  }
0x89: {  	s30 =	smov.u32 s28  }
0x8a: {  	p1 =	seq.s32 s28, $0xFFFFF000;
	s28 =	sadd.s32 $0x1000, s28;
	_ =	swait.ge [sflag:s19], $0x4000  }
0x8b: {  	[sflag:s19] =	ssyncset.done $0x0  }
0x8c: {  	[sflag:s19] =	ssyncadd.s32 $0xFFFFC000  }
0x8d: {  	_ =	swait.ge [sflag:s24], $0x4000  }
0x8e: {  	[sflag:s24] =	ssyncset.done $0x0  }
0x8f: {  	s31 =	sadd.s32 $0xFFFFFF80, s29;
	s30 =	sadd.s32 s30, s8;
	[sflag:s24] =	ssyncadd.s32 $0xFFFFC000  }
0x90: {  	[tilespmem:s20], [sflag:$0x2] =	stream.indirect.gather [hbm4b:s3+s17], $0x80, s31, s17, $0xb8;
	[tilespmem:$0xD000] =	vst v63  }
0x91: {  	s31 =	sadd.s32 $0x4F000, s30  }
0x92: {  	[hbm4b:s31+s2] =	stream.linear.scatter [tilespmem:s18], [sflag:$0x3], $0x4000, $0x38;
	[tilespmem:$0xD000] =	vst v63  }
0x93: {  	_ =	swait.ge [sflag:s21], $0x4000  }
0x94: {  	[sflag:s21] =	ssyncset.done $0x0  }
0x95: {  	[sflag:s21] =	ssyncadd.s32 $0xFFFFC000  }
.Ltmp5:
0x96: {  	_ =	swait.ge [sflag:s22], $0x4000;
	(pc) =	sbr.rel @!p1 .LBB2_3-.Ltmp5, $4  }
0x97: {  	[sflag:s22] =	ssyncset.done $0x0  }
0x98: {  	[sflag:s22] =	ssyncadd.s32 $0xFFFFC000  }
0x99: {  	[tilespmem:s18], [sflag:$0x1] =	stream.indirect.gather [hbm4b:s3+s17], $0x80, s29, s17, $0xb8;
	[tilespmem:$0xD000] =	vst v63  }
0x9a: {  	s30 =	sadd.s32 $0x4F800, s30;
	s29 =	sadd.s32 $0x100, s29  }
0x9b: {  	[hbm4b:s30+s2] =	stream.linear.scatter [tilespmem:s20], [sflag:$0x4], $0x4000, $0x38;
	[tilespmem:$0xD000] =	vst v63  }
0x9c: {  	_ =	swait.ge [sflag:s19], $0x4000  }
0x9d: {  	[sflag:s19] =	ssyncset.done $0x0  }
0x9e: {  	[sflag:s19] =	ssyncadd.s32 $0xFFFFC000  }
0x9f: {  	_ =	swait.ge [sflag:s24], $0x4000  }
0xa0: {  	[sflag:s24] =	ssyncset.done $0x0  }
0xa1: {  	[sflag:s24] =	ssyncadd.s32 $0xFFFFC000  }
0xa2: {  	[tilespmem:s20], [sflag:$0x2] =	stream.indirect.gather [hbm4b:s3+s17], $0x80, s25, s17, $0xb8;
	[tilespmem:$0xD000] =	vst v63  }
0xa3: {  	_ = 	snop  }
0xa4: {  	[hbm4b:s12+s2] =	stream.linear.scatter [tilespmem:s18], [sflag:$0x3], $0x4000, $0x38;
	[tilespmem:$0xD000] =	vst v63  }
.Ltmp6:
0xa5: {  	_ = 	snop;
	(pc) =	sbr.rel .LBB2_8-.Ltmp6, $4  }
0xa6: {  	_ =	swait.ge [sflag:s21], $0x4000  }
0xa7: {  	[sflag:s21] =	ssyncset.done $0x0  }
0xa8: {  	[sflag:s21] =	ssyncadd.s32 $0xFFFFC000  }
0xa9: {  	[hbm4b:s13+s2] =	stream.linear.scatter [tilespmem:s20], [sflag:$0x4], $0x4000, $0x38;
	[tilespmem:$0xD000] =	vst v63  }
.LBB2_9:
0xaa: {  	_ =	sfence.sel $0x180000  }
0xab: {  	[bflag:$0x0] =	sbarrier.arrive $0xFFFF  }
0xac: {  	p0 =	sne.s32 s1, $0x0;
	_ =	strace $0x90000056  }
0xad: {  	s0 =	sadd.s32 @!p0 $0x100000, s0;
	[bflag:$0x2] =	sbarrier.arrive $0xFFFF  }
0xae: {  	[sflag:s0] =	ssyncadd.tile.s32 @!p0 $0x1;
	_ =	shalt  }
.Lfunc_end2:
_tile_overlayer_lowered:
.L_overlay_start_2:
0xaf: {  	(tag) =	ssettag $0x2  }
0xb0: {  	s0 =	rddreg [dreg:$0x0];
	s2 =	stileid.u32  }
0xb1: {  	s1 =	rddreg [dreg:$0x1];
	p0 =	sne.s32 s2, $0x0  }
0xb2: {  	s3 =	rddreg [dreg:$0x2];
	[bflag:$0x3] =	sbarrier.arrive $0xFFFF;
	s2 =	simm.s32 @!p0 $0x1C05  }
0xb3: {  	[timem:s3], [sflag:s2] =	dma.local @!p0 [hbm:s0], s1  }
0xb4: {  	s0 =	simm.s32 @!p0 $0x5  }
0xb5: {  	_ =	swait.ge @!p0 [sflag:s0], s1  }
0xb6: {  	s1 =	ssub.s32 @!p0 $0x0, s1;
	[sflag:s0] =	ssyncset.done @!p0 $0x0  }
0xb7: {  	[sflag:s0] =	ssyncadd.s32 @!p0 s1  }
0xb8: {  	[bflag:$0x3] =	sbarrier.arrive $0xFFFF  }
0xb9: {  	_ =	shalt  }

// kernel: kernel.38.cloned.1.call-start
scs
__scs_entry_jumppad:
0x0: {  	(pc) =	sbr.rel $0x88, $3  }
0x1: {  	(tag) =	ssettag $0x0;
	lr =	simm.s32 $0x1  }
0x2: {  	[smem:$0x3F5E] =	sst lr;
	_ =	strace $0xD0000000  }
0x3: {  	_ = 	snop  }
0x4: {  	_ = 	snop  }
0x5: {  	_ = 	snop  }
0x6: {  	_ = 	snop  }
0x7: {  	_ = 	snop  }
__scs_overlays_trampoline_lowered:
0x8: {  	[smem:$0x3F6D] =	sst s0  }
0x9: {  	[smem:$0x3F6E] =	sst s1  }
0xa: {  	[smem:$0x3F6F] =	sst s2  }
0xb: {  	[smem:$0x3F70] =	sst s3  }
0xc: {  	[smem:$0x3F71] =	sst s4  }
0xd: {  	[smem:$0x3F72] =	sst s5  }
0xe: {  	[smem:$0x3F73] =	sst s6  }
0xf: {  	[smem:$0x3F74] =	sst s7  }
0x10: {  	[smem:$0x3F75] =	sst s8  }
0x11: {  	[smem:$0x3F76] =	sst s9;
	s0 =	simm.s32 @!p0 $0x0  }
0x12: {  	s1 =	sld [smem:$0x3F5C];
	s0 =	simm.s32 @p0 $0x1  }
0x13: {  	[smem:$0x3F77] =	sst s0;
	s0 =	simm.s32 @!p1 $0x0  }
0x14: {  	s2 =	sld [smem:$0x3F5B];
	s0 =	simm.s32 @p1 $0x1  }
0x15: {  	[smem:$0x3F78] =	sst s0;
	s0 =	simm.s32 @!p2 $0x0  }
0x16: {  	s3 =	sld [smem:$0x3FDB];
	s0 =	simm.s32 @p2 $0x1  }
0x17: {  	s4 =	simm.s32 $0x1BF5;
	[smem:$0x3F7A] =	sst s0  }
0x18: {  	s0 =	sld [smem:$0x3F5D];
	_ =	swait.ge [sflag:s4], $0x0  }
0x19: {  	s7 =	sld [smem:$0x3F5E]  }
0x1a: {  	s8 =	sadd.s32 $0xFFFFE003, lr  }
0x1b: {  	s9 =	sadd.s32 $0xFFFFFEF7, lr;
	s5 =	simm.s32 $0xFFFFFFFF;
	p2 =	slt.u32 s8, $0xFFFFF086  }
0x1c: {  	p1 =	slt.u32 s9, $0xF7A;
	s5 =	simm.s32 @!p2 $0x0  }
0x1d: {  	s5 =	simm.s32 @p1 $0x1;
	p0 =	seq.s32 s7, s2  }
0x1e: {  	s7 =	smul.u32 @!p0 $0xF7A, s2;
	p2 =	seq.s32 @!p0 s5, $0x0  }
0x1f: {  	s9 =	smul.u32 $0xF7A, s1;
	s8 =	simm.s32 @!p0 $0x1BF5;
	p2 =	por !p2, p0  }
0x20: {  	[sflag:s8] =	ssyncset.s32 @!p0 $0xFFFFF086;
	s6 =	sadd.s32 @!p0 s3, s7;
	s7 =	simm.s32 @!p0 $0x108  }
0x21: {  	s3 =	sadd.s32 s3, s9;
	s6 =	sadd.s32 @!p0 $0x88, s6;
	s7 =	simm.s32 @p2 $0x1082  }
0x22: {  	[simem:s7], [sflag:s8] =	dma.local @!p0 [hbm:s6], $0xF7A  }
0x23: {  	s9 =	sor.u32 $0xD0000000, s2;
	s6 =	simm.s32 $0x108;
	_ =	swait.ge @!p0 [sflag:s8], $0x0  }
0x24: {  	s3 =	sadd.s32 $0x88, s3;
	s6 =	simm.s32 @!p1 $0x1082;
	[sflag:s4] =	ssyncset.s32 $0xFFFFF086  }
0x25: {  	[simem:s6], [sflag:s4] =	dma.local [hbm:s3], $0xF7A  }
0x26: {  	[smem:$0x3F5E] =	sst s1;
	(tag) =	ssettag s2;
	_ =	strace s9  }
0x27: {  	s1 =	sld [smem:$0x3F6E]  }
0x28: {  	s2 =	sld [smem:$0x3F6F]  }
0x29: {  	s4 =	sld [smem:$0x3F71]  }
0x2a: {  	p0 =	seq.s32 s5, $0x0;
	s5 =	sld [smem:$0x3F72]  }
0x2b: {  	s6 =	sld [smem:$0x3F73]  }
0x2c: {  	s7 =	sld [smem:$0x3F74]  }
0x2d: {  	s3 =	simm.s32 $0x108;
	s8 =	sld [smem:$0x3F75]  }
0x2e: {  	s3 =	simm.s32 @!p0 $0x1082;
	s9 =	sld [smem:$0x3F76]  }
0x2f: {  	lr =	sadd.s32 s0, s3;
	s0 =	sld [smem:$0x3F6D]  }
0x30: {  	s3 =	sld [smem:$0x3F70]  }
0x31: {  	[smem:$0x3F79] =	sst s10  }
0x32: {  	s10 =	sld [smem:$0x3F77];
	_ =	sdelay $0x3  }
0x33: {  	p0 =	seq.s32 s10, $0x1;
	s10 =	sld [smem:$0x3F79];
	_ =	sdelay $0x3  }
0x34: {  	[smem:$0x3F79] =	sst s10  }
0x35: {  	s10 =	sld [smem:$0x3F78];
	_ =	sdelay $0x3  }
0x36: {  	p1 =	seq.s32 s10, $0x1;
	s10 =	sld [smem:$0x3F79];
	_ =	sdelay $0x3  }
0x37: {  	[smem:$0x3F79] =	sst s10  }
0x38: {  	s10 =	sld [smem:$0x3F7A]  }
0x39: {  	_ = 	snop;
	(pc) =	sbr.ind lr, $3  }
0x3a: {  	_ = 	snop  }
0x3b: {  	_ = 	snop  }
0x3c: {  	p2 =	seq.s32 s10, $0x1;
	s10 =	sld [smem:$0x3F79]  }
0x3d: {  	_ =	shalt  }
0x3e: {  	_ =	shalt  }
0x3f: {  	_ =	shalt  }
0x40: {  	_ =	shalt  }
0x41: {  	_ =	shalt  }
0x42: {  	_ =	shalt  }
0x43: {  	_ =	shalt  }
0x44: {  	_ =	shalt  }
0x45: {  	_ =	shalt  }
0x46: {  	_ =	shalt  }
0x47: {  	_ =	shalt  }
0x48: {  	_ =	shalt  }
0x49: {  	_ =	shalt  }
0x4a: {  	_ =	shalt  }
0x4b: {  	_ =	shalt  }
0x4c: {  	_ =	shalt  }
0x4d: {  	_ =	shalt  }
0x4e: {  	_ =	shalt  }
0x4f: {  	_ =	shalt  }
0x50: {  	_ =	shalt  }
0x51: {  	_ =	shalt  }
0x52: {  	_ =	shalt  }
0x53: {  	_ =	shalt  }
0x54: {  	_ =	shalt  }
0x55: {  	_ =	shalt  }
0x56: {  	_ =	shalt  }
0x57: {  	_ =	shalt  }
0x58: {  	_ =	shalt  }
0x59: {  	_ =	shalt  }
0x5a: {  	_ =	shalt  }
0x5b: {  	_ =	shalt  }
0x5c: {  	_ =	shalt  }
0x5d: {  	_ =	shalt  }
0x5e: {  	_ =	shalt  }
0x5f: {  	_ =	shalt  }
0x60: {  	_ =	shalt  }
0x61: {  	_ =	shalt  }
0x62: {  	_ =	shalt  }
0x63: {  	_ =	shalt  }
0x64: {  	_ =	shalt  }
0x65: {  	_ =	shalt  }
0x66: {  	_ =	shalt  }
0x67: {  	_ =	shalt  }
0x68: {  	_ =	shalt  }
0x69: {  	_ =	shalt  }
0x6a: {  	_ =	shalt  }
0x6b: {  	_ =	shalt  }
0x6c: {  	_ =	shalt  }
0x6d: {  	_ =	shalt  }
0x6e: {  	_ =	shalt  }
0x6f: {  	_ =	shalt  }
0x70: {  	_ =	shalt  }
0x71: {  	_ =	shalt  }
0x72: {  	_ =	shalt  }
0x73: {  	_ =	shalt  }
0x74: {  	_ =	shalt  }
0x75: {  	_ =	shalt  }
0x76: {  	_ =	shalt  }
0x77: {  	_ =	shalt  }
0x78: {  	_ =	shalt  }
0x79: {  	_ =	shalt  }
0x7a: {  	_ =	shalt  }
0x7b: {  	_ =	shalt  }
0x7c: {  	_ =	shalt  }
0x7d: {  	_ =	shalt  }
0x7e: {  	_ =	shalt  }
0x7f: {  	_ =	shalt  }
0x80: {  	_ =	shalt  }
0x81: {  	_ =	shalt  }
0x82: {  	_ =	shalt  }
0x83: {  	_ =	shalt  }
0x84: {  	_ =	shalt  }
0x85: {  	_ =	shalt  }
0x86: {  	_ =	shalt  }
0x87: {  	_ =	shalt  }
.Lfunc_end0:
.L_simem_size_0:
called_computation.6_lowered:
.L_overlay_start_0:
0x88: {  	s2 =	sld [smem:$0x3FD9]  }
0x89: {  	s3 =	sld [smem:$0x3FFE];
	_ =	sdelay $0x1  }
0x8a: {  	s1 =	srdreg.scid  }
0x8b: {  	s0 =	sand.u32 $0x1, s1  }
0x8c: {  	s17 =	sshll.u32 s0, $0xA;
	s2 =	sadd.s32 s3, s2  }
0x8d: {  	s2 =	sadd.s32 s2, s17  }
0x8e: {  	[smem:$0x3F85] =	sst s2  }
0x8f: {  	_ = 	snop  }
0x90: {  	s2 =	sld [smem:$0x3FD0];
	(tm) =	ssettm $0x1  }
0x91: {  	s18 =	sld [smem:$0x3FFB];
	_ =	sdelay $0x3  }
0x92: {  	_ =	strace s18  }
0x93: {  	s3 =	sld [smem:$0x3FFC];
	_ =	sdelay $0x3  }
0x94: {  	_ =	strace s3  }
0x95: {  	s3 =	sld [smem:$0x3FFD];
	_ =	sdelay $0x3  }
0x96: {  	_ =	strace s3  }
0x97: {  	_ =	strace $0x8FFFFFFF  }
0x98: {  	s19 =	sld [smem:$0x3FDB];
	_ =	sdelay $0x1  }
0x99: {  	s4 =	simm.s32 $_scs_section_size  }
0x9a: {  	s5 =	simm.s32 $_size__tile_overlayer_lowered;
	s6 =	simm.s32 $_tile_overlayer_lowered  }
0x9b: {  	s22 =	simm.s32 $0x1BFF;
	s21 =	sshll.u32 s6, $0x1;
	s3 =	sadd.s32 s4, s19  }
0x9c: {  	s7 =	simm.s32 $0x0;
	s20 =	sshll.u32 s5, $0x1;
	s5 =	sadd.s32 s21, s3  }
0x9d: {  	[timem:s7], [sflag:s22] =	dma.local [hbm:s5], s20  }
0x9e: {  	_ =	swait.ge [sflag:s22], s20  }
0x9f: {  	s4 =	ssub.s32 $0x0, s20;
	[sflag:s22] =	ssyncset.done $0x0  }
0xa0: {  	[sflag:s22] =	ssyncadd.s32 s4;
	_ =	sdelay $0x1  }
0xa1: {  	s23 =	simm.s32 $0x1B8B  }
0xa2: {  	_ =	swait.ge [sflag:s23], $0x1  }
0xa3: {  	[sflag:s23] =	ssyncset.done $0x0  }
0xa4: {  	s25 =	simm.s32 $0x1B8E;
	s24 =	sld [smem:$0x3FFE];
	[sflag:s23] =	ssyncadd.s32 $0xFFFFFFFF  }
0xa5: {  	s26 =	simm.s32 $execute0_lowered;
	[smem:$0x3FD2] =	sst s25  }
0xa6: {  	s5 =	sshll.u32 s26, $0x1;
	_ =	strace $0x80000058;
	[dreg:$0x1] =	wrdreg $0xFFFFFFFF  }
0xa7: {  	s28 =	simm.s32 $_size_execute0_lowered;
	s3 =	sadd.s32 s3, s5;
	[dreg:$0x0] =	wrdreg $0x0  }
0xa8: {  	s5 =	sshll.u32 s28, $0x1;
	[dreg:$0x2] =	wrdreg s3  }
0xa9: {  	[dreg:$0x3] =	wrdreg s5  }
0xaa: {  	[dreg:$0x4] =	wrdreg $0xC0  }
0xab: {  	_ =	task [dreg:s7], $0x5FFFF  }
0xac: {  	[dreg:$0x1] =	wrdreg $0xFFFFFFFF  }
0xad: {  	[dreg:$0x0] =	wrdreg $0x60  }
0xae: {  	[dreg:$0x2] =	wrdreg s24  }
0xaf: {  	[dreg:$0x3] =	wrdreg s2  }
0xb0: {  	[dreg:$0x4] =	wrdreg $0x0  }
0xb1: {  	[dreg:$0x5] =	wrdreg $0x9  }
0xb2: {  	_ =	task.clear_ibuf [dreg:s7], $0x6FFFF;
	_ =	strace $0x90000058  }
0xb3: {  	s29 =	simm.s32 $0x9;
	_ =	strace $0x8000005A  }
0xb4: {  	_ =	swait.ge [sflag:s29], $0x1  }
0xb5: {  	[sflag:s29] =	ssyncadd.s32 $0xFFFFFFFF  }
0xb6: {  	_ =	strace $0x9000005A  }
0xb7: {  	_ =	sfence  }
0xb8: {  	s30 =	sld [smem:$0x0];
	_ =	sdelay $0x2  }
0xb9: {  	s31 =	sshll.u32 s1, $0xD;
	s1 =	sshrl.u32 s1, $0x2  }
0xba: {  	s3 =	sand.u32 $0x4000, s31;
	s1 =	sadd.s32 s1, s30  }
0xbb: {  	s0 =	sor.u32 s3, s0;
	s1 =	sshll.u32 s1, $0x11  }
0xbc: {  	s0 =	sor.u32 s1, s0  }
0xbd: {  	s0 =	sadd.s32 $0x8F2B, s0  }
0xbe: {  	[sflag:s0] =	ssyncadd.remote.s32 $0x1  }
0xbf: {  	_ =	sfence.sel $0xFFFF  }
0xc0: {  	[dreg:$0x0] =	wrdreg $0xFFFFFFFF;
	(pc) =	sbr.abs _section_cstart, $3  }
0xc1: {  	[dreg:$0x1] =	wrdreg $0xFFFFFFFF  }
0xc2: {  	_ =	task.clear_ibuf [dreg:s7], $0x2FFFF;
	_ =	strace $0x9FFFFFFF  }
0xc3: {  	(tm) =	ssettm $0x7FFFFFFF  }
tec
execute0_lowered:
.L_overlay_start_1:
0x0: {  	(tag) =	ssettag $0x1  }
0x1: {  	s0 =	rddreg [dreg:$0x0]  }
0x2: {  	s12 =	rddreg [dreg:$0x1]  }
0x3: {  	s2 =	rddreg [dreg:$0x2]  }
0x4: {  	s3 =	simm.s32 $0x0;
	s4 =	srdreg.scid;
	s1 =	stileid.u32  }
0x5: {  	s18 =	simm.s32 $0x5;
	s28 =	simm.s32 $0x3;
	s19 =	smul.u32 $0x18000, s1  }
0x6: {  	s29 =	simm.s32 $0x4;
	s30 =	simm.s32 $0x0;
	s7 =	smul.u32 $0x30000, s1  }
0x7: {  	[smem:$0x7FF] =	sst s3;
	s5 =	sand.u32 $0x1, s4;
	s8 =	smul.u32 $0xA00, s1  }
0x8: {  	s16 =	sadd.s32 $0x1016600, s0;
	s4 =	sadd.s32 $0x19E00, s0;
	s20 =	smul.u32 $0x280000, s1  }
0x9: {  	s11 =	smul.u32 $0x5000, s1;
	s13 =	sshll.u32 s5, $0x6;
	s5 =	ssub.s32 $0x2, s5  }
0xa: {  	_ =	strace $0x80000059;
	s6 =	sor.u32 s13, s19;
	s9 =	sshrl.u32 s5, $0x1  }
0xb: {  	s7 =	sshrl.u32 s7, $0x2;
	s14 =	sor.u32 s13, s20;
	s10 =	sor.u32 $0x80, s11  }
0xc: {  	s15 =	sor.u32 $0x100, s11;
	s19 =	simm.s32 $0x1C000;
	s20 =	simm.s32 $0x40  }
0xd: {  	s6 =	sshrl.u32 s6, $0x3;
	s9 =	ssub.s32 s5, s9;
	s5 =	sadd.s32 s7, s2  }
0xe: {  	s21 =	sshrl.u32 s14, $0x3;
	s22 =	sshll.u32 s10, $0x7;
	s10 =	sshrl.u32 s10, $0x3  }
0xf: {  	s23 =	sshrl.u32 s15, $0x3;
	s15 =	sshll.u32 s15, $0x7;
	s25 =	sor.u32 $0xC000, s14  }
0x10: {  	s17 =	sor.u32 $0x10000, s14;
	s0 =	sadd.s32 s6, s0;
	s6 =	sadd.s32 s12, s8  }
0x11: {  	s7 =	sadd.s32 s16, s21;
	s9 =	smax.u32 s9, $0x1;
	s10 =	sadd.s32 s12, s10  }
0x12: {  	s12 =	sadd.s32 s12, s23;
	s24 =	sor.u32 s13, s15;
	s26 =	sshrl.u32 s25, $0x3  }
0x13: {  	s31 =	sshrl.u32 s17, $0x3;
	s17 =	simm.s32 $0xC000;
	s21 =	simm.s32 $0x80  }
.Ltmp0:
0x14: {  	s23 =	simm.s32 $0x1;
	s25 =	simm.s32 $0x1A000;
	(pc) =	sbr.rel .LBB2_1-.Ltmp0, $4  }
0x15: {  	s8 =	sadd.s32 $0xB16600, s0;
	s0 =	sor.u32 s13, s22;
	s14 =	sadd.s32 s26, s16  }
0x16: {  	s15 =	sadd.s32 $0x30, s6;
	s22 =	simm.s32 $0x18000;
	s0 =	sshrl.u32 s0, $0x3  }
0x17: {  	s26 =	simm.s32 $0x2;
	s11 =	sadd.s32 s16, s0;
	s0 =	sshrl.u32 s24, $0x3  }
0x18: {  	s24 =	simm.s32 $0x1C080;
	s13 =	sadd.s32 s16, s0;
	s16 =	sadd.s32 s31, s16  }
.LBB2_4:
0x19: {  	[spmem:s2] =	stream.indirect.scatter.add.f32 [tilespmem:s25], [sflag:$0x4], $0x40, s24, s21, $0xb8;
	[tilespmem:$0x1C100] =	vst v63  }
0x1a: {  	_ =	swait.ge [sflag:s28], $0x2000  }
0x1b: {  	[sflag:s28] =	ssyncset.done $0x0  }
0x1c: {  	[sflag:s28] =	ssyncadd.s32 $0xFFFFE000  }
0x1d: {  	_ =	swait.ge [sflag:s29], $0x2000  }
0x1e: {  	[sflag:s29] =	ssyncset.done $0x0  }
0x1f: {  	[sflag:s29] =	ssyncadd.s32 $0xFFFFE000  }
0x20: {  	[bflag:$0x0] =	sbarrier.arrive $0xFFFF  }
0x21: {  	[tilespmem:s17], [sflag:$0x5] =	stream.linear.gather [spmem:s5], $0xC000, $0x38;
	[tilespmem:$0x1C100] =	vst v63  }
0x22: {  	s30 =	sadd.s32 $0x1, s30;
	_ =	swait.ge [sflag:s18], $0xC000  }
0x23: {  	p0 =	sne.s32 s30, s9;
	[sflag:s18] =	ssyncset.done $0x0  }
.Ltmp1:
0x24: {  	[sflag:s18] =	ssyncadd.s32 $0xFFFF4000;
	(pc) =	sbr.rel @!p0 .LBB2_5-.Ltmp1, $4  }
0x25: {  	[hbm4b:s8+s20] =	stream.strided.scatter [tilespmem:s17], [sflag:$0x5], $0xC000, s21, s20, $0x38;
	[tilespmem:$0x1C100] =	vst v63  }
0x26: {  	_ =	swait.ge [sflag:s18], $0xC000  }
0x27: {  	[sflag:s18] =	ssyncset.done $0x0  }
0x28: {  	[sflag:s18] =	ssyncadd.s32 $0xFFFF4000  }
.LBB2_1:
0x29: {  	[tilespmem:s17], [sflag:$0x5] =	stream.linear.gather [hbm4b:s4+s3], $0xC000, $0x38;
	[tilespmem:$0x1C100] =	vst v63  }
0x2a: {  	_ =	swait.ge [sflag:s18], $0xC000  }
0x2b: {  	[sflag:s18] =	ssyncset.done $0x0  }
0x2c: {  	[sflag:s18] =	ssyncadd.s32 $0xFFFF4000  }
0x2d: {  	[spmem:s5] =	stream.linear.scatter [tilespmem:s17], [sflag:$0x5], $0xC000, $0x38;
	[tilespmem:$0x1C100] =	vst v63  }
0x2e: {  	_ =	swait.ge [sflag:s18], $0xC000  }
0x2f: {  	[sflag:s18] =	ssyncset.done $0x0  }
0x30: {  	[sflag:s18] =	ssyncadd.s32 $0xFFFF4000  }
0x31: {  	[bflag:$0x0] =	sbarrier.arrive $0xFFFF  }
0x32: {  	[tilespmem:s19], [sflag:$0x1] =	stream.linear.gather [hbm4b:s6+s3], $0x80, $0x38;
	[tilespmem:$0x1C100] =	vst v63  }
0x33: {  	_ = 	snop  }
0x34: {  	[tilespmem:s22], [sflag:$0x1] =	stream.strided.gather [hbm4b:s7+s20], $0x2000, s21, s20, $0x38;
	[tilespmem:$0x1C100] =	vst v63  }
0x35: {  	_ =	swait.ge [sflag:s23], $0x80  }
0x36: {  	[sflag:s23] =	ssyncset.done $0x0  }
0x37: {  	[sflag:s23] =	ssyncadd.s32 $0xFFFFFF80  }
0x38: {  	_ =	swait.ge [sflag:s23], $0x2000  }
0x39: {  	[sflag:s23] =	ssyncset.done $0x0  }
0x3a: {  	[sflag:s23] =	ssyncadd.s32 $0xFFFFE000  }
0x3b: {  	[tilespmem:s24], [sflag:$0x2] =	stream.linear.gather [hbm4b:s10+s3], $0x80, $0x38;
	[tilespmem:$0x1C100] =	vst v63  }
0x3c: {  	_ = 	snop  }
0x3d: {  	[tilespmem:s25], [sflag:$0x2] =	stream.strided.gather [hbm4b:s11+s20], $0x2000, s21, s20, $0x38;
	[tilespmem:$0x1C100] =	vst v63  }
0x3e: {  	_ = 	snop  }
0x3f: {  	[spmem:s2] =	stream.indirect.scatter.add.f32 [tilespmem:s22], [sflag:$0x3], $0x40, s19, s21, $0xb8;
	[tilespmem:$0x1C100] =	vst v63  }
0x40: {  	_ =	swait.ge [sflag:s26], $0x80  }
0x41: {  	[sflag:s26] =	ssyncset.done $0x0  }
0x42: {  	[sflag:s26] =	ssyncadd.s32 $0xFFFFFF80  }
0x43: {  	_ =	swait.ge [sflag:s26], $0x2000  }
0x44: {  	[sflag:s26] =	ssyncset.done $0x0  }
0x45: {  	[sflag:s26] =	ssyncadd.s32 $0xFFFFE000  }
0x46: {  	_ =	swait.ge [sflag:s28], $0x2000  }
0x47: {  	[sflag:s28] =	ssyncset.done $0x0  }
0x48: {  	[sflag:s28] =	ssyncadd.s32 $0xFFFFE000  }
0x49: {  	[tilespmem:s19], [sflag:$0x1] =	stream.linear.gather [hbm4b:s12+s3], $0x80, $0x38;
	[tilespmem:$0x1C100] =	vst v63  }
0x4a: {  	_ = 	snop  }
0x4b: {  	[tilespmem:s22], [sflag:$0x1] =	stream.strided.gather [hbm4b:s13+s20], $0x2000, s21, s20, $0x38;
	[tilespmem:$0x1C100] =	vst v63  }
0x4c: {  	s31 =	smov.u32 s15;
	s0 =	simm.s32 $0x0  }
0x4d: {  	[spmem:s2] =	stream.indirect.scatter.add.f32 [tilespmem:s25], [sflag:$0x4], $0x40, s24, s21, $0xb8;
	[tilespmem:$0x1C100] =	vst v63  }
.LBB2_2:
0x4e: {  	_ =	swait.ge [sflag:s23], $0x80  }
0x4f: {  	[sflag:s23] =	ssyncset.done $0x0  }
0x50: {  	[sflag:s23] =	ssyncadd.s32 $0xFFFFFF80  }
0x51: {  	_ =	swait.ge [sflag:s23], $0x2000  }
0x52: {  	[sflag:s23] =	ssyncset.done $0x0  }
0x53: {  	[sflag:s23] =	ssyncadd.s32 $0xFFFFE000  }
0x54: {  	_ =	swait.ge [sflag:s29], $0x2000  }
0x55: {  	[sflag:s29] =	ssyncset.done $0x0  }
0x56: {  	[sflag:s29] =	ssyncadd.s32 $0xFFFFE000  }
0x57: {  	[tilespmem:s24], [sflag:$0x2] =	stream.linear.gather [hbm4b:s31+s3], $0x80, $0x38;
	[tilespmem:$0x1C100] =	vst v63  }
0x58: {  	s1 =	sadd.s32 s0, s14  }
0x59: {  	[tilespmem:s25], [sflag:$0x2] =	stream.strided.gather [hbm4b:s1+s20], $0x2000, s21, s20, $0x38;
	[tilespmem:$0x1C100] =	vst v63  }
0x5a: {  	_ = 	snop  }
0x5b: {  	[spmem:s2] =	stream.indirect.scatter.add.f32 [tilespmem:s22], [sflag:$0x3], $0x40, s19, s21, $0xb8;
	[tilespmem:$0x1C100] =	vst v63  }
0x5c: {  	p0 =	seq.s32 s0, $0x4E000;
	_ =	swait.ge [sflag:s26], $0x80  }
.Ltmp2:
0x5d: {  	[sflag:s26] =	ssyncset.done $0x0;
	(pc) =	sbr.rel @p0 .LBB2_4-.Ltmp2, $4  }
0x5e: {  	[sflag:s26] =	ssyncadd.s32 $0xFFFFFF80  }
0x5f: {  	_ =	swait.ge [sflag:s26], $0x2000  }
0x60: {  	[sflag:s26] =	ssyncset.done $0x0  }
0x61: {  	[sflag:s26] =	ssyncadd.s32 $0xFFFFE000  }
0x62: {  	_ =	swait.ge [sflag:s28], $0x2000  }
0x63: {  	[sflag:s28] =	ssyncset.done $0x0  }
0x64: {  	s1 =	sadd.s32 $0x10, s31;
	[sflag:s28] =	ssyncadd.s32 $0xFFFFE000  }
0x65: {  	[tilespmem:s19], [sflag:$0x1] =	stream.linear.gather [hbm4b:s1+s3], $0x80, $0x38;
	[tilespmem:$0x1C100] =	vst v63  }
.Ltmp3:
0x66: {  	_ = 	snop;
	(pc) =	sbr.rel .LBB2_2-.Ltmp3, $4  }
0x67: {  	s1 =	sadd.s32 s0, s16  }
0x68: {  	[tilespmem:s22], [sflag:$0x1] =	stream.strided.gather [hbm4b:s1+s20], $0x2000, s21, s20, $0x38;
	[tilespmem:$0x1C100] =	vst v63  }
0x69: {  	s31 =	sadd.s32 $0x20, s31;
	s0 =	sadd.s32 $0x1000, s0  }
0x6a: {  	[spmem:s2] =	stream.indirect.scatter.add.f32 [tilespmem:s25], [sflag:$0x4], $0x40, s24, s21, $0xb8;
	[tilespmem:$0x1C100] =	vst v63  }
.LBB2_5:
0x6b: {  	_ =	sfence.sel $0x180000  }
0x6c: {  	[bflag:$0x0] =	sbarrier.arrive $0xFFFF  }
0x6d: {  	_ =	strace $0x90000059  }
0x6e: {  	s0 =	stileid.u32;
	[bflag:$0x2] =	sbarrier.arrive $0xFFFF  }
0x6f: {  	p0 =	sne.s32 s0, $0x0;
	s0 =	rddreg [dreg:$0x3]  }
0x70: {  	s0 =	sadd.s32 @!p0 $0x100000, s0  }
0x71: {  	[sflag:s0] =	ssyncadd.tile.s32 @!p0 $0x1;
	_ =	shalt  }
.Lfunc_end2:
_tile_overlayer_lowered:
.L_overlay_start_2:
0x72: {  	(tag) =	ssettag $0x2  }
0x73: {  	s0 =	rddreg [dreg:$0x0];
	s2 =	stileid.u32  }
0x74: {  	s1 =	rddreg [dreg:$0x1];
	p0 =	sne.s32 s2, $0x0  }
0x75: {  	s3 =	rddreg [dreg:$0x2];
	[bflag:$0x3] =	sbarrier.arrive $0xFFFF;
	s2 =	simm.s32 @!p0 $0x1C05  }
0x76: {  	[timem:s3], [sflag:s2] =	dma.local @!p0 [hbm:s0], s1  }
0x77: {  	s0 =	simm.s32 @!p0 $0x5  }
0x78: {  	_ =	swait.ge @!p0 [sflag:s0], s1  }
0x79: {  	s1 =	ssub.s32 @!p0 $0x0, s1;
	[sflag:s0] =	ssyncset.done @!p0 $0x0  }
0x7a: {  	[sflag:s0] =	ssyncadd.s32 @!p0 s1  }
0x7b: {  	[bflag:$0x3] =	sbarrier.arrive $0xFFFF  }
0x7c: {  	_ =	shalt  }

// kernel: kernel.41.cloned.1.call-start
scs
__scs_entry_jumppad:
0x0: {  	(pc) =	sbr.rel $0x88, $3  }
0x1: {  	(tag) =	ssettag $0x0;
	lr =	simm.s32 $0x1  }
0x2: {  	[smem:$0x3F5E] =	sst lr;
	_ =	strace $0xD0000000  }
0x3: {  	_ = 	snop  }
0x4: {  	_ = 	snop  }
0x5: {  	_ = 	snop  }
0x6: {  	_ = 	snop  }
0x7: {  	_ = 	snop  }
__scs_overlays_trampoline_lowered:
0x8: {  	[smem:$0x3F6D] =	sst s0  }
0x9: {  	[smem:$0x3F6E] =	sst s1  }
0xa: {  	[smem:$0x3F6F] =	sst s2  }
0xb: {  	[smem:$0x3F70] =	sst s3  }
0xc: {  	[smem:$0x3F71] =	sst s4  }
0xd: {  	[smem:$0x3F72] =	sst s5  }
0xe: {  	[smem:$0x3F73] =	sst s6  }
0xf: {  	[smem:$0x3F74] =	sst s7  }
0x10: {  	[smem:$0x3F75] =	sst s8  }
0x11: {  	[smem:$0x3F76] =	sst s9;
	s0 =	simm.s32 @!p0 $0x0  }
0x12: {  	s1 =	sld [smem:$0x3F5C];
	s0 =	simm.s32 @p0 $0x1  }
0x13: {  	[smem:$0x3F77] =	sst s0;
	s0 =	simm.s32 @!p1 $0x0  }
0x14: {  	s2 =	sld [smem:$0x3F5B];
	s0 =	simm.s32 @p1 $0x1  }
0x15: {  	[smem:$0x3F78] =	sst s0;
	s0 =	simm.s32 @!p2 $0x0  }
0x16: {  	s3 =	sld [smem:$0x3FDB];
	s0 =	simm.s32 @p2 $0x1  }
0x17: {  	s4 =	simm.s32 $0x1BF5;
	[smem:$0x3F7A] =	sst s0  }
0x18: {  	s0 =	sld [smem:$0x3F5D];
	_ =	swait.ge [sflag:s4], $0x0  }
0x19: {  	s7 =	sld [smem:$0x3F5E]  }
0x1a: {  	s8 =	sadd.s32 $0xFFFFE003, lr  }
0x1b: {  	s9 =	sadd.s32 $0xFFFFFEF7, lr;
	s5 =	simm.s32 $0xFFFFFFFF;
	p2 =	slt.u32 s8, $0xFFFFF086  }
0x1c: {  	p1 =	slt.u32 s9, $0xF7A;
	s5 =	simm.s32 @!p2 $0x0  }
0x1d: {  	s5 =	simm.s32 @p1 $0x1;
	p0 =	seq.s32 s7, s2  }
0x1e: {  	s7 =	smul.u32 @!p0 $0xF7A, s2;
	p2 =	seq.s32 @!p0 s5, $0x0  }
0x1f: {  	s9 =	smul.u32 $0xF7A, s1;
	s8 =	simm.s32 @!p0 $0x1BF5;
	p2 =	por !p2, p0  }
0x20: {  	[sflag:s8] =	ssyncset.s32 @!p0 $0xFFFFF086;
	s6 =	sadd.s32 @!p0 s3, s7;
	s7 =	simm.s32 @!p0 $0x108  }
0x21: {  	s3 =	sadd.s32 s3, s9;
	s6 =	sadd.s32 @!p0 $0x88, s6;
	s7 =	simm.s32 @p2 $0x1082  }
0x22: {  	[simem:s7], [sflag:s8] =	dma.local @!p0 [hbm:s6], $0xF7A  }
0x23: {  	s9 =	sor.u32 $0xD0000000, s2;
	s6 =	simm.s32 $0x108;
	_ =	swait.ge @!p0 [sflag:s8], $0x0  }
0x24: {  	s3 =	sadd.s32 $0x88, s3;
	s6 =	simm.s32 @!p1 $0x1082;
	[sflag:s4] =	ssyncset.s32 $0xFFFFF086  }
0x25: {  	[simem:s6], [sflag:s4] =	dma.local [hbm:s3], $0xF7A  }
0x26: {  	[smem:$0x3F5E] =	sst s1;
	(tag) =	ssettag s2;
	_ =	strace s9  }
0x27: {  	s1 =	sld [smem:$0x3F6E]  }
0x28: {  	s2 =	sld [smem:$0x3F6F]  }
0x29: {  	s4 =	sld [smem:$0x3F71]  }
0x2a: {  	p0 =	seq.s32 s5, $0x0;
	s5 =	sld [smem:$0x3F72]  }
0x2b: {  	s6 =	sld [smem:$0x3F73]  }
0x2c: {  	s7 =	sld [smem:$0x3F74]  }
0x2d: {  	s3 =	simm.s32 $0x108;
	s8 =	sld [smem:$0x3F75]  }
0x2e: {  	s3 =	simm.s32 @!p0 $0x1082;
	s9 =	sld [smem:$0x3F76]  }
0x2f: {  	lr =	sadd.s32 s0, s3;
	s0 =	sld [smem:$0x3F6D]  }
0x30: {  	s3 =	sld [smem:$0x3F70]  }
0x31: {  	[smem:$0x3F79] =	sst s10  }
0x32: {  	s10 =	sld [smem:$0x3F77];
	_ =	sdelay $0x3  }
0x33: {  	p0 =	seq.s32 s10, $0x1;
	s10 =	sld [smem:$0x3F79];
	_ =	sdelay $0x3  }
0x34: {  	[smem:$0x3F79] =	sst s10  }
0x35: {  	s10 =	sld [smem:$0x3F78];
	_ =	sdelay $0x3  }
0x36: {  	p1 =	seq.s32 s10, $0x1;
	s10 =	sld [smem:$0x3F79];
	_ =	sdelay $0x3  }
0x37: {  	[smem:$0x3F79] =	sst s10  }
0x38: {  	s10 =	sld [smem:$0x3F7A]  }
0x39: {  	_ = 	snop;
	(pc) =	sbr.ind lr, $3  }
0x3a: {  	_ = 	snop  }
0x3b: {  	_ = 	snop  }
0x3c: {  	p2 =	seq.s32 s10, $0x1;
	s10 =	sld [smem:$0x3F79]  }
0x3d: {  	_ =	shalt  }
0x3e: {  	_ =	shalt  }
0x3f: {  	_ =	shalt  }
0x40: {  	_ =	shalt  }
0x41: {  	_ =	shalt  }
0x42: {  	_ =	shalt  }
0x43: {  	_ =	shalt  }
0x44: {  	_ =	shalt  }
0x45: {  	_ =	shalt  }
0x46: {  	_ =	shalt  }
0x47: {  	_ =	shalt  }
0x48: {  	_ =	shalt  }
0x49: {  	_ =	shalt  }
0x4a: {  	_ =	shalt  }
0x4b: {  	_ =	shalt  }
0x4c: {  	_ =	shalt  }
0x4d: {  	_ =	shalt  }
0x4e: {  	_ =	shalt  }
0x4f: {  	_ =	shalt  }
0x50: {  	_ =	shalt  }
0x51: {  	_ =	shalt  }
0x52: {  	_ =	shalt  }
0x53: {  	_ =	shalt  }
0x54: {  	_ =	shalt  }
0x55: {  	_ =	shalt  }
0x56: {  	_ =	shalt  }
0x57: {  	_ =	shalt  }
0x58: {  	_ =	shalt  }
0x59: {  	_ =	shalt  }
0x5a: {  	_ =	shalt  }
0x5b: {  	_ =	shalt  }
0x5c: {  	_ =	shalt  }
0x5d: {  	_ =	shalt  }
0x5e: {  	_ =	shalt  }
0x5f: {  	_ =	shalt  }
0x60: {  	_ =	shalt  }
0x61: {  	_ =	shalt  }
0x62: {  	_ =	shalt  }
0x63: {  	_ =	shalt  }
0x64: {  	_ =	shalt  }
0x65: {  	_ =	shalt  }
0x66: {  	_ =	shalt  }
0x67: {  	_ =	shalt  }
0x68: {  	_ =	shalt  }
0x69: {  	_ =	shalt  }
0x6a: {  	_ =	shalt  }
0x6b: {  	_ =	shalt  }
0x6c: {  	_ =	shalt  }
0x6d: {  	_ =	shalt  }
0x6e: {  	_ =	shalt  }
0x6f: {  	_ =	shalt  }
0x70: {  	_ =	shalt  }
0x71: {  	_ =	shalt  }
0x72: {  	_ =	shalt  }
0x73: {  	_ =	shalt  }
0x74: {  	_ =	shalt  }
0x75: {  	_ =	shalt  }
0x76: {  	_ =	shalt  }
0x77: {  	_ =	shalt  }
0x78: {  	_ =	shalt  }
0x79: {  	_ =	shalt  }
0x7a: {  	_ =	shalt  }
0x7b: {  	_ =	shalt  }
0x7c: {  	_ =	shalt  }
0x7d: {  	_ =	shalt  }
0x7e: {  	_ =	shalt  }
0x7f: {  	_ =	shalt  }
0x80: {  	_ =	shalt  }
0x81: {  	_ =	shalt  }
0x82: {  	_ =	shalt  }
0x83: {  	_ =	shalt  }
0x84: {  	_ =	shalt  }
0x85: {  	_ =	shalt  }
0x86: {  	_ =	shalt  }
0x87: {  	_ =	shalt  }
.Lfunc_end0:
.L_simem_size_0:
called_computation.7_lowered:
.L_overlay_start_0:
0x88: {  	s2 =	sld [smem:$0x3FD9]  }
0x89: {  	s3 =	sld [smem:$0x3FFE];
	_ =	sdelay $0x1  }
0x8a: {  	s1 =	srdreg.scid  }
0x8b: {  	s0 =	sand.u32 $0x1, s1  }
0x8c: {  	s17 =	sshll.u32 s0, $0xA;
	s2 =	sadd.s32 s3, s2  }
0x8d: {  	s2 =	sadd.s32 s2, s17  }
0x8e: {  	[smem:$0x3F85] =	sst s2  }
0x8f: {  	_ = 	snop  }
0x90: {  	s2 =	sld [smem:$0x3FD0];
	(tm) =	ssettm $0x1  }
0x91: {  	s18 =	sld [smem:$0x3FFB];
	_ =	sdelay $0x3  }
0x92: {  	_ =	strace s18  }
0x93: {  	s3 =	sld [smem:$0x3FFC];
	_ =	sdelay $0x3  }
0x94: {  	_ =	strace s3  }
0x95: {  	s3 =	sld [smem:$0x3FFD];
	_ =	sdelay $0x3  }
0x96: {  	_ =	strace s3  }
0x97: {  	_ =	strace $0x8FFFFFFF  }
0x98: {  	s19 =	sld [smem:$0x3FDB];
	_ =	sdelay $0x1  }
0x99: {  	s4 =	simm.s32 $_scs_section_size  }
0x9a: {  	s5 =	simm.s32 $_size__tile_overlayer_lowered;
	s6 =	simm.s32 $_tile_overlayer_lowered  }
0x9b: {  	s22 =	simm.s32 $0x1BFF;
	s21 =	sshll.u32 s6, $0x1;
	s3 =	sadd.s32 s4, s19  }
0x9c: {  	s7 =	simm.s32 $0x0;
	s20 =	sshll.u32 s5, $0x1;
	s5 =	sadd.s32 s21, s3  }
0x9d: {  	[timem:s7], [sflag:s22] =	dma.local [hbm:s5], s20  }
0x9e: {  	_ =	swait.ge [sflag:s22], s20  }
0x9f: {  	s4 =	ssub.s32 $0x0, s20;
	[sflag:s22] =	ssyncset.done $0x0  }
0xa0: {  	[sflag:s22] =	ssyncadd.s32 s4;
	_ =	sdelay $0x1  }
0xa1: {  	s23 =	simm.s32 $0x1B8B  }
0xa2: {  	_ =	swait.ge [sflag:s23], $0x1  }
0xa3: {  	[sflag:s23] =	ssyncset.done $0x0  }
0xa4: {  	s25 =	simm.s32 $0x1B8E;
	s24 =	sld [smem:$0x3FFE];
	[sflag:s23] =	ssyncadd.s32 $0xFFFFFFFF  }
0xa5: {  	s26 =	simm.s32 $execute0_lowered;
	[smem:$0x3FD2] =	sst s25  }
0xa6: {  	s5 =	sshll.u32 s26, $0x1;
	_ =	strace $0x8000005B;
	[dreg:$0x1] =	wrdreg $0xFFFFFFFF  }
0xa7: {  	s28 =	simm.s32 $_size_execute0_lowered;
	s3 =	sadd.s32 s3, s5;
	[dreg:$0x0] =	wrdreg $0x0  }
0xa8: {  	s5 =	sshll.u32 s28, $0x1;
	[dreg:$0x2] =	wrdreg s3  }
0xa9: {  	[dreg:$0x3] =	wrdreg s5  }
0xaa: {  	[dreg:$0x4] =	wrdreg $0xC0  }
0xab: {  	_ =	task [dreg:s7], $0x5FFFF  }
0xac: {  	[dreg:$0x1] =	wrdreg $0xFFFFFFFF  }
0xad: {  	[dreg:$0x0] =	wrdreg $0x60  }
0xae: {  	[dreg:$0x2] =	wrdreg s24  }
0xaf: {  	[dreg:$0x3] =	wrdreg s2  }
0xb0: {  	[dreg:$0x4] =	wrdreg $0x9  }
0xb1: {  	_ =	task.clear_ibuf [dreg:s7], $0x5FFFF;
	_ =	strace $0x9000005B  }
0xb2: {  	s29 =	simm.s32 $0x9;
	_ =	strace $0x8000005D  }
0xb3: {  	_ =	swait.ge [sflag:s29], $0x1  }
0xb4: {  	[sflag:s29] =	ssyncadd.s32 $0xFFFFFFFF  }
0xb5: {  	_ =	strace $0x9000005D  }
0xb6: {  	_ =	sfence  }
0xb7: {  	s30 =	sld [smem:$0x0];
	_ =	sdelay $0x2  }
0xb8: {  	s31 =	sshll.u32 s1, $0xD;
	s1 =	sshrl.u32 s1, $0x2  }
0xb9: {  	s3 =	sand.u32 $0x4000, s31;
	s1 =	sadd.s32 s1, s30  }
0xba: {  	s0 =	sor.u32 s3, s0;
	s1 =	sshll.u32 s1, $0x11  }
0xbb: {  	s0 =	sor.u32 s1, s0  }
0xbc: {  	s0 =	sadd.s32 $0x8F2B, s0  }
0xbd: {  	[sflag:s0] =	ssyncadd.remote.s32 $0x1  }
0xbe: {  	_ =	sfence.sel $0xFFFF  }
0xbf: {  	[dreg:$0x0] =	wrdreg $0xFFFFFFFF;
	(pc) =	sbr.abs _section_cstart, $3  }
0xc0: {  	[dreg:$0x1] =	wrdreg $0xFFFFFFFF  }
0xc1: {  	_ =	task.clear_ibuf [dreg:s7], $0x2FFFF;
	_ =	strace $0x9FFFFFFF  }
0xc2: {  	(tm) =	ssettm $0x7FFFFFFF  }
0xc3: {  	_ =	shalt  }
tec
execute0_lowered:
.L_overlay_start_1:
0x0: {  	(tag) =	ssettag $0x1  }
0x1: {  	s5 =	rddreg [dreg:$0x0]  }
0x2: {  	s6 =	rddreg [dreg:$0x1]  }
0x3: {  	s0 =	rddreg [dreg:$0x2];
	s2 =	simm.s32 $0x0  }
0x4: {  	s1 =	stileid.u32;
	s8 =	srdreg.scid;
	s17 =	simm.s32 $0x80  }
0x5: {  	s18 =	simm.s32 $0x5000;
	s19 =	simm.s32 $0x1;
	s20 =	simm.s32 $0x9000  }
0x6: {  	s21 =	simm.s32 $0x2;
	s22 =	simm.s32 $0x3;
	s23 =	simm.s32 $0x100  }
0x7: {  	s24 =	simm.s32 $0x4;
	s25 =	simm.s32 $0x4F80;
	s26 =	simm.s32 $0x0  }
0x8: {  	[smem:$0x7FF] =	sst s2;
	s7 =	smul.u32 $0xA00, s1;
	s3 =	sadd.s32 $0xB16600, s5  }
0x9: {  	s4 =	sadd.s32 $0xB46600, s5;
	s8 =	sand.u32 $0x1, s8;
	s15 =	sadd.s32 $0x51B600, s5  }
0xa: {  	s13 =	sadd.s32 $0x1B600, s5;
	s12 =	smul.u32 $0x50000, s1;
	_ =	strace $0x8000005C  }
0xb: {  	s10 =	ssub.s32 $0x2, s8;
	p0 =	seq.s32 s8, $0x1;
	s9 =	sadd.s32 s7, s5  }
0xc: {  	s31 =	sshrl.u32 s10, $0x1;
	s5 =	sadd.s32 s6, s7;
	s11 =	sor.u32 $0x800, s12  }
.Ltmp0:
0xd: {  	s8 =	sadd.s32 s13, s12;
	s14 =	sadd.s32 $0x4F000, s12;
	(pc) =	sbr.rel .LBB2_1-.Ltmp0, $4  }
0xe: {  	s16 =	sadd.s32 $0x4F800, s12;
	s10 =	ssub.s32 s10, s31;
	s6 =	sadd.s32 $0xFE00, s9  }
0xf: {  	s9 =	sadd.s32 s13, s11;
	s11 =	sadd.s32 s15, s11;
	s7 =	smax.u32 s10, $0x1  }
0x10: {  	s10 =	sadd.s32 s15, s12;
	s12 =	sadd.s32 s13, s14;
	s13 =	sadd.s32 s13, s16  }
0x11: {  	s14 =	sadd.s32 s15, s14;
	s15 =	sadd.s32 s15, s16;
	s16 =	simm.s32 $0x5  }
.LBB2_7:
0x12: {  	[hbm4b:s30+s2] =	stream.linear.scatter [tilespmem:s20], [sflag:$0x4], $0x4000, $0x38;
	[tilespmem:$0xD000] =	vst v63  }
0x13: {  	_ =	swait.ge [sflag:s19], $0x4000  }
0x14: {  	[sflag:s19] =	ssyncset.done $0x0  }
0x15: {  	[sflag:s19] =	ssyncadd.s32 $0xFFFFC000  }
0x16: {  	_ =	swait.ge [sflag:s24], $0x4000  }
0x17: {  	[sflag:s24] =	ssyncset.done $0x0  }
0x18: {  	[sflag:s24] =	ssyncadd.s32 $0xFFFFC000  }
0x19: {  	[tilespmem:s20], [sflag:$0x2] =	stream.indirect.gather [hbm4b:s4+s17], $0x80, s25, s17, $0xb8;
	[tilespmem:$0xD000] =	vst v63  }
0x1a: {  	_ = 	snop  }
0x1b: {  	[hbm4b:s14+s2] =	stream.linear.scatter [tilespmem:s18], [sflag:$0x3], $0x4000, $0x38;
	[tilespmem:$0xD000] =	vst v63  }
0x1c: {  	_ =	swait.ge [sflag:s21], $0x4000  }
0x1d: {  	[sflag:s21] =	ssyncset.done $0x0  }
0x1e: {  	[sflag:s21] =	ssyncadd.s32 $0xFFFFC000  }
0x1f: {  	[hbm4b:s15+s2] =	stream.linear.scatter [tilespmem:s20], [sflag:$0x4], $0x4000, $0x38;
	[tilespmem:$0xD000] =	vst v63  }
.LBB2_8:
0x20: {  	s26 =	sadd.s32 $0x1, s26  }
0x21: {  	_ =	swait.ge [sflag:s22], $0x4000;
	p1 =	sne.s32 s26, s7  }
.Ltmp1:
0x22: {  	[sflag:s22] =	ssyncset.done $0x0;
	(pc) =	sbr.rel @!p1 .LBB2_9-.Ltmp1, $4  }
0x23: {  	[sflag:s22] =	ssyncadd.s32 $0xFFFFC000  }
0x24: {  	_ =	swait.ge [sflag:s24], $0x4000  }
0x25: {  	[sflag:s24] =	ssyncset.done $0x0  }
0x26: {  	[sflag:s24] =	ssyncadd.s32 $0xFFFFC000  }
.LBB2_1:
.Ltmp2:
0x27: {  	(pc) =	sbr.rel @!p0 .LBB2_2-.Ltmp2, $1  }
0x28: {  	_ =	sdelay $0x3  }
0x29: {  	[tilespmem:s2], [sflag:$0x5] =	stream.linear.gather [hbm4b:s6+s2], $0x5000, $0x38;
	[tilespmem:$0xD000] =	vst v63  }
0x2a: {  	_ =	swait.ge [sflag:s16], $0x5000  }
0x2b: {  	[sflag:s16] =	ssyncset.done $0x0  }
0x2c: {  	[sflag:s16] =	ssyncadd.s32 $0xFFFFB000  }
0x2d: {  	[tilespmem:s18], [sflag:$0x1] =	stream.indirect.gather [hbm4b:s4+s17], $0x80, s2, s17, $0xb8;
	[tilespmem:$0xD000] =	vst v63  }
0x2e: {  	_ =	swait.ge [sflag:s19], $0x4000  }
0x2f: {  	[sflag:s19] =	ssyncset.done $0x0  }
0x30: {  	[sflag:s19] =	ssyncadd.s32 $0xFFFFC000  }
0x31: {  	[tilespmem:s20], [sflag:$0x2] =	stream.indirect.gather [hbm4b:s4+s17], $0x80, s17, s17, $0xb8;
	[tilespmem:$0xD000] =	vst v63  }
0x32: {  	_ = 	snop  }
0x33: {  	[hbm4b:s10+s2] =	stream.linear.scatter [tilespmem:s18], [sflag:$0x3], $0x4000, $0x38;
	[tilespmem:$0xD000] =	vst v63  }
0x34: {  	_ =	swait.ge [sflag:s21], $0x4000  }
0x35: {  	[sflag:s21] =	ssyncset.done $0x0  }
0x36: {  	[sflag:s21] =	ssyncadd.s32 $0xFFFFC000  }
0x37: {  	_ =	swait.ge [sflag:s22], $0x4000  }
0x38: {  	[sflag:s22] =	ssyncset.done $0x0  }
0x39: {  	[sflag:s22] =	ssyncadd.s32 $0xFFFFC000  }
0x3a: {  	[tilespmem:s18], [sflag:$0x1] =	stream.indirect.gather [hbm4b:s4+s17], $0x80, s23, s17, $0xb8;
	[tilespmem:$0xD000] =	vst v63  }
0x3b: {  	_ = 	snop  }
0x3c: {  	[hbm4b:s11+s2] =	stream.linear.scatter [tilespmem:s20], [sflag:$0x4], $0x4000, $0x38;
	[tilespmem:$0xD000] =	vst v63  }
0x3d: {  	_ =	swait.ge [sflag:s19], $0x4000  }
0x3e: {  	[sflag:s19] =	ssyncset.done $0x0  }
0x3f: {  	[sflag:s19] =	ssyncadd.s32 $0xFFFFC000  }
0x40: {  	_ =	swait.ge [sflag:s24], $0x4000  }
0x41: {  	[sflag:s24] =	ssyncset.done $0x0  }
0x42: {  	s28 =	simm.s32 $0x180;
	s29 =	sadd.s32 $0xFFFB2000, s10;
	[sflag:s24] =	ssyncadd.s32 $0xFFFFC000  }
0x43: {  	[tilespmem:s20], [sflag:$0x2] =	stream.indirect.gather [hbm4b:s4+s17], $0x80, s28, s17, $0xb8;
	[tilespmem:$0xD000] =	vst v63  }
0x44: {  	s28 =	sadd.s32 $0x4F000, s29  }
0x45: {  	[hbm4b:s28+s2] =	stream.linear.scatter [tilespmem:s18], [sflag:$0x3], $0x4000, $0x38;
	[tilespmem:$0xD000] =	vst v63  }
0x46: {  	_ =	swait.ge [sflag:s21], $0x4000  }
0x47: {  	[sflag:s21] =	ssyncset.done $0x0  }
0x48: {  	[sflag:s21] =	ssyncadd.s32 $0xFFFFC000  }
0x49: {  	_ =	swait.ge [sflag:s22], $0x4000  }
0x4a: {  	[sflag:s22] =	ssyncset.done $0x0  }
0x4b: {  	s28 =	simm.s32 $0x200;
	[sflag:s22] =	ssyncadd.s32 $0xFFFFC000  }
0x4c: {  	[tilespmem:s18], [sflag:$0x1] =	stream.indirect.gather [hbm4b:s4+s17], $0x80, s28, s17, $0xb8;
	[tilespmem:$0xD000] =	vst v63  }
0x4d: {  	s30 =	sadd.s32 $0x4F800, s29;
	s29 =	simm.s32 $0x300;
	s28 =	simm.s32 $0xFFFB3000  }
.LBB2_6:
0x4e: {  	[hbm4b:s30+s2] =	stream.linear.scatter [tilespmem:s20], [sflag:$0x4], $0x4000, $0x38;
	[tilespmem:$0xD000] =	vst v63  }
0x4f: {  	s30 =	smov.u32 s28  }
0x50: {  	p1 =	sne.s32 s28, $0xFFFFF000;
	s28 =	sadd.s32 $0x1000, s28;
	_ =	swait.ge [sflag:s19], $0x4000  }
0x51: {  	[sflag:s19] =	ssyncset.done $0x0  }
0x52: {  	[sflag:s19] =	ssyncadd.s32 $0xFFFFC000  }
0x53: {  	_ =	swait.ge [sflag:s24], $0x4000  }
0x54: {  	[sflag:s24] =	ssyncset.done $0x0  }
0x55: {  	s31 =	sadd.s32 $0xFFFFFF80, s29;
	s30 =	sadd.s32 s30, s10;
	[sflag:s24] =	ssyncadd.s32 $0xFFFFC000  }
0x56: {  	[tilespmem:s20], [sflag:$0x2] =	stream.indirect.gather [hbm4b:s4+s17], $0x80, s31, s17, $0xb8;
	[tilespmem:$0xD000] =	vst v63  }
0x57: {  	s31 =	sadd.s32 $0x4F000, s30  }
0x58: {  	[hbm4b:s31+s2] =	stream.linear.scatter [tilespmem:s18], [sflag:$0x3], $0x4000, $0x38;
	[tilespmem:$0xD000] =	vst v63  }
0x59: {  	_ =	swait.ge [sflag:s21], $0x4000  }
0x5a: {  	[sflag:s21] =	ssyncset.done $0x0  }
0x5b: {  	[sflag:s21] =	ssyncadd.s32 $0xFFFFC000  }
.Ltmp3:
0x5c: {  	_ =	swait.ge [sflag:s22], $0x4000;
	(pc) =	sbr.rel @p1 .LBB2_6-.Ltmp3, $4  }
0x5d: {  	[sflag:s22] =	ssyncset.done $0x0  }
0x5e: {  	[sflag:s22] =	ssyncadd.s32 $0xFFFFC000  }
0x5f: {  	[tilespmem:s18], [sflag:$0x1] =	stream.indirect.gather [hbm4b:s4+s17], $0x80, s29, s17, $0xb8;
	[tilespmem:$0xD000] =	vst v63  }
0x60: {  	s30 =	sadd.s32 $0x4F800, s30;
	s29 =	sadd.s32 $0x100, s29  }
.Ltmp4:
0x61: {  	_ = 	snop;
	(pc) =	sbr.rel .LBB2_7-.Ltmp4, $1  }
0x62: {  	_ =	sdelay $0x3  }
.LBB2_2:
0x63: {  	[tilespmem:s2], [sflag:$0x5] =	stream.linear.gather [hbm4b:s5+s2], $0x5000, $0x38;
	[tilespmem:$0xD000] =	vst v63  }
0x64: {  	_ =	swait.ge [sflag:s16], $0x5000  }
0x65: {  	[sflag:s16] =	ssyncset.done $0x0  }
0x66: {  	[sflag:s16] =	ssyncadd.s32 $0xFFFFB000  }
0x67: {  	[tilespmem:s18], [sflag:$0x1] =	stream.indirect.gather [hbm4b:s3+s17], $0x80, s2, s17, $0xb8;
	[tilespmem:$0xD000] =	vst v63  }
0x68: {  	_ =	swait.ge [sflag:s19], $0x4000  }
0x69: {  	[sflag:s19] =	ssyncset.done $0x0  }
0x6a: {  	[sflag:s19] =	ssyncadd.s32 $0xFFFFC000  }
0x6b: {  	[tilespmem:s20], [sflag:$0x2] =	stream.indirect.gather [hbm4b:s3+s17], $0x80, s17, s17, $0xb8;
	[tilespmem:$0xD000] =	vst v63  }
0x6c: {  	_ = 	snop  }
0x6d: {  	[hbm4b:s8+s2] =	stream.linear.scatter [tilespmem:s18], [sflag:$0x3], $0x4000, $0x38;
	[tilespmem:$0xD000] =	vst v63  }
0x6e: {  	_ =	swait.ge [sflag:s21], $0x4000  }
0x6f: {  	[sflag:s21] =	ssyncset.done $0x0  }
0x70: {  	[sflag:s21] =	ssyncadd.s32 $0xFFFFC000  }
0x71: {  	_ =	swait.ge [sflag:s22], $0x4000  }
0x72: {  	[sflag:s22] =	ssyncset.done $0x0  }
0x73: {  	[sflag:s22] =	ssyncadd.s32 $0xFFFFC000  }
0x74: {  	[tilespmem:s18], [sflag:$0x1] =	stream.indirect.gather [hbm4b:s3+s17], $0x80, s23, s17, $0xb8;
	[tilespmem:$0xD000] =	vst v63  }
0x75: {  	_ = 	snop  }
0x76: {  	[hbm4b:s9+s2] =	stream.linear.scatter [tilespmem:s20], [sflag:$0x4], $0x4000, $0x38;
	[tilespmem:$0xD000] =	vst v63  }
0x77: {  	_ =	swait.ge [sflag:s19], $0x4000  }
0x78: {  	[sflag:s19] =	ssyncset.done $0x0  }
0x79: {  	[sflag:s19] =	ssyncadd.s32 $0xFFFFC000  }
0x7a: {  	_ =	swait.ge [sflag:s24], $0x4000  }
0x7b: {  	[sflag:s24] =	ssyncset.done $0x0  }
0x7c: {  	s28 =	simm.s32 $0x180;
	s29 =	sadd.s32 $0xFFFB2000, s8;
	[sflag:s24] =	ssyncadd.s32 $0xFFFFC000  }
0x7d: {  	[tilespmem:s20], [sflag:$0x2] =	stream.indirect.gather [hbm4b:s3+s17], $0x80, s28, s17, $0xb8;
	[tilespmem:$0xD000] =	vst v63  }
0x7e: {  	s28 =	sadd.s32 $0x4F000, s29  }
0x7f: {  	[hbm4b:s28+s2] =	stream.linear.scatter [tilespmem:s18], [sflag:$0x3], $0x4000, $0x38;
	[tilespmem:$0xD000] =	vst v63  }
0x80: {  	_ =	swait.ge [sflag:s21], $0x4000  }
0x81: {  	[sflag:s21] =	ssyncset.done $0x0  }
0x82: {  	[sflag:s21] =	ssyncadd.s32 $0xFFFFC000  }
0x83: {  	_ =	swait.ge [sflag:s22], $0x4000  }
0x84: {  	[sflag:s22] =	ssyncset.done $0x0  }
0x85: {  	s28 =	simm.s32 $0x200;
	[sflag:s22] =	ssyncadd.s32 $0xFFFFC000  }
0x86: {  	[tilespmem:s18], [sflag:$0x1] =	stream.indirect.gather [hbm4b:s3+s17], $0x80, s28, s17, $0xb8;
	[tilespmem:$0xD000] =	vst v63  }
0x87: {  	s30 =	sadd.s32 $0x4F800, s29;
	s29 =	simm.s32 $0x300;
	s28 =	simm.s32 $0xFFFB3000  }
.LBB2_3:
0x88: {  	[hbm4b:s30+s2] =	stream.linear.scatter [tilespmem:s20], [sflag:$0x4], $0x4000, $0x38;
	[tilespmem:$0xD000] =	vst v63  }
0x89: {  	s30 =	smov.u32 s28  }
0x8a: {  	p1 =	seq.s32 s28, $0xFFFFF000;
	s28 =	sadd.s32 $0x1000, s28;
	_ =	swait.ge [sflag:s19], $0x4000  }
0x8b: {  	[sflag:s19] =	ssyncset.done $0x0  }
0x8c: {  	[sflag:s19] =	ssyncadd.s32 $0xFFFFC000  }
0x8d: {  	_ =	swait.ge [sflag:s24], $0x4000  }
0x8e: {  	[sflag:s24] =	ssyncset.done $0x0  }
0x8f: {  	s31 =	sadd.s32 $0xFFFFFF80, s29;
	s30 =	sadd.s32 s30, s8;
	[sflag:s24] =	ssyncadd.s32 $0xFFFFC000  }
0x90: {  	[tilespmem:s20], [sflag:$0x2] =	stream.indirect.gather [hbm4b:s3+s17], $0x80, s31, s17, $0xb8;
	[tilespmem:$0xD000] =	vst v63  }
0x91: {  	s31 =	sadd.s32 $0x4F000, s30  }
0x92: {  	[hbm4b:s31+s2] =	stream.linear.scatter [tilespmem:s18], [sflag:$0x3], $0x4000, $0x38;
	[tilespmem:$0xD000] =	vst v63  }
0x93: {  	_ =	swait.ge [sflag:s21], $0x4000  }
0x94: {  	[sflag:s21] =	ssyncset.done $0x0  }
0x95: {  	[sflag:s21] =	ssyncadd.s32 $0xFFFFC000  }
.Ltmp5:
0x96: {  	_ =	swait.ge [sflag:s22], $0x4000;
	(pc) =	sbr.rel @!p1 .LBB2_3-.Ltmp5, $4  }
0x97: {  	[sflag:s22] =	ssyncset.done $0x0  }
0x98: {  	[sflag:s22] =	ssyncadd.s32 $0xFFFFC000  }
0x99: {  	[tilespmem:s18], [sflag:$0x1] =	stream.indirect.gather [hbm4b:s3+s17], $0x80, s29, s17, $0xb8;
	[tilespmem:$0xD000] =	vst v63  }
0x9a: {  	s30 =	sadd.s32 $0x4F800, s30;
	s29 =	sadd.s32 $0x100, s29  }
0x9b: {  	[hbm4b:s30+s2] =	stream.linear.scatter [tilespmem:s20], [sflag:$0x4], $0x4000, $0x38;
	[tilespmem:$0xD000] =	vst v63  }
0x9c: {  	_ =	swait.ge [sflag:s19], $0x4000  }
0x9d: {  	[sflag:s19] =	ssyncset.done $0x0  }
0x9e: {  	[sflag:s19] =	ssyncadd.s32 $0xFFFFC000  }
0x9f: {  	_ =	swait.ge [sflag:s24], $0x4000  }
0xa0: {  	[sflag:s24] =	ssyncset.done $0x0  }
0xa1: {  	[sflag:s24] =	ssyncadd.s32 $0xFFFFC000  }
0xa2: {  	[tilespmem:s20], [sflag:$0x2] =	stream.indirect.gather [hbm4b:s3+s17], $0x80, s25, s17, $0xb8;
	[tilespmem:$0xD000] =	vst v63  }
0xa3: {  	_ = 	snop  }
0xa4: {  	[hbm4b:s12+s2] =	stream.linear.scatter [tilespmem:s18], [sflag:$0x3], $0x4000, $0x38;
	[tilespmem:$0xD000] =	vst v63  }
.Ltmp6:
0xa5: {  	_ = 	snop;
	(pc) =	sbr.rel .LBB2_8-.Ltmp6, $4  }
0xa6: {  	_ =	swait.ge [sflag:s21], $0x4000  }
0xa7: {  	[sflag:s21] =	ssyncset.done $0x0  }
0xa8: {  	[sflag:s21] =	ssyncadd.s32 $0xFFFFC000  }
0xa9: {  	[hbm4b:s13+s2] =	stream.linear.scatter [tilespmem:s20], [sflag:$0x4], $0x4000, $0x38;
	[tilespmem:$0xD000] =	vst v63  }
.LBB2_9:
0xaa: {  	_ =	sfence.sel $0x180000  }
0xab: {  	[bflag:$0x0] =	sbarrier.arrive $0xFFFF  }
0xac: {  	p0 =	sne.s32 s1, $0x0;
	_ =	strace $0x9000005C  }
0xad: {  	s0 =	sadd.s32 @!p0 $0x100000, s0;
	[bflag:$0x2] =	sbarrier.arrive $0xFFFF  }
0xae: {  	[sflag:s0] =	ssyncadd.tile.s32 @!p0 $0x1;
	_ =	shalt  }
.Lfunc_end2:
_tile_overlayer_lowered:
.L_overlay_start_2:
0xaf: {  	(tag) =	ssettag $0x2  }
0xb0: {  	s0 =	rddreg [dreg:$0x0];
	s2 =	stileid.u32  }
0xb1: {  	s1 =	rddreg [dreg:$0x1];
	p0 =	sne.s32 s2, $0x0  }
0xb2: {  	s3 =	rddreg [dreg:$0x2];
	[bflag:$0x3] =	sbarrier.arrive $0xFFFF;
	s2 =	simm.s32 @!p0 $0x1C05  }
0xb3: {  	[timem:s3], [sflag:s2] =	dma.local @!p0 [hbm:s0], s1  }
0xb4: {  	s0 =	simm.s32 @!p0 $0x5  }
0xb5: {  	_ =	swait.ge @!p0 [sflag:s0], s1  }
0xb6: {  	s1 =	ssub.s32 @!p0 $0x0, s1;
	[sflag:s0] =	ssyncset.done @!p0 $0x0  }
0xb7: {  	[sflag:s0] =	ssyncadd.s32 @!p0 s1  }
0xb8: {  	[bflag:$0x3] =	sbarrier.arrive $0xFFFF  }
0xb9: {  	_ =	shalt  }

// kernel: kernel.44.cloned.1.call-start
scs
__scs_entry_jumppad:
0x0: {  	(pc) =	sbr.rel $0x88, $3  }
0x1: {  	(tag) =	ssettag $0x0;
	lr =	simm.s32 $0x1  }
0x2: {  	[smem:$0x3F5E] =	sst lr;
	_ =	strace $0xD0000000  }
0x3: {  	_ = 	snop  }
0x4: {  	_ = 	snop  }
0x5: {  	_ = 	snop  }
0x6: {  	_ = 	snop  }
0x7: {  	_ = 	snop  }
__scs_overlays_trampoline_lowered:
0x8: {  	[smem:$0x3F6D] =	sst s0  }
0x9: {  	[smem:$0x3F6E] =	sst s1  }
0xa: {  	[smem:$0x3F6F] =	sst s2  }
0xb: {  	[smem:$0x3F70] =	sst s3  }
0xc: {  	[smem:$0x3F71] =	sst s4  }
0xd: {  	[smem:$0x3F72] =	sst s5  }
0xe: {  	[smem:$0x3F73] =	sst s6  }
0xf: {  	[smem:$0x3F74] =	sst s7  }
0x10: {  	[smem:$0x3F75] =	sst s8  }
0x11: {  	[smem:$0x3F76] =	sst s9;
	s0 =	simm.s32 @!p0 $0x0  }
0x12: {  	s1 =	sld [smem:$0x3F5C];
	s0 =	simm.s32 @p0 $0x1  }
0x13: {  	[smem:$0x3F77] =	sst s0;
	s0 =	simm.s32 @!p1 $0x0  }
0x14: {  	s2 =	sld [smem:$0x3F5B];
	s0 =	simm.s32 @p1 $0x1  }
0x15: {  	[smem:$0x3F78] =	sst s0;
	s0 =	simm.s32 @!p2 $0x0  }
0x16: {  	s3 =	sld [smem:$0x3FDB];
	s0 =	simm.s32 @p2 $0x1  }
0x17: {  	s4 =	simm.s32 $0x1BF5;
	[smem:$0x3F7A] =	sst s0  }
0x18: {  	s0 =	sld [smem:$0x3F5D];
	_ =	swait.ge [sflag:s4], $0x0  }
0x19: {  	s7 =	sld [smem:$0x3F5E]  }
0x1a: {  	s8 =	sadd.s32 $0xFFFFE003, lr  }
0x1b: {  	s9 =	sadd.s32 $0xFFFFFEF7, lr;
	s5 =	simm.s32 $0xFFFFFFFF;
	p2 =	slt.u32 s8, $0xFFFFF086  }
0x1c: {  	p1 =	slt.u32 s9, $0xF7A;
	s5 =	simm.s32 @!p2 $0x0  }
0x1d: {  	s5 =	simm.s32 @p1 $0x1;
	p0 =	seq.s32 s7, s2  }
0x1e: {  	s7 =	smul.u32 @!p0 $0xF7A, s2;
	p2 =	seq.s32 @!p0 s5, $0x0  }
0x1f: {  	s9 =	smul.u32 $0xF7A, s1;
	s8 =	simm.s32 @!p0 $0x1BF5;
	p2 =	por !p2, p0  }
0x20: {  	[sflag:s8] =	ssyncset.s32 @!p0 $0xFFFFF086;
	s6 =	sadd.s32 @!p0 s3, s7;
	s7 =	simm.s32 @!p0 $0x108  }
0x21: {  	s3 =	sadd.s32 s3, s9;
	s6 =	sadd.s32 @!p0 $0x88, s6;
	s7 =	simm.s32 @p2 $0x1082  }
0x22: {  	[simem:s7], [sflag:s8] =	dma.local @!p0 [hbm:s6], $0xF7A  }
0x23: {  	s9 =	sor.u32 $0xD0000000, s2;
	s6 =	simm.s32 $0x108;
	_ =	swait.ge @!p0 [sflag:s8], $0x0  }
0x24: {  	s3 =	sadd.s32 $0x88, s3;
	s6 =	simm.s32 @!p1 $0x1082;
	[sflag:s4] =	ssyncset.s32 $0xFFFFF086  }
0x25: {  	[simem:s6], [sflag:s4] =	dma.local [hbm:s3], $0xF7A  }
0x26: {  	[smem:$0x3F5E] =	sst s1;
	(tag) =	ssettag s2;
	_ =	strace s9  }
0x27: {  	s1 =	sld [smem:$0x3F6E]  }
0x28: {  	s2 =	sld [smem:$0x3F6F]  }
0x29: {  	s4 =	sld [smem:$0x3F71]  }
0x2a: {  	p0 =	seq.s32 s5, $0x0;
	s5 =	sld [smem:$0x3F72]  }
0x2b: {  	s6 =	sld [smem:$0x3F73]  }
0x2c: {  	s7 =	sld [smem:$0x3F74]  }
0x2d: {  	s3 =	simm.s32 $0x108;
	s8 =	sld [smem:$0x3F75]  }
0x2e: {  	s3 =	simm.s32 @!p0 $0x1082;
	s9 =	sld [smem:$0x3F76]  }
0x2f: {  	lr =	sadd.s32 s0, s3;
	s0 =	sld [smem:$0x3F6D]  }
0x30: {  	s3 =	sld [smem:$0x3F70]  }
0x31: {  	[smem:$0x3F79] =	sst s10  }
0x32: {  	s10 =	sld [smem:$0x3F77];
	_ =	sdelay $0x3  }
0x33: {  	p0 =	seq.s32 s10, $0x1;
	s10 =	sld [smem:$0x3F79];
	_ =	sdelay $0x3  }
0x34: {  	[smem:$0x3F79] =	sst s10  }
0x35: {  	s10 =	sld [smem:$0x3F78];
	_ =	sdelay $0x3  }
0x36: {  	p1 =	seq.s32 s10, $0x1;
	s10 =	sld [smem:$0x3F79];
	_ =	sdelay $0x3  }
0x37: {  	[smem:$0x3F79] =	sst s10  }
0x38: {  	s10 =	sld [smem:$0x3F7A]  }
0x39: {  	_ = 	snop;
	(pc) =	sbr.ind lr, $3  }
0x3a: {  	_ = 	snop  }
0x3b: {  	_ = 	snop  }
0x3c: {  	p2 =	seq.s32 s10, $0x1;
	s10 =	sld [smem:$0x3F79]  }
0x3d: {  	_ =	shalt  }
0x3e: {  	_ =	shalt  }
0x3f: {  	_ =	shalt  }
0x40: {  	_ =	shalt  }
0x41: {  	_ =	shalt  }
0x42: {  	_ =	shalt  }
0x43: {  	_ =	shalt  }
0x44: {  	_ =	shalt  }
0x45: {  	_ =	shalt  }
0x46: {  	_ =	shalt  }
0x47: {  	_ =	shalt  }
0x48: {  	_ =	shalt  }
0x49: {  	_ =	shalt  }
0x4a: {  	_ =	shalt  }
0x4b: {  	_ =	shalt  }
0x4c: {  	_ =	shalt  }
0x4d: {  	_ =	shalt  }
0x4e: {  	_ =	shalt  }
0x4f: {  	_ =	shalt  }
0x50: {  	_ =	shalt  }
0x51: {  	_ =	shalt  }
0x52: {  	_ =	shalt  }
0x53: {  	_ =	shalt  }
0x54: {  	_ =	shalt  }
0x55: {  	_ =	shalt  }
0x56: {  	_ =	shalt  }
0x57: {  	_ =	shalt  }
0x58: {  	_ =	shalt  }
0x59: {  	_ =	shalt  }
0x5a: {  	_ =	shalt  }
0x5b: {  	_ =	shalt  }
0x5c: {  	_ =	shalt  }
0x5d: {  	_ =	shalt  }
0x5e: {  	_ =	shalt  }
0x5f: {  	_ =	shalt  }
0x60: {  	_ =	shalt  }
0x61: {  	_ =	shalt  }
0x62: {  	_ =	shalt  }
0x63: {  	_ =	shalt  }
0x64: {  	_ =	shalt  }
0x65: {  	_ =	shalt  }
0x66: {  	_ =	shalt  }
0x67: {  	_ =	shalt  }
0x68: {  	_ =	shalt  }
0x69: {  	_ =	shalt  }
0x6a: {  	_ =	shalt  }
0x6b: {  	_ =	shalt  }
0x6c: {  	_ =	shalt  }
0x6d: {  	_ =	shalt  }
0x6e: {  	_ =	shalt  }
0x6f: {  	_ =	shalt  }
0x70: {  	_ =	shalt  }
0x71: {  	_ =	shalt  }
0x72: {  	_ =	shalt  }
0x73: {  	_ =	shalt  }
0x74: {  	_ =	shalt  }
0x75: {  	_ =	shalt  }
0x76: {  	_ =	shalt  }
0x77: {  	_ =	shalt  }
0x78: {  	_ =	shalt  }
0x79: {  	_ =	shalt  }
0x7a: {  	_ =	shalt  }
0x7b: {  	_ =	shalt  }
0x7c: {  	_ =	shalt  }
0x7d: {  	_ =	shalt  }
0x7e: {  	_ =	shalt  }
0x7f: {  	_ =	shalt  }
0x80: {  	_ =	shalt  }
0x81: {  	_ =	shalt  }
0x82: {  	_ =	shalt  }
0x83: {  	_ =	shalt  }
0x84: {  	_ =	shalt  }
0x85: {  	_ =	shalt  }
0x86: {  	_ =	shalt  }
0x87: {  	_ =	shalt  }
.Lfunc_end0:
.L_simem_size_0:
called_computation.8_lowered:
.L_overlay_start_0:
0x88: {  	s2 =	sld [smem:$0x3FD9]  }
0x89: {  	s3 =	sld [smem:$0x3FFE];
	_ =	sdelay $0x1  }
0x8a: {  	s1 =	srdreg.scid  }
0x8b: {  	s0 =	sand.u32 $0x1, s1  }
0x8c: {  	s17 =	sshll.u32 s0, $0xA;
	s2 =	sadd.s32 s3, s2  }
0x8d: {  	s2 =	sadd.s32 s2, s17  }
0x8e: {  	[smem:$0x3F85] =	sst s2  }
0x8f: {  	_ = 	snop  }
0x90: {  	s2 =	sld [smem:$0x3FD0];
	(tm) =	ssettm $0x1  }
0x91: {  	s18 =	sld [smem:$0x3FFB];
	_ =	sdelay $0x3  }
0x92: {  	_ =	strace s18  }
0x93: {  	s3 =	sld [smem:$0x3FFC];
	_ =	sdelay $0x3  }
0x94: {  	_ =	strace s3  }
0x95: {  	s3 =	sld [smem:$0x3FFD];
	_ =	sdelay $0x3  }
0x96: {  	_ =	strace s3  }
0x97: {  	_ =	strace $0x8FFFFFFF  }
0x98: {  	s19 =	sld [smem:$0x3FDB];
	_ =	sdelay $0x1  }
0x99: {  	s4 =	simm.s32 $_scs_section_size  }
0x9a: {  	s5 =	simm.s32 $_size__tile_overlayer_lowered;
	s6 =	simm.s32 $_tile_overlayer_lowered  }
0x9b: {  	s22 =	simm.s32 $0x1BFF;
	s21 =	sshll.u32 s6, $0x1;
	s3 =	sadd.s32 s4, s19  }
0x9c: {  	s7 =	simm.s32 $0x0;
	s20 =	sshll.u32 s5, $0x1;
	s5 =	sadd.s32 s21, s3  }
0x9d: {  	[timem:s7], [sflag:s22] =	dma.local [hbm:s5], s20  }
0x9e: {  	_ =	swait.ge [sflag:s22], s20  }
0x9f: {  	s4 =	ssub.s32 $0x0, s20;
	[sflag:s22] =	ssyncset.done $0x0  }
0xa0: {  	[sflag:s22] =	ssyncadd.s32 s4;
	_ =	sdelay $0x1  }
0xa1: {  	s23 =	simm.s32 $0x1B8B  }
0xa2: {  	_ =	swait.ge [sflag:s23], $0x1  }
0xa3: {  	[sflag:s23] =	ssyncset.done $0x0  }
0xa4: {  	s25 =	simm.s32 $0x1B8E;
	s24 =	sld [smem:$0x3FFE];
	[sflag:s23] =	ssyncadd.s32 $0xFFFFFFFF  }
0xa5: {  	s26 =	simm.s32 $execute0_lowered;
	[smem:$0x3FD2] =	sst s25  }
0xa6: {  	s5 =	sshll.u32 s26, $0x1;
	_ =	strace $0x8000005E;
	[dreg:$0x1] =	wrdreg $0xFFFFFFFF  }
0xa7: {  	s28 =	simm.s32 $_size_execute0_lowered;
	s3 =	sadd.s32 s3, s5;
	[dreg:$0x0] =	wrdreg $0x0  }
0xa8: {  	s5 =	sshll.u32 s28, $0x1;
	[dreg:$0x2] =	wrdreg s3  }
0xa9: {  	[dreg:$0x3] =	wrdreg s5  }
0xaa: {  	[dreg:$0x4] =	wrdreg $0xC0  }
0xab: {  	_ =	task [dreg:s7], $0x5FFFF  }
0xac: {  	[dreg:$0x1] =	wrdreg $0xFFFFFFFF  }
0xad: {  	[dreg:$0x0] =	wrdreg $0x60  }
0xae: {  	[dreg:$0x2] =	wrdreg s24  }
0xaf: {  	[dreg:$0x3] =	wrdreg s2  }
0xb0: {  	[dreg:$0x4] =	wrdreg $0x0  }
0xb1: {  	[dreg:$0x5] =	wrdreg $0x9  }
0xb2: {  	_ =	task.clear_ibuf [dreg:s7], $0x6FFFF;
	_ =	strace $0x9000005E  }
0xb3: {  	s29 =	simm.s32 $0x9;
	_ =	strace $0x80000060  }
0xb4: {  	_ =	swait.ge [sflag:s29], $0x1  }
0xb5: {  	[sflag:s29] =	ssyncadd.s32 $0xFFFFFFFF  }
0xb6: {  	_ =	strace $0x90000060  }
0xb7: {  	_ =	sfence  }
0xb8: {  	s30 =	sld [smem:$0x0];
	_ =	sdelay $0x2  }
0xb9: {  	s31 =	sshll.u32 s1, $0xD;
	s1 =	sshrl.u32 s1, $0x2  }
0xba: {  	s3 =	sand.u32 $0x4000, s31;
	s1 =	sadd.s32 s1, s30  }
0xbb: {  	s0 =	sor.u32 s3, s0;
	s1 =	sshll.u32 s1, $0x11  }
0xbc: {  	s0 =	sor.u32 s1, s0  }
0xbd: {  	s0 =	sadd.s32 $0x8F2B, s0  }
0xbe: {  	[sflag:s0] =	ssyncadd.remote.s32 $0x1  }
0xbf: {  	_ =	sfence.sel $0xFFFF  }
0xc0: {  	[dreg:$0x0] =	wrdreg $0xFFFFFFFF;
	(pc) =	sbr.abs _section_cstart, $3  }
0xc1: {  	[dreg:$0x1] =	wrdreg $0xFFFFFFFF  }
0xc2: {  	_ =	task.clear_ibuf [dreg:s7], $0x2FFFF;
	_ =	strace $0x9FFFFFFF  }
0xc3: {  	(tm) =	ssettm $0x7FFFFFFF  }
tec
execute0_lowered:
.L_overlay_start_1:
0x0: {  	(tag) =	ssettag $0x1  }
0x1: {  	s0 =	rddreg [dreg:$0x0]  }
0x2: {  	s12 =	rddreg [dreg:$0x1]  }
0x3: {  	s2 =	rddreg [dreg:$0x2]  }
0x4: {  	s3 =	simm.s32 $0x0;
	s4 =	srdreg.scid;
	s1 =	stileid.u32  }
0x5: {  	s18 =	simm.s32 $0x5;
	s28 =	simm.s32 $0x3;
	s19 =	smul.u32 $0x18000, s1  }
0x6: {  	s29 =	simm.s32 $0x4;
	s30 =	simm.s32 $0x0;
	s7 =	smul.u32 $0x30000, s1  }
0x7: {  	[smem:$0x7FF] =	sst s3;
	s5 =	sand.u32 $0x1, s4;
	s8 =	smul.u32 $0xA00, s1  }
0x8: {  	s16 =	sadd.s32 $0x1516600, s0;
	s4 =	sadd.s32 $0x19E00, s0;
	s20 =	smul.u32 $0x280000, s1  }
0x9: {  	s11 =	smul.u32 $0x5000, s1;
	s13 =	sshll.u32 s5, $0x6;
	s5 =	ssub.s32 $0x2, s5  }
0xa: {  	_ =	strace $0x8000005F;
	s6 =	sor.u32 s13, s19;
	s9 =	sshrl.u32 s5, $0x1  }
0xb: {  	s7 =	sshrl.u32 s7, $0x2;
	s14 =	sor.u32 s13, s20;
	s10 =	sor.u32 $0x80, s11  }
0xc: {  	s15 =	sor.u32 $0x100, s11;
	s19 =	simm.s32 $0x1C000;
	s20 =	simm.s32 $0x40  }
0xd: {  	s6 =	sshrl.u32 s6, $0x3;
	s9 =	ssub.s32 s5, s9;
	s5 =	sadd.s32 s7, s2  }
0xe: {  	s21 =	sshrl.u32 s14, $0x3;
	s22 =	sshll.u32 s10, $0x7;
	s10 =	sshrl.u32 s10, $0x3  }
0xf: {  	s23 =	sshrl.u32 s15, $0x3;
	s15 =	sshll.u32 s15, $0x7;
	s25 =	sor.u32 $0xC000, s14  }
0x10: {  	s17 =	sor.u32 $0x10000, s14;
	s0 =	sadd.s32 s6, s0;
	s6 =	sadd.s32 s12, s8  }
0x11: {  	s7 =	sadd.s32 s16, s21;
	s9 =	smax.u32 s9, $0x1;
	s10 =	sadd.s32 s12, s10  }
0x12: {  	s12 =	sadd.s32 s12, s23;
	s24 =	sor.u32 s13, s15;
	s26 =	sshrl.u32 s25, $0x3  }
0x13: {  	s31 =	sshrl.u32 s17, $0x3;
	s17 =	simm.s32 $0xC000;
	s21 =	simm.s32 $0x80  }
.Ltmp0:
0x14: {  	s23 =	simm.s32 $0x1;
	s25 =	simm.s32 $0x1A000;
	(pc) =	sbr.rel .LBB2_1-.Ltmp0, $4  }
0x15: {  	s8 =	sadd.s32 $0xB16600, s0;
	s0 =	sor.u32 s13, s22;
	s14 =	sadd.s32 s26, s16  }
0x16: {  	s15 =	sadd.s32 $0x30, s6;
	s22 =	simm.s32 $0x18000;
	s0 =	sshrl.u32 s0, $0x3  }
0x17: {  	s26 =	simm.s32 $0x2;
	s11 =	sadd.s32 s16, s0;
	s0 =	sshrl.u32 s24, $0x3  }
0x18: {  	s24 =	simm.s32 $0x1C080;
	s13 =	sadd.s32 s16, s0;
	s16 =	sadd.s32 s31, s16  }
.LBB2_4:
0x19: {  	[spmem:s2] =	stream.indirect.scatter.add.f32 [tilespmem:s25], [sflag:$0x4], $0x40, s24, s21, $0xb8;
	[tilespmem:$0x1C100] =	vst v63  }
0x1a: {  	_ =	swait.ge [sflag:s28], $0x2000  }
0x1b: {  	[sflag:s28] =	ssyncset.done $0x0  }
0x1c: {  	[sflag:s28] =	ssyncadd.s32 $0xFFFFE000  }
0x1d: {  	_ =	swait.ge [sflag:s29], $0x2000  }
0x1e: {  	[sflag:s29] =	ssyncset.done $0x0  }
0x1f: {  	[sflag:s29] =	ssyncadd.s32 $0xFFFFE000  }
0x20: {  	[bflag:$0x0] =	sbarrier.arrive $0xFFFF  }
0x21: {  	[tilespmem:s17], [sflag:$0x5] =	stream.linear.gather [spmem:s5], $0xC000, $0x38;
	[tilespmem:$0x1C100] =	vst v63  }
0x22: {  	s30 =	sadd.s32 $0x1, s30;
	_ =	swait.ge [sflag:s18], $0xC000  }
0x23: {  	p0 =	sne.s32 s30, s9;
	[sflag:s18] =	ssyncset.done $0x0  }
.Ltmp1:
0x24: {  	[sflag:s18] =	ssyncadd.s32 $0xFFFF4000;
	(pc) =	sbr.rel @!p0 .LBB2_5-.Ltmp1, $4  }
0x25: {  	[hbm4b:s8+s20] =	stream.strided.scatter [tilespmem:s17], [sflag:$0x5], $0xC000, s21, s20, $0x38;
	[tilespmem:$0x1C100] =	vst v63  }
0x26: {  	_ =	swait.ge [sflag:s18], $0xC000  }
0x27: {  	[sflag:s18] =	ssyncset.done $0x0  }
0x28: {  	[sflag:s18] =	ssyncadd.s32 $0xFFFF4000  }
.LBB2_1:
0x29: {  	[tilespmem:s17], [sflag:$0x5] =	stream.linear.gather [hbm4b:s4+s3], $0xC000, $0x38;
	[tilespmem:$0x1C100] =	vst v63  }
0x2a: {  	_ =	swait.ge [sflag:s18], $0xC000  }
0x2b: {  	[sflag:s18] =	ssyncset.done $0x0  }
0x2c: {  	[sflag:s18] =	ssyncadd.s32 $0xFFFF4000  }
0x2d: {  	[spmem:s5] =	stream.linear.scatter [tilespmem:s17], [sflag:$0x5], $0xC000, $0x38;
	[tilespmem:$0x1C100] =	vst v63  }
0x2e: {  	_ =	swait.ge [sflag:s18], $0xC000  }
0x2f: {  	[sflag:s18] =	ssyncset.done $0x0  }
0x30: {  	[sflag:s18] =	ssyncadd.s32 $0xFFFF4000  }
0x31: {  	[bflag:$0x0] =	sbarrier.arrive $0xFFFF  }
0x32: {  	[tilespmem:s19], [sflag:$0x1] =	stream.linear.gather [hbm4b:s6+s3], $0x80, $0x38;
	[tilespmem:$0x1C100] =	vst v63  }
0x33: {  	_ = 	snop  }
0x34: {  	[tilespmem:s22], [sflag:$0x1] =	stream.strided.gather [hbm4b:s7+s20], $0x2000, s21, s20, $0x38;
	[tilespmem:$0x1C100] =	vst v63  }
0x35: {  	_ =	swait.ge [sflag:s23], $0x80  }
0x36: {  	[sflag:s23] =	ssyncset.done $0x0  }
0x37: {  	[sflag:s23] =	ssyncadd.s32 $0xFFFFFF80  }
0x38: {  	_ =	swait.ge [sflag:s23], $0x2000  }
0x39: {  	[sflag:s23] =	ssyncset.done $0x0  }
0x3a: {  	[sflag:s23] =	ssyncadd.s32 $0xFFFFE000  }
0x3b: {  	[tilespmem:s24], [sflag:$0x2] =	stream.linear.gather [hbm4b:s10+s3], $0x80, $0x38;
	[tilespmem:$0x1C100] =	vst v63  }
0x3c: {  	_ = 	snop  }
0x3d: {  	[tilespmem:s25], [sflag:$0x2] =	stream.strided.gather [hbm4b:s11+s20], $0x2000, s21, s20, $0x38;
	[tilespmem:$0x1C100] =	vst v63  }
0x3e: {  	_ = 	snop  }
0x3f: {  	[spmem:s2] =	stream.indirect.scatter.add.f32 [tilespmem:s22], [sflag:$0x3], $0x40, s19, s21, $0xb8;
	[tilespmem:$0x1C100] =	vst v63  }
0x40: {  	_ =	swait.ge [sflag:s26], $0x80  }
0x41: {  	[sflag:s26] =	ssyncset.done $0x0  }
0x42: {  	[sflag:s26] =	ssyncadd.s32 $0xFFFFFF80  }
0x43: {  	_ =	swait.ge [sflag:s26], $0x2000  }
0x44: {  	[sflag:s26] =	ssyncset.done $0x0  }
0x45: {  	[sflag:s26] =	ssyncadd.s32 $0xFFFFE000  }
0x46: {  	_ =	swait.ge [sflag:s28], $0x2000  }
0x47: {  	[sflag:s28] =	ssyncset.done $0x0  }
0x48: {  	[sflag:s28] =	ssyncadd.s32 $0xFFFFE000  }
0x49: {  	[tilespmem:s19], [sflag:$0x1] =	stream.linear.gather [hbm4b:s12+s3], $0x80, $0x38;
	[tilespmem:$0x1C100] =	vst v63  }
0x4a: {  	_ = 	snop  }
0x4b: {  	[tilespmem:s22], [sflag:$0x1] =	stream.strided.gather [hbm4b:s13+s20], $0x2000, s21, s20, $0x38;
	[tilespmem:$0x1C100] =	vst v63  }
0x4c: {  	s31 =	smov.u32 s15;
	s0 =	simm.s32 $0x0  }
0x4d: {  	[spmem:s2] =	stream.indirect.scatter.add.f32 [tilespmem:s25], [sflag:$0x4], $0x40, s24, s21, $0xb8;
	[tilespmem:$0x1C100] =	vst v63  }
.LBB2_2:
0x4e: {  	_ =	swait.ge [sflag:s23], $0x80  }
0x4f: {  	[sflag:s23] =	ssyncset.done $0x0  }
0x50: {  	[sflag:s23] =	ssyncadd.s32 $0xFFFFFF80  }
0x51: {  	_ =	swait.ge [sflag:s23], $0x2000  }
0x52: {  	[sflag:s23] =	ssyncset.done $0x0  }
0x53: {  	[sflag:s23] =	ssyncadd.s32 $0xFFFFE000  }
0x54: {  	_ =	swait.ge [sflag:s29], $0x2000  }
0x55: {  	[sflag:s29] =	ssyncset.done $0x0  }
0x56: {  	[sflag:s29] =	ssyncadd.s32 $0xFFFFE000  }
0x57: {  	[tilespmem:s24], [sflag:$0x2] =	stream.linear.gather [hbm4b:s31+s3], $0x80, $0x38;
	[tilespmem:$0x1C100] =	vst v63  }
0x58: {  	s1 =	sadd.s32 s0, s14  }
0x59: {  	[tilespmem:s25], [sflag:$0x2] =	stream.strided.gather [hbm4b:s1+s20], $0x2000, s21, s20, $0x38;
	[tilespmem:$0x1C100] =	vst v63  }
0x5a: {  	_ = 	snop  }
0x5b: {  	[spmem:s2] =	stream.indirect.scatter.add.f32 [tilespmem:s22], [sflag:$0x3], $0x40, s19, s21, $0xb8;
	[tilespmem:$0x1C100] =	vst v63  }
0x5c: {  	p0 =	seq.s32 s0, $0x4E000;
	_ =	swait.ge [sflag:s26], $0x80  }
.Ltmp2:
0x5d: {  	[sflag:s26] =	ssyncset.done $0x0;
	(pc) =	sbr.rel @p0 .LBB2_4-.Ltmp2, $4  }
0x5e: {  	[sflag:s26] =	ssyncadd.s32 $0xFFFFFF80  }
0x5f: {  	_ =	swait.ge [sflag:s26], $0x2000  }
0x60: {  	[sflag:s26] =	ssyncset.done $0x0  }
0x61: {  	[sflag:s26] =	ssyncadd.s32 $0xFFFFE000  }
0x62: {  	_ =	swait.ge [sflag:s28], $0x2000  }
0x63: {  	[sflag:s28] =	ssyncset.done $0x0  }
0x64: {  	s1 =	sadd.s32 $0x10, s31;
	[sflag:s28] =	ssyncadd.s32 $0xFFFFE000  }
0x65: {  	[tilespmem:s19], [sflag:$0x1] =	stream.linear.gather [hbm4b:s1+s3], $0x80, $0x38;
	[tilespmem:$0x1C100] =	vst v63  }
.Ltmp3:
0x66: {  	_ = 	snop;
	(pc) =	sbr.rel .LBB2_2-.Ltmp3, $4  }
0x67: {  	s1 =	sadd.s32 s0, s16  }
0x68: {  	[tilespmem:s22], [sflag:$0x1] =	stream.strided.gather [hbm4b:s1+s20], $0x2000, s21, s20, $0x38;
	[tilespmem:$0x1C100] =	vst v63  }
0x69: {  	s31 =	sadd.s32 $0x20, s31;
	s0 =	sadd.s32 $0x1000, s0  }
0x6a: {  	[spmem:s2] =	stream.indirect.scatter.add.f32 [tilespmem:s25], [sflag:$0x4], $0x40, s24, s21, $0xb8;
	[tilespmem:$0x1C100] =	vst v63  }
.LBB2_5:
0x6b: {  	_ =	sfence.sel $0x180000  }
0x6c: {  	[bflag:$0x0] =	sbarrier.arrive $0xFFFF  }
0x6d: {  	_ =	strace $0x9000005F  }
0x6e: {  	s0 =	stileid.u32;
	[bflag:$0x2] =	sbarrier.arrive $0xFFFF  }
0x6f: {  	p0 =	sne.s32 s0, $0x0;
	s0 =	rddreg [dreg:$0x3]  }
0x70: {  	s0 =	sadd.s32 @!p0 $0x100000, s0  }
0x71: {  	[sflag:s0] =	ssyncadd.tile.s32 @!p0 $0x1;
	_ =	shalt  }
.Lfunc_end2:
_tile_overlayer_lowered:
.L_overlay_start_2:
0x72: {  	(tag) =	ssettag $0x2  }
0x73: {  	s0 =	rddreg [dreg:$0x0];
	s2 =	stileid.u32  }
0x74: {  	s1 =	rddreg [dreg:$0x1];
	p0 =	sne.s32 s2, $0x0  }
0x75: {  	s3 =	rddreg [dreg:$0x2];
	[bflag:$0x3] =	sbarrier.arrive $0xFFFF;
	s2 =	simm.s32 @!p0 $0x1C05  }
0x76: {  	[timem:s3], [sflag:s2] =	dma.local @!p0 [hbm:s0], s1  }
0x77: {  	s0 =	simm.s32 @!p0 $0x5  }
0x78: {  	_ =	swait.ge @!p0 [sflag:s0], s1  }
0x79: {  	s1 =	ssub.s32 @!p0 $0x0, s1;
	[sflag:s0] =	ssyncset.done @!p0 $0x0  }
0x7a: {  	[sflag:s0] =	ssyncadd.s32 @!p0 s1  }
0x7b: {  	[bflag:$0x3] =	sbarrier.arrive $0xFFFF  }
0x7c: {  	_ =	shalt  }

</sc_bundles>
